<compile_context>
chip_gen: v7x
topology: tpu7x:2x2x1
jax: 0.10.2.dev20260603
libtpu: 0.0.44.dev20260713+nightly
codegen_flags: <defaults>
</compile_context>

<pallas_src>
import functools

import numpy as np
import jax
import jax.numpy as jnp
from jax import lax
from jax.experimental import pallas as pl
from jax.experimental.pallas import tpu as pltpu
from jax.experimental.pallas import tpu_sc as plsc

F = 26
K = 16
N = 100000
B = 4096
NC = 2
NS = 16
NW = NC * NS
NP = F * K
PPW = NP // NW
NPAIR = (F * (F - 1) // 2) * K
NROW = 2 * NPAIR
TRASH = NROW
LROW = NROW + 1
WROWS = NROW + 2
TB = B // K
BPW = B // NW
CH2 = 208
NCH2 = NROW // CH2


def _dest_table():
    slot = {}
    q = 0
    for i in range(F):
        for j in range(i + 1, F):
            slot[(i, j)] = q
            q += 1
    dest = np.full((NP * F, 16), TRASH, np.int32)
    for p in range(NP):
        j, k = p // K, p % K
        for g in range(F):
            if g < j:
                d = 2 * (slot[(g, j)] * K + k)
            elif g > j:
                d = 2 * (slot[(j, g)] * K + k) + 1
            else:
                d = TRASH
            dest[p * F + g, 0] = d
    return dest


def _phase1():
    mesh = plsc.VectorSubcoreMesh(core_axis_name="c", subcore_axis_name="s",
                                  num_cores=NC, num_subcores=NS)

    @functools.partial(
        pl.kernel,
        mesh=mesh,
        compiler_params=pltpu.CompilerParams(needs_layout_passes=False,
                                             use_tc_tiling_on_sc=False),
        out_type=jax.ShapeDtypeStruct((WROWS, TB, K), jnp.float32),
        scratch_types=[
            pltpu.VMEM((N,), jnp.float32),
            pltpu.VMEM((2, TB, K), jnp.int32),
            pltpu.VMEM((2, TB, K), jnp.float32),
            pltpu.VMEM((PPW * F, K), jnp.int32),
            pltpu.VMEM((K,), jnp.float32),
            pltpu.VMEM_SHARED((F, TB, K), jnp.int32),
            pltpu.SemaphoreType.DMA,
            pltpu.SemaphoreType.DMA,
        ],
    )
    def body(xt_hbm, vt_hbm, lt_hbm, dest_hbm, b_hbm, w_hbm,
             plane, idx, rows, destb, bv, xs, isem, osem):
        sub = lax.axis_index("s")
        wid = sub * NC + lax.axis_index("c")

        @pl.when(sub == 0)
        def _():
            pltpu.sync_copy(xt_hbm, xs)
        plsc.subcore_barrier()

        pltpu.sync_copy(dest_hbm.at[pl.ds(wid * (PPW * F), PPW * F)], destb)
        pltpu.sync_copy(b_hbm, bv.at[pl.ds(0, 1)])

        pltpu.async_copy(xs.at[0], idx.at[0], isem)

        def iteration(ii, carry):
            g = lax.rem(ii, F)
            par = lax.rem(ii, 2)

            @pl.when(g == 0)
            def _():
                pltpu.sync_copy(vt_hbm.at[wid * PPW + ii // F], plane)

            @pl.when(ii >= 2)
            def _():
                prow = destb[ii - 2, pl.ds(0, K)][0]
                pltpu.make_async_copy(rows.at[par],
                                      w_hbm.at[prow], osem).wait()
            pltpu.make_async_copy(xs.at[g], idx.at[par], isem).wait()

            @pl.when(ii + 1 < PPW * F)
            def _():
                pltpu.async_copy(xs.at[lax.rem(ii + 1, F)],
                                 idx.at[lax.rem(ii + 1, 2)], isem)

            def step(t, c2):
                iv = idx[par, t, pl.ds(0, K)]
                rows[par, t, pl.ds(0, K)] = plsc.load_gather(plane, [iv])
                return c2

            lax.fori_loop(0, TB, step, 0)
            drow = destb[ii, pl.ds(0, K)][0]
            pltpu.async_copy(rows.at[par], w_hbm.at[drow], osem)
            return carry

        lax.fori_loop(0, PPW * F, iteration, 0)
        for pii in (PPW * F - 2, PPW * F - 1):
            prow = destb[pii, pl.ds(0, K)][0]
            pltpu.make_async_copy(rows.at[pii % 2],
                                  w_hbm.at[prow], osem).wait()

        @pl.when(wid == NW - 1)
        def _():
            pltpu.sync_copy(lt_hbm, plane)
            b0 = bv[pl.ds(0, K)][0]

            def init(t, carry):
                rows[0, t, pl.ds(0, K)] = jnp.full((K,), b0, jnp.float32)
                return carry
            lax.fori_loop(0, TB, init, 0)

            def lstep(t, carry):
                iv = idx[0, t, pl.ds(0, K)]
                rows[0, t, pl.ds(0, K)] = (rows[0, t, pl.ds(0, K)]
                                           + plsc.load_gather(plane, [iv]))
                return carry

            for g in range(F):
                pltpu.sync_copy(xs.at[g], idx.at[0])
                lax.fori_loop(0, TB, lstep, 0)
            pltpu.sync_copy(rows.at[0], w_hbm.at[LROW])

    return body


def _phase2():
    mesh = plsc.VectorSubcoreMesh(core_axis_name="c", subcore_axis_name="s",
                                  num_cores=NC, num_subcores=NS)
    NVB = BPW // K

    @functools.partial(
        pl.kernel,
        mesh=mesh,
        compiler_params=pltpu.CompilerParams(needs_layout_passes=False,
                                             use_tc_tiling_on_sc=False),
        out_type=jax.ShapeDtypeStruct((B,), jnp.float32),
        scratch_types=[
            pltpu.VMEM((2, CH2), jnp.int32),
            pltpu.VMEM((2, CH2, BPW), jnp.float32),
            pltpu.VMEM((BPW,), jnp.float32),
            pltpu.SemaphoreType.DMA,
        ],
    )
    def body(w_hbm, out_hbm, idx, buf, obuf, sem):
        wid = lax.axis_index("s") * NC + lax.axis_index("c")
        lane = lax.iota(jnp.int32, K)

        def build(c, par):
            base = c * CH2
            for m in range(CH2 // K):
                idx[par, pl.ds(m * K, K)] = (base + m * K + lane) * NW + wid

        def fire(par):
            pltpu.async_copy(w_hbm.at[idx.at[par]], buf.at[par], sem)

        def drain(par):
            pltpu.make_async_copy(w_hbm.at[idx.at[par]], buf.at[par],
                                  sem).wait()

        build(0, 0)
        fire(0)

        def chunk(c, accs):
            par = c % 2

            @pl.when(c + 1 < NCH2)
            def _():
                build(c + 1, (c + 1) % 2)
            drain(par)

            @pl.when(c + 1 < NCH2)
            def _():
                fire((c + 1) % 2)

            def pair(q, accs):
                return tuple(
                    accs[m] + buf[par, 2 * q, pl.ds(m * K, K)]
                    * buf[par, 2 * q + 1, pl.ds(m * K, K)]
                    for m in range(NVB))

            return lax.fori_loop(0, CH2 // 2, pair, accs)

        accs = tuple(jnp.zeros((K,), jnp.float32) for _ in range(NVB))
        accs = lax.fori_loop(0, NCH2, chunk, accs)

        pltpu.sync_copy(w_hbm.at[LROW * NW + wid], obuf)
        for m in range(NVB):
            obuf[pl.ds(m * K, K)] = accs[m] + obuf[pl.ds(m * K, K)]
        pltpu.sync_copy(obuf, out_hbm.at[pl.ds(wid * BPW, BPW)])

    return body


@jax.jit
def kernel(x, linear_w, v_w, b):
    vt = v_w.transpose(1, 2, 0).reshape(NP, N)
    xt = x.T.reshape(F, TB, K)
    lt = linear_w.reshape(N)
    dest = jnp.asarray(_dest_table())
    w = _phase1()(xt, vt, lt, dest, b)
    out = _phase2()(w.reshape(WROWS * NW, BPW))
    return out.reshape(B, 1)

# --- scband reference (transcript-rebuilt; emitter-appended) ---
"""Pipeline reference for scband-ffm1-14276471292831 (READ-ONLY COPY).

The authoritative reference and input builder live on the scoring server;
editing this copy changes nothing except your own understanding.
"""

import jax, jax.numpy as jnp
import numpy as np

N = 100000
F = 26
K = 16
B = 4096


def setup_inputs(seed: int = 0) -> dict:
    key = jax.random.key(seed)
    k1, k2, k3, k4 = jax.random.split(key, 4)
    x = jax.random.randint(k1, (B, F), 0, N, dtype=jnp.int32)
    linear_w = jax.random.normal(k2, (N, 1), dtype=jnp.float32)
    v_w = jax.random.normal(k3, (N, F, K), dtype=jnp.float32)
    b = jax.random.normal(k4, (1,), dtype=jnp.float32)
    return {"x": x, "linear_w": linear_w, "v_w": v_w, "b": b}


def reference(x, linear_w, v_w, b):
    Bsz, f = x.shape
    k = v_w.shape[2]
    flat = x.reshape(-1)
    # linear part: nn.Embedding lookup then sum over fields + bias
    linear_part = jnp.take(linear_w, flat, axis=0).reshape(Bsz, f, 1)
    linear_part = jnp.sum(linear_part, axis=1) + b  # [B, 1]
    # Embedding3D: index_select on [N, f, k] then view(-1, f, f, k)
    em = jnp.take(v_w, flat, axis=0).reshape(Bsz, f, f, k)
    em2 = jnp.transpose(em, (0, 2, 1, 3))
    mask = jnp.triu(jnp.ones((f, f), dtype=em.dtype), k=1).reshape(1, f, f, 1)
    prod = em * em2 * mask
    second_part = jnp.sum(prod, axis=(1, 2, 3)).reshape(-1, 1)
    logits = second_part + linear_part
    return logits

if __name__ == "__main__":
    import jax
    _d = setup_inputs()
    print(jax.jit(kernel)(*tuple(_d.values())))

</pallas_src>

<mosaic_0001>
#map = affine_map<(d0, d1) -> (0, 0, 0)>
#map1 = affine_map<(d0, d1) -> (0, 0)>
#map2 = affine_map<(d0, d1) -> (0)>
module attributes {stable_mosaic.version = 14 : i64} {
  func.func @body(%arg0: i32, %arg1: i32, %arg2: memref<26x256x16xi32, #tpu.memory_space<hbm>>, %arg3: memref<416x100000xf32, #tpu.memory_space<hbm>>, %arg4: memref<100000xf32, #tpu.memory_space<hbm>>, %arg5: memref<10816x16xi32, #tpu.memory_space<hbm>>, %arg6: memref<1xf32, #tpu.memory_space<hbm>>, %arg7: memref<10402x256x16xf32, #tpu.memory_space<hbm>>, %arg8: memref<100000xf32, #tpu.memory_space<vmem>>, %arg9: memref<2x256x16xi32, #tpu.memory_space<vmem>>, %arg10: memref<2x256x16xf32, #tpu.memory_space<vmem>>, %arg11: memref<338x16xi32, #tpu.memory_space<vmem>>, %arg12: memref<16xf32, #tpu.memory_space<vmem>>, %arg13: memref<26x256x16xi32, #tpu.memory_space<vmem_shared>>, %arg14: memref<!tpu.dma_semaphore, #tpu.memory_space<semaphore_mem>>, %arg15: memref<!tpu.dma_semaphore, #tpu.memory_space<semaphore_mem>>) attributes {dimension_semantics = [#tpu.dimension_semantics<core_parallel>, #tpu.dimension_semantics<subcore_parallel>], iteration_bounds = array<i64: 2, 16>, scalar_prefetch = 0 : i64, scratch_operands = 8 : i64, tpu.core_type = #tpu.core_type<sc_vector_subcore>, window_params = [{transform_indices = #map}, {transform_indices = #map1}, {transform_indices = #map2}, {transform_indices = #map1}, {transform_indices = #map2}, {transform_indices = #map}]} {
    %mul3A = arith.constant 2 : i32
    %mul3A_0 = arith.muli %arg1, %mul3A : i32
    %add3A = arith.addi %mul3A_0, %arg0 : i32
    %eq3A = arith.constant 0 : i32
    %eq3A_1 = arith.cmpi eq, %arg1, %eq3A : i32
    %convert_element_type3A = arith.extui %eq3A_1 : i1 to i32
    %cond3A = arith.constant 0 : i32
    %cond3A_2 = arith.cmpi ne, %convert_element_type3A, %cond3A : i32
    scf.if %cond3A_2 {
      "tpu.region"() ({
        %run_scoped3A = tpu.sem_alloc : memref<!tpu.dma_semaphore, #tpu.memory_space<semaphore_mem>>
        tpu.enqueue_dma source(%arg2 : memref<26x256x16xi32, #tpu.memory_space<hbm>>) target(%arg13 : memref<26x256x16xi32, #tpu.memory_space<vmem_shared>>) target_semaphore(%run_scoped3A : memref<!tpu.dma_semaphore, #tpu.memory_space<semaphore_mem>>)
        tpu.wait_dma2 semaphore(%run_scoped3A : memref<!tpu.dma_semaphore, #tpu.memory_space<semaphore_mem>>) src(%arg2 : memref<26x256x16xi32, #tpu.memory_space<hbm>>) dst(%arg13 : memref<26x256x16xi32, #tpu.memory_space<vmem_shared>>)
        tpu.yield
      }) : () -> ()
    } else {
    }
    %barrier3A = arith.constant 0 : index
    tpu.barrier barrier_id(%barrier3A)
    %mul3A_3 = arith.constant 338 : i32
    %mul3A_4 = arith.muli %add3A, %mul3A_3 : i32
    "tpu.region"() ({
      %run_scoped3A = tpu.sem_alloc : memref<!tpu.dma_semaphore, #tpu.memory_space<semaphore_mem>>
      %dma_start3A_74 = arith.constant 0 : i32
      %dma_start3A_75 = tpu.memref_slice %arg5[%mul3A_4, %dma_start3A_74] : memref<10816x16xi32, #tpu.memory_space<hbm>> -> memref<338x16xi32, #tpu.memory_space<hbm>>
      %dma_start3A_76 = arith.constant 0 : i32
      %dma_start3A_77 = tpu.memref_slice %arg5[%mul3A_4, %dma_start3A_76] : memref<10816x16xi32, #tpu.memory_space<hbm>> -> memref<338x16xi32, #tpu.memory_space<hbm>>
      tpu.enqueue_dma source(%dma_start3A_77 : memref<338x16xi32, #tpu.memory_space<hbm>>) target(%arg11 : memref<338x16xi32, #tpu.memory_space<vmem>>) target_semaphore(%run_scoped3A : memref<!tpu.dma_semaphore, #tpu.memory_space<semaphore_mem>>)
      %dma_wait3A_78 = arith.constant 0 : i32
      %dma_wait3A_79 = tpu.memref_slice %arg5[%mul3A_4, %dma_wait3A_78] : memref<10816x16xi32, #tpu.memory_space<hbm>> -> memref<338x16xi32, #tpu.memory_space<hbm>>
      %dma_wait3A_80 = arith.constant 0 : i32
      %dma_wait3A_81 = tpu.memref_slice %arg5[%mul3A_4, %dma_wait3A_80] : memref<10816x16xi32, #tpu.memory_space<hbm>> -> memref<338x16xi32, #tpu.memory_space<hbm>>
      tpu.wait_dma2 semaphore(%run_scoped3A : memref<!tpu.dma_semaphore, #tpu.memory_space<semaphore_mem>>) src(%dma_wait3A_81 : memref<338x16xi32, #tpu.memory_space<hbm>>) dst(%arg11 : memref<338x16xi32, #tpu.memory_space<vmem>>)
      tpu.yield
    }) : () -> ()
    "tpu.region"() ({
      %run_scoped3A = tpu.sem_alloc : memref<!tpu.dma_semaphore, #tpu.memory_space<semaphore_mem>>
      %dma_start3A_74 = arith.constant 0 : i32
      %dma_start3A_75 = tpu.memref_slice %arg12[%dma_start3A_74] : memref<16xf32, #tpu.memory_space<vmem>> -> memref<1xf32, #tpu.memory_space<vmem>>
      %dma_start3A_76 = arith.constant 0 : i32
      %dma_start3A_77 = tpu.memref_slice %arg12[%dma_start3A_76] : memref<16xf32, #tpu.memory_space<vmem>> -> memref<1xf32, #tpu.memory_space<vmem>>
      tpu.enqueue_dma source(%arg6 : memref<1xf32, #tpu.memory_space<hbm>>) target(%dma_start3A_77 : memref<1xf32, #tpu.memory_space<vmem>>) target_semaphore(%run_scoped3A : memref<!tpu.dma_semaphore, #tpu.memory_space<semaphore_mem>>)
      %dma_wait3A_78 = arith.constant 0 : i32
      %dma_wait3A_79 = tpu.memref_slice %arg12[%dma_wait3A_78] : memref<16xf32, #tpu.memory_space<vmem>> -> memref<1xf32, #tpu.memory_space<vmem>>
      %dma_wait3A_80 = arith.constant 0 : i32
      %dma_wait3A_81 = tpu.memref_slice %arg12[%dma_wait3A_80] : memref<16xf32, #tpu.memory_space<vmem>> -> memref<1xf32, #tpu.memory_space<vmem>>
      tpu.wait_dma2 semaphore(%run_scoped3A : memref<!tpu.dma_semaphore, #tpu.memory_space<semaphore_mem>>) src(%arg6 : memref<1xf32, #tpu.memory_space<hbm>>) dst(%dma_wait3A_81 : memref<1xf32, #tpu.memory_space<vmem>>)
      tpu.yield
    }) : () -> ()
    %dma_start3A = arith.constant 0 : i32
    %dma_start3A_5 = arith.constant 0 : i32
    %dma_start3A_6 = arith.constant 0 : i32
    %dma_start3A_7 = arith.constant 0 : i32
    %dma_start3A_8 = tpu.memref_slice %arg9[%dma_start3A_5, %dma_start3A_6, %dma_start3A_7] : memref<2x256x16xi32, #tpu.memory_space<vmem>> -> memref<1x256x16xi32, #tpu.memory_space<vmem>>
    %dma_start3A_9 = tpu.memref_squeeze %dma_start3A_8 : memref<1x256x16xi32, #tpu.memory_space<vmem>> -> memref<256x16xi32, #tpu.memory_space<vmem>>
    %dma_start3A_10 = arith.constant 0 : i32
    %dma_start3A_11 = arith.constant 0 : i32
    %dma_start3A_12 = tpu.memref_slice %arg13[%dma_start3A, %dma_start3A_10, %dma_start3A_11] : memref<26x256x16xi32, #tpu.memory_space<vmem_shared>> -> memref<1x256x16xi32, #tpu.memory_space<vmem_shared>>
    %dma_start3A_13 = tpu.memref_squeeze %dma_start3A_12 : memref<1x256x16xi32, #tpu.memory_space<vmem_shared>> -> memref<256x16xi32, #tpu.memory_space<vmem_shared>>
    %dma_start3A_14 = arith.constant 0 : i32
    %dma_start3A_15 = arith.constant 0 : i32
    %dma_start3A_16 = tpu.memref_slice %arg9[%dma_start3A_5, %dma_start3A_14, %dma_start3A_15] : memref<2x256x16xi32, #tpu.memory_space<vmem>> -> memref<1x256x16xi32, #tpu.memory_space<vmem>>
    %dma_start3A_17 = tpu.memref_squeeze %dma_start3A_16 : memref<1x256x16xi32, #tpu.memory_space<vmem>> -> memref<256x16xi32, #tpu.memory_space<vmem>>
    %dma_start3A_18 = arith.constant 0 : i32
    %dma_start3A_19 = arith.constant 0 : i32
    %dma_start3A_20 = tpu.memref_slice %arg13[%dma_start3A, %dma_start3A_18, %dma_start3A_19] : memref<26x256x16xi32, #tpu.memory_space<vmem_shared>> -> memref<1x256x16xi32, #tpu.memory_space<vmem_shared>>
    %dma_start3A_21 = tpu.memref_squeeze %dma_start3A_20 : memref<1x256x16xi32, #tpu.memory_space<vmem_shared>> -> memref<256x16xi32, #tpu.memory_space<vmem_shared>>
    tpu.enqueue_dma source(%dma_start3A_21 : memref<256x16xi32, #tpu.memory_space<vmem_shared>>) target(%dma_start3A_17 : memref<256x16xi32, #tpu.memory_space<vmem>>) target_semaphore(%arg14 : memref<!tpu.dma_semaphore, #tpu.memory_space<semaphore_mem>>)
    %scan3A = arith.constant 0 : i32
    %scan3A_22 = arith.constant 0 : i32
    %scan3A_23 = arith.constant 338 : i32
    %scan3A_24 = arith.addi %scan3A_22, %scan3A_23 : i32
    %scan3A_25 = arith.constant 1 : i32
    scf.for %scan3A_74 = %scan3A_22 to %scan3A_24 step %scan3A_25  : i32 {
      %rem3A = arith.constant 26 : i32
      %rem3A_75 = arith.remsi %scan3A_74, %rem3A : i32
      %rem3A_76 = arith.constant 2 : i32
      %rem3A_77 = arith.remsi %scan3A_74, %rem3A_76 : i32
      %eq3A_78 = arith.constant 0 : i32
      %eq3A_79 = arith.cmpi eq, %rem3A_75, %eq3A_78 : i32
      %convert_element_type3A_80 = arith.extui %eq3A_79 : i1 to i32
      %cond3A_81 = arith.constant 0 : i32
      %cond3A_82 = arith.cmpi ne, %convert_element_type3A_80, %cond3A_81 : i32
      scf.if %cond3A_82 {
        %mul3A_136 = arith.constant 13 : i32
        %mul3A_137 = arith.muli %add3A, %mul3A_136 : i32
        %jit3A = arith.constant 26 : i32
        %div3A = arith.divsi %scan3A_74, %jit3A : i32
        %sign3A = arith.constant 0 : i32
        %sign3A_138 = arith.cmpi sgt, %scan3A_74, %sign3A : i32
        %sign3A_139 = arith.extui %sign3A_138 : i1 to i32
        %sign3A_140 = arith.constant 0 : i32
        %sign3A_141 = arith.cmpi slt, %scan3A_74, %sign3A_140 : i32
        %sign3A_142 = arith.extui %sign3A_141 : i1 to i32
        %sign3A_143 = arith.subi %sign3A_139, %sign3A_142 : i32
        %sign3A_144 = arith.constant 0 : i32
        %sign3A_145 = arith.cmpi sgt, %jit3A, %sign3A_144 : i32
        %sign3A_146 = arith.extui %sign3A_145 : i1 to i32
        %sign3A_147 = arith.constant 0 : i32
        %sign3A_148 = arith.cmpi slt, %jit3A, %sign3A_147 : i32
        %sign3A_149 = arith.extui %sign3A_148 : i1 to i32
        %sign3A_150 = arith.subi %sign3A_146, %sign3A_149 : i32
        %ne3A = arith.cmpi ne, %sign3A_143, %sign3A_150 : i32
        %rem3A_151 = arith.remsi %scan3A_74, %jit3A : i32
        %ne3A_152 = arith.constant 0 : i32
        %ne3A_153 = arith.cmpi ne, %rem3A_151, %ne3A_152 : i32
        %and3A = arith.andi %ne3A, %ne3A_153 : i1
        %sub3A = arith.constant 1 : i32
        %sub3A_154 = arith.subi %div3A, %sub3A : i32
        %select_n3A = arith.select %and3A, %sub3A_154, %div3A : i32
        %add3A_155 = arith.addi %mul3A_137, %select_n3A : i32
        "tpu.region"() ({
          %run_scoped3A = tpu.sem_alloc : memref<!tpu.dma_semaphore, #tpu.memory_space<semaphore_mem>>
          %dma_start3A_156 = arith.constant 0 : i32
          %dma_start3A_157 = tpu.memref_slice %arg3[%add3A_155, %dma_start3A_156] : memref<416x100000xf32, #tpu.memory_space<hbm>> -> memref<1x100000xf32, #tpu.memory_space<hbm>>
          %dma_start3A_158 = tpu.memref_squeeze %dma_start3A_157 : memref<1x100000xf32, #tpu.memory_space<hbm>> -> memref<100000xf32, #tpu.memory_space<hbm>>
          %dma_start3A_159 = arith.constant 0 : i32
          %dma_start3A_160 = tpu.memref_slice %arg3[%add3A_155, %dma_start3A_159] : memref<416x100000xf32, #tpu.memory_space<hbm>> -> memref<1x100000xf32, #tpu.memory_space<hbm>>
          %dma_start3A_161 = tpu.memref_squeeze %dma_start3A_160 : memref<1x100000xf32, #tpu.memory_space<hbm>> -> memref<100000xf32, #tpu.memory_space<hbm>>
          tpu.enqueue_dma source(%dma_start3A_161 : memref<100000xf32, #tpu.memory_space<hbm>>) target(%arg8 : memref<100000xf32, #tpu.memory_space<vmem>>) target_semaphore(%run_scoped3A : memref<!tpu.dma_semaphore, #tpu.memory_space<semaphore_mem>>)
          %dma_wait3A_162 = arith.constant 0 : i32
          %dma_wait3A_163 = tpu.memref_slice %arg3[%add3A_155, %dma_wait3A_162] : memref<416x100000xf32, #tpu.memory_space<hbm>> -> memref<1x100000xf32, #tpu.memory_space<hbm>>
          %dma_wait3A_164 = tpu.memref_squeeze %dma_wait3A_163 : memref<1x100000xf32, #tpu.memory_space<hbm>> -> memref<100000xf32, #tpu.memory_space<hbm>>
          %dma_wait3A_165 = arith.constant 0 : i32
          %dma_wait3A_166 = tpu.memref_slice %arg3[%add3A_155, %dma_wait3A_165] : memref<416x100000xf32, #tpu.memory_space<hbm>> -> memref<1x100000xf32, #tpu.memory_space<hbm>>
          %dma_wait3A_167 = tpu.memref_squeeze %dma_wait3A_166 : memref<1x100000xf32, #tpu.memory_space<hbm>> -> memref<100000xf32, #tpu.memory_space<hbm>>
          tpu.wait_dma2 semaphore(%run_scoped3A : memref<!tpu.dma_semaphore, #tpu.memory_space<semaphore_mem>>) src(%dma_wait3A_167 : memref<100000xf32, #tpu.memory_space<hbm>>) dst(%arg8 : memref<100000xf32, #tpu.memory_space<vmem>>)
          tpu.yield
        }) : () -> ()
      } else {
      }
      %ge3A = arith.constant 2 : i32
      %ge3A_83 = arith.cmpi sge, %scan3A_74, %ge3A : i32
      %convert_element_type3A_84 = arith.extui %ge3A_83 : i1 to i32
      %cond3A_85 = arith.constant 0 : i32
      %cond3A_86 = arith.cmpi ne, %convert_element_type3A_84, %cond3A_85 : i32
      scf.if %cond3A_86 {
        %sub3A = arith.constant 2 : i32
        %sub3A_136 = arith.subi %scan3A_74, %sub3A : i32
        %get3A_137 = arith.index_cast %sub3A_136 : i32 to index
        %get3A_138 = arith.constant 0 : index
        %get3A_139 = tpu.vector_load %arg11[%get3A_137, %get3A_138] {strides = array<i32>} : memref<338x16xi32, #tpu.memory_space<vmem>>, vector<16xi32>,
        %slice3A_140 = vector.extract_strided_slice %get3A_139 {offsets = [0], sizes = [1], strides = [1]} : vector<16xi32> to vector<1xi32>
        %squeeze3A_141 = vector.extract %slice3A_140[0] : i32 from vector<1xi32>
        %dma_wait3A_142 = arith.constant 0 : i32
        %dma_wait3A_143 = arith.constant 0 : i32
        %dma_wait3A_144 = tpu.memref_slice %arg10[%rem3A_77, %dma_wait3A_142, %dma_wait3A_143] : memref<2x256x16xf32, #tpu.memory_space<vmem>> -> memref<1x256x16xf32, #tpu.memory_space<vmem>>
        %dma_wait3A_145 = tpu.memref_squeeze %dma_wait3A_144 : memref<1x256x16xf32, #tpu.memory_space<vmem>> -> memref<256x16xf32, #tpu.memory_space<vmem>>
        %dma_wait3A_146 = arith.constant 0 : i32
        %dma_wait3A_147 = arith.constant 0 : i32
        %dma_wait3A_148 = tpu.memref_slice %arg7[%squeeze3A_141, %dma_wait3A_146, %dma_wait3A_147] : memref<10402x256x16xf32, #tpu.memory_space<hbm>> -> memref<1x256x16xf32, #tpu.memory_space<hbm>>
        %dma_wait3A_149 = tpu.memref_squeeze %dma_wait3A_148 : memref<1x256x16xf32, #tpu.memory_space<hbm>> -> memref<256x16xf32, #tpu.memory_space<hbm>>
        %dma_wait3A_150 = arith.constant 0 : i32
        %dma_wait3A_151 = arith.constant 0 : i32
        %dma_wait3A_152 = tpu.memref_slice %arg7[%squeeze3A_141, %dma_wait3A_150, %dma_wait3A_151] : memref<10402x256x16xf32, #tpu.memory_space<hbm>> -> memref<1x256x16xf32, #tpu.memory_space<hbm>>
        %dma_wait3A_153 = tpu.memref_squeeze %dma_wait3A_152 : memref<1x256x16xf32, #tpu.memory_space<hbm>> -> memref<256x16xf32, #tpu.memory_space<hbm>>
        %dma_wait3A_154 = arith.constant 0 : i32
        %dma_wait3A_155 = arith.constant 0 : i32
        %dma_wait3A_156 = tpu.memref_slice %arg10[%rem3A_77, %dma_wait3A_154, %dma_wait3A_155] : memref<2x256x16xf32, #tpu.memory_space<vmem>> -> memref<1x256x16xf32, #tpu.memory_space<vmem>>
        %dma_wait3A_157 = tpu.memref_squeeze %dma_wait3A_156 : memref<1x256x16xf32, #tpu.memory_space<vmem>> -> memref<256x16xf32, #tpu.memory_space<vmem>>
        tpu.wait_dma2 semaphore(%arg15 : memref<!tpu.dma_semaphore, #tpu.memory_space<semaphore_mem>>) src(%dma_wait3A_157 : memref<256x16xf32, #tpu.memory_space<vmem>>) dst(%dma_wait3A_153 : memref<256x16xf32, #tpu.memory_space<hbm>>)
      } else {
      }
      %dma_wait3A_87 = arith.constant 0 : i32
      %dma_wait3A_88 = arith.constant 0 : i32
      %dma_wait3A_89 = tpu.memref_slice %arg9[%rem3A_77, %dma_wait3A_87, %dma_wait3A_88] : memref<2x256x16xi32, #tpu.memory_space<vmem>> -> memref<1x256x16xi32, #tpu.memory_space<vmem>>
      %dma_wait3A_90 = tpu.memref_squeeze %dma_wait3A_89 : memref<1x256x16xi32, #tpu.memory_space<vmem>> -> memref<256x16xi32, #tpu.memory_space<vmem>>
      %dma_wait3A_91 = arith.constant 0 : i32
      %dma_wait3A_92 = arith.constant 0 : i32
      %dma_wait3A_93 = tpu.memref_slice %arg13[%rem3A_75, %dma_wait3A_91, %dma_wait3A_92] : memref<26x256x16xi32, #tpu.memory_space<vmem_shared>> -> memref<1x256x16xi32, #tpu.memory_space<vmem_shared>>
      %dma_wait3A_94 = tpu.memref_squeeze %dma_wait3A_93 : memref<1x256x16xi32, #tpu.memory_space<vmem_shared>> -> memref<256x16xi32, #tpu.memory_space<vmem_shared>>
      %dma_wait3A_95 = arith.constant 0 : i32
      %dma_wait3A_96 = arith.constant 0 : i32
      %dma_wait3A_97 = tpu.memref_slice %arg9[%rem3A_77, %dma_wait3A_95, %dma_wait3A_96] : memref<2x256x16xi32, #tpu.memory_space<vmem>> -> memref<1x256x16xi32, #tpu.memory_space<vmem>>
      %dma_wait3A_98 = tpu.memref_squeeze %dma_wait3A_97 : memref<1x256x16xi32, #tpu.memory_space<vmem>> -> memref<256x16xi32, #tpu.memory_space<vmem>>
      %dma_wait3A_99 = arith.constant 0 : i32
      %dma_wait3A_100 = arith.constant 0 : i32
      %dma_wait3A_101 = tpu.memref_slice %arg13[%rem3A_75, %dma_wait3A_99, %dma_wait3A_100] : memref<26x256x16xi32, #tpu.memory_space<vmem_shared>> -> memref<1x256x16xi32, #tpu.memory_space<vmem_shared>>
      %dma_wait3A_102 = tpu.memref_squeeze %dma_wait3A_101 : memref<1x256x16xi32, #tpu.memory_space<vmem_shared>> -> memref<256x16xi32, #tpu.memory_space<vmem_shared>>
      tpu.wait_dma2 semaphore(%arg14 : memref<!tpu.dma_semaphore, #tpu.memory_space<semaphore_mem>>) src(%dma_wait3A_102 : memref<256x16xi32, #tpu.memory_space<vmem_shared>>) dst(%dma_wait3A_98 : memref<256x16xi32, #tpu.memory_space<vmem>>)
      %add3A_103 = arith.constant 1 : i32
      %add3A_104 = arith.addi %scan3A_74, %add3A_103 : i32
      %lt3A = arith.constant 338 : i32
      %lt3A_105 = arith.cmpi slt, %add3A_104, %lt3A : i32
      %convert_element_type3A_106 = arith.extui %lt3A_105 : i1 to i32
      %cond3A_107 = arith.constant 0 : i32
      %cond3A_108 = arith.cmpi ne, %convert_element_type3A_106, %cond3A_107 : i32
      scf.if %cond3A_108 {
        %add3A_136 = arith.constant 1 : i32
        %add3A_137 = arith.addi %scan3A_74, %add3A_136 : i32
        %rem3A_138 = arith.constant 26 : i32
        %rem3A_139 = arith.remsi %add3A_137, %rem3A_138 : i32
        %add3A_140 = arith.constant 1 : i32
        %add3A_141 = arith.addi %scan3A_74, %add3A_140 : i32
        %rem3A_142 = arith.constant 2 : i32
        %rem3A_143 = arith.remsi %add3A_141, %rem3A_142 : i32
        %dma_start3A_144 = arith.constant 0 : i32
        %dma_start3A_145 = arith.constant 0 : i32
        %dma_start3A_146 = tpu.memref_slice %arg9[%rem3A_143, %dma_start3A_144, %dma_start3A_145] : memref<2x256x16xi32, #tpu.memory_space<vmem>> -> memref<1x256x16xi32, #tpu.memory_space<vmem>>
        %dma_start3A_147 = tpu.memref_squeeze %dma_start3A_146 : memref<1x256x16xi32, #tpu.memory_space<vmem>> -> memref<256x16xi32, #tpu.memory_space<vmem>>
        %dma_start3A_148 = arith.constant 0 : i32
        %dma_start3A_149 = arith.constant 0 : i32
        %dma_start3A_150 = tpu.memref_slice %arg13[%rem3A_139, %dma_start3A_148, %dma_start3A_149] : memref<26x256x16xi32, #tpu.memory_space<vmem_shared>> -> memref<1x256x16xi32, #tpu.memory_space<vmem_shared>>
        %dma_start3A_151 = tpu.memref_squeeze %dma_start3A_150 : memref<1x256x16xi32, #tpu.memory_space<vmem_shared>> -> memref<256x16xi32, #tpu.memory_space<vmem_shared>>
        %dma_start3A_152 = arith.constant 0 : i32
        %dma_start3A_153 = arith.constant 0 : i32
        %dma_start3A_154 = tpu.memref_slice %arg9[%rem3A_143, %dma_start3A_152, %dma_start3A_153] : memref<2x256x16xi32, #tpu.memory_space<vmem>> -> memref<1x256x16xi32, #tpu.memory_space<vmem>>
        %dma_start3A_155 = tpu.memref_squeeze %dma_start3A_154 : memref<1x256x16xi32, #tpu.memory_space<vmem>> -> memref<256x16xi32, #tpu.memory_space<vmem>>
        %dma_start3A_156 = arith.constant 0 : i32
        %dma_start3A_157 = arith.constant 0 : i32
        %dma_start3A_158 = tpu.memref_slice %arg13[%rem3A_139, %dma_start3A_156, %dma_start3A_157] : memref<26x256x16xi32, #tpu.memory_space<vmem_shared>> -> memref<1x256x16xi32, #tpu.memory_space<vmem_shared>>
        %dma_start3A_159 = tpu.memref_squeeze %dma_start3A_158 : memref<1x256x16xi32, #tpu.memory_space<vmem_shared>> -> memref<256x16xi32, #tpu.memory_space<vmem_shared>>
        tpu.enqueue_dma source(%dma_start3A_159 : memref<256x16xi32, #tpu.memory_space<vmem_shared>>) target(%dma_start3A_155 : memref<256x16xi32, #tpu.memory_space<vmem>>) target_semaphore(%arg14 : memref<!tpu.dma_semaphore, #tpu.memory_space<semaphore_mem>>)
      } else {
      }
      %scan3A_109 = arith.constant 0 : i32
      %scan3A_110 = arith.constant 0 : i32
      %scan3A_111 = arith.constant 256 : i32
      %scan3A_112 = arith.addi %scan3A_110, %scan3A_111 : i32
      %scan3A_113 = arith.constant 1 : i32
      scf.for %scan3A_136 = %scan3A_110 to %scan3A_112 step %scan3A_113  : i32 {
        %get3A_137 = arith.index_cast %rem3A_77 : i32 to index
        %get3A_138 = arith.index_cast %scan3A_136 : i32 to index
        %get3A_139 = arith.constant 0 : index
        %get3A_140 = tpu.vector_load %arg9[%get3A_137, %get3A_138, %get3A_139] {strides = array<i32>} : memref<2x256x16xi32, #tpu.memory_space<vmem>>, vector<16xi32>,
        %gather3A = tpu.vector_load_idx %arg8[%get3A_140] : memref<100000xf32, #tpu.memory_space<vmem>>[vector<16xi32>], vector<16xf32>,
        %swap3A = arith.index_cast %rem3A_77 : i32 to index
        %swap3A_141 = arith.index_cast %scan3A_136 : i32 to index
        %swap3A_142 = arith.constant 0 : index
        %swap3A_143 = tpu.vector_load %arg10[%swap3A, %swap3A_141, %swap3A_142] {strides = array<i32>} : memref<2x256x16xf32, #tpu.memory_space<vmem>>, vector<16xf32>,
        tpu.vector_store %arg10[%swap3A, %swap3A_141, %swap3A_142], %gather3A {strides = array<i32>} : memref<2x256x16xf32, #tpu.memory_space<vmem>>, vector<16xf32>,
      }
      %scan3A_114 = arith.constant 256 : i32
      %get3A_115 = arith.index_cast %scan3A_74 : i32 to index
      %get3A_116 = arith.constant 0 : index
      %get3A_117 = tpu.vector_load %arg11[%get3A_115, %get3A_116] {strides = array<i32>} : memref<338x16xi32, #tpu.memory_space<vmem>>, vector<16xi32>,
      %slice3A_118 = vector.extract_strided_slice %get3A_117 {offsets = [0], sizes = [1], strides = [1]} : vector<16xi32> to vector<1xi32>
      %squeeze3A_119 = vector.extract %slice3A_118[0] : i32 from vector<1xi32>
      %dma_start3A_120 = arith.constant 0 : i32
      %dma_start3A_121 = arith.constant 0 : i32
      %dma_start3A_122 = tpu.memref_slice %arg10[%rem3A_77, %dma_start3A_120, %dma_start3A_121] : memref<2x256x16xf32, #tpu.memory_space<vmem>> -> memref<1x256x16xf32, #tpu.memory_space<vmem>>
      %dma_start3A_123 = tpu.memref_squeeze %dma_start3A_122 : memref<1x256x16xf32, #tpu.memory_space<vmem>> -> memref<256x16xf32, #tpu.memory_space<vmem>>
      %dma_start3A_124 = arith.constant 0 : i32
      %dma_start3A_125 = arith.constant 0 : i32
      %dma_start3A_126 = tpu.memref_slice %arg7[%squeeze3A_119, %dma_start3A_124, %dma_start3A_125] : memref<10402x256x16xf32, #tpu.memory_space<hbm>> -> memref<1x256x16xf32, #tpu.memory_space<hbm>>
      %dma_start3A_127 = tpu.memref_squeeze %dma_start3A_126 : memref<1x256x16xf32, #tpu.memory_space<hbm>> -> memref<256x16xf32, #tpu.memory_space<hbm>>
      %dma_start3A_128 = arith.constant 0 : i32
      %dma_start3A_129 = arith.constant 0 : i32
      %dma_start3A_130 = tpu.memref_slice %arg7[%squeeze3A_119, %dma_start3A_128, %dma_start3A_129] : memref<10402x256x16xf32, #tpu.memory_space<hbm>> -> memref<1x256x16xf32, #tpu.memory_space<hbm>>
      %dma_start3A_131 = tpu.memref_squeeze %dma_start3A_130 : memref<1x256x16xf32, #tpu.memory_space<hbm>> -> memref<256x16xf32, #tpu.memory_space<hbm>>
      %dma_start3A_132 = arith.constant 0 : i32
      %dma_start3A_133 = arith.constant 0 : i32
      %dma_start3A_134 = tpu.memref_slice %arg10[%rem3A_77, %dma_start3A_132, %dma_start3A_133] : memref<2x256x16xf32, #tpu.memory_space<vmem>> -> memref<1x256x16xf32, #tpu.memory_space<vmem>>
      %dma_start3A_135 = tpu.memref_squeeze %dma_start3A_134 : memref<1x256x16xf32, #tpu.memory_space<vmem>> -> memref<256x16xf32, #tpu.memory_space<vmem>>
      tpu.enqueue_dma source(%dma_start3A_135 : memref<256x16xf32, #tpu.memory_space<vmem>>) target(%dma_start3A_131 : memref<256x16xf32, #tpu.memory_space<hbm>>) target_semaphore(%arg15 : memref<!tpu.dma_semaphore, #tpu.memory_space<semaphore_mem>>)
    }
    %scan3A_26 = arith.constant 338 : i32
    %get3A = arith.constant 336 : i32
    %get3A_27 = arith.index_cast %get3A : i32 to index
    %get3A_28 = arith.constant 0 : index
    %get3A_29 = tpu.vector_load %arg11[%get3A_27, %get3A_28] {strides = array<i32>} : memref<338x16xi32, #tpu.memory_space<vmem>>, vector<16xi32>,
    %slice3A = vector.extract_strided_slice %get3A_29 {offsets = [0], sizes = [1], strides = [1]} : vector<16xi32> to vector<1xi32>
    %squeeze3A = vector.extract %slice3A[0] : i32 from vector<1xi32>
    %dma_wait3A = arith.constant 0 : i32
    %dma_wait3A_30 = arith.constant 0 : i32
    %dma_wait3A_31 = arith.constant 0 : i32
    %dma_wait3A_32 = tpu.memref_slice %arg10[%dma_wait3A, %dma_wait3A_30, %dma_wait3A_31] : memref<2x256x16xf32, #tpu.memory_space<vmem>> -> memref<1x256x16xf32, #tpu.memory_space<vmem>>
    %dma_wait3A_33 = tpu.memref_squeeze %dma_wait3A_32 : memref<1x256x16xf32, #tpu.memory_space<vmem>> -> memref<256x16xf32, #tpu.memory_space<vmem>>
    %dma_wait3A_34 = arith.constant 0 : i32
    %dma_wait3A_35 = arith.constant 0 : i32
    %dma_wait3A_36 = tpu.memref_slice %arg7[%squeeze3A, %dma_wait3A_34, %dma_wait3A_35] : memref<10402x256x16xf32, #tpu.memory_space<hbm>> -> memref<1x256x16xf32, #tpu.memory_space<hbm>>
    %dma_wait3A_37 = tpu.memref_squeeze %dma_wait3A_36 : memref<1x256x16xf32, #tpu.memory_space<hbm>> -> memref<256x16xf32, #tpu.memory_space<hbm>>
    %dma_wait3A_38 = arith.constant 0 : i32
    %dma_wait3A_39 = arith.constant 0 : i32
    %dma_wait3A_40 = tpu.memref_slice %arg7[%squeeze3A, %dma_wait3A_38, %dma_wait3A_39] : memref<10402x256x16xf32, #tpu.memory_space<hbm>> -> memref<1x256x16xf32, #tpu.memory_space<hbm>>
    %dma_wait3A_41 = tpu.memref_squeeze %dma_wait3A_40 : memref<1x256x16xf32, #tpu.memory_space<hbm>> -> memref<256x16xf32, #tpu.memory_space<hbm>>
    %dma_wait3A_42 = arith.constant 0 : i32
    %dma_wait3A_43 = arith.constant 0 : i32
    %dma_wait3A_44 = tpu.memref_slice %arg10[%dma_wait3A, %dma_wait3A_42, %dma_wait3A_43] : memref<2x256x16xf32, #tpu.memory_space<vmem>> -> memref<1x256x16xf32, #tpu.memory_space<vmem>>
    %dma_wait3A_45 = tpu.memref_squeeze %dma_wait3A_44 : memref<1x256x16xf32, #tpu.memory_space<vmem>> -> memref<256x16xf32, #tpu.memory_space<vmem>>
    tpu.wait_dma2 semaphore(%arg15 : memref<!tpu.dma_semaphore, #tpu.memory_space<semaphore_mem>>) src(%dma_wait3A_45 : memref<256x16xf32, #tpu.memory_space<vmem>>) dst(%dma_wait3A_41 : memref<256x16xf32, #tpu.memory_space<hbm>>)
    %get3A_46 = arith.constant 337 : i32
    %get3A_47 = arith.index_cast %get3A_46 : i32 to index
    %get3A_48 = arith.constant 0 : index
    %get3A_49 = tpu.vector_load %arg11[%get3A_47, %get3A_48] {strides = array<i32>} : memref<338x16xi32, #tpu.memory_space<vmem>>, vector<16xi32>,
    %slice3A_50 = vector.extract_strided_slice %get3A_49 {offsets = [0], sizes = [1], strides = [1]} : vector<16xi32> to vector<1xi32>
    %squeeze3A_51 = vector.extract %slice3A_50[0] : i32 from vector<1xi32>
    %dma_wait3A_52 = arith.constant 1 : i32
    %dma_wait3A_53 = arith.constant 0 : i32
    %dma_wait3A_54 = arith.constant 0 : i32
    %dma_wait3A_55 = tpu.memref_slice %arg10[%dma_wait3A_52, %dma_wait3A_53, %dma_wait3A_54] : memref<2x256x16xf32, #tpu.memory_space<vmem>> -> memref<1x256x16xf32, #tpu.memory_space<vmem>>
    %dma_wait3A_56 = tpu.memref_squeeze %dma_wait3A_55 : memref<1x256x16xf32, #tpu.memory_space<vmem>> -> memref<256x16xf32, #tpu.memory_space<vmem>>
    %dma_wait3A_57 = arith.constant 0 : i32
    %dma_wait3A_58 = arith.constant 0 : i32
    %dma_wait3A_59 = tpu.memref_slice %arg7[%squeeze3A_51, %dma_wait3A_57, %dma_wait3A_58] : memref<10402x256x16xf32, #tpu.memory_space<hbm>> -> memref<1x256x16xf32, #tpu.memory_space<hbm>>
    %dma_wait3A_60 = tpu.memref_squeeze %dma_wait3A_59 : memref<1x256x16xf32, #tpu.memory_space<hbm>> -> memref<256x16xf32, #tpu.memory_space<hbm>>
    %dma_wait3A_61 = arith.constant 0 : i32
    %dma_wait3A_62 = arith.constant 0 : i32
    %dma_wait3A_63 = tpu.memref_slice %arg7[%squeeze3A_51, %dma_wait3A_61, %dma_wait3A_62] : memref<10402x256x16xf32, #tpu.memory_space<hbm>> -> memref<1x256x16xf32, #tpu.memory_space<hbm>>
    %dma_wait3A_64 = tpu.memref_squeeze %dma_wait3A_63 : memref<1x256x16xf32, #tpu.memory_space<hbm>> -> memref<256x16xf32, #tpu.memory_space<hbm>>
    %dma_wait3A_65 = arith.constant 0 : i32
    %dma_wait3A_66 = arith.constant 0 : i32
    %dma_wait3A_67 = tpu.memref_slice %arg10[%dma_wait3A_52, %dma_wait3A_65, %dma_wait3A_66] : memref<2x256x16xf32, #tpu.memory_space<vmem>> -> memref<1x256x16xf32, #tpu.memory_space<vmem>>
    %dma_wait3A_68 = tpu.memref_squeeze %dma_wait3A_67 : memref<1x256x16xf32, #tpu.memory_space<vmem>> -> memref<256x16xf32, #tpu.memory_space<vmem>>
    tpu.wait_dma2 semaphore(%arg15 : memref<!tpu.dma_semaphore, #tpu.memory_space<semaphore_mem>>) src(%dma_wait3A_68 : memref<256x16xf32, #tpu.memory_space<vmem>>) dst(%dma_wait3A_64 : memref<256x16xf32, #tpu.memory_space<hbm>>)
    %eq3A_69 = arith.constant 31 : i32
    %eq3A_70 = arith.cmpi eq, %add3A, %eq3A_69 : i32
    %convert_element_type3A_71 = arith.extui %eq3A_70 : i1 to i32
    %cond3A_72 = arith.constant 0 : i32
    %cond3A_73 = arith.cmpi ne, %convert_element_type3A_71, %cond3A_72 : i32
    scf.if %cond3A_73 {
      "tpu.region"() ({
        %run_scoped3A_293 = tpu.sem_alloc : memref<!tpu.dma_semaphore, #tpu.memory_space<semaphore_mem>>
        tpu.enqueue_dma source(%arg4 : memref<100000xf32, #tpu.memory_space<hbm>>) target(%arg8 : memref<100000xf32, #tpu.memory_space<vmem>>) target_semaphore(%run_scoped3A_293 : memref<!tpu.dma_semaphore, #tpu.memory_space<semaphore_mem>>)
        tpu.wait_dma2 semaphore(%run_scoped3A_293 : memref<!tpu.dma_semaphore, #tpu.memory_space<semaphore_mem>>) src(%arg4 : memref<100000xf32, #tpu.memory_space<hbm>>) dst(%arg8 : memref<100000xf32, #tpu.memory_space<vmem>>)
        tpu.yield
      }) : () -> ()
      %get3A_74 = arith.constant 0 : index
      %get3A_75 = tpu.vector_load %arg12[%get3A_74] {strides = array<i32>} : memref<16xf32, #tpu.memory_space<vmem>>, vector<16xf32>,
      %slice3A_76 = vector.extract_strided_slice %get3A_75 {offsets = [0], sizes = [1], strides = [1]} : vector<16xf32> to vector<1xf32>
      %squeeze3A_77 = vector.extract %slice3A_76[0] : f32 from vector<1xf32>
      %scan3A_78 = arith.constant 0 : i32
      %scan3A_79 = arith.constant 0 : i32
      %scan3A_80 = arith.constant 256 : i32
      %scan3A_81 = arith.addi %scan3A_79, %scan3A_80 : i32
      %scan3A_82 = arith.constant 1 : i32
      scf.for %scan3A_293 = %scan3A_79 to %scan3A_81 step %scan3A_82  : i32 {
        %broadcast_in_dim3A = vector.broadcast %squeeze3A_77 : f32 to vector<16xf32>
        %swap3A = arith.constant 0 : i32
        %swap3A_294 = arith.index_cast %swap3A : i32 to index
        %swap3A_295 = arith.index_cast %scan3A_293 : i32 to index
        %swap3A_296 = arith.constant 0 : index
        %swap3A_297 = tpu.vector_load %arg10[%swap3A_294, %swap3A_295, %swap3A_296] {strides = array<i32>} : memref<2x256x16xf32, #tpu.memory_space<vmem>>, vector<16xf32>,
        tpu.vector_store %arg10[%swap3A_294, %swap3A_295, %swap3A_296], %broadcast_in_dim3A {strides = array<i32>} : memref<2x256x16xf32, #tpu.memory_space<vmem>>, vector<16xf32>,
      }
      %scan3A_83 = arith.constant 256 : i32
      %run_scoped3A = arith.constant 0 : i32
      %run_scoped3A_84 = arith.constant 0 : i32
      "tpu.region"() ({
        %run_scoped3A_293 = tpu.sem_alloc : memref<!tpu.dma_semaphore, #tpu.memory_space<semaphore_mem>>
        %dma_start3A_294 = arith.constant 0 : i32
        %dma_start3A_295 = arith.constant 0 : i32
        %dma_start3A_296 = tpu.memref_slice %arg9[%run_scoped3A_84, %dma_start3A_294, %dma_start3A_295] : memref<2x256x16xi32, #tpu.memory_space<vmem>> -> memref<1x256x16xi32, #tpu.memory_space<vmem>>
        %dma_start3A_297 = tpu.memref_squeeze %dma_start3A_296 : memref<1x256x16xi32, #tpu.memory_space<vmem>> -> memref<256x16xi32, #tpu.memory_space<vmem>>
        %dma_start3A_298 = arith.constant 0 : i32
        %dma_start3A_299 = arith.constant 0 : i32
        %dma_start3A_300 = tpu.memref_slice %arg13[%run_scoped3A, %dma_start3A_298, %dma_start3A_299] : memref<26x256x16xi32, #tpu.memory_space<vmem_shared>> -> memref<1x256x16xi32, #tpu.memory_space<vmem_shared>>
        %dma_start3A_301 = tpu.memref_squeeze %dma_start3A_300 : memref<1x256x16xi32, #tpu.memory_space<vmem_shared>> -> memref<256x16xi32, #tpu.memory_space<vmem_shared>>
        %dma_start3A_302 = arith.constant 0 : i32
        %dma_start3A_303 = arith.constant 0 : i32
        %dma_start3A_304 = tpu.memref_slice %arg9[%run_scoped3A_84, %dma_start3A_302, %dma_start3A_303] : memref<2x256x16xi32, #tpu.memory_space<vmem>> -> memref<1x256x16xi32, #tpu.memory_space<vmem>>
        %dma_start3A_305 = tpu.memref_squeeze %dma_start3A_304 : memref<1x256x16xi32, #tpu.memory_space<vmem>> -> memref<256x16xi32, #tpu.memory_space<vmem>>
        %dma_start3A_306 = arith.constant 0 : i32
        %dma_start3A_307 = arith.constant 0 : i32
        %dma_start3A_308 = tpu.memref_slice %arg13[%run_scoped3A, %dma_start3A_306, %dma_start3A_307] : memref<26x256x16xi32, #tpu.memory_space<vmem_shared>> -> memref<1x256x16xi32, #tpu.memory_space<vmem_shared>>
        %dma_start3A_309 = tpu.memref_squeeze %dma_start3A_308 : memref<1x256x16xi32, #tpu.memory_space<vmem_shared>> -> memref<256x16xi32, #tpu.memory_space<vmem_shared>>
        tpu.enqueue_dma source(%dma_start3A_309 : memref<256x16xi32, #tpu.memory_space<vmem_shared>>) target(%dma_start3A_305 : memref<256x16xi32, #tpu.memory_space<vmem>>) target_semaphore(%run_scoped3A_293 : memref<!tpu.dma_semaphore, #tpu.memory_space<semaphore_mem>>)
        %dma_wait3A_310 = arith.constant 0 : i32
        %dma_wait3A_311 = arith.constant 0 : i32
        %dma_wait3A_312 = tpu.memref_slice %arg9[%run_scoped3A_84, %dma_wait3A_310, %dma_wait3A_311] : memref<2x256x16xi32, #tpu.memory_space<vmem>> -> memref<1x256x16xi32, #tpu.memory_space<vmem>>
        %dma_wait3A_313 = tpu.memref_squeeze %dma_wait3A_312 : memref<1x256x16xi32, #tpu.memory_space<vmem>> -> memref<256x16xi32, #tpu.memory_space<vmem>>
        %dma_wait3A_314 = arith.constant 0 : i32
        %dma_wait3A_315 = arith.constant 0 : i32
        %dma_wait3A_316 = tpu.memref_slice %arg13[%run_scoped3A, %dma_wait3A_314, %dma_wait3A_315] : memref<26x256x16xi32, #tpu.memory_space<vmem_shared>> -> memref<1x256x16xi32, #tpu.memory_space<vmem_shared>>
        %dma_wait3A_317 = tpu.memref_squeeze %dma_wait3A_316 : memref<1x256x16xi32, #tpu.memory_space<vmem_shared>> -> memref<256x16xi32, #tpu.memory_space<vmem_shared>>
        %dma_wait3A_318 = arith.constant 0 : i32
        %dma_wait3A_319 = arith.constant 0 : i32
        %dma_wait3A_320 = tpu.memref_slice %arg9[%run_scoped3A_84, %dma_wait3A_318, %dma_wait3A_319] : memref<2x256x16xi32, #tpu.memory_space<vmem>> -> memref<1x256x16xi32, #tpu.memory_space<vmem>>
        %dma_wait3A_321 = tpu.memref_squeeze %dma_wait3A_320 : memref<1x256x16xi32, #tpu.memory_space<vmem>> -> memref<256x16xi32, #tpu.memory_space<vmem>>
        %dma_wait3A_322 = arith.constant 0 : i32
        %dma_wait3A_323 = arith.constant 0 : i32
        %dma_wait3A_324 = tpu.memref_slice %arg13[%run_scoped3A, %dma_wait3A_322, %dma_wait3A_323] : memref<26x256x16xi32, #tpu.memory_space<vmem_shared>> -> memref<1x256x16xi32, #tpu.memory_space<vmem_shared>>
        %dma_wait3A_325 = tpu.memref_squeeze %dma_wait3A_324 : memref<1x256x16xi32, #tpu.memory_space<vmem_shared>> -> memref<256x16xi32, #tpu.memory_space<vmem_shared>>
        tpu.wait_dma2 semaphore(%run_scoped3A_293 : memref<!tpu.dma_semaphore, #tpu.memory_space<semaphore_mem>>) src(%dma_wait3A_325 : memref<256x16xi32, #tpu.memory_space<vmem_shared>>) dst(%dma_wait3A_321 : memref<256x16xi32, #tpu.memory_space<vmem>>)
        tpu.yield
      }) : () -> ()
      %scan3A_85 = arith.constant 0 : i32
      %scan3A_86 = arith.constant 0 : i32
      %scan3A_87 = arith.constant 256 : i32
      %scan3A_88 = arith.addi %scan3A_86, %scan3A_87 : i32
      %scan3A_89 = arith.constant 1 : i32
      scf.for %scan3A_293 = %scan3A_86 to %scan3A_88 step %scan3A_89  : i32 {
        %get3A_294 = arith.constant 0 : i32
        %get3A_295 = arith.index_cast %get3A_294 : i32 to index
        %get3A_296 = arith.index_cast %scan3A_293 : i32 to index
        %get3A_297 = arith.constant 0 : index
        %get3A_298 = tpu.vector_load %arg9[%get3A_295, %get3A_296, %get3A_297] {strides = array<i32>} : memref<2x256x16xi32, #tpu.memory_space<vmem>>, vector<16xi32>,
        %get3A_299 = arith.constant 0 : i32
        %get3A_300 = arith.index_cast %get3A_299 : i32 to index
        %get3A_301 = arith.index_cast %scan3A_293 : i32 to index
        %get3A_302 = arith.constant 0 : index
        %get3A_303 = tpu.vector_load %arg10[%get3A_300, %get3A_301, %get3A_302] {strides = array<i32>} : memref<2x256x16xf32, #tpu.memory_space<vmem>>, vector<16xf32>,
        %gather3A = tpu.vector_load_idx %arg8[%get3A_298] : memref<100000xf32, #tpu.memory_space<vmem>>[vector<16xi32>], vector<16xf32>,
        %add3A_304 = arith.addf %get3A_303, %gather3A : vector<16xf32>
        %swap3A = arith.constant 0 : i32
        %swap3A_305 = arith.index_cast %swap3A : i32 to index
        %swap3A_306 = arith.index_cast %scan3A_293 : i32 to index
        %swap3A_307 = arith.constant 0 : index
        %swap3A_308 = tpu.vector_load %arg10[%swap3A_305, %swap3A_306, %swap3A_307] {strides = array<i32>} : memref<2x256x16xf32, #tpu.memory_space<vmem>>, vector<16xf32>,
        tpu.vector_store %arg10[%swap3A_305, %swap3A_306, %swap3A_307], %add3A_304 {strides = array<i32>} : memref<2x256x16xf32, #tpu.memory_space<vmem>>, vector<16xf32>,
      }
      %scan3A_90 = arith.constant 256 : i32
      %run_scoped3A_91 = arith.constant 1 : i32
      %run_scoped3A_92 = arith.constant 0 : i32
      "tpu.region"() ({
        %run_scoped3A_293 = tpu.sem_alloc : memref<!tpu.dma_semaphore, #tpu.memory_space<semaphore_mem>>
        %dma_start3A_294 = arith.constant 0 : i32
        %dma_start3A_295 = arith.constant 0 : i32
        %dma_start3A_296 = tpu.memref_slice %arg9[%run_scoped3A_92, %dma_start3A_294, %dma_start3A_295] : memref<2x256x16xi32, #tpu.memory_space<vmem>> -> memref<1x256x16xi32, #tpu.memory_space<vmem>>
        %dma_start3A_297 = tpu.memref_squeeze %dma_start3A_296 : memref<1x256x16xi32, #tpu.memory_space<vmem>> -> memref<256x16xi32, #tpu.memory_space<vmem>>
        %dma_start3A_298 = arith.constant 0 : i32
        %dma_start3A_299 = arith.constant 0 : i32
        %dma_start3A_300 = tpu.memref_slice %arg13[%run_scoped3A_91, %dma_start3A_298, %dma_start3A_299] : memref<26x256x16xi32, #tpu.memory_space<vmem_shared>> -> memref<1x256x16xi32, #tpu.memory_space<vmem_shared>>
        %dma_start3A_301 = tpu.memref_squeeze %dma_start3A_300 : memref<1x256x16xi32, #tpu.memory_space<vmem_shared>> -> memref<256x16xi32, #tpu.memory_space<vmem_shared>>
        %dma_start3A_302 = arith.constant 0 : i32
        %dma_start3A_303 = arith.constant 0 : i32
        %dma_start3A_304 = tpu.memref_slice %arg9[%run_scoped3A_92, %dma_start3A_302, %dma_start3A_303] : memref<2x256x16xi32, #tpu.memory_space<vmem>> -> memref<1x256x16xi32, #tpu.memory_space<vmem>>
        %dma_start3A_305 = tpu.memref_squeeze %dma_start3A_304 : memref<1x256x16xi32, #tpu.memory_space<vmem>> -> memref<256x16xi32, #tpu.memory_space<vmem>>
        %dma_start3A_306 = arith.constant 0 : i32
        %dma_start3A_307 = arith.constant 0 : i32
        %dma_start3A_308 = tpu.memref_slice %arg13[%run_scoped3A_91, %dma_start3A_306, %dma_start3A_307] : memref<26x256x16xi32, #tpu.memory_space<vmem_shared>> -> memref<1x256x16xi32, #tpu.memory_space<vmem_shared>>
        %dma_start3A_309 = tpu.memref_squeeze %dma_start3A_308 : memref<1x256x16xi32, #tpu.memory_space<vmem_shared>> -> memref<256x16xi32, #tpu.memory_space<vmem_shared>>
        tpu.enqueue_dma source(%dma_start3A_309 : memref<256x16xi32, #tpu.memory_space<vmem_shared>>) target(%dma_start3A_305 : memref<256x16xi32, #tpu.memory_space<vmem>>) target_semaphore(%run_scoped3A_293 : memref<!tpu.dma_semaphore, #tpu.memory_space<semaphore_mem>>)
        %dma_wait3A_310 = arith.constant 0 : i32
        %dma_wait3A_311 = arith.constant 0 : i32
        %dma_wait3A_312 = tpu.memref_slice %arg9[%run_scoped3A_92, %dma_wait3A_310, %dma_wait3A_311] : memref<2x256x16xi32, #tpu.memory_space<vmem>> -> memref<1x256x16xi32, #tpu.memory_space<vmem>>
        %dma_wait3A_313 = tpu.memref_squeeze %dma_wait3A_312 : memref<1x256x16xi32, #tpu.memory_space<vmem>> -> memref<256x16xi32, #tpu.memory_space<vmem>>
        %dma_wait3A_314 = arith.constant 0 : i32
        %dma_wait3A_315 = arith.constant 0 : i32
        %dma_wait3A_316 = tpu.memref_slice %arg13[%run_scoped3A_91, %dma_wait3A_314, %dma_wait3A_315] : memref<26x256x16xi32, #tpu.memory_space<vmem_shared>> -> memref<1x256x16xi32, #tpu.memory_space<vmem_shared>>
        %dma_wait3A_317 = tpu.memref_squeeze %dma_wait3A_316 : memref<1x256x16xi32, #tpu.memory_space<vmem_shared>> -> memref<256x16xi32, #tpu.memory_space<vmem_shared>>
        %dma_wait3A_318 = arith.constant 0 : i32
        %dma_wait3A_319 = arith.constant 0 : i32
        %dma_wait3A_320 = tpu.memref_slice %arg9[%run_scoped3A_92, %dma_wait3A_318, %dma_wait3A_319] : memref<2x256x16xi32, #tpu.memory_space<vmem>> -> memref<1x256x16xi32, #tpu.memory_space<vmem>>
        %dma_wait3A_321 = tpu.memref_squeeze %dma_wait3A_320 : memref<1x256x16xi32, #tpu.memory_space<vmem>> -> memref<256x16xi32, #tpu.memory_space<vmem>>
        %dma_wait3A_322 = arith.constant 0 : i32
        %dma_wait3A_323 = arith.constant 0 : i32
        %dma_wait3A_324 = tpu.memref_slice %arg13[%run_scoped3A_91, %dma_wait3A_322, %dma_wait3A_323] : memref<26x256x16xi32, #tpu.memory_space<vmem_shared>> -> memref<1x256x16xi32, #tpu.memory_space<vmem_shared>>
        %dma_wait3A_325 = tpu.memref_squeeze %dma_wait3A_324 : memref<1x256x16xi32, #tpu.memory_space<vmem_shared>> -> memref<256x16xi32, #tpu.memory_space<vmem_shared>>
        tpu.wait_dma2 semaphore(%run_scoped3A_293 : memref<!tpu.dma_semaphore, #tpu.memory_space<semaphore_mem>>) src(%dma_wait3A_325 : memref<256x16xi32, #tpu.memory_space<vmem_shared>>) dst(%dma_wait3A_321 : memref<256x16xi32, #tpu.memory_space<vmem>>)
        tpu.yield
      }) : () -> ()
      %scan3A_93 = arith.constant 0 : i32
      %scan3A_94 = arith.constant 0 : i32
      %scan3A_95 = arith.constant 256 : i32
      %scan3A_96 = arith.addi %scan3A_94, %scan3A_95 : i32
      %scan3A_97 = arith.constant 1 : i32
      scf.for %scan3A_293 = %scan3A_94 to %scan3A_96 step %scan3A_97  : i32 {
        %get3A_294 = arith.constant 0 : i32
        %get3A_295 = arith.index_cast %get3A_294 : i32 to index
        %get3A_296 = arith.index_cast %scan3A_293 : i32 to index
        %get3A_297 = arith.constant 0 : index
        %get3A_298 = tpu.vector_load %arg9[%get3A_295, %get3A_296, %get3A_297] {strides = array<i32>} : memref<2x256x16xi32, #tpu.memory_space<vmem>>, vector<16xi32>,
        %get3A_299 = arith.constant 0 : i32
        %get3A_300 = arith.index_cast %get3A_299 : i32 to index
        %get3A_301 = arith.index_cast %scan3A_293 : i32 to index
        %get3A_302 = arith.constant 0 : index
        %get3A_303 = tpu.vector_load %arg10[%get3A_300, %get3A_301, %get3A_302] {strides = array<i32>} : memref<2x256x16xf32, #tpu.memory_space<vmem>>, vector<16xf32>,
        %gather3A = tpu.vector_load_idx %arg8[%get3A_298] : memref<100000xf32, #tpu.memory_space<vmem>>[vector<16xi32>], vector<16xf32>,
        %add3A_304 = arith.addf %get3A_303, %gather3A : vector<16xf32>
        %swap3A = arith.constant 0 : i32
        %swap3A_305 = arith.index_cast %swap3A : i32 to index
        %swap3A_306 = arith.index_cast %scan3A_293 : i32 to index
        %swap3A_307 = arith.constant 0 : index
        %swap3A_308 = tpu.vector_load %arg10[%swap3A_305, %swap3A_306, %swap3A_307] {strides = array<i32>} : memref<2x256x16xf32, #tpu.memory_space<vmem>>, vector<16xf32>,
        tpu.vector_store %arg10[%swap3A_305, %swap3A_306, %swap3A_307], %add3A_304 {strides = array<i32>} : memref<2x256x16xf32, #tpu.memory_space<vmem>>, vector<16xf32>,
      }
      %scan3A_98 = arith.constant 256 : i32
      %run_scoped3A_99 = arith.constant 2 : i32
      %run_scoped3A_100 = arith.constant 0 : i32
      "tpu.region"() ({
        %run_scoped3A_293 = tpu.sem_alloc : memref<!tpu.dma_semaphore, #tpu.memory_space<semaphore_mem>>
        %dma_start3A_294 = arith.constant 0 : i32
        %dma_start3A_295 = arith.constant 0 : i32
        %dma_start3A_296 = tpu.memref_slice %arg9[%run_scoped3A_100, %dma_start3A_294, %dma_start3A_295] : memref<2x256x16xi32, #tpu.memory_space<vmem>> -> memref<1x256x16xi32, #tpu.memory_space<vmem>>
        %dma_start3A_297 = tpu.memref_squeeze %dma_start3A_296 : memref<1x256x16xi32, #tpu.memory_space<vmem>> -> memref<256x16xi32, #tpu.memory_space<vmem>>
        %dma_start3A_298 = arith.constant 0 : i32
        %dma_start3A_299 = arith.constant 0 : i32
        %dma_start3A_300 = tpu.memref_slice %arg13[%run_scoped3A_99, %dma_start3A_298, %dma_start3A_299] : memref<26x256x16xi32, #tpu.memory_space<vmem_shared>> -> memref<1x256x16xi32, #tpu.memory_space<vmem_shared>>
        %dma_start3A_301 = tpu.memref_squeeze %dma_start3A_300 : memref<1x256x16xi32, #tpu.memory_space<vmem_shared>> -> memref<256x16xi32, #tpu.memory_space<vmem_shared>>
        %dma_start3A_302 = arith.constant 0 : i32
        %dma_start3A_303 = arith.constant 0 : i32
        %dma_start3A_304 = tpu.memref_slice %arg9[%run_scoped3A_100, %dma_start3A_302, %dma_start3A_303] : memref<2x256x16xi32, #tpu.memory_space<vmem>> -> memref<1x256x16xi32, #tpu.memory_space<vmem>>
        %dma_start3A_305 = tpu.memref_squeeze %dma_start3A_304 : memref<1x256x16xi32, #tpu.memory_space<vmem>> -> memref<256x16xi32, #tpu.memory_space<vmem>>
        %dma_start3A_306 = arith.constant 0 : i32
        %dma_start3A_307 = arith.constant 0 : i32
        %dma_start3A_308 = tpu.memref_slice %arg13[%run_scoped3A_99, %dma_start3A_306, %dma_start3A_307] : memref<26x256x16xi32, #tpu.memory_space<vmem_shared>> -> memref<1x256x16xi32, #tpu.memory_space<vmem_shared>>
        %dma_start3A_309 = tpu.memref_squeeze %dma_start3A_308 : memref<1x256x16xi32, #tpu.memory_space<vmem_shared>> -> memref<256x16xi32, #tpu.memory_space<vmem_shared>>
        tpu.enqueue_dma source(%dma_start3A_309 : memref<256x16xi32, #tpu.memory_space<vmem_shared>>) target(%dma_start3A_305 : memref<256x16xi32, #tpu.memory_space<vmem>>) target_semaphore(%run_scoped3A_293 : memref<!tpu.dma_semaphore, #tpu.memory_space<semaphore_mem>>)
        %dma_wait3A_310 = arith.constant 0 : i32
        %dma_wait3A_311 = arith.constant 0 : i32
        %dma_wait3A_312 = tpu.memref_slice %arg9[%run_scoped3A_100, %dma_wait3A_310, %dma_wait3A_311] : memref<2x256x16xi32, #tpu.memory_space<vmem>> -> memref<1x256x16xi32, #tpu.memory_space<vmem>>
        %dma_wait3A_313 = tpu.memref_squeeze %dma_wait3A_312 : memref<1x256x16xi32, #tpu.memory_space<vmem>> -> memref<256x16xi32, #tpu.memory_space<vmem>>
        %dma_wait3A_314 = arith.constant 0 : i32
        %dma_wait3A_315 = arith.constant 0 : i32
        %dma_wait3A_316 = tpu.memref_slice %arg13[%run_scoped3A_99, %dma_wait3A_314, %dma_wait3A_315] : memref<26x256x16xi32, #tpu.memory_space<vmem_shared>> -> memref<1x256x16xi32, #tpu.memory_space<vmem_shared>>
        %dma_wait3A_317 = tpu.memref_squeeze %dma_wait3A_316 : memref<1x256x16xi32, #tpu.memory_space<vmem_shared>> -> memref<256x16xi32, #tpu.memory_space<vmem_shared>>
        %dma_wait3A_318 = arith.constant 0 : i32
        %dma_wait3A_319 = arith.constant 0 : i32
        %dma_wait3A_320 = tpu.memref_slice %arg9[%run_scoped3A_100, %dma_wait3A_318, %dma_wait3A_319] : memref<2x256x16xi32, #tpu.memory_space<vmem>> -> memref<1x256x16xi32, #tpu.memory_space<vmem>>
        %dma_wait3A_321 = tpu.memref_squeeze %dma_wait3A_320 : memref<1x256x16xi32, #tpu.memory_space<vmem>> -> memref<256x16xi32, #tpu.memory_space<vmem>>
        %dma_wait3A_322 = arith.constant 0 : i32
        %dma_wait3A_323 = arith.constant 0 : i32
        %dma_wait3A_324 = tpu.memref_slice %arg13[%run_scoped3A_99, %dma_wait3A_322, %dma_wait3A_323] : memref<26x256x16xi32, #tpu.memory_space<vmem_shared>> -> memref<1x256x16xi32, #tpu.memory_space<vmem_shared>>
        %dma_wait3A_325 = tpu.memref_squeeze %dma_wait3A_324 : memref<1x256x16xi32, #tpu.memory_space<vmem_shared>> -> memref<256x16xi32, #tpu.memory_space<vmem_shared>>
        tpu.wait_dma2 semaphore(%run_scoped3A_293 : memref<!tpu.dma_semaphore, #tpu.memory_space<semaphore_mem>>) src(%dma_wait3A_325 : memref<256x16xi32, #tpu.memory_space<vmem_shared>>) dst(%dma_wait3A_321 : memref<256x16xi32, #tpu.memory_space<vmem>>)
        tpu.yield
      }) : () -> ()
      %scan3A_101 = arith.constant 0 : i32
      %scan3A_102 = arith.constant 0 : i32
      %scan3A_103 = arith.constant 256 : i32
      %scan3A_104 = arith.addi %scan3A_102, %scan3A_103 : i32
      %scan3A_105 = arith.constant 1 : i32
      scf.for %scan3A_293 = %scan3A_102 to %scan3A_104 step %scan3A_105  : i32 {
        %get3A_294 = arith.constant 0 : i32
        %get3A_295 = arith.index_cast %get3A_294 : i32 to index
        %get3A_296 = arith.index_cast %scan3A_293 : i32 to index
        %get3A_297 = arith.constant 0 : index
        %get3A_298 = tpu.vector_load %arg9[%get3A_295, %get3A_296, %get3A_297] {strides = array<i32>} : memref<2x256x16xi32, #tpu.memory_space<vmem>>, vector<16xi32>,
        %get3A_299 = arith.constant 0 : i32
        %get3A_300 = arith.index_cast %get3A_299 : i32 to index
        %get3A_301 = arith.index_cast %scan3A_293 : i32 to index
        %get3A_302 = arith.constant 0 : index
        %get3A_303 = tpu.vector_load %arg10[%get3A_300, %get3A_301, %get3A_302] {strides = array<i32>} : memref<2x256x16xf32, #tpu.memory_space<vmem>>, vector<16xf32>,
        %gather3A = tpu.vector_load_idx %arg8[%get3A_298] : memref<100000xf32, #tpu.memory_space<vmem>>[vector<16xi32>], vector<16xf32>,
        %add3A_304 = arith.addf %get3A_303, %gather3A : vector<16xf32>
        %swap3A = arith.constant 0 : i32
        %swap3A_305 = arith.index_cast %swap3A : i32 to index
        %swap3A_306 = arith.index_cast %scan3A_293 : i32 to index
        %swap3A_307 = arith.constant 0 : index
        %swap3A_308 = tpu.vector_load %arg10[%swap3A_305, %swap3A_306, %swap3A_307] {strides = array<i32>} : memref<2x256x16xf32, #tpu.memory_space<vmem>>, vector<16xf32>,
        tpu.vector_store %arg10[%swap3A_305, %swap3A_306, %swap3A_307], %add3A_304 {strides = array<i32>} : memref<2x256x16xf32, #tpu.memory_space<vmem>>, vector<16xf32>,
      }
      %scan3A_106 = arith.constant 256 : i32
      %run_scoped3A_107 = arith.constant 3 : i32
      %run_scoped3A_108 = arith.constant 0 : i32
      "tpu.region"() ({
        %run_scoped3A_293 = tpu.sem_alloc : memref<!tpu.dma_semaphore, #tpu.memory_space<semaphore_mem>>
        %dma_start3A_294 = arith.constant 0 : i32
        %dma_start3A_295 = arith.constant 0 : i32
        %dma_start3A_296 = tpu.memref_slice %arg9[%run_scoped3A_108, %dma_start3A_294, %dma_start3A_295] : memref<2x256x16xi32, #tpu.memory_space<vmem>> -> memref<1x256x16xi32, #tpu.memory_space<vmem>>
        %dma_start3A_297 = tpu.memref_squeeze %dma_start3A_296 : memref<1x256x16xi32, #tpu.memory_space<vmem>> -> memref<256x16xi32, #tpu.memory_space<vmem>>
        %dma_start3A_298 = arith.constant 0 : i32
        %dma_start3A_299 = arith.constant 0 : i32
        %dma_start3A_300 = tpu.memref_slice %arg13[%run_scoped3A_107, %dma_start3A_298, %dma_start3A_299] : memref<26x256x16xi32, #tpu.memory_space<vmem_shared>> -> memref<1x256x16xi32, #tpu.memory_space<vmem_shared>>
        %dma_start3A_301 = tpu.memref_squeeze %dma_start3A_300 : memref<1x256x16xi32, #tpu.memory_space<vmem_shared>> -> memref<256x16xi32, #tpu.memory_space<vmem_shared>>
        %dma_start3A_302 = arith.constant 0 : i32
        %dma_start3A_303 = arith.constant 0 : i32
        %dma_start3A_304 = tpu.memref_slice %arg9[%run_scoped3A_108, %dma_start3A_302, %dma_start3A_303] : memref<2x256x16xi32, #tpu.memory_space<vmem>> -> memref<1x256x16xi32, #tpu.memory_space<vmem>>
        %dma_start3A_305 = tpu.memref_squeeze %dma_start3A_304 : memref<1x256x16xi32, #tpu.memory_space<vmem>> -> memref<256x16xi32, #tpu.memory_space<vmem>>
        %dma_start3A_306 = arith.constant 0 : i32
        %dma_start3A_307 = arith.constant 0 : i32
        %dma_start3A_308 = tpu.memref_slice %arg13[%run_scoped3A_107, %dma_start3A_306, %dma_start3A_307] : memref<26x256x16xi32, #tpu.memory_space<vmem_shared>> -> memref<1x256x16xi32, #tpu.memory_space<vmem_shared>>
        %dma_start3A_309 = tpu.memref_squeeze %dma_start3A_308 : memref<1x256x16xi32, #tpu.memory_space<vmem_shared>> -> memref<256x16xi32, #tpu.memory_space<vmem_shared>>
        tpu.enqueue_dma source(%dma_start3A_309 : memref<256x16xi32, #tpu.memory_space<vmem_shared>>) target(%dma_start3A_305 : memref<256x16xi32, #tpu.memory_space<vmem>>) target_semaphore(%run_scoped3A_293 : memref<!tpu.dma_semaphore, #tpu.memory_space<semaphore_mem>>)
        %dma_wait3A_310 = arith.constant 0 : i32
        %dma_wait3A_311 = arith.constant 0 : i32
        %dma_wait3A_312 = tpu.memref_slice %arg9[%run_scoped3A_108, %dma_wait3A_310, %dma_wait3A_311] : memref<2x256x16xi32, #tpu.memory_space<vmem>> -> memref<1x256x16xi32, #tpu.memory_space<vmem>>
        %dma_wait3A_313 = tpu.memref_squeeze %dma_wait3A_312 : memref<1x256x16xi32, #tpu.memory_space<vmem>> -> memref<256x16xi32, #tpu.memory_space<vmem>>
        %dma_wait3A_314 = arith.constant 0 : i32
        %dma_wait3A_315 = arith.constant 0 : i32
        %dma_wait3A_316 = tpu.memref_slice %arg13[%run_scoped3A_107, %dma_wait3A_314, %dma_wait3A_315] : memref<26x256x16xi32, #tpu.memory_space<vmem_shared>> -> memref<1x256x16xi32, #tpu.memory_space<vmem_shared>>
        %dma_wait3A_317 = tpu.memref_squeeze %dma_wait3A_316 : memref<1x256x16xi32, #tpu.memory_space<vmem_shared>> -> memref<256x16xi32, #tpu.memory_space<vmem_shared>>
        %dma_wait3A_318 = arith.constant 0 : i32
        %dma_wait3A_319 = arith.constant 0 : i32
        %dma_wait3A_320 = tpu.memref_slice %arg9[%run_scoped3A_108, %dma_wait3A_318, %dma_wait3A_319] : memref<2x256x16xi32, #tpu.memory_space<vmem>> -> memref<1x256x16xi32, #tpu.memory_space<vmem>>
        %dma_wait3A_321 = tpu.memref_squeeze %dma_wait3A_320 : memref<1x256x16xi32, #tpu.memory_space<vmem>> -> memref<256x16xi32, #tpu.memory_space<vmem>>
        %dma_wait3A_322 = arith.constant 0 : i32
        %dma_wait3A_323 = arith.constant 0 : i32
        %dma_wait3A_324 = tpu.memref_slice %arg13[%run_scoped3A_107, %dma_wait3A_322, %dma_wait3A_323] : memref<26x256x16xi32, #tpu.memory_space<vmem_shared>> -> memref<1x256x16xi32, #tpu.memory_space<vmem_shared>>
        %dma_wait3A_325 = tpu.memref_squeeze %dma_wait3A_324 : memref<1x256x16xi32, #tpu.memory_space<vmem_shared>> -> memref<256x16xi32, #tpu.memory_space<vmem_shared>>
        tpu.wait_dma2 semaphore(%run_scoped3A_293 : memref<!tpu.dma_semaphore, #tpu.memory_space<semaphore_mem>>) src(%dma_wait3A_325 : memref<256x16xi32, #tpu.memory_space<vmem_shared>>) dst(%dma_wait3A_321 : memref<256x16xi32, #tpu.memory_space<vmem>>)
        tpu.yield
      }) : () -> ()
      %scan3A_109 = arith.constant 0 : i32
      %scan3A_110 = arith.constant 0 : i32
      %scan3A_111 = arith.constant 256 : i32
      %scan3A_112 = arith.addi %scan3A_110, %scan3A_111 : i32
      %scan3A_113 = arith.constant 1 : i32
      scf.for %scan3A_293 = %scan3A_110 to %scan3A_112 step %scan3A_113  : i32 {
        %get3A_294 = arith.constant 0 : i32
        %get3A_295 = arith.index_cast %get3A_294 : i32 to index
        %get3A_296 = arith.index_cast %scan3A_293 : i32 to index
        %get3A_297 = arith.constant 0 : index
        %get3A_298 = tpu.vector_load %arg9[%get3A_295, %get3A_296, %get3A_297] {strides = array<i32>} : memref<2x256x16xi32, #tpu.memory_space<vmem>>, vector<16xi32>,
        %get3A_299 = arith.constant 0 : i32
        %get3A_300 = arith.index_cast %get3A_299 : i32 to index
        %get3A_301 = arith.index_cast %scan3A_293 : i32 to index
        %get3A_302 = arith.constant 0 : index
        %get3A_303 = tpu.vector_load %arg10[%get3A_300, %get3A_301, %get3A_302] {strides = array<i32>} : memref<2x256x16xf32, #tpu.memory_space<vmem>>, vector<16xf32>,
        %gather3A = tpu.vector_load_idx %arg8[%get3A_298] : memref<100000xf32, #tpu.memory_space<vmem>>[vector<16xi32>], vector<16xf32>,
        %add3A_304 = arith.addf %get3A_303, %gather3A : vector<16xf32>
        %swap3A = arith.constant 0 : i32
        %swap3A_305 = arith.index_cast %swap3A : i32 to index
        %swap3A_306 = arith.index_cast %scan3A_293 : i32 to index
        %swap3A_307 = arith.constant 0 : index
        %swap3A_308 = tpu.vector_load %arg10[%swap3A_305, %swap3A_306, %swap3A_307] {strides = array<i32>} : memref<2x256x16xf32, #tpu.memory_space<vmem>>, vector<16xf32>,
        tpu.vector_store %arg10[%swap3A_305, %swap3A_306, %swap3A_307], %add3A_304 {strides = array<i32>} : memref<2x256x16xf32, #tpu.memory_space<vmem>>, vector<16xf32>,
      }
      %scan3A_114 = arith.constant 256 : i32
      %run_scoped3A_115 = arith.constant 4 : i32
      %run_scoped3A_116 = arith.constant 0 : i32
      "tpu.region"() ({
        %run_scoped3A_293 = tpu.sem_alloc : memref<!tpu.dma_semaphore, #tpu.memory_space<semaphore_mem>>
        %dma_start3A_294 = arith.constant 0 : i32
        %dma_start3A_295 = arith.constant 0 : i32
        %dma_start3A_296 = tpu.memref_slice %arg9[%run_scoped3A_116, %dma_start3A_294, %dma_start3A_295] : memref<2x256x16xi32, #tpu.memory_space<vmem>> -> memref<1x256x16xi32, #tpu.memory_space<vmem>>
        %dma_start3A_297 = tpu.memref_squeeze %dma_start3A_296 : memref<1x256x16xi32, #tpu.memory_space<vmem>> -> memref<256x16xi32, #tpu.memory_space<vmem>>
        %dma_start3A_298 = arith.constant 0 : i32
        %dma_start3A_299 = arith.constant 0 : i32
        %dma_start3A_300 = tpu.memref_slice %arg13[%run_scoped3A_115, %dma_start3A_298, %dma_start3A_299] : memref<26x256x16xi32, #tpu.memory_space<vmem_shared>> -> memref<1x256x16xi32, #tpu.memory_space<vmem_shared>>
        %dma_start3A_301 = tpu.memref_squeeze %dma_start3A_300 : memref<1x256x16xi32, #tpu.memory_space<vmem_shared>> -> memref<256x16xi32, #tpu.memory_space<vmem_shared>>
        %dma_start3A_302 = arith.constant 0 : i32
        %dma_start3A_303 = arith.constant 0 : i32
        %dma_start3A_304 = tpu.memref_slice %arg9[%run_scoped3A_116, %dma_start3A_302, %dma_start3A_303] : memref<2x256x16xi32, #tpu.memory_space<vmem>> -> memref<1x256x16xi32, #tpu.memory_space<vmem>>
        %dma_start3A_305 = tpu.memref_squeeze %dma_start3A_304 : memref<1x256x16xi32, #tpu.memory_space<vmem>> -> memref<256x16xi32, #tpu.memory_space<vmem>>
        %dma_start3A_306 = arith.constant 0 : i32
        %dma_start3A_307 = arith.constant 0 : i32
        %dma_start3A_308 = tpu.memref_slice %arg13[%run_scoped3A_115, %dma_start3A_306, %dma_start3A_307] : memref<26x256x16xi32, #tpu.memory_space<vmem_shared>> -> memref<1x256x16xi32, #tpu.memory_space<vmem_shared>>
        %dma_start3A_309 = tpu.memref_squeeze %dma_start3A_308 : memref<1x256x16xi32, #tpu.memory_space<vmem_shared>> -> memref<256x16xi32, #tpu.memory_space<vmem_shared>>
        tpu.enqueue_dma source(%dma_start3A_309 : memref<256x16xi32, #tpu.memory_space<vmem_shared>>) target(%dma_start3A_305 : memref<256x16xi32, #tpu.memory_space<vmem>>) target_semaphore(%run_scoped3A_293 : memref<!tpu.dma_semaphore, #tpu.memory_space<semaphore_mem>>)
        %dma_wait3A_310 = arith.constant 0 : i32
        %dma_wait3A_311 = arith.constant 0 : i32
        %dma_wait3A_312 = tpu.memref_slice %arg9[%run_scoped3A_116, %dma_wait3A_310, %dma_wait3A_311] : memref<2x256x16xi32, #tpu.memory_space<vmem>> -> memref<1x256x16xi32, #tpu.memory_space<vmem>>
        %dma_wait3A_313 = tpu.memref_squeeze %dma_wait3A_312 : memref<1x256x16xi32, #tpu.memory_space<vmem>> -> memref<256x16xi32, #tpu.memory_space<vmem>>
        %dma_wait3A_314 = arith.constant 0 : i32
        %dma_wait3A_315 = arith.constant 0 : i32
        %dma_wait3A_316 = tpu.memref_slice %arg13[%run_scoped3A_115, %dma_wait3A_314, %dma_wait3A_315] : memref<26x256x16xi32, #tpu.memory_space<vmem_shared>> -> memref<1x256x16xi32, #tpu.memory_space<vmem_shared>>
        %dma_wait3A_317 = tpu.memref_squeeze %dma_wait3A_316 : memref<1x256x16xi32, #tpu.memory_space<vmem_shared>> -> memref<256x16xi32, #tpu.memory_space<vmem_shared>>
        %dma_wait3A_318 = arith.constant 0 : i32
        %dma_wait3A_319 = arith.constant 0 : i32
        %dma_wait3A_320 = tpu.memref_slice %arg9[%run_scoped3A_116, %dma_wait3A_318, %dma_wait3A_319] : memref<2x256x16xi32, #tpu.memory_space<vmem>> -> memref<1x256x16xi32, #tpu.memory_space<vmem>>
        %dma_wait3A_321 = tpu.memref_squeeze %dma_wait3A_320 : memref<1x256x16xi32, #tpu.memory_space<vmem>> -> memref<256x16xi32, #tpu.memory_space<vmem>>
        %dma_wait3A_322 = arith.constant 0 : i32
        %dma_wait3A_323 = arith.constant 0 : i32
        %dma_wait3A_324 = tpu.memref_slice %arg13[%run_scoped3A_115, %dma_wait3A_322, %dma_wait3A_323] : memref<26x256x16xi32, #tpu.memory_space<vmem_shared>> -> memref<1x256x16xi32, #tpu.memory_space<vmem_shared>>
        %dma_wait3A_325 = tpu.memref_squeeze %dma_wait3A_324 : memref<1x256x16xi32, #tpu.memory_space<vmem_shared>> -> memref<256x16xi32, #tpu.memory_space<vmem_shared>>
        tpu.wait_dma2 semaphore(%run_scoped3A_293 : memref<!tpu.dma_semaphore, #tpu.memory_space<semaphore_mem>>) src(%dma_wait3A_325 : memref<256x16xi32, #tpu.memory_space<vmem_shared>>) dst(%dma_wait3A_321 : memref<256x16xi32, #tpu.memory_space<vmem>>)
        tpu.yield
      }) : () -> ()
      %scan3A_117 = arith.constant 0 : i32
      %scan3A_118 = arith.constant 0 : i32
      %scan3A_119 = arith.constant 256 : i32
      %scan3A_120 = arith.addi %scan3A_118, %scan3A_119 : i32
      %scan3A_121 = arith.constant 1 : i32
      scf.for %scan3A_293 = %scan3A_118 to %scan3A_120 step %scan3A_121  : i32 {
        %get3A_294 = arith.constant 0 : i32
        %get3A_295 = arith.index_cast %get3A_294 : i32 to index
        %get3A_296 = arith.index_cast %scan3A_293 : i32 to index
        %get3A_297 = arith.constant 0 : index
        %get3A_298 = tpu.vector_load %arg9[%get3A_295, %get3A_296, %get3A_297] {strides = array<i32>} : memref<2x256x16xi32, #tpu.memory_space<vmem>>, vector<16xi32>,
        %get3A_299 = arith.constant 0 : i32
        %get3A_300 = arith.index_cast %get3A_299 : i32 to index
        %get3A_301 = arith.index_cast %scan3A_293 : i32 to index
        %get3A_302 = arith.constant 0 : index
        %get3A_303 = tpu.vector_load %arg10[%get3A_300, %get3A_301, %get3A_302] {strides = array<i32>} : memref<2x256x16xf32, #tpu.memory_space<vmem>>, vector<16xf32>,
        %gather3A = tpu.vector_load_idx %arg8[%get3A_298] : memref<100000xf32, #tpu.memory_space<vmem>>[vector<16xi32>], vector<16xf32>,
        %add3A_304 = arith.addf %get3A_303, %gather3A : vector<16xf32>
        %swap3A = arith.constant 0 : i32
        %swap3A_305 = arith.index_cast %swap3A : i32 to index
        %swap3A_306 = arith.index_cast %scan3A_293 : i32 to index
        %swap3A_307 = arith.constant 0 : index
        %swap3A_308 = tpu.vector_load %arg10[%swap3A_305, %swap3A_306, %swap3A_307] {strides = array<i32>} : memref<2x256x16xf32, #tpu.memory_space<vmem>>, vector<16xf32>,
        tpu.vector_store %arg10[%swap3A_305, %swap3A_306, %swap3A_307], %add3A_304 {strides = array<i32>} : memref<2x256x16xf32, #tpu.memory_space<vmem>>, vector<16xf32>,
      }
      %scan3A_122 = arith.constant 256 : i32
      %run_scoped3A_123 = arith.constant 5 : i32
      %run_scoped3A_124 = arith.constant 0 : i32
      "tpu.region"() ({
        %run_scoped3A_293 = tpu.sem_alloc : memref<!tpu.dma_semaphore, #tpu.memory_space<semaphore_mem>>
        %dma_start3A_294 = arith.constant 0 : i32
        %dma_start3A_295 = arith.constant 0 : i32
        %dma_start3A_296 = tpu.memref_slice %arg9[%run_scoped3A_124, %dma_start3A_294, %dma_start3A_295] : memref<2x256x16xi32, #tpu.memory_space<vmem>> -> memref<1x256x16xi32, #tpu.memory_space<vmem>>
        %dma_start3A_297 = tpu.memref_squeeze %dma_start3A_296 : memref<1x256x16xi32, #tpu.memory_space<vmem>> -> memref<256x16xi32, #tpu.memory_space<vmem>>
        %dma_start3A_298 = arith.constant 0 : i32
        %dma_start3A_299 = arith.constant 0 : i32
        %dma_start3A_300 = tpu.memref_slice %arg13[%run_scoped3A_123, %dma_start3A_298, %dma_start3A_299] : memref<26x256x16xi32, #tpu.memory_space<vmem_shared>> -> memref<1x256x16xi32, #tpu.memory_space<vmem_shared>>
        %dma_start3A_301 = tpu.memref_squeeze %dma_start3A_300 : memref<1x256x16xi32, #tpu.memory_space<vmem_shared>> -> memref<256x16xi32, #tpu.memory_space<vmem_shared>>
        %dma_start3A_302 = arith.constant 0 : i32
        %dma_start3A_303 = arith.constant 0 : i32
        %dma_start3A_304 = tpu.memref_slice %arg9[%run_scoped3A_124, %dma_start3A_302, %dma_start3A_303] : memref<2x256x16xi32, #tpu.memory_space<vmem>> -> memref<1x256x16xi32, #tpu.memory_space<vmem>>
        %dma_start3A_305 = tpu.memref_squeeze %dma_start3A_304 : memref<1x256x16xi32, #tpu.memory_space<vmem>> -> memref<256x16xi32, #tpu.memory_space<vmem>>
        %dma_start3A_306 = arith.constant 0 : i32
        %dma_start3A_307 = arith.constant 0 : i32
        %dma_start3A_308 = tpu.memref_slice %arg13[%run_scoped3A_123, %dma_start3A_306, %dma_start3A_307] : memref<26x256x16xi32, #tpu.memory_space<vmem_shared>> -> memref<1x256x16xi32, #tpu.memory_space<vmem_shared>>
        %dma_start3A_309 = tpu.memref_squeeze %dma_start3A_308 : memref<1x256x16xi32, #tpu.memory_space<vmem_shared>> -> memref<256x16xi32, #tpu.memory_space<vmem_shared>>
        tpu.enqueue_dma source(%dma_start3A_309 : memref<256x16xi32, #tpu.memory_space<vmem_shared>>) target(%dma_start3A_305 : memref<256x16xi32, #tpu.memory_space<vmem>>) target_semaphore(%run_scoped3A_293 : memref<!tpu.dma_semaphore, #tpu.memory_space<semaphore_mem>>)
        %dma_wait3A_310 = arith.constant 0 : i32
        %dma_wait3A_311 = arith.constant 0 : i32
        %dma_wait3A_312 = tpu.memref_slice %arg9[%run_scoped3A_124, %dma_wait3A_310, %dma_wait3A_311] : memref<2x256x16xi32, #tpu.memory_space<vmem>> -> memref<1x256x16xi32, #tpu.memory_space<vmem>>
        %dma_wait3A_313 = tpu.memref_squeeze %dma_wait3A_312 : memref<1x256x16xi32, #tpu.memory_space<vmem>> -> memref<256x16xi32, #tpu.memory_space<vmem>>
        %dma_wait3A_314 = arith.constant 0 : i32
        %dma_wait3A_315 = arith.constant 0 : i32
        %dma_wait3A_316 = tpu.memref_slice %arg13[%run_scoped3A_123, %dma_wait3A_314, %dma_wait3A_315] : memref<26x256x16xi32, #tpu.memory_space<vmem_shared>> -> memref<1x256x16xi32, #tpu.memory_space<vmem_shared>>
        %dma_wait3A_317 = tpu.memref_squeeze %dma_wait3A_316 : memref<1x256x16xi32, #tpu.memory_space<vmem_shared>> -> memref<256x16xi32, #tpu.memory_space<vmem_shared>>
        %dma_wait3A_318 = arith.constant 0 : i32
        %dma_wait3A_319 = arith.constant 0 : i32
        %dma_wait3A_320 = tpu.memref_slice %arg9[%run_scoped3A_124, %dma_wait3A_318, %dma_wait3A_319] : memref<2x256x16xi32, #tpu.memory_space<vmem>> -> memref<1x256x16xi32, #tpu.memory_space<vmem>>
        %dma_wait3A_321 = tpu.memref_squeeze %dma_wait3A_320 : memref<1x256x16xi32, #tpu.memory_space<vmem>> -> memref<256x16xi32, #tpu.memory_space<vmem>>
        %dma_wait3A_322 = arith.constant 0 : i32
        %dma_wait3A_323 = arith.constant 0 : i32
        %dma_wait3A_324 = tpu.memref_slice %arg13[%run_scoped3A_123, %dma_wait3A_322, %dma_wait3A_323] : memref<26x256x16xi32, #tpu.memory_space<vmem_shared>> -> memref<1x256x16xi32, #tpu.memory_space<vmem_shared>>
        %dma_wait3A_325 = tpu.memref_squeeze %dma_wait3A_324 : memref<1x256x16xi32, #tpu.memory_space<vmem_shared>> -> memref<256x16xi32, #tpu.memory_space<vmem_shared>>
        tpu.wait_dma2 semaphore(%run_scoped3A_293 : memref<!tpu.dma_semaphore, #tpu.memory_space<semaphore_mem>>) src(%dma_wait3A_325 : memref<256x16xi32, #tpu.memory_space<vmem_shared>>) dst(%dma_wait3A_321 : memref<256x16xi32, #tpu.memory_space<vmem>>)
        tpu.yield
      }) : () -> ()
      %scan3A_125 = arith.constant 0 : i32
      %scan3A_126 = arith.constant 0 : i32
      %scan3A_127 = arith.constant 256 : i32
      %scan3A_128 = arith.addi %scan3A_126, %scan3A_127 : i32
      %scan3A_129 = arith.constant 1 : i32
      scf.for %scan3A_293 = %scan3A_126 to %scan3A_128 step %scan3A_129  : i32 {
        %get3A_294 = arith.constant 0 : i32
        %get3A_295 = arith.index_cast %get3A_294 : i32 to index
        %get3A_296 = arith.index_cast %scan3A_293 : i32 to index
        %get3A_297 = arith.constant 0 : index
        %get3A_298 = tpu.vector_load %arg9[%get3A_295, %get3A_296, %get3A_297] {strides = array<i32>} : memref<2x256x16xi32, #tpu.memory_space<vmem>>, vector<16xi32>,
        %get3A_299 = arith.constant 0 : i32
        %get3A_300 = arith.index_cast %get3A_299 : i32 to index
        %get3A_301 = arith.index_cast %scan3A_293 : i32 to index
        %get3A_302 = arith.constant 0 : index
        %get3A_303 = tpu.vector_load %arg10[%get3A_300, %get3A_301, %get3A_302] {strides = array<i32>} : memref<2x256x16xf32, #tpu.memory_space<vmem>>, vector<16xf32>,
        %gather3A = tpu.vector_load_idx %arg8[%get3A_298] : memref<100000xf32, #tpu.memory_space<vmem>>[vector<16xi32>], vector<16xf32>,
        %add3A_304 = arith.addf %get3A_303, %gather3A : vector<16xf32>
        %swap3A = arith.constant 0 : i32
        %swap3A_305 = arith.index_cast %swap3A : i32 to index
        %swap3A_306 = arith.index_cast %scan3A_293 : i32 to index
        %swap3A_307 = arith.constant 0 : index
        %swap3A_308 = tpu.vector_load %arg10[%swap3A_305, %swap3A_306, %swap3A_307] {strides = array<i32>} : memref<2x256x16xf32, #tpu.memory_space<vmem>>, vector<16xf32>,
        tpu.vector_store %arg10[%swap3A_305, %swap3A_306, %swap3A_307], %add3A_304 {strides = array<i32>} : memref<2x256x16xf32, #tpu.memory_space<vmem>>, vector<16xf32>,
      }
      %scan3A_130 = arith.constant 256 : i32
      %run_scoped3A_131 = arith.constant 6 : i32
      %run_scoped3A_132 = arith.constant 0 : i32
      "tpu.region"() ({
        %run_scoped3A_293 = tpu.sem_alloc : memref<!tpu.dma_semaphore, #tpu.memory_space<semaphore_mem>>
        %dma_start3A_294 = arith.constant 0 : i32
        %dma_start3A_295 = arith.constant 0 : i32
        %dma_start3A_296 = tpu.memref_slice %arg9[%run_scoped3A_132, %dma_start3A_294, %dma_start3A_295] : memref<2x256x16xi32, #tpu.memory_space<vmem>> -> memref<1x256x16xi32, #tpu.memory_space<vmem>>
        %dma_start3A_297 = tpu.memref_squeeze %dma_start3A_296 : memref<1x256x16xi32, #tpu.memory_space<vmem>> -> memref<256x16xi32, #tpu.memory_space<vmem>>
        %dma_start3A_298 = arith.constant 0 : i32
        %dma_start3A_299 = arith.constant 0 : i32
        %dma_start3A_300 = tpu.memref_slice %arg13[%run_scoped3A_131, %dma_start3A_298, %dma_start3A_299] : memref<26x256x16xi32, #tpu.memory_space<vmem_shared>> -> memref<1x256x16xi32, #tpu.memory_space<vmem_shared>>
        %dma_start3A_301 = tpu.memref_squeeze %dma_start3A_300 : memref<1x256x16xi32, #tpu.memory_space<vmem_shared>> -> memref<256x16xi32, #tpu.memory_space<vmem_shared>>
        %dma_start3A_302 = arith.constant 0 : i32
        %dma_start3A_303 = arith.constant 0 : i32
        %dma_start3A_304 = tpu.memref_slice %arg9[%run_scoped3A_132, %dma_start3A_302, %dma_start3A_303] : memref<2x256x16xi32, #tpu.memory_space<vmem>> -> memref<1x256x16xi32, #tpu.memory_space<vmem>>
        %dma_start3A_305 = tpu.memref_squeeze %dma_start3A_304 : memref<1x256x16xi32, #tpu.memory_space<vmem>> -> memref<256x16xi32, #tpu.memory_space<vmem>>
        %dma_start3A_306 = arith.constant 0 : i32
        %dma_start3A_307 = arith.constant 0 : i32
        %dma_start3A_308 = tpu.memref_slice %arg13[%run_scoped3A_131, %dma_start3A_306, %dma_start3A_307] : memref<26x256x16xi32, #tpu.memory_space<vmem_shared>> -> memref<1x256x16xi32, #tpu.memory_space<vmem_shared>>
        %dma_start3A_309 = tpu.memref_squeeze %dma_start3A_308 : memref<1x256x16xi32, #tpu.memory_space<vmem_shared>> -> memref<256x16xi32, #tpu.memory_space<vmem_shared>>
        tpu.enqueue_dma source(%dma_start3A_309 : memref<256x16xi32, #tpu.memory_space<vmem_shared>>) target(%dma_start3A_305 : memref<256x16xi32, #tpu.memory_space<vmem>>) target_semaphore(%run_scoped3A_293 : memref<!tpu.dma_semaphore, #tpu.memory_space<semaphore_mem>>)
        %dma_wait3A_310 = arith.constant 0 : i32
        %dma_wait3A_311 = arith.constant 0 : i32
        %dma_wait3A_312 = tpu.memref_slice %arg9[%run_scoped3A_132, %dma_wait3A_310, %dma_wait3A_311] : memref<2x256x16xi32, #tpu.memory_space<vmem>> -> memref<1x256x16xi32, #tpu.memory_space<vmem>>
        %dma_wait3A_313 = tpu.memref_squeeze %dma_wait3A_312 : memref<1x256x16xi32, #tpu.memory_space<vmem>> -> memref<256x16xi32, #tpu.memory_space<vmem>>
        %dma_wait3A_314 = arith.constant 0 : i32
        %dma_wait3A_315 = arith.constant 0 : i32
        %dma_wait3A_316 = tpu.memref_slice %arg13[%run_scoped3A_131, %dma_wait3A_314, %dma_wait3A_315] : memref<26x256x16xi32, #tpu.memory_space<vmem_shared>> -> memref<1x256x16xi32, #tpu.memory_space<vmem_shared>>
        %dma_wait3A_317 = tpu.memref_squeeze %dma_wait3A_316 : memref<1x256x16xi32, #tpu.memory_space<vmem_shared>> -> memref<256x16xi32, #tpu.memory_space<vmem_shared>>
        %dma_wait3A_318 = arith.constant 0 : i32
        %dma_wait3A_319 = arith.constant 0 : i32
        %dma_wait3A_320 = tpu.memref_slice %arg9[%run_scoped3A_132, %dma_wait3A_318, %dma_wait3A_319] : memref<2x256x16xi32, #tpu.memory_space<vmem>> -> memref<1x256x16xi32, #tpu.memory_space<vmem>>
        %dma_wait3A_321 = tpu.memref_squeeze %dma_wait3A_320 : memref<1x256x16xi32, #tpu.memory_space<vmem>> -> memref<256x16xi32, #tpu.memory_space<vmem>>
        %dma_wait3A_322 = arith.constant 0 : i32
        %dma_wait3A_323 = arith.constant 0 : i32
        %dma_wait3A_324 = tpu.memref_slice %arg13[%run_scoped3A_131, %dma_wait3A_322, %dma_wait3A_323] : memref<26x256x16xi32, #tpu.memory_space<vmem_shared>> -> memref<1x256x16xi32, #tpu.memory_space<vmem_shared>>
        %dma_wait3A_325 = tpu.memref_squeeze %dma_wait3A_324 : memref<1x256x16xi32, #tpu.memory_space<vmem_shared>> -> memref<256x16xi32, #tpu.memory_space<vmem_shared>>
        tpu.wait_dma2 semaphore(%run_scoped3A_293 : memref<!tpu.dma_semaphore, #tpu.memory_space<semaphore_mem>>) src(%dma_wait3A_325 : memref<256x16xi32, #tpu.memory_space<vmem_shared>>) dst(%dma_wait3A_321 : memref<256x16xi32, #tpu.memory_space<vmem>>)
        tpu.yield
      }) : () -> ()
      %scan3A_133 = arith.constant 0 : i32
      %scan3A_134 = arith.constant 0 : i32
      %scan3A_135 = arith.constant 256 : i32
      %scan3A_136 = arith.addi %scan3A_134, %scan3A_135 : i32
      %scan3A_137 = arith.constant 1 : i32
      scf.for %scan3A_293 = %scan3A_134 to %scan3A_136 step %scan3A_137  : i32 {
        %get3A_294 = arith.constant 0 : i32
        %get3A_295 = arith.index_cast %get3A_294 : i32 to index
        %get3A_296 = arith.index_cast %scan3A_293 : i32 to index
        %get3A_297 = arith.constant 0 : index
        %get3A_298 = tpu.vector_load %arg9[%get3A_295, %get3A_296, %get3A_297] {strides = array<i32>} : memref<2x256x16xi32, #tpu.memory_space<vmem>>, vector<16xi32>,
        %get3A_299 = arith.constant 0 : i32
        %get3A_300 = arith.index_cast %get3A_299 : i32 to index
        %get3A_301 = arith.index_cast %scan3A_293 : i32 to index
        %get3A_302 = arith.constant 0 : index
        %get3A_303 = tpu.vector_load %arg10[%get3A_300, %get3A_301, %get3A_302] {strides = array<i32>} : memref<2x256x16xf32, #tpu.memory_space<vmem>>, vector<16xf32>,
        %gather3A = tpu.vector_load_idx %arg8[%get3A_298] : memref<100000xf32, #tpu.memory_space<vmem>>[vector<16xi32>], vector<16xf32>,
        %add3A_304 = arith.addf %get3A_303, %gather3A : vector<16xf32>
        %swap3A = arith.constant 0 : i32
        %swap3A_305 = arith.index_cast %swap3A : i32 to index
        %swap3A_306 = arith.index_cast %scan3A_293 : i32 to index
        %swap3A_307 = arith.constant 0 : index
        %swap3A_308 = tpu.vector_load %arg10[%swap3A_305, %swap3A_306, %swap3A_307] {strides = array<i32>} : memref<2x256x16xf32, #tpu.memory_space<vmem>>, vector<16xf32>,
        tpu.vector_store %arg10[%swap3A_305, %swap3A_306, %swap3A_307], %add3A_304 {strides = array<i32>} : memref<2x256x16xf32, #tpu.memory_space<vmem>>, vector<16xf32>,
      }
      %scan3A_138 = arith.constant 256 : i32
      %run_scoped3A_139 = arith.constant 7 : i32
      %run_scoped3A_140 = arith.constant 0 : i32
      "tpu.region"() ({
        %run_scoped3A_293 = tpu.sem_alloc : memref<!tpu.dma_semaphore, #tpu.memory_space<semaphore_mem>>
        %dma_start3A_294 = arith.constant 0 : i32
        %dma_start3A_295 = arith.constant 0 : i32
        %dma_start3A_296 = tpu.memref_slice %arg9[%run_scoped3A_140, %dma_start3A_294, %dma_start3A_295] : memref<2x256x16xi32, #tpu.memory_space<vmem>> -> memref<1x256x16xi32, #tpu.memory_space<vmem>>
        %dma_start3A_297 = tpu.memref_squeeze %dma_start3A_296 : memref<1x256x16xi32, #tpu.memory_space<vmem>> -> memref<256x16xi32, #tpu.memory_space<vmem>>
        %dma_start3A_298 = arith.constant 0 : i32
        %dma_start3A_299 = arith.constant 0 : i32
        %dma_start3A_300 = tpu.memref_slice %arg13[%run_scoped3A_139, %dma_start3A_298, %dma_start3A_299] : memref<26x256x16xi32, #tpu.memory_space<vmem_shared>> -> memref<1x256x16xi32, #tpu.memory_space<vmem_shared>>
        %dma_start3A_301 = tpu.memref_squeeze %dma_start3A_300 : memref<1x256x16xi32, #tpu.memory_space<vmem_shared>> -> memref<256x16xi32, #tpu.memory_space<vmem_shared>>
        %dma_start3A_302 = arith.constant 0 : i32
        %dma_start3A_303 = arith.constant 0 : i32
        %dma_start3A_304 = tpu.memref_slice %arg9[%run_scoped3A_140, %dma_start3A_302, %dma_start3A_303] : memref<2x256x16xi32, #tpu.memory_space<vmem>> -> memref<1x256x16xi32, #tpu.memory_space<vmem>>
        %dma_start3A_305 = tpu.memref_squeeze %dma_start3A_304 : memref<1x256x16xi32, #tpu.memory_space<vmem>> -> memref<256x16xi32, #tpu.memory_space<vmem>>
        %dma_start3A_306 = arith.constant 0 : i32
        %dma_start3A_307 = arith.constant 0 : i32
        %dma_start3A_308 = tpu.memref_slice %arg13[%run_scoped3A_139, %dma_start3A_306, %dma_start3A_307] : memref<26x256x16xi32, #tpu.memory_space<vmem_shared>> -> memref<1x256x16xi32, #tpu.memory_space<vmem_shared>>
        %dma_start3A_309 = tpu.memref_squeeze %dma_start3A_308 : memref<1x256x16xi32, #tpu.memory_space<vmem_shared>> -> memref<256x16xi32, #tpu.memory_space<vmem_shared>>
        tpu.enqueue_dma source(%dma_start3A_309 : memref<256x16xi32, #tpu.memory_space<vmem_shared>>) target(%dma_start3A_305 : memref<256x16xi32, #tpu.memory_space<vmem>>) target_semaphore(%run_scoped3A_293 : memref<!tpu.dma_semaphore, #tpu.memory_space<semaphore_mem>>)
        %dma_wait3A_310 = arith.constant 0 : i32
        %dma_wait3A_311 = arith.constant 0 : i32
        %dma_wait3A_312 = tpu.memref_slice %arg9[%run_scoped3A_140, %dma_wait3A_310, %dma_wait3A_311] : memref<2x256x16xi32, #tpu.memory_space<vmem>> -> memref<1x256x16xi32, #tpu.memory_space<vmem>>
        %dma_wait3A_313 = tpu.memref_squeeze %dma_wait3A_312 : memref<1x256x16xi32, #tpu.memory_space<vmem>> -> memref<256x16xi32, #tpu.memory_space<vmem>>
        %dma_wait3A_314 = arith.constant 0 : i32
        %dma_wait3A_315 = arith.constant 0 : i32
        %dma_wait3A_316 = tpu.memref_slice %arg13[%run_scoped3A_139, %dma_wait3A_314, %dma_wait3A_315] : memref<26x256x16xi32, #tpu.memory_space<vmem_shared>> -> memref<1x256x16xi32, #tpu.memory_space<vmem_shared>>
        %dma_wait3A_317 = tpu.memref_squeeze %dma_wait3A_316 : memref<1x256x16xi32, #tpu.memory_space<vmem_shared>> -> memref<256x16xi32, #tpu.memory_space<vmem_shared>>
        %dma_wait3A_318 = arith.constant 0 : i32
        %dma_wait3A_319 = arith.constant 0 : i32
        %dma_wait3A_320 = tpu.memref_slice %arg9[%run_scoped3A_140, %dma_wait3A_318, %dma_wait3A_319] : memref<2x256x16xi32, #tpu.memory_space<vmem>> -> memref<1x256x16xi32, #tpu.memory_space<vmem>>
        %dma_wait3A_321 = tpu.memref_squeeze %dma_wait3A_320 : memref<1x256x16xi32, #tpu.memory_space<vmem>> -> memref<256x16xi32, #tpu.memory_space<vmem>>
        %dma_wait3A_322 = arith.constant 0 : i32
        %dma_wait3A_323 = arith.constant 0 : i32
        %dma_wait3A_324 = tpu.memref_slice %arg13[%run_scoped3A_139, %dma_wait3A_322, %dma_wait3A_323] : memref<26x256x16xi32, #tpu.memory_space<vmem_shared>> -> memref<1x256x16xi32, #tpu.memory_space<vmem_shared>>
        %dma_wait3A_325 = tpu.memref_squeeze %dma_wait3A_324 : memref<1x256x16xi32, #tpu.memory_space<vmem_shared>> -> memref<256x16xi32, #tpu.memory_space<vmem_shared>>
        tpu.wait_dma2 semaphore(%run_scoped3A_293 : memref<!tpu.dma_semaphore, #tpu.memory_space<semaphore_mem>>) src(%dma_wait3A_325 : memref<256x16xi32, #tpu.memory_space<vmem_shared>>) dst(%dma_wait3A_321 : memref<256x16xi32, #tpu.memory_space<vmem>>)
        tpu.yield
      }) : () -> ()
      %scan3A_141 = arith.constant 0 : i32
      %scan3A_142 = arith.constant 0 : i32
      %scan3A_143 = arith.constant 256 : i32
      %scan3A_144 = arith.addi %scan3A_142, %scan3A_143 : i32
      %scan3A_145 = arith.constant 1 : i32
      scf.for %scan3A_293 = %scan3A_142 to %scan3A_144 step %scan3A_145  : i32 {
        %get3A_294 = arith.constant 0 : i32
        %get3A_295 = arith.index_cast %get3A_294 : i32 to index
        %get3A_296 = arith.index_cast %scan3A_293 : i32 to index
        %get3A_297 = arith.constant 0 : index
        %get3A_298 = tpu.vector_load %arg9[%get3A_295, %get3A_296, %get3A_297] {strides = array<i32>} : memref<2x256x16xi32, #tpu.memory_space<vmem>>, vector<16xi32>,
        %get3A_299 = arith.constant 0 : i32
        %get3A_300 = arith.index_cast %get3A_299 : i32 to index
        %get3A_301 = arith.index_cast %scan3A_293 : i32 to index
        %get3A_302 = arith.constant 0 : index
        %get3A_303 = tpu.vector_load %arg10[%get3A_300, %get3A_301, %get3A_302] {strides = array<i32>} : memref<2x256x16xf32, #tpu.memory_space<vmem>>, vector<16xf32>,
        %gather3A = tpu.vector_load_idx %arg8[%get3A_298] : memref<100000xf32, #tpu.memory_space<vmem>>[vector<16xi32>], vector<16xf32>,
        %add3A_304 = arith.addf %get3A_303, %gather3A : vector<16xf32>
        %swap3A = arith.constant 0 : i32
        %swap3A_305 = arith.index_cast %swap3A : i32 to index
        %swap3A_306 = arith.index_cast %scan3A_293 : i32 to index
        %swap3A_307 = arith.constant 0 : index
        %swap3A_308 = tpu.vector_load %arg10[%swap3A_305, %swap3A_306, %swap3A_307] {strides = array<i32>} : memref<2x256x16xf32, #tpu.memory_space<vmem>>, vector<16xf32>,
        tpu.vector_store %arg10[%swap3A_305, %swap3A_306, %swap3A_307], %add3A_304 {strides = array<i32>} : memref<2x256x16xf32, #tpu.memory_space<vmem>>, vector<16xf32>,
      }
      %scan3A_146 = arith.constant 256 : i32
      %run_scoped3A_147 = arith.constant 8 : i32
      %run_scoped3A_148 = arith.constant 0 : i32
      "tpu.region"() ({
        %run_scoped3A_293 = tpu.sem_alloc : memref<!tpu.dma_semaphore, #tpu.memory_space<semaphore_mem>>
        %dma_start3A_294 = arith.constant 0 : i32
        %dma_start3A_295 = arith.constant 0 : i32
        %dma_start3A_296 = tpu.memref_slice %arg9[%run_scoped3A_148, %dma_start3A_294, %dma_start3A_295] : memref<2x256x16xi32, #tpu.memory_space<vmem>> -> memref<1x256x16xi32, #tpu.memory_space<vmem>>
        %dma_start3A_297 = tpu.memref_squeeze %dma_start3A_296 : memref<1x256x16xi32, #tpu.memory_space<vmem>> -> memref<256x16xi32, #tpu.memory_space<vmem>>
        %dma_start3A_298 = arith.constant 0 : i32
        %dma_start3A_299 = arith.constant 0 : i32
        %dma_start3A_300 = tpu.memref_slice %arg13[%run_scoped3A_147, %dma_start3A_298, %dma_start3A_299] : memref<26x256x16xi32, #tpu.memory_space<vmem_shared>> -> memref<1x256x16xi32, #tpu.memory_space<vmem_shared>>
        %dma_start3A_301 = tpu.memref_squeeze %dma_start3A_300 : memref<1x256x16xi32, #tpu.memory_space<vmem_shared>> -> memref<256x16xi32, #tpu.memory_space<vmem_shared>>
        %dma_start3A_302 = arith.constant 0 : i32
        %dma_start3A_303 = arith.constant 0 : i32
        %dma_start3A_304 = tpu.memref_slice %arg9[%run_scoped3A_148, %dma_start3A_302, %dma_start3A_303] : memref<2x256x16xi32, #tpu.memory_space<vmem>> -> memref<1x256x16xi32, #tpu.memory_space<vmem>>
        %dma_start3A_305 = tpu.memref_squeeze %dma_start3A_304 : memref<1x256x16xi32, #tpu.memory_space<vmem>> -> memref<256x16xi32, #tpu.memory_space<vmem>>
        %dma_start3A_306 = arith.constant 0 : i32
        %dma_start3A_307 = arith.constant 0 : i32
        %dma_start3A_308 = tpu.memref_slice %arg13[%run_scoped3A_147, %dma_start3A_306, %dma_start3A_307] : memref<26x256x16xi32, #tpu.memory_space<vmem_shared>> -> memref<1x256x16xi32, #tpu.memory_space<vmem_shared>>
        %dma_start3A_309 = tpu.memref_squeeze %dma_start3A_308 : memref<1x256x16xi32, #tpu.memory_space<vmem_shared>> -> memref<256x16xi32, #tpu.memory_space<vmem_shared>>
        tpu.enqueue_dma source(%dma_start3A_309 : memref<256x16xi32, #tpu.memory_space<vmem_shared>>) target(%dma_start3A_305 : memref<256x16xi32, #tpu.memory_space<vmem>>) target_semaphore(%run_scoped3A_293 : memref<!tpu.dma_semaphore, #tpu.memory_space<semaphore_mem>>)
        %dma_wait3A_310 = arith.constant 0 : i32
        %dma_wait3A_311 = arith.constant 0 : i32
        %dma_wait3A_312 = tpu.memref_slice %arg9[%run_scoped3A_148, %dma_wait3A_310, %dma_wait3A_311] : memref<2x256x16xi32, #tpu.memory_space<vmem>> -> memref<1x256x16xi32, #tpu.memory_space<vmem>>
        %dma_wait3A_313 = tpu.memref_squeeze %dma_wait3A_312 : memref<1x256x16xi32, #tpu.memory_space<vmem>> -> memref<256x16xi32, #tpu.memory_space<vmem>>
        %dma_wait3A_314 = arith.constant 0 : i32
        %dma_wait3A_315 = arith.constant 0 : i32
        %dma_wait3A_316 = tpu.memref_slice %arg13[%run_scoped3A_147, %dma_wait3A_314, %dma_wait3A_315] : memref<26x256x16xi32, #tpu.memory_space<vmem_shared>> -> memref<1x256x16xi32, #tpu.memory_space<vmem_shared>>
        %dma_wait3A_317 = tpu.memref_squeeze %dma_wait3A_316 : memref<1x256x16xi32, #tpu.memory_space<vmem_shared>> -> memref<256x16xi32, #tpu.memory_space<vmem_shared>>
        %dma_wait3A_318 = arith.constant 0 : i32
        %dma_wait3A_319 = arith.constant 0 : i32
        %dma_wait3A_320 = tpu.memref_slice %arg9[%run_scoped3A_148, %dma_wait3A_318, %dma_wait3A_319] : memref<2x256x16xi32, #tpu.memory_space<vmem>> -> memref<1x256x16xi32, #tpu.memory_space<vmem>>
        %dma_wait3A_321 = tpu.memref_squeeze %dma_wait3A_320 : memref<1x256x16xi32, #tpu.memory_space<vmem>> -> memref<256x16xi32, #tpu.memory_space<vmem>>
        %dma_wait3A_322 = arith.constant 0 : i32
        %dma_wait3A_323 = arith.constant 0 : i32
        %dma_wait3A_324 = tpu.memref_slice %arg13[%run_scoped3A_147, %dma_wait3A_322, %dma_wait3A_323] : memref<26x256x16xi32, #tpu.memory_space<vmem_shared>> -> memref<1x256x16xi32, #tpu.memory_space<vmem_shared>>
        %dma_wait3A_325 = tpu.memref_squeeze %dma_wait3A_324 : memref<1x256x16xi32, #tpu.memory_space<vmem_shared>> -> memref<256x16xi32, #tpu.memory_space<vmem_shared>>
        tpu.wait_dma2 semaphore(%run_scoped3A_293 : memref<!tpu.dma_semaphore, #tpu.memory_space<semaphore_mem>>) src(%dma_wait3A_325 : memref<256x16xi32, #tpu.memory_space<vmem_shared>>) dst(%dma_wait3A_321 : memref<256x16xi32, #tpu.memory_space<vmem>>)
        tpu.yield
      }) : () -> ()
      %scan3A_149 = arith.constant 0 : i32
      %scan3A_150 = arith.constant 0 : i32
      %scan3A_151 = arith.constant 256 : i32
      %scan3A_152 = arith.addi %scan3A_150, %scan3A_151 : i32
      %scan3A_153 = arith.constant 1 : i32
      scf.for %scan3A_293 = %scan3A_150 to %scan3A_152 step %scan3A_153  : i32 {
        %get3A_294 = arith.constant 0 : i32
        %get3A_295 = arith.index_cast %get3A_294 : i32 to index
        %get3A_296 = arith.index_cast %scan3A_293 : i32 to index
        %get3A_297 = arith.constant 0 : index
        %get3A_298 = tpu.vector_load %arg9[%get3A_295, %get3A_296, %get3A_297] {strides = array<i32>} : memref<2x256x16xi32, #tpu.memory_space<vmem>>, vector<16xi32>,
        %get3A_299 = arith.constant 0 : i32
        %get3A_300 = arith.index_cast %get3A_299 : i32 to index
        %get3A_301 = arith.index_cast %scan3A_293 : i32 to index
        %get3A_302 = arith.constant 0 : index
        %get3A_303 = tpu.vector_load %arg10[%get3A_300, %get3A_301, %get3A_302] {strides = array<i32>} : memref<2x256x16xf32, #tpu.memory_space<vmem>>, vector<16xf32>,
        %gather3A = tpu.vector_load_idx %arg8[%get3A_298] : memref<100000xf32, #tpu.memory_space<vmem>>[vector<16xi32>], vector<16xf32>,
        %add3A_304 = arith.addf %get3A_303, %gather3A : vector<16xf32>
        %swap3A = arith.constant 0 : i32
        %swap3A_305 = arith.index_cast %swap3A : i32 to index
        %swap3A_306 = arith.index_cast %scan3A_293 : i32 to index
        %swap3A_307 = arith.constant 0 : index
        %swap3A_308 = tpu.vector_load %arg10[%swap3A_305, %swap3A_306, %swap3A_307] {strides = array<i32>} : memref<2x256x16xf32, #tpu.memory_space<vmem>>, vector<16xf32>,
        tpu.vector_store %arg10[%swap3A_305, %swap3A_306, %swap3A_307], %add3A_304 {strides = array<i32>} : memref<2x256x16xf32, #tpu.memory_space<vmem>>, vector<16xf32>,
      }
      %scan3A_154 = arith.constant 256 : i32
      %run_scoped3A_155 = arith.constant 9 : i32
      %run_scoped3A_156 = arith.constant 0 : i32
      "tpu.region"() ({
        %run_scoped3A_293 = tpu.sem_alloc : memref<!tpu.dma_semaphore, #tpu.memory_space<semaphore_mem>>
        %dma_start3A_294 = arith.constant 0 : i32
        %dma_start3A_295 = arith.constant 0 : i32
        %dma_start3A_296 = tpu.memref_slice %arg9[%run_scoped3A_156, %dma_start3A_294, %dma_start3A_295] : memref<2x256x16xi32, #tpu.memory_space<vmem>> -> memref<1x256x16xi32, #tpu.memory_space<vmem>>
        %dma_start3A_297 = tpu.memref_squeeze %dma_start3A_296 : memref<1x256x16xi32, #tpu.memory_space<vmem>> -> memref<256x16xi32, #tpu.memory_space<vmem>>
        %dma_start3A_298 = arith.constant 0 : i32
        %dma_start3A_299 = arith.constant 0 : i32
        %dma_start3A_300 = tpu.memref_slice %arg13[%run_scoped3A_155, %dma_start3A_298, %dma_start3A_299] : memref<26x256x16xi32, #tpu.memory_space<vmem_shared>> -> memref<1x256x16xi32, #tpu.memory_space<vmem_shared>>
        %dma_start3A_301 = tpu.memref_squeeze %dma_start3A_300 : memref<1x256x16xi32, #tpu.memory_space<vmem_shared>> -> memref<256x16xi32, #tpu.memory_space<vmem_shared>>
        %dma_start3A_302 = arith.constant 0 : i32
        %dma_start3A_303 = arith.constant 0 : i32
        %dma_start3A_304 = tpu.memref_slice %arg9[%run_scoped3A_156, %dma_start3A_302, %dma_start3A_303] : memref<2x256x16xi32, #tpu.memory_space<vmem>> -> memref<1x256x16xi32, #tpu.memory_space<vmem>>
        %dma_start3A_305 = tpu.memref_squeeze %dma_start3A_304 : memref<1x256x16xi32, #tpu.memory_space<vmem>> -> memref<256x16xi32, #tpu.memory_space<vmem>>
        %dma_start3A_306 = arith.constant 0 : i32
        %dma_start3A_307 = arith.constant 0 : i32
        %dma_start3A_308 = tpu.memref_slice %arg13[%run_scoped3A_155, %dma_start3A_306, %dma_start3A_307] : memref<26x256x16xi32, #tpu.memory_space<vmem_shared>> -> memref<1x256x16xi32, #tpu.memory_space<vmem_shared>>
        %dma_start3A_309 = tpu.memref_squeeze %dma_start3A_308 : memref<1x256x16xi32, #tpu.memory_space<vmem_shared>> -> memref<256x16xi32, #tpu.memory_space<vmem_shared>>
        tpu.enqueue_dma source(%dma_start3A_309 : memref<256x16xi32, #tpu.memory_space<vmem_shared>>) target(%dma_start3A_305 : memref<256x16xi32, #tpu.memory_space<vmem>>) target_semaphore(%run_scoped3A_293 : memref<!tpu.dma_semaphore, #tpu.memory_space<semaphore_mem>>)
        %dma_wait3A_310 = arith.constant 0 : i32
        %dma_wait3A_311 = arith.constant 0 : i32
        %dma_wait3A_312 = tpu.memref_slice %arg9[%run_scoped3A_156, %dma_wait3A_310, %dma_wait3A_311] : memref<2x256x16xi32, #tpu.memory_space<vmem>> -> memref<1x256x16xi32, #tpu.memory_space<vmem>>
        %dma_wait3A_313 = tpu.memref_squeeze %dma_wait3A_312 : memref<1x256x16xi32, #tpu.memory_space<vmem>> -> memref<256x16xi32, #tpu.memory_space<vmem>>
        %dma_wait3A_314 = arith.constant 0 : i32
        %dma_wait3A_315 = arith.constant 0 : i32
        %dma_wait3A_316 = tpu.memref_slice %arg13[%run_scoped3A_155, %dma_wait3A_314, %dma_wait3A_315] : memref<26x256x16xi32, #tpu.memory_space<vmem_shared>> -> memref<1x256x16xi32, #tpu.memory_space<vmem_shared>>
        %dma_wait3A_317 = tpu.memref_squeeze %dma_wait3A_316 : memref<1x256x16xi32, #tpu.memory_space<vmem_shared>> -> memref<256x16xi32, #tpu.memory_space<vmem_shared>>
        %dma_wait3A_318 = arith.constant 0 : i32
        %dma_wait3A_319 = arith.constant 0 : i32
        %dma_wait3A_320 = tpu.memref_slice %arg9[%run_scoped3A_156, %dma_wait3A_318, %dma_wait3A_319] : memref<2x256x16xi32, #tpu.memory_space<vmem>> -> memref<1x256x16xi32, #tpu.memory_space<vmem>>
        %dma_wait3A_321 = tpu.memref_squeeze %dma_wait3A_320 : memref<1x256x16xi32, #tpu.memory_space<vmem>> -> memref<256x16xi32, #tpu.memory_space<vmem>>
        %dma_wait3A_322 = arith.constant 0 : i32
        %dma_wait3A_323 = arith.constant 0 : i32
        %dma_wait3A_324 = tpu.memref_slice %arg13[%run_scoped3A_155, %dma_wait3A_322, %dma_wait3A_323] : memref<26x256x16xi32, #tpu.memory_space<vmem_shared>> -> memref<1x256x16xi32, #tpu.memory_space<vmem_shared>>
        %dma_wait3A_325 = tpu.memref_squeeze %dma_wait3A_324 : memref<1x256x16xi32, #tpu.memory_space<vmem_shared>> -> memref<256x16xi32, #tpu.memory_space<vmem_shared>>
        tpu.wait_dma2 semaphore(%run_scoped3A_293 : memref<!tpu.dma_semaphore, #tpu.memory_space<semaphore_mem>>) src(%dma_wait3A_325 : memref<256x16xi32, #tpu.memory_space<vmem_shared>>) dst(%dma_wait3A_321 : memref<256x16xi32, #tpu.memory_space<vmem>>)
        tpu.yield
      }) : () -> ()
      %scan3A_157 = arith.constant 0 : i32
      %scan3A_158 = arith.constant 0 : i32
      %scan3A_159 = arith.constant 256 : i32
      %scan3A_160 = arith.addi %scan3A_158, %scan3A_159 : i32
      %scan3A_161 = arith.constant 1 : i32
      scf.for %scan3A_293 = %scan3A_158 to %scan3A_160 step %scan3A_161  : i32 {
        %get3A_294 = arith.constant 0 : i32
        %get3A_295 = arith.index_cast %get3A_294 : i32 to index
        %get3A_296 = arith.index_cast %scan3A_293 : i32 to index
        %get3A_297 = arith.constant 0 : index
        %get3A_298 = tpu.vector_load %arg9[%get3A_295, %get3A_296, %get3A_297] {strides = array<i32>} : memref<2x256x16xi32, #tpu.memory_space<vmem>>, vector<16xi32>,
        %get3A_299 = arith.constant 0 : i32
        %get3A_300 = arith.index_cast %get3A_299 : i32 to index
        %get3A_301 = arith.index_cast %scan3A_293 : i32 to index
        %get3A_302 = arith.constant 0 : index
        %get3A_303 = tpu.vector_load %arg10[%get3A_300, %get3A_301, %get3A_302] {strides = array<i32>} : memref<2x256x16xf32, #tpu.memory_space<vmem>>, vector<16xf32>,
        %gather3A = tpu.vector_load_idx %arg8[%get3A_298] : memref<100000xf32, #tpu.memory_space<vmem>>[vector<16xi32>], vector<16xf32>,
        %add3A_304 = arith.addf %get3A_303, %gather3A : vector<16xf32>
        %swap3A = arith.constant 0 : i32
        %swap3A_305 = arith.index_cast %swap3A : i32 to index
        %swap3A_306 = arith.index_cast %scan3A_293 : i32 to index
        %swap3A_307 = arith.constant 0 : index
        %swap3A_308 = tpu.vector_load %arg10[%swap3A_305, %swap3A_306, %swap3A_307] {strides = array<i32>} : memref<2x256x16xf32, #tpu.memory_space<vmem>>, vector<16xf32>,
        tpu.vector_store %arg10[%swap3A_305, %swap3A_306, %swap3A_307], %add3A_304 {strides = array<i32>} : memref<2x256x16xf32, #tpu.memory_space<vmem>>, vector<16xf32>,
      }
      %scan3A_162 = arith.constant 256 : i32
      %run_scoped3A_163 = arith.constant 10 : i32
      %run_scoped3A_164 = arith.constant 0 : i32
      "tpu.region"() ({
        %run_scoped3A_293 = tpu.sem_alloc : memref<!tpu.dma_semaphore, #tpu.memory_space<semaphore_mem>>
        %dma_start3A_294 = arith.constant 0 : i32
        %dma_start3A_295 = arith.constant 0 : i32
        %dma_start3A_296 = tpu.memref_slice %arg9[%run_scoped3A_164, %dma_start3A_294, %dma_start3A_295] : memref<2x256x16xi32, #tpu.memory_space<vmem>> -> memref<1x256x16xi32, #tpu.memory_space<vmem>>
        %dma_start3A_297 = tpu.memref_squeeze %dma_start3A_296 : memref<1x256x16xi32, #tpu.memory_space<vmem>> -> memref<256x16xi32, #tpu.memory_space<vmem>>
        %dma_start3A_298 = arith.constant 0 : i32
        %dma_start3A_299 = arith.constant 0 : i32
        %dma_start3A_300 = tpu.memref_slice %arg13[%run_scoped3A_163, %dma_start3A_298, %dma_start3A_299] : memref<26x256x16xi32, #tpu.memory_space<vmem_shared>> -> memref<1x256x16xi32, #tpu.memory_space<vmem_shared>>
        %dma_start3A_301 = tpu.memref_squeeze %dma_start3A_300 : memref<1x256x16xi32, #tpu.memory_space<vmem_shared>> -> memref<256x16xi32, #tpu.memory_space<vmem_shared>>
        %dma_start3A_302 = arith.constant 0 : i32
        %dma_start3A_303 = arith.constant 0 : i32
        %dma_start3A_304 = tpu.memref_slice %arg9[%run_scoped3A_164, %dma_start3A_302, %dma_start3A_303] : memref<2x256x16xi32, #tpu.memory_space<vmem>> -> memref<1x256x16xi32, #tpu.memory_space<vmem>>
        %dma_start3A_305 = tpu.memref_squeeze %dma_start3A_304 : memref<1x256x16xi32, #tpu.memory_space<vmem>> -> memref<256x16xi32, #tpu.memory_space<vmem>>
        %dma_start3A_306 = arith.constant 0 : i32
        %dma_start3A_307 = arith.constant 0 : i32
        %dma_start3A_308 = tpu.memref_slice %arg13[%run_scoped3A_163, %dma_start3A_306, %dma_start3A_307] : memref<26x256x16xi32, #tpu.memory_space<vmem_shared>> -> memref<1x256x16xi32, #tpu.memory_space<vmem_shared>>
        %dma_start3A_309 = tpu.memref_squeeze %dma_start3A_308 : memref<1x256x16xi32, #tpu.memory_space<vmem_shared>> -> memref<256x16xi32, #tpu.memory_space<vmem_shared>>
        tpu.enqueue_dma source(%dma_start3A_309 : memref<256x16xi32, #tpu.memory_space<vmem_shared>>) target(%dma_start3A_305 : memref<256x16xi32, #tpu.memory_space<vmem>>) target_semaphore(%run_scoped3A_293 : memref<!tpu.dma_semaphore, #tpu.memory_space<semaphore_mem>>)
        %dma_wait3A_310 = arith.constant 0 : i32
        %dma_wait3A_311 = arith.constant 0 : i32
        %dma_wait3A_312 = tpu.memref_slice %arg9[%run_scoped3A_164, %dma_wait3A_310, %dma_wait3A_311] : memref<2x256x16xi32, #tpu.memory_space<vmem>> -> memref<1x256x16xi32, #tpu.memory_space<vmem>>
        %dma_wait3A_313 = tpu.memref_squeeze %dma_wait3A_312 : memref<1x256x16xi32, #tpu.memory_space<vmem>> -> memref<256x16xi32, #tpu.memory_space<vmem>>
        %dma_wait3A_314 = arith.constant 0 : i32
        %dma_wait3A_315 = arith.constant 0 : i32
        %dma_wait3A_316 = tpu.memref_slice %arg13[%run_scoped3A_163, %dma_wait3A_314, %dma_wait3A_315] : memref<26x256x16xi32, #tpu.memory_space<vmem_shared>> -> memref<1x256x16xi32, #tpu.memory_space<vmem_shared>>
        %dma_wait3A_317 = tpu.memref_squeeze %dma_wait3A_316 : memref<1x256x16xi32, #tpu.memory_space<vmem_shared>> -> memref<256x16xi32, #tpu.memory_space<vmem_shared>>
        %dma_wait3A_318 = arith.constant 0 : i32
        %dma_wait3A_319 = arith.constant 0 : i32
        %dma_wait3A_320 = tpu.memref_slice %arg9[%run_scoped3A_164, %dma_wait3A_318, %dma_wait3A_319] : memref<2x256x16xi32, #tpu.memory_space<vmem>> -> memref<1x256x16xi32, #tpu.memory_space<vmem>>
        %dma_wait3A_321 = tpu.memref_squeeze %dma_wait3A_320 : memref<1x256x16xi32, #tpu.memory_space<vmem>> -> memref<256x16xi32, #tpu.memory_space<vmem>>
        %dma_wait3A_322 = arith.constant 0 : i32
        %dma_wait3A_323 = arith.constant 0 : i32
        %dma_wait3A_324 = tpu.memref_slice %arg13[%run_scoped3A_163, %dma_wait3A_322, %dma_wait3A_323] : memref<26x256x16xi32, #tpu.memory_space<vmem_shared>> -> memref<1x256x16xi32, #tpu.memory_space<vmem_shared>>
        %dma_wait3A_325 = tpu.memref_squeeze %dma_wait3A_324 : memref<1x256x16xi32, #tpu.memory_space<vmem_shared>> -> memref<256x16xi32, #tpu.memory_space<vmem_shared>>
        tpu.wait_dma2 semaphore(%run_scoped3A_293 : memref<!tpu.dma_semaphore, #tpu.memory_space<semaphore_mem>>) src(%dma_wait3A_325 : memref<256x16xi32, #tpu.memory_space<vmem_shared>>) dst(%dma_wait3A_321 : memref<256x16xi32, #tpu.memory_space<vmem>>)
        tpu.yield
      }) : () -> ()
      %scan3A_165 = arith.constant 0 : i32
      %scan3A_166 = arith.constant 0 : i32
      %scan3A_167 = arith.constant 256 : i32
      %scan3A_168 = arith.addi %scan3A_166, %scan3A_167 : i32
      %scan3A_169 = arith.constant 1 : i32
      scf.for %scan3A_293 = %scan3A_166 to %scan3A_168 step %scan3A_169  : i32 {
        %get3A_294 = arith.constant 0 : i32
        %get3A_295 = arith.index_cast %get3A_294 : i32 to index
        %get3A_296 = arith.index_cast %scan3A_293 : i32 to index
        %get3A_297 = arith.constant 0 : index
        %get3A_298 = tpu.vector_load %arg9[%get3A_295, %get3A_296, %get3A_297] {strides = array<i32>} : memref<2x256x16xi32, #tpu.memory_space<vmem>>, vector<16xi32>,
        %get3A_299 = arith.constant 0 : i32
        %get3A_300 = arith.index_cast %get3A_299 : i32 to index
        %get3A_301 = arith.index_cast %scan3A_293 : i32 to index
        %get3A_302 = arith.constant 0 : index
        %get3A_303 = tpu.vector_load %arg10[%get3A_300, %get3A_301, %get3A_302] {strides = array<i32>} : memref<2x256x16xf32, #tpu.memory_space<vmem>>, vector<16xf32>,
        %gather3A = tpu.vector_load_idx %arg8[%get3A_298] : memref<100000xf32, #tpu.memory_space<vmem>>[vector<16xi32>], vector<16xf32>,
        %add3A_304 = arith.addf %get3A_303, %gather3A : vector<16xf32>
        %swap3A = arith.constant 0 : i32
        %swap3A_305 = arith.index_cast %swap3A : i32 to index
        %swap3A_306 = arith.index_cast %scan3A_293 : i32 to index
        %swap3A_307 = arith.constant 0 : index
        %swap3A_308 = tpu.vector_load %arg10[%swap3A_305, %swap3A_306, %swap3A_307] {strides = array<i32>} : memref<2x256x16xf32, #tpu.memory_space<vmem>>, vector<16xf32>,
        tpu.vector_store %arg10[%swap3A_305, %swap3A_306, %swap3A_307], %add3A_304 {strides = array<i32>} : memref<2x256x16xf32, #tpu.memory_space<vmem>>, vector<16xf32>,
      }
      %scan3A_170 = arith.constant 256 : i32
      %run_scoped3A_171 = arith.constant 11 : i32
      %run_scoped3A_172 = arith.constant 0 : i32
      "tpu.region"() ({
        %run_scoped3A_293 = tpu.sem_alloc : memref<!tpu.dma_semaphore, #tpu.memory_space<semaphore_mem>>
        %dma_start3A_294 = arith.constant 0 : i32
        %dma_start3A_295 = arith.constant 0 : i32
        %dma_start3A_296 = tpu.memref_slice %arg9[%run_scoped3A_172, %dma_start3A_294, %dma_start3A_295] : memref<2x256x16xi32, #tpu.memory_space<vmem>> -> memref<1x256x16xi32, #tpu.memory_space<vmem>>
        %dma_start3A_297 = tpu.memref_squeeze %dma_start3A_296 : memref<1x256x16xi32, #tpu.memory_space<vmem>> -> memref<256x16xi32, #tpu.memory_space<vmem>>
        %dma_start3A_298 = arith.constant 0 : i32
        %dma_start3A_299 = arith.constant 0 : i32
        %dma_start3A_300 = tpu.memref_slice %arg13[%run_scoped3A_171, %dma_start3A_298, %dma_start3A_299] : memref<26x256x16xi32, #tpu.memory_space<vmem_shared>> -> memref<1x256x16xi32, #tpu.memory_space<vmem_shared>>
        %dma_start3A_301 = tpu.memref_squeeze %dma_start3A_300 : memref<1x256x16xi32, #tpu.memory_space<vmem_shared>> -> memref<256x16xi32, #tpu.memory_space<vmem_shared>>
        %dma_start3A_302 = arith.constant 0 : i32
        %dma_start3A_303 = arith.constant 0 : i32
        %dma_start3A_304 = tpu.memref_slice %arg9[%run_scoped3A_172, %dma_start3A_302, %dma_start3A_303] : memref<2x256x16xi32, #tpu.memory_space<vmem>> -> memref<1x256x16xi32, #tpu.memory_space<vmem>>
        %dma_start3A_305 = tpu.memref_squeeze %dma_start3A_304 : memref<1x256x16xi32, #tpu.memory_space<vmem>> -> memref<256x16xi32, #tpu.memory_space<vmem>>
        %dma_start3A_306 = arith.constant 0 : i32
        %dma_start3A_307 = arith.constant 0 : i32
        %dma_start3A_308 = tpu.memref_slice %arg13[%run_scoped3A_171, %dma_start3A_306, %dma_start3A_307] : memref<26x256x16xi32, #tpu.memory_space<vmem_shared>> -> memref<1x256x16xi32, #tpu.memory_space<vmem_shared>>
        %dma_start3A_309 = tpu.memref_squeeze %dma_start3A_308 : memref<1x256x16xi32, #tpu.memory_space<vmem_shared>> -> memref<256x16xi32, #tpu.memory_space<vmem_shared>>
        tpu.enqueue_dma source(%dma_start3A_309 : memref<256x16xi32, #tpu.memory_space<vmem_shared>>) target(%dma_start3A_305 : memref<256x16xi32, #tpu.memory_space<vmem>>) target_semaphore(%run_scoped3A_293 : memref<!tpu.dma_semaphore, #tpu.memory_space<semaphore_mem>>)
        %dma_wait3A_310 = arith.constant 0 : i32
        %dma_wait3A_311 = arith.constant 0 : i32
        %dma_wait3A_312 = tpu.memref_slice %arg9[%run_scoped3A_172, %dma_wait3A_310, %dma_wait3A_311] : memref<2x256x16xi32, #tpu.memory_space<vmem>> -> memref<1x256x16xi32, #tpu.memory_space<vmem>>
        %dma_wait3A_313 = tpu.memref_squeeze %dma_wait3A_312 : memref<1x256x16xi32, #tpu.memory_space<vmem>> -> memref<256x16xi32, #tpu.memory_space<vmem>>
        %dma_wait3A_314 = arith.constant 0 : i32
        %dma_wait3A_315 = arith.constant 0 : i32
        %dma_wait3A_316 = tpu.memref_slice %arg13[%run_scoped3A_171, %dma_wait3A_314, %dma_wait3A_315] : memref<26x256x16xi32, #tpu.memory_space<vmem_shared>> -> memref<1x256x16xi32, #tpu.memory_space<vmem_shared>>
        %dma_wait3A_317 = tpu.memref_squeeze %dma_wait3A_316 : memref<1x256x16xi32, #tpu.memory_space<vmem_shared>> -> memref<256x16xi32, #tpu.memory_space<vmem_shared>>
        %dma_wait3A_318 = arith.constant 0 : i32
        %dma_wait3A_319 = arith.constant 0 : i32
        %dma_wait3A_320 = tpu.memref_slice %arg9[%run_scoped3A_172, %dma_wait3A_318, %dma_wait3A_319] : memref<2x256x16xi32, #tpu.memory_space<vmem>> -> memref<1x256x16xi32, #tpu.memory_space<vmem>>
        %dma_wait3A_321 = tpu.memref_squeeze %dma_wait3A_320 : memref<1x256x16xi32, #tpu.memory_space<vmem>> -> memref<256x16xi32, #tpu.memory_space<vmem>>
        %dma_wait3A_322 = arith.constant 0 : i32
        %dma_wait3A_323 = arith.constant 0 : i32
        %dma_wait3A_324 = tpu.memref_slice %arg13[%run_scoped3A_171, %dma_wait3A_322, %dma_wait3A_323] : memref<26x256x16xi32, #tpu.memory_space<vmem_shared>> -> memref<1x256x16xi32, #tpu.memory_space<vmem_shared>>
        %dma_wait3A_325 = tpu.memref_squeeze %dma_wait3A_324 : memref<1x256x16xi32, #tpu.memory_space<vmem_shared>> -> memref<256x16xi32, #tpu.memory_space<vmem_shared>>
        tpu.wait_dma2 semaphore(%run_scoped3A_293 : memref<!tpu.dma_semaphore, #tpu.memory_space<semaphore_mem>>) src(%dma_wait3A_325 : memref<256x16xi32, #tpu.memory_space<vmem_shared>>) dst(%dma_wait3A_321 : memref<256x16xi32, #tpu.memory_space<vmem>>)
        tpu.yield
      }) : () -> ()
      %scan3A_173 = arith.constant 0 : i32
      %scan3A_174 = arith.constant 0 : i32
      %scan3A_175 = arith.constant 256 : i32
      %scan3A_176 = arith.addi %scan3A_174, %scan3A_175 : i32
      %scan3A_177 = arith.constant 1 : i32
      scf.for %scan3A_293 = %scan3A_174 to %scan3A_176 step %scan3A_177  : i32 {
        %get3A_294 = arith.constant 0 : i32
        %get3A_295 = arith.index_cast %get3A_294 : i32 to index
        %get3A_296 = arith.index_cast %scan3A_293 : i32 to index
        %get3A_297 = arith.constant 0 : index
        %get3A_298 = tpu.vector_load %arg9[%get3A_295, %get3A_296, %get3A_297] {strides = array<i32>} : memref<2x256x16xi32, #tpu.memory_space<vmem>>, vector<16xi32>,
        %get3A_299 = arith.constant 0 : i32
        %get3A_300 = arith.index_cast %get3A_299 : i32 to index
        %get3A_301 = arith.index_cast %scan3A_293 : i32 to index
        %get3A_302 = arith.constant 0 : index
        %get3A_303 = tpu.vector_load %arg10[%get3A_300, %get3A_301, %get3A_302] {strides = array<i32>} : memref<2x256x16xf32, #tpu.memory_space<vmem>>, vector<16xf32>,
        %gather3A = tpu.vector_load_idx %arg8[%get3A_298] : memref<100000xf32, #tpu.memory_space<vmem>>[vector<16xi32>], vector<16xf32>,
        %add3A_304 = arith.addf %get3A_303, %gather3A : vector<16xf32>
        %swap3A = arith.constant 0 : i32
        %swap3A_305 = arith.index_cast %swap3A : i32 to index
        %swap3A_306 = arith.index_cast %scan3A_293 : i32 to index
        %swap3A_307 = arith.constant 0 : index
        %swap3A_308 = tpu.vector_load %arg10[%swap3A_305, %swap3A_306, %swap3A_307] {strides = array<i32>} : memref<2x256x16xf32, #tpu.memory_space<vmem>>, vector<16xf32>,
        tpu.vector_store %arg10[%swap3A_305, %swap3A_306, %swap3A_307], %add3A_304 {strides = array<i32>} : memref<2x256x16xf32, #tpu.memory_space<vmem>>, vector<16xf32>,
      }
      %scan3A_178 = arith.constant 256 : i32
      %run_scoped3A_179 = arith.constant 12 : i32
      %run_scoped3A_180 = arith.constant 0 : i32
      "tpu.region"() ({
        %run_scoped3A_293 = tpu.sem_alloc : memref<!tpu.dma_semaphore, #tpu.memory_space<semaphore_mem>>
        %dma_start3A_294 = arith.constant 0 : i32
        %dma_start3A_295 = arith.constant 0 : i32
        %dma_start3A_296 = tpu.memref_slice %arg9[%run_scoped3A_180, %dma_start3A_294, %dma_start3A_295] : memref<2x256x16xi32, #tpu.memory_space<vmem>> -> memref<1x256x16xi32, #tpu.memory_space<vmem>>
        %dma_start3A_297 = tpu.memref_squeeze %dma_start3A_296 : memref<1x256x16xi32, #tpu.memory_space<vmem>> -> memref<256x16xi32, #tpu.memory_space<vmem>>
        %dma_start3A_298 = arith.constant 0 : i32
        %dma_start3A_299 = arith.constant 0 : i32
        %dma_start3A_300 = tpu.memref_slice %arg13[%run_scoped3A_179, %dma_start3A_298, %dma_start3A_299] : memref<26x256x16xi32, #tpu.memory_space<vmem_shared>> -> memref<1x256x16xi32, #tpu.memory_space<vmem_shared>>
        %dma_start3A_301 = tpu.memref_squeeze %dma_start3A_300 : memref<1x256x16xi32, #tpu.memory_space<vmem_shared>> -> memref<256x16xi32, #tpu.memory_space<vmem_shared>>
        %dma_start3A_302 = arith.constant 0 : i32
        %dma_start3A_303 = arith.constant 0 : i32
        %dma_start3A_304 = tpu.memref_slice %arg9[%run_scoped3A_180, %dma_start3A_302, %dma_start3A_303] : memref<2x256x16xi32, #tpu.memory_space<vmem>> -> memref<1x256x16xi32, #tpu.memory_space<vmem>>
        %dma_start3A_305 = tpu.memref_squeeze %dma_start3A_304 : memref<1x256x16xi32, #tpu.memory_space<vmem>> -> memref<256x16xi32, #tpu.memory_space<vmem>>
        %dma_start3A_306 = arith.constant 0 : i32
        %dma_start3A_307 = arith.constant 0 : i32
        %dma_start3A_308 = tpu.memref_slice %arg13[%run_scoped3A_179, %dma_start3A_306, %dma_start3A_307] : memref<26x256x16xi32, #tpu.memory_space<vmem_shared>> -> memref<1x256x16xi32, #tpu.memory_space<vmem_shared>>
        %dma_start3A_309 = tpu.memref_squeeze %dma_start3A_308 : memref<1x256x16xi32, #tpu.memory_space<vmem_shared>> -> memref<256x16xi32, #tpu.memory_space<vmem_shared>>
        tpu.enqueue_dma source(%dma_start3A_309 : memref<256x16xi32, #tpu.memory_space<vmem_shared>>) target(%dma_start3A_305 : memref<256x16xi32, #tpu.memory_space<vmem>>) target_semaphore(%run_scoped3A_293 : memref<!tpu.dma_semaphore, #tpu.memory_space<semaphore_mem>>)
        %dma_wait3A_310 = arith.constant 0 : i32
        %dma_wait3A_311 = arith.constant 0 : i32
        %dma_wait3A_312 = tpu.memref_slice %arg9[%run_scoped3A_180, %dma_wait3A_310, %dma_wait3A_311] : memref<2x256x16xi32, #tpu.memory_space<vmem>> -> memref<1x256x16xi32, #tpu.memory_space<vmem>>
        %dma_wait3A_313 = tpu.memref_squeeze %dma_wait3A_312 : memref<1x256x16xi32, #tpu.memory_space<vmem>> -> memref<256x16xi32, #tpu.memory_space<vmem>>
        %dma_wait3A_314 = arith.constant 0 : i32
        %dma_wait3A_315 = arith.constant 0 : i32
        %dma_wait3A_316 = tpu.memref_slice %arg13[%run_scoped3A_179, %dma_wait3A_314, %dma_wait3A_315] : memref<26x256x16xi32, #tpu.memory_space<vmem_shared>> -> memref<1x256x16xi32, #tpu.memory_space<vmem_shared>>
        %dma_wait3A_317 = tpu.memref_squeeze %dma_wait3A_316 : memref<1x256x16xi32, #tpu.memory_space<vmem_shared>> -> memref<256x16xi32, #tpu.memory_space<vmem_shared>>
        %dma_wait3A_318 = arith.constant 0 : i32
        %dma_wait3A_319 = arith.constant 0 : i32
        %dma_wait3A_320 = tpu.memref_slice %arg9[%run_scoped3A_180, %dma_wait3A_318, %dma_wait3A_319] : memref<2x256x16xi32, #tpu.memory_space<vmem>> -> memref<1x256x16xi32, #tpu.memory_space<vmem>>
        %dma_wait3A_321 = tpu.memref_squeeze %dma_wait3A_320 : memref<1x256x16xi32, #tpu.memory_space<vmem>> -> memref<256x16xi32, #tpu.memory_space<vmem>>
        %dma_wait3A_322 = arith.constant 0 : i32
        %dma_wait3A_323 = arith.constant 0 : i32
        %dma_wait3A_324 = tpu.memref_slice %arg13[%run_scoped3A_179, %dma_wait3A_322, %dma_wait3A_323] : memref<26x256x16xi32, #tpu.memory_space<vmem_shared>> -> memref<1x256x16xi32, #tpu.memory_space<vmem_shared>>
        %dma_wait3A_325 = tpu.memref_squeeze %dma_wait3A_324 : memref<1x256x16xi32, #tpu.memory_space<vmem_shared>> -> memref<256x16xi32, #tpu.memory_space<vmem_shared>>
        tpu.wait_dma2 semaphore(%run_scoped3A_293 : memref<!tpu.dma_semaphore, #tpu.memory_space<semaphore_mem>>) src(%dma_wait3A_325 : memref<256x16xi32, #tpu.memory_space<vmem_shared>>) dst(%dma_wait3A_321 : memref<256x16xi32, #tpu.memory_space<vmem>>)
        tpu.yield
      }) : () -> ()
      %scan3A_181 = arith.constant 0 : i32
      %scan3A_182 = arith.constant 0 : i32
      %scan3A_183 = arith.constant 256 : i32
      %scan3A_184 = arith.addi %scan3A_182, %scan3A_183 : i32
      %scan3A_185 = arith.constant 1 : i32
      scf.for %scan3A_293 = %scan3A_182 to %scan3A_184 step %scan3A_185  : i32 {
        %get3A_294 = arith.constant 0 : i32
        %get3A_295 = arith.index_cast %get3A_294 : i32 to index
        %get3A_296 = arith.index_cast %scan3A_293 : i32 to index
        %get3A_297 = arith.constant 0 : index
        %get3A_298 = tpu.vector_load %arg9[%get3A_295, %get3A_296, %get3A_297] {strides = array<i32>} : memref<2x256x16xi32, #tpu.memory_space<vmem>>, vector<16xi32>,
        %get3A_299 = arith.constant 0 : i32
        %get3A_300 = arith.index_cast %get3A_299 : i32 to index
        %get3A_301 = arith.index_cast %scan3A_293 : i32 to index
        %get3A_302 = arith.constant 0 : index
        %get3A_303 = tpu.vector_load %arg10[%get3A_300, %get3A_301, %get3A_302] {strides = array<i32>} : memref<2x256x16xf32, #tpu.memory_space<vmem>>, vector<16xf32>,
        %gather3A = tpu.vector_load_idx %arg8[%get3A_298] : memref<100000xf32, #tpu.memory_space<vmem>>[vector<16xi32>], vector<16xf32>,
        %add3A_304 = arith.addf %get3A_303, %gather3A : vector<16xf32>
        %swap3A = arith.constant 0 : i32
        %swap3A_305 = arith.index_cast %swap3A : i32 to index
        %swap3A_306 = arith.index_cast %scan3A_293 : i32 to index
        %swap3A_307 = arith.constant 0 : index
        %swap3A_308 = tpu.vector_load %arg10[%swap3A_305, %swap3A_306, %swap3A_307] {strides = array<i32>} : memref<2x256x16xf32, #tpu.memory_space<vmem>>, vector<16xf32>,
        tpu.vector_store %arg10[%swap3A_305, %swap3A_306, %swap3A_307], %add3A_304 {strides = array<i32>} : memref<2x256x16xf32, #tpu.memory_space<vmem>>, vector<16xf32>,
      }
      %scan3A_186 = arith.constant 256 : i32
      %run_scoped3A_187 = arith.constant 13 : i32
      %run_scoped3A_188 = arith.constant 0 : i32
      "tpu.region"() ({
        %run_scoped3A_293 = tpu.sem_alloc : memref<!tpu.dma_semaphore, #tpu.memory_space<semaphore_mem>>
        %dma_start3A_294 = arith.constant 0 : i32
        %dma_start3A_295 = arith.constant 0 : i32
        %dma_start3A_296 = tpu.memref_slice %arg9[%run_scoped3A_188, %dma_start3A_294, %dma_start3A_295] : memref<2x256x16xi32, #tpu.memory_space<vmem>> -> memref<1x256x16xi32, #tpu.memory_space<vmem>>
        %dma_start3A_297 = tpu.memref_squeeze %dma_start3A_296 : memref<1x256x16xi32, #tpu.memory_space<vmem>> -> memref<256x16xi32, #tpu.memory_space<vmem>>
        %dma_start3A_298 = arith.constant 0 : i32
        %dma_start3A_299 = arith.constant 0 : i32
        %dma_start3A_300 = tpu.memref_slice %arg13[%run_scoped3A_187, %dma_start3A_298, %dma_start3A_299] : memref<26x256x16xi32, #tpu.memory_space<vmem_shared>> -> memref<1x256x16xi32, #tpu.memory_space<vmem_shared>>
        %dma_start3A_301 = tpu.memref_squeeze %dma_start3A_300 : memref<1x256x16xi32, #tpu.memory_space<vmem_shared>> -> memref<256x16xi32, #tpu.memory_space<vmem_shared>>
        %dma_start3A_302 = arith.constant 0 : i32
        %dma_start3A_303 = arith.constant 0 : i32
        %dma_start3A_304 = tpu.memref_slice %arg9[%run_scoped3A_188, %dma_start3A_302, %dma_start3A_303] : memref<2x256x16xi32, #tpu.memory_space<vmem>> -> memref<1x256x16xi32, #tpu.memory_space<vmem>>
        %dma_start3A_305 = tpu.memref_squeeze %dma_start3A_304 : memref<1x256x16xi32, #tpu.memory_space<vmem>> -> memref<256x16xi32, #tpu.memory_space<vmem>>
        %dma_start3A_306 = arith.constant 0 : i32
        %dma_start3A_307 = arith.constant 0 : i32
        %dma_start3A_308 = tpu.memref_slice %arg13[%run_scoped3A_187, %dma_start3A_306, %dma_start3A_307] : memref<26x256x16xi32, #tpu.memory_space<vmem_shared>> -> memref<1x256x16xi32, #tpu.memory_space<vmem_shared>>
        %dma_start3A_309 = tpu.memref_squeeze %dma_start3A_308 : memref<1x256x16xi32, #tpu.memory_space<vmem_shared>> -> memref<256x16xi32, #tpu.memory_space<vmem_shared>>
        tpu.enqueue_dma source(%dma_start3A_309 : memref<256x16xi32, #tpu.memory_space<vmem_shared>>) target(%dma_start3A_305 : memref<256x16xi32, #tpu.memory_space<vmem>>) target_semaphore(%run_scoped3A_293 : memref<!tpu.dma_semaphore, #tpu.memory_space<semaphore_mem>>)
        %dma_wait3A_310 = arith.constant 0 : i32
        %dma_wait3A_311 = arith.constant 0 : i32
        %dma_wait3A_312 = tpu.memref_slice %arg9[%run_scoped3A_188, %dma_wait3A_310, %dma_wait3A_311] : memref<2x256x16xi32, #tpu.memory_space<vmem>> -> memref<1x256x16xi32, #tpu.memory_space<vmem>>
        %dma_wait3A_313 = tpu.memref_squeeze %dma_wait3A_312 : memref<1x256x16xi32, #tpu.memory_space<vmem>> -> memref<256x16xi32, #tpu.memory_space<vmem>>
        %dma_wait3A_314 = arith.constant 0 : i32
        %dma_wait3A_315 = arith.constant 0 : i32
        %dma_wait3A_316 = tpu.memref_slice %arg13[%run_scoped3A_187, %dma_wait3A_314, %dma_wait3A_315] : memref<26x256x16xi32, #tpu.memory_space<vmem_shared>> -> memref<1x256x16xi32, #tpu.memory_space<vmem_shared>>
        %dma_wait3A_317 = tpu.memref_squeeze %dma_wait3A_316 : memref<1x256x16xi32, #tpu.memory_space<vmem_shared>> -> memref<256x16xi32, #tpu.memory_space<vmem_shared>>
        %dma_wait3A_318 = arith.constant 0 : i32
        %dma_wait3A_319 = arith.constant 0 : i32
        %dma_wait3A_320 = tpu.memref_slice %arg9[%run_scoped3A_188, %dma_wait3A_318, %dma_wait3A_319] : memref<2x256x16xi32, #tpu.memory_space<vmem>> -> memref<1x256x16xi32, #tpu.memory_space<vmem>>
        %dma_wait3A_321 = tpu.memref_squeeze %dma_wait3A_320 : memref<1x256x16xi32, #tpu.memory_space<vmem>> -> memref<256x16xi32, #tpu.memory_space<vmem>>
        %dma_wait3A_322 = arith.constant 0 : i32
        %dma_wait3A_323 = arith.constant 0 : i32
        %dma_wait3A_324 = tpu.memref_slice %arg13[%run_scoped3A_187, %dma_wait3A_322, %dma_wait3A_323] : memref<26x256x16xi32, #tpu.memory_space<vmem_shared>> -> memref<1x256x16xi32, #tpu.memory_space<vmem_shared>>
        %dma_wait3A_325 = tpu.memref_squeeze %dma_wait3A_324 : memref<1x256x16xi32, #tpu.memory_space<vmem_shared>> -> memref<256x16xi32, #tpu.memory_space<vmem_shared>>
        tpu.wait_dma2 semaphore(%run_scoped3A_293 : memref<!tpu.dma_semaphore, #tpu.memory_space<semaphore_mem>>) src(%dma_wait3A_325 : memref<256x16xi32, #tpu.memory_space<vmem_shared>>) dst(%dma_wait3A_321 : memref<256x16xi32, #tpu.memory_space<vmem>>)
        tpu.yield
      }) : () -> ()
      %scan3A_189 = arith.constant 0 : i32
      %scan3A_190 = arith.constant 0 : i32
      %scan3A_191 = arith.constant 256 : i32
      %scan3A_192 = arith.addi %scan3A_190, %scan3A_191 : i32
      %scan3A_193 = arith.constant 1 : i32
      scf.for %scan3A_293 = %scan3A_190 to %scan3A_192 step %scan3A_193  : i32 {
        %get3A_294 = arith.constant 0 : i32
        %get3A_295 = arith.index_cast %get3A_294 : i32 to index
        %get3A_296 = arith.index_cast %scan3A_293 : i32 to index
        %get3A_297 = arith.constant 0 : index
        %get3A_298 = tpu.vector_load %arg9[%get3A_295, %get3A_296, %get3A_297] {strides = array<i32>} : memref<2x256x16xi32, #tpu.memory_space<vmem>>, vector<16xi32>,
        %get3A_299 = arith.constant 0 : i32
        %get3A_300 = arith.index_cast %get3A_299 : i32 to index
        %get3A_301 = arith.index_cast %scan3A_293 : i32 to index
        %get3A_302 = arith.constant 0 : index
        %get3A_303 = tpu.vector_load %arg10[%get3A_300, %get3A_301, %get3A_302] {strides = array<i32>} : memref<2x256x16xf32, #tpu.memory_space<vmem>>, vector<16xf32>,
        %gather3A = tpu.vector_load_idx %arg8[%get3A_298] : memref<100000xf32, #tpu.memory_space<vmem>>[vector<16xi32>], vector<16xf32>,
        %add3A_304 = arith.addf %get3A_303, %gather3A : vector<16xf32>
        %swap3A = arith.constant 0 : i32
        %swap3A_305 = arith.index_cast %swap3A : i32 to index
        %swap3A_306 = arith.index_cast %scan3A_293 : i32 to index
        %swap3A_307 = arith.constant 0 : index
        %swap3A_308 = tpu.vector_load %arg10[%swap3A_305, %swap3A_306, %swap3A_307] {strides = array<i32>} : memref<2x256x16xf32, #tpu.memory_space<vmem>>, vector<16xf32>,
        tpu.vector_store %arg10[%swap3A_305, %swap3A_306, %swap3A_307], %add3A_304 {strides = array<i32>} : memref<2x256x16xf32, #tpu.memory_space<vmem>>, vector<16xf32>,
      }
      %scan3A_194 = arith.constant 256 : i32
      %run_scoped3A_195 = arith.constant 14 : i32
      %run_scoped3A_196 = arith.constant 0 : i32
      "tpu.region"() ({
        %run_scoped3A_293 = tpu.sem_alloc : memref<!tpu.dma_semaphore, #tpu.memory_space<semaphore_mem>>
        %dma_start3A_294 = arith.constant 0 : i32
        %dma_start3A_295 = arith.constant 0 : i32
        %dma_start3A_296 = tpu.memref_slice %arg9[%run_scoped3A_196, %dma_start3A_294, %dma_start3A_295] : memref<2x256x16xi32, #tpu.memory_space<vmem>> -> memref<1x256x16xi32, #tpu.memory_space<vmem>>
        %dma_start3A_297 = tpu.memref_squeeze %dma_start3A_296 : memref<1x256x16xi32, #tpu.memory_space<vmem>> -> memref<256x16xi32, #tpu.memory_space<vmem>>
        %dma_start3A_298 = arith.constant 0 : i32
        %dma_start3A_299 = arith.constant 0 : i32
        %dma_start3A_300 = tpu.memref_slice %arg13[%run_scoped3A_195, %dma_start3A_298, %dma_start3A_299] : memref<26x256x16xi32, #tpu.memory_space<vmem_shared>> -> memref<1x256x16xi32, #tpu.memory_space<vmem_shared>>
        %dma_start3A_301 = tpu.memref_squeeze %dma_start3A_300 : memref<1x256x16xi32, #tpu.memory_space<vmem_shared>> -> memref<256x16xi32, #tpu.memory_space<vmem_shared>>
        %dma_start3A_302 = arith.constant 0 : i32
        %dma_start3A_303 = arith.constant 0 : i32
        %dma_start3A_304 = tpu.memref_slice %arg9[%run_scoped3A_196, %dma_start3A_302, %dma_start3A_303] : memref<2x256x16xi32, #tpu.memory_space<vmem>> -> memref<1x256x16xi32, #tpu.memory_space<vmem>>
        %dma_start3A_305 = tpu.memref_squeeze %dma_start3A_304 : memref<1x256x16xi32, #tpu.memory_space<vmem>> -> memref<256x16xi32, #tpu.memory_space<vmem>>
        %dma_start3A_306 = arith.constant 0 : i32
        %dma_start3A_307 = arith.constant 0 : i32
        %dma_start3A_308 = tpu.memref_slice %arg13[%run_scoped3A_195, %dma_start3A_306, %dma_start3A_307] : memref<26x256x16xi32, #tpu.memory_space<vmem_shared>> -> memref<1x256x16xi32, #tpu.memory_space<vmem_shared>>
        %dma_start3A_309 = tpu.memref_squeeze %dma_start3A_308 : memref<1x256x16xi32, #tpu.memory_space<vmem_shared>> -> memref<256x16xi32, #tpu.memory_space<vmem_shared>>
        tpu.enqueue_dma source(%dma_start3A_309 : memref<256x16xi32, #tpu.memory_space<vmem_shared>>) target(%dma_start3A_305 : memref<256x16xi32, #tpu.memory_space<vmem>>) target_semaphore(%run_scoped3A_293 : memref<!tpu.dma_semaphore, #tpu.memory_space<semaphore_mem>>)
        %dma_wait3A_310 = arith.constant 0 : i32
        %dma_wait3A_311 = arith.constant 0 : i32
        %dma_wait3A_312 = tpu.memref_slice %arg9[%run_scoped3A_196, %dma_wait3A_310, %dma_wait3A_311] : memref<2x256x16xi32, #tpu.memory_space<vmem>> -> memref<1x256x16xi32, #tpu.memory_space<vmem>>
        %dma_wait3A_313 = tpu.memref_squeeze %dma_wait3A_312 : memref<1x256x16xi32, #tpu.memory_space<vmem>> -> memref<256x16xi32, #tpu.memory_space<vmem>>
        %dma_wait3A_314 = arith.constant 0 : i32
        %dma_wait3A_315 = arith.constant 0 : i32
        %dma_wait3A_316 = tpu.memref_slice %arg13[%run_scoped3A_195, %dma_wait3A_314, %dma_wait3A_315] : memref<26x256x16xi32, #tpu.memory_space<vmem_shared>> -> memref<1x256x16xi32, #tpu.memory_space<vmem_shared>>
        %dma_wait3A_317 = tpu.memref_squeeze %dma_wait3A_316 : memref<1x256x16xi32, #tpu.memory_space<vmem_shared>> -> memref<256x16xi32, #tpu.memory_space<vmem_shared>>
        %dma_wait3A_318 = arith.constant 0 : i32
        %dma_wait3A_319 = arith.constant 0 : i32
        %dma_wait3A_320 = tpu.memref_slice %arg9[%run_scoped3A_196, %dma_wait3A_318, %dma_wait3A_319] : memref<2x256x16xi32, #tpu.memory_space<vmem>> -> memref<1x256x16xi32, #tpu.memory_space<vmem>>
        %dma_wait3A_321 = tpu.memref_squeeze %dma_wait3A_320 : memref<1x256x16xi32, #tpu.memory_space<vmem>> -> memref<256x16xi32, #tpu.memory_space<vmem>>
        %dma_wait3A_322 = arith.constant 0 : i32
        %dma_wait3A_323 = arith.constant 0 : i32
        %dma_wait3A_324 = tpu.memref_slice %arg13[%run_scoped3A_195, %dma_wait3A_322, %dma_wait3A_323] : memref<26x256x16xi32, #tpu.memory_space<vmem_shared>> -> memref<1x256x16xi32, #tpu.memory_space<vmem_shared>>
        %dma_wait3A_325 = tpu.memref_squeeze %dma_wait3A_324 : memref<1x256x16xi32, #tpu.memory_space<vmem_shared>> -> memref<256x16xi32, #tpu.memory_space<vmem_shared>>
        tpu.wait_dma2 semaphore(%run_scoped3A_293 : memref<!tpu.dma_semaphore, #tpu.memory_space<semaphore_mem>>) src(%dma_wait3A_325 : memref<256x16xi32, #tpu.memory_space<vmem_shared>>) dst(%dma_wait3A_321 : memref<256x16xi32, #tpu.memory_space<vmem>>)
        tpu.yield
      }) : () -> ()
      %scan3A_197 = arith.constant 0 : i32
      %scan3A_198 = arith.constant 0 : i32
      %scan3A_199 = arith.constant 256 : i32
      %scan3A_200 = arith.addi %scan3A_198, %scan3A_199 : i32
      %scan3A_201 = arith.constant 1 : i32
      scf.for %scan3A_293 = %scan3A_198 to %scan3A_200 step %scan3A_201  : i32 {
        %get3A_294 = arith.constant 0 : i32
        %get3A_295 = arith.index_cast %get3A_294 : i32 to index
        %get3A_296 = arith.index_cast %scan3A_293 : i32 to index
        %get3A_297 = arith.constant 0 : index
        %get3A_298 = tpu.vector_load %arg9[%get3A_295, %get3A_296, %get3A_297] {strides = array<i32>} : memref<2x256x16xi32, #tpu.memory_space<vmem>>, vector<16xi32>,
        %get3A_299 = arith.constant 0 : i32
        %get3A_300 = arith.index_cast %get3A_299 : i32 to index
        %get3A_301 = arith.index_cast %scan3A_293 : i32 to index
        %get3A_302 = arith.constant 0 : index
        %get3A_303 = tpu.vector_load %arg10[%get3A_300, %get3A_301, %get3A_302] {strides = array<i32>} : memref<2x256x16xf32, #tpu.memory_space<vmem>>, vector<16xf32>,
        %gather3A = tpu.vector_load_idx %arg8[%get3A_298] : memref<100000xf32, #tpu.memory_space<vmem>>[vector<16xi32>], vector<16xf32>,
        %add3A_304 = arith.addf %get3A_303, %gather3A : vector<16xf32>
        %swap3A = arith.constant 0 : i32
        %swap3A_305 = arith.index_cast %swap3A : i32 to index
        %swap3A_306 = arith.index_cast %scan3A_293 : i32 to index
        %swap3A_307 = arith.constant 0 : index
        %swap3A_308 = tpu.vector_load %arg10[%swap3A_305, %swap3A_306, %swap3A_307] {strides = array<i32>} : memref<2x256x16xf32, #tpu.memory_space<vmem>>, vector<16xf32>,
        tpu.vector_store %arg10[%swap3A_305, %swap3A_306, %swap3A_307], %add3A_304 {strides = array<i32>} : memref<2x256x16xf32, #tpu.memory_space<vmem>>, vector<16xf32>,
      }
      %scan3A_202 = arith.constant 256 : i32
      %run_scoped3A_203 = arith.constant 15 : i32
      %run_scoped3A_204 = arith.constant 0 : i32
      "tpu.region"() ({
        %run_scoped3A_293 = tpu.sem_alloc : memref<!tpu.dma_semaphore, #tpu.memory_space<semaphore_mem>>
        %dma_start3A_294 = arith.constant 0 : i32
        %dma_start3A_295 = arith.constant 0 : i32
        %dma_start3A_296 = tpu.memref_slice %arg9[%run_scoped3A_204, %dma_start3A_294, %dma_start3A_295] : memref<2x256x16xi32, #tpu.memory_space<vmem>> -> memref<1x256x16xi32, #tpu.memory_space<vmem>>
        %dma_start3A_297 = tpu.memref_squeeze %dma_start3A_296 : memref<1x256x16xi32, #tpu.memory_space<vmem>> -> memref<256x16xi32, #tpu.memory_space<vmem>>
        %dma_start3A_298 = arith.constant 0 : i32
        %dma_start3A_299 = arith.constant 0 : i32
        %dma_start3A_300 = tpu.memref_slice %arg13[%run_scoped3A_203, %dma_start3A_298, %dma_start3A_299] : memref<26x256x16xi32, #tpu.memory_space<vmem_shared>> -> memref<1x256x16xi32, #tpu.memory_space<vmem_shared>>
        %dma_start3A_301 = tpu.memref_squeeze %dma_start3A_300 : memref<1x256x16xi32, #tpu.memory_space<vmem_shared>> -> memref<256x16xi32, #tpu.memory_space<vmem_shared>>
        %dma_start3A_302 = arith.constant 0 : i32
        %dma_start3A_303 = arith.constant 0 : i32
        %dma_start3A_304 = tpu.memref_slice %arg9[%run_scoped3A_204, %dma_start3A_302, %dma_start3A_303] : memref<2x256x16xi32, #tpu.memory_space<vmem>> -> memref<1x256x16xi32, #tpu.memory_space<vmem>>
        %dma_start3A_305 = tpu.memref_squeeze %dma_start3A_304 : memref<1x256x16xi32, #tpu.memory_space<vmem>> -> memref<256x16xi32, #tpu.memory_space<vmem>>
        %dma_start3A_306 = arith.constant 0 : i32
        %dma_start3A_307 = arith.constant 0 : i32
        %dma_start3A_308 = tpu.memref_slice %arg13[%run_scoped3A_203, %dma_start3A_306, %dma_start3A_307] : memref<26x256x16xi32, #tpu.memory_space<vmem_shared>> -> memref<1x256x16xi32, #tpu.memory_space<vmem_shared>>
        %dma_start3A_309 = tpu.memref_squeeze %dma_start3A_308 : memref<1x256x16xi32, #tpu.memory_space<vmem_shared>> -> memref<256x16xi32, #tpu.memory_space<vmem_shared>>
        tpu.enqueue_dma source(%dma_start3A_309 : memref<256x16xi32, #tpu.memory_space<vmem_shared>>) target(%dma_start3A_305 : memref<256x16xi32, #tpu.memory_space<vmem>>) target_semaphore(%run_scoped3A_293 : memref<!tpu.dma_semaphore, #tpu.memory_space<semaphore_mem>>)
        %dma_wait3A_310 = arith.constant 0 : i32
        %dma_wait3A_311 = arith.constant 0 : i32
        %dma_wait3A_312 = tpu.memref_slice %arg9[%run_scoped3A_204, %dma_wait3A_310, %dma_wait3A_311] : memref<2x256x16xi32, #tpu.memory_space<vmem>> -> memref<1x256x16xi32, #tpu.memory_space<vmem>>
        %dma_wait3A_313 = tpu.memref_squeeze %dma_wait3A_312 : memref<1x256x16xi32, #tpu.memory_space<vmem>> -> memref<256x16xi32, #tpu.memory_space<vmem>>
        %dma_wait3A_314 = arith.constant 0 : i32
        %dma_wait3A_315 = arith.constant 0 : i32
        %dma_wait3A_316 = tpu.memref_slice %arg13[%run_scoped3A_203, %dma_wait3A_314, %dma_wait3A_315] : memref<26x256x16xi32, #tpu.memory_space<vmem_shared>> -> memref<1x256x16xi32, #tpu.memory_space<vmem_shared>>
        %dma_wait3A_317 = tpu.memref_squeeze %dma_wait3A_316 : memref<1x256x16xi32, #tpu.memory_space<vmem_shared>> -> memref<256x16xi32, #tpu.memory_space<vmem_shared>>
        %dma_wait3A_318 = arith.constant 0 : i32
        %dma_wait3A_319 = arith.constant 0 : i32
        %dma_wait3A_320 = tpu.memref_slice %arg9[%run_scoped3A_204, %dma_wait3A_318, %dma_wait3A_319] : memref<2x256x16xi32, #tpu.memory_space<vmem>> -> memref<1x256x16xi32, #tpu.memory_space<vmem>>
        %dma_wait3A_321 = tpu.memref_squeeze %dma_wait3A_320 : memref<1x256x16xi32, #tpu.memory_space<vmem>> -> memref<256x16xi32, #tpu.memory_space<vmem>>
        %dma_wait3A_322 = arith.constant 0 : i32
        %dma_wait3A_323 = arith.constant 0 : i32
        %dma_wait3A_324 = tpu.memref_slice %arg13[%run_scoped3A_203, %dma_wait3A_322, %dma_wait3A_323] : memref<26x256x16xi32, #tpu.memory_space<vmem_shared>> -> memref<1x256x16xi32, #tpu.memory_space<vmem_shared>>
        %dma_wait3A_325 = tpu.memref_squeeze %dma_wait3A_324 : memref<1x256x16xi32, #tpu.memory_space<vmem_shared>> -> memref<256x16xi32, #tpu.memory_space<vmem_shared>>
        tpu.wait_dma2 semaphore(%run_scoped3A_293 : memref<!tpu.dma_semaphore, #tpu.memory_space<semaphore_mem>>) src(%dma_wait3A_325 : memref<256x16xi32, #tpu.memory_space<vmem_shared>>) dst(%dma_wait3A_321 : memref<256x16xi32, #tpu.memory_space<vmem>>)
        tpu.yield
      }) : () -> ()
      %scan3A_205 = arith.constant 0 : i32
      %scan3A_206 = arith.constant 0 : i32
      %scan3A_207 = arith.constant 256 : i32
      %scan3A_208 = arith.addi %scan3A_206, %scan3A_207 : i32
      %scan3A_209 = arith.constant 1 : i32
      scf.for %scan3A_293 = %scan3A_206 to %scan3A_208 step %scan3A_209  : i32 {
        %get3A_294 = arith.constant 0 : i32
        %get3A_295 = arith.index_cast %get3A_294 : i32 to index
        %get3A_296 = arith.index_cast %scan3A_293 : i32 to index
        %get3A_297 = arith.constant 0 : index
        %get3A_298 = tpu.vector_load %arg9[%get3A_295, %get3A_296, %get3A_297] {strides = array<i32>} : memref<2x256x16xi32, #tpu.memory_space<vmem>>, vector<16xi32>,
        %get3A_299 = arith.constant 0 : i32
        %get3A_300 = arith.index_cast %get3A_299 : i32 to index
        %get3A_301 = arith.index_cast %scan3A_293 : i32 to index
        %get3A_302 = arith.constant 0 : index
        %get3A_303 = tpu.vector_load %arg10[%get3A_300, %get3A_301, %get3A_302] {strides = array<i32>} : memref<2x256x16xf32, #tpu.memory_space<vmem>>, vector<16xf32>,
        %gather3A = tpu.vector_load_idx %arg8[%get3A_298] : memref<100000xf32, #tpu.memory_space<vmem>>[vector<16xi32>], vector<16xf32>,
        %add3A_304 = arith.addf %get3A_303, %gather3A : vector<16xf32>
        %swap3A = arith.constant 0 : i32
        %swap3A_305 = arith.index_cast %swap3A : i32 to index
        %swap3A_306 = arith.index_cast %scan3A_293 : i32 to index
        %swap3A_307 = arith.constant 0 : index
        %swap3A_308 = tpu.vector_load %arg10[%swap3A_305, %swap3A_306, %swap3A_307] {strides = array<i32>} : memref<2x256x16xf32, #tpu.memory_space<vmem>>, vector<16xf32>,
        tpu.vector_store %arg10[%swap3A_305, %swap3A_306, %swap3A_307], %add3A_304 {strides = array<i32>} : memref<2x256x16xf32, #tpu.memory_space<vmem>>, vector<16xf32>,
      }
      %scan3A_210 = arith.constant 256 : i32
      %run_scoped3A_211 = arith.constant 16 : i32
      %run_scoped3A_212 = arith.constant 0 : i32
      "tpu.region"() ({
        %run_scoped3A_293 = tpu.sem_alloc : memref<!tpu.dma_semaphore, #tpu.memory_space<semaphore_mem>>
        %dma_start3A_294 = arith.constant 0 : i32
        %dma_start3A_295 = arith.constant 0 : i32
        %dma_start3A_296 = tpu.memref_slice %arg9[%run_scoped3A_212, %dma_start3A_294, %dma_start3A_295] : memref<2x256x16xi32, #tpu.memory_space<vmem>> -> memref<1x256x16xi32, #tpu.memory_space<vmem>>
        %dma_start3A_297 = tpu.memref_squeeze %dma_start3A_296 : memref<1x256x16xi32, #tpu.memory_space<vmem>> -> memref<256x16xi32, #tpu.memory_space<vmem>>
        %dma_start3A_298 = arith.constant 0 : i32
        %dma_start3A_299 = arith.constant 0 : i32
        %dma_start3A_300 = tpu.memref_slice %arg13[%run_scoped3A_211, %dma_start3A_298, %dma_start3A_299] : memref<26x256x16xi32, #tpu.memory_space<vmem_shared>> -> memref<1x256x16xi32, #tpu.memory_space<vmem_shared>>
        %dma_start3A_301 = tpu.memref_squeeze %dma_start3A_300 : memref<1x256x16xi32, #tpu.memory_space<vmem_shared>> -> memref<256x16xi32, #tpu.memory_space<vmem_shared>>
        %dma_start3A_302 = arith.constant 0 : i32
        %dma_start3A_303 = arith.constant 0 : i32
        %dma_start3A_304 = tpu.memref_slice %arg9[%run_scoped3A_212, %dma_start3A_302, %dma_start3A_303] : memref<2x256x16xi32, #tpu.memory_space<vmem>> -> memref<1x256x16xi32, #tpu.memory_space<vmem>>
        %dma_start3A_305 = tpu.memref_squeeze %dma_start3A_304 : memref<1x256x16xi32, #tpu.memory_space<vmem>> -> memref<256x16xi32, #tpu.memory_space<vmem>>
        %dma_start3A_306 = arith.constant 0 : i32
        %dma_start3A_307 = arith.constant 0 : i32
        %dma_start3A_308 = tpu.memref_slice %arg13[%run_scoped3A_211, %dma_start3A_306, %dma_start3A_307] : memref<26x256x16xi32, #tpu.memory_space<vmem_shared>> -> memref<1x256x16xi32, #tpu.memory_space<vmem_shared>>
        %dma_start3A_309 = tpu.memref_squeeze %dma_start3A_308 : memref<1x256x16xi32, #tpu.memory_space<vmem_shared>> -> memref<256x16xi32, #tpu.memory_space<vmem_shared>>
        tpu.enqueue_dma source(%dma_start3A_309 : memref<256x16xi32, #tpu.memory_space<vmem_shared>>) target(%dma_start3A_305 : memref<256x16xi32, #tpu.memory_space<vmem>>) target_semaphore(%run_scoped3A_293 : memref<!tpu.dma_semaphore, #tpu.memory_space<semaphore_mem>>)
        %dma_wait3A_310 = arith.constant 0 : i32
        %dma_wait3A_311 = arith.constant 0 : i32
        %dma_wait3A_312 = tpu.memref_slice %arg9[%run_scoped3A_212, %dma_wait3A_310, %dma_wait3A_311] : memref<2x256x16xi32, #tpu.memory_space<vmem>> -> memref<1x256x16xi32, #tpu.memory_space<vmem>>
        %dma_wait3A_313 = tpu.memref_squeeze %dma_wait3A_312 : memref<1x256x16xi32, #tpu.memory_space<vmem>> -> memref<256x16xi32, #tpu.memory_space<vmem>>
        %dma_wait3A_314 = arith.constant 0 : i32
        %dma_wait3A_315 = arith.constant 0 : i32
        %dma_wait3A_316 = tpu.memref_slice %arg13[%run_scoped3A_211, %dma_wait3A_314, %dma_wait3A_315] : memref<26x256x16xi32, #tpu.memory_space<vmem_shared>> -> memref<1x256x16xi32, #tpu.memory_space<vmem_shared>>
        %dma_wait3A_317 = tpu.memref_squeeze %dma_wait3A_316 : memref<1x256x16xi32, #tpu.memory_space<vmem_shared>> -> memref<256x16xi32, #tpu.memory_space<vmem_shared>>
        %dma_wait3A_318 = arith.constant 0 : i32
        %dma_wait3A_319 = arith.constant 0 : i32
        %dma_wait3A_320 = tpu.memref_slice %arg9[%run_scoped3A_212, %dma_wait3A_318, %dma_wait3A_319] : memref<2x256x16xi32, #tpu.memory_space<vmem>> -> memref<1x256x16xi32, #tpu.memory_space<vmem>>
        %dma_wait3A_321 = tpu.memref_squeeze %dma_wait3A_320 : memref<1x256x16xi32, #tpu.memory_space<vmem>> -> memref<256x16xi32, #tpu.memory_space<vmem>>
        %dma_wait3A_322 = arith.constant 0 : i32
        %dma_wait3A_323 = arith.constant 0 : i32
        %dma_wait3A_324 = tpu.memref_slice %arg13[%run_scoped3A_211, %dma_wait3A_322, %dma_wait3A_323] : memref<26x256x16xi32, #tpu.memory_space<vmem_shared>> -> memref<1x256x16xi32, #tpu.memory_space<vmem_shared>>
        %dma_wait3A_325 = tpu.memref_squeeze %dma_wait3A_324 : memref<1x256x16xi32, #tpu.memory_space<vmem_shared>> -> memref<256x16xi32, #tpu.memory_space<vmem_shared>>
        tpu.wait_dma2 semaphore(%run_scoped3A_293 : memref<!tpu.dma_semaphore, #tpu.memory_space<semaphore_mem>>) src(%dma_wait3A_325 : memref<256x16xi32, #tpu.memory_space<vmem_shared>>) dst(%dma_wait3A_321 : memref<256x16xi32, #tpu.memory_space<vmem>>)
        tpu.yield
      }) : () -> ()
      %scan3A_213 = arith.constant 0 : i32
      %scan3A_214 = arith.constant 0 : i32
      %scan3A_215 = arith.constant 256 : i32
      %scan3A_216 = arith.addi %scan3A_214, %scan3A_215 : i32
      %scan3A_217 = arith.constant 1 : i32
      scf.for %scan3A_293 = %scan3A_214 to %scan3A_216 step %scan3A_217  : i32 {
        %get3A_294 = arith.constant 0 : i32
        %get3A_295 = arith.index_cast %get3A_294 : i32 to index
        %get3A_296 = arith.index_cast %scan3A_293 : i32 to index
        %get3A_297 = arith.constant 0 : index
        %get3A_298 = tpu.vector_load %arg9[%get3A_295, %get3A_296, %get3A_297] {strides = array<i32>} : memref<2x256x16xi32, #tpu.memory_space<vmem>>, vector<16xi32>,
        %get3A_299 = arith.constant 0 : i32
        %get3A_300 = arith.index_cast %get3A_299 : i32 to index
        %get3A_301 = arith.index_cast %scan3A_293 : i32 to index
        %get3A_302 = arith.constant 0 : index
        %get3A_303 = tpu.vector_load %arg10[%get3A_300, %get3A_301, %get3A_302] {strides = array<i32>} : memref<2x256x16xf32, #tpu.memory_space<vmem>>, vector<16xf32>,
        %gather3A = tpu.vector_load_idx %arg8[%get3A_298] : memref<100000xf32, #tpu.memory_space<vmem>>[vector<16xi32>], vector<16xf32>,
        %add3A_304 = arith.addf %get3A_303, %gather3A : vector<16xf32>
        %swap3A = arith.constant 0 : i32
        %swap3A_305 = arith.index_cast %swap3A : i32 to index
        %swap3A_306 = arith.index_cast %scan3A_293 : i32 to index
        %swap3A_307 = arith.constant 0 : index
        %swap3A_308 = tpu.vector_load %arg10[%swap3A_305, %swap3A_306, %swap3A_307] {strides = array<i32>} : memref<2x256x16xf32, #tpu.memory_space<vmem>>, vector<16xf32>,
        tpu.vector_store %arg10[%swap3A_305, %swap3A_306, %swap3A_307], %add3A_304 {strides = array<i32>} : memref<2x256x16xf32, #tpu.memory_space<vmem>>, vector<16xf32>,
      }
      %scan3A_218 = arith.constant 256 : i32
      %run_scoped3A_219 = arith.constant 17 : i32
      %run_scoped3A_220 = arith.constant 0 : i32
      "tpu.region"() ({
        %run_scoped3A_293 = tpu.sem_alloc : memref<!tpu.dma_semaphore, #tpu.memory_space<semaphore_mem>>
        %dma_start3A_294 = arith.constant 0 : i32
        %dma_start3A_295 = arith.constant 0 : i32
        %dma_start3A_296 = tpu.memref_slice %arg9[%run_scoped3A_220, %dma_start3A_294, %dma_start3A_295] : memref<2x256x16xi32, #tpu.memory_space<vmem>> -> memref<1x256x16xi32, #tpu.memory_space<vmem>>
        %dma_start3A_297 = tpu.memref_squeeze %dma_start3A_296 : memref<1x256x16xi32, #tpu.memory_space<vmem>> -> memref<256x16xi32, #tpu.memory_space<vmem>>
        %dma_start3A_298 = arith.constant 0 : i32
        %dma_start3A_299 = arith.constant 0 : i32
        %dma_start3A_300 = tpu.memref_slice %arg13[%run_scoped3A_219, %dma_start3A_298, %dma_start3A_299] : memref<26x256x16xi32, #tpu.memory_space<vmem_shared>> -> memref<1x256x16xi32, #tpu.memory_space<vmem_shared>>
        %dma_start3A_301 = tpu.memref_squeeze %dma_start3A_300 : memref<1x256x16xi32, #tpu.memory_space<vmem_shared>> -> memref<256x16xi32, #tpu.memory_space<vmem_shared>>
        %dma_start3A_302 = arith.constant 0 : i32
        %dma_start3A_303 = arith.constant 0 : i32
        %dma_start3A_304 = tpu.memref_slice %arg9[%run_scoped3A_220, %dma_start3A_302, %dma_start3A_303] : memref<2x256x16xi32, #tpu.memory_space<vmem>> -> memref<1x256x16xi32, #tpu.memory_space<vmem>>
        %dma_start3A_305 = tpu.memref_squeeze %dma_start3A_304 : memref<1x256x16xi32, #tpu.memory_space<vmem>> -> memref<256x16xi32, #tpu.memory_space<vmem>>
        %dma_start3A_306 = arith.constant 0 : i32
        %dma_start3A_307 = arith.constant 0 : i32
        %dma_start3A_308 = tpu.memref_slice %arg13[%run_scoped3A_219, %dma_start3A_306, %dma_start3A_307] : memref<26x256x16xi32, #tpu.memory_space<vmem_shared>> -> memref<1x256x16xi32, #tpu.memory_space<vmem_shared>>
        %dma_start3A_309 = tpu.memref_squeeze %dma_start3A_308 : memref<1x256x16xi32, #tpu.memory_space<vmem_shared>> -> memref<256x16xi32, #tpu.memory_space<vmem_shared>>
        tpu.enqueue_dma source(%dma_start3A_309 : memref<256x16xi32, #tpu.memory_space<vmem_shared>>) target(%dma_start3A_305 : memref<256x16xi32, #tpu.memory_space<vmem>>) target_semaphore(%run_scoped3A_293 : memref<!tpu.dma_semaphore, #tpu.memory_space<semaphore_mem>>)
        %dma_wait3A_310 = arith.constant 0 : i32
        %dma_wait3A_311 = arith.constant 0 : i32
        %dma_wait3A_312 = tpu.memref_slice %arg9[%run_scoped3A_220, %dma_wait3A_310, %dma_wait3A_311] : memref<2x256x16xi32, #tpu.memory_space<vmem>> -> memref<1x256x16xi32, #tpu.memory_space<vmem>>
        %dma_wait3A_313 = tpu.memref_squeeze %dma_wait3A_312 : memref<1x256x16xi32, #tpu.memory_space<vmem>> -> memref<256x16xi32, #tpu.memory_space<vmem>>
        %dma_wait3A_314 = arith.constant 0 : i32
        %dma_wait3A_315 = arith.constant 0 : i32
        %dma_wait3A_316 = tpu.memref_slice %arg13[%run_scoped3A_219, %dma_wait3A_314, %dma_wait3A_315] : memref<26x256x16xi32, #tpu.memory_space<vmem_shared>> -> memref<1x256x16xi32, #tpu.memory_space<vmem_shared>>
        %dma_wait3A_317 = tpu.memref_squeeze %dma_wait3A_316 : memref<1x256x16xi32, #tpu.memory_space<vmem_shared>> -> memref<256x16xi32, #tpu.memory_space<vmem_shared>>
        %dma_wait3A_318 = arith.constant 0 : i32
        %dma_wait3A_319 = arith.constant 0 : i32
        %dma_wait3A_320 = tpu.memref_slice %arg9[%run_scoped3A_220, %dma_wait3A_318, %dma_wait3A_319] : memref<2x256x16xi32, #tpu.memory_space<vmem>> -> memref<1x256x16xi32, #tpu.memory_space<vmem>>
        %dma_wait3A_321 = tpu.memref_squeeze %dma_wait3A_320 : memref<1x256x16xi32, #tpu.memory_space<vmem>> -> memref<256x16xi32, #tpu.memory_space<vmem>>
        %dma_wait3A_322 = arith.constant 0 : i32
        %dma_wait3A_323 = arith.constant 0 : i32
        %dma_wait3A_324 = tpu.memref_slice %arg13[%run_scoped3A_219, %dma_wait3A_322, %dma_wait3A_323] : memref<26x256x16xi32, #tpu.memory_space<vmem_shared>> -> memref<1x256x16xi32, #tpu.memory_space<vmem_shared>>
        %dma_wait3A_325 = tpu.memref_squeeze %dma_wait3A_324 : memref<1x256x16xi32, #tpu.memory_space<vmem_shared>> -> memref<256x16xi32, #tpu.memory_space<vmem_shared>>
        tpu.wait_dma2 semaphore(%run_scoped3A_293 : memref<!tpu.dma_semaphore, #tpu.memory_space<semaphore_mem>>) src(%dma_wait3A_325 : memref<256x16xi32, #tpu.memory_space<vmem_shared>>) dst(%dma_wait3A_321 : memref<256x16xi32, #tpu.memory_space<vmem>>)
        tpu.yield
      }) : () -> ()
      %scan3A_221 = arith.constant 0 : i32
      %scan3A_222 = arith.constant 0 : i32
      %scan3A_223 = arith.constant 256 : i32
      %scan3A_224 = arith.addi %scan3A_222, %scan3A_223 : i32
      %scan3A_225 = arith.constant 1 : i32
      scf.for %scan3A_293 = %scan3A_222 to %scan3A_224 step %scan3A_225  : i32 {
        %get3A_294 = arith.constant 0 : i32
        %get3A_295 = arith.index_cast %get3A_294 : i32 to index
        %get3A_296 = arith.index_cast %scan3A_293 : i32 to index
        %get3A_297 = arith.constant 0 : index
        %get3A_298 = tpu.vector_load %arg9[%get3A_295, %get3A_296, %get3A_297] {strides = array<i32>} : memref<2x256x16xi32, #tpu.memory_space<vmem>>, vector<16xi32>,
        %get3A_299 = arith.constant 0 : i32
        %get3A_300 = arith.index_cast %get3A_299 : i32 to index
        %get3A_301 = arith.index_cast %scan3A_293 : i32 to index
        %get3A_302 = arith.constant 0 : index
        %get3A_303 = tpu.vector_load %arg10[%get3A_300, %get3A_301, %get3A_302] {strides = array<i32>} : memref<2x256x16xf32, #tpu.memory_space<vmem>>, vector<16xf32>,
        %gather3A = tpu.vector_load_idx %arg8[%get3A_298] : memref<100000xf32, #tpu.memory_space<vmem>>[vector<16xi32>], vector<16xf32>,
        %add3A_304 = arith.addf %get3A_303, %gather3A : vector<16xf32>
        %swap3A = arith.constant 0 : i32
        %swap3A_305 = arith.index_cast %swap3A : i32 to index
        %swap3A_306 = arith.index_cast %scan3A_293 : i32 to index
        %swap3A_307 = arith.constant 0 : index
        %swap3A_308 = tpu.vector_load %arg10[%swap3A_305, %swap3A_306, %swap3A_307] {strides = array<i32>} : memref<2x256x16xf32, #tpu.memory_space<vmem>>, vector<16xf32>,
        tpu.vector_store %arg10[%swap3A_305, %swap3A_306, %swap3A_307], %add3A_304 {strides = array<i32>} : memref<2x256x16xf32, #tpu.memory_space<vmem>>, vector<16xf32>,
      }
      %scan3A_226 = arith.constant 256 : i32
      %run_scoped3A_227 = arith.constant 18 : i32
      %run_scoped3A_228 = arith.constant 0 : i32
      "tpu.region"() ({
        %run_scoped3A_293 = tpu.sem_alloc : memref<!tpu.dma_semaphore, #tpu.memory_space<semaphore_mem>>
        %dma_start3A_294 = arith.constant 0 : i32
        %dma_start3A_295 = arith.constant 0 : i32
        %dma_start3A_296 = tpu.memref_slice %arg9[%run_scoped3A_228, %dma_start3A_294, %dma_start3A_295] : memref<2x256x16xi32, #tpu.memory_space<vmem>> -> memref<1x256x16xi32, #tpu.memory_space<vmem>>
        %dma_start3A_297 = tpu.memref_squeeze %dma_start3A_296 : memref<1x256x16xi32, #tpu.memory_space<vmem>> -> memref<256x16xi32, #tpu.memory_space<vmem>>
        %dma_start3A_298 = arith.constant 0 : i32
        %dma_start3A_299 = arith.constant 0 : i32
        %dma_start3A_300 = tpu.memref_slice %arg13[%run_scoped3A_227, %dma_start3A_298, %dma_start3A_299] : memref<26x256x16xi32, #tpu.memory_space<vmem_shared>> -> memref<1x256x16xi32, #tpu.memory_space<vmem_shared>>
        %dma_start3A_301 = tpu.memref_squeeze %dma_start3A_300 : memref<1x256x16xi32, #tpu.memory_space<vmem_shared>> -> memref<256x16xi32, #tpu.memory_space<vmem_shared>>
        %dma_start3A_302 = arith.constant 0 : i32
        %dma_start3A_303 = arith.constant 0 : i32
        %dma_start3A_304 = tpu.memref_slice %arg9[%run_scoped3A_228, %dma_start3A_302, %dma_start3A_303] : memref<2x256x16xi32, #tpu.memory_space<vmem>> -> memref<1x256x16xi32, #tpu.memory_space<vmem>>
        %dma_start3A_305 = tpu.memref_squeeze %dma_start3A_304 : memref<1x256x16xi32, #tpu.memory_space<vmem>> -> memref<256x16xi32, #tpu.memory_space<vmem>>
        %dma_start3A_306 = arith.constant 0 : i32
        %dma_start3A_307 = arith.constant 0 : i32
        %dma_start3A_308 = tpu.memref_slice %arg13[%run_scoped3A_227, %dma_start3A_306, %dma_start3A_307] : memref<26x256x16xi32, #tpu.memory_space<vmem_shared>> -> memref<1x256x16xi32, #tpu.memory_space<vmem_shared>>
        %dma_start3A_309 = tpu.memref_squeeze %dma_start3A_308 : memref<1x256x16xi32, #tpu.memory_space<vmem_shared>> -> memref<256x16xi32, #tpu.memory_space<vmem_shared>>
        tpu.enqueue_dma source(%dma_start3A_309 : memref<256x16xi32, #tpu.memory_space<vmem_shared>>) target(%dma_start3A_305 : memref<256x16xi32, #tpu.memory_space<vmem>>) target_semaphore(%run_scoped3A_293 : memref<!tpu.dma_semaphore, #tpu.memory_space<semaphore_mem>>)
        %dma_wait3A_310 = arith.constant 0 : i32
        %dma_wait3A_311 = arith.constant 0 : i32
        %dma_wait3A_312 = tpu.memref_slice %arg9[%run_scoped3A_228, %dma_wait3A_310, %dma_wait3A_311] : memref<2x256x16xi32, #tpu.memory_space<vmem>> -> memref<1x256x16xi32, #tpu.memory_space<vmem>>
        %dma_wait3A_313 = tpu.memref_squeeze %dma_wait3A_312 : memref<1x256x16xi32, #tpu.memory_space<vmem>> -> memref<256x16xi32, #tpu.memory_space<vmem>>
        %dma_wait3A_314 = arith.constant 0 : i32
        %dma_wait3A_315 = arith.constant 0 : i32
        %dma_wait3A_316 = tpu.memref_slice %arg13[%run_scoped3A_227, %dma_wait3A_314, %dma_wait3A_315] : memref<26x256x16xi32, #tpu.memory_space<vmem_shared>> -> memref<1x256x16xi32, #tpu.memory_space<vmem_shared>>
        %dma_wait3A_317 = tpu.memref_squeeze %dma_wait3A_316 : memref<1x256x16xi32, #tpu.memory_space<vmem_shared>> -> memref<256x16xi32, #tpu.memory_space<vmem_shared>>
        %dma_wait3A_318 = arith.constant 0 : i32
        %dma_wait3A_319 = arith.constant 0 : i32
        %dma_wait3A_320 = tpu.memref_slice %arg9[%run_scoped3A_228, %dma_wait3A_318, %dma_wait3A_319] : memref<2x256x16xi32, #tpu.memory_space<vmem>> -> memref<1x256x16xi32, #tpu.memory_space<vmem>>
        %dma_wait3A_321 = tpu.memref_squeeze %dma_wait3A_320 : memref<1x256x16xi32, #tpu.memory_space<vmem>> -> memref<256x16xi32, #tpu.memory_space<vmem>>
        %dma_wait3A_322 = arith.constant 0 : i32
        %dma_wait3A_323 = arith.constant 0 : i32
        %dma_wait3A_324 = tpu.memref_slice %arg13[%run_scoped3A_227, %dma_wait3A_322, %dma_wait3A_323] : memref<26x256x16xi32, #tpu.memory_space<vmem_shared>> -> memref<1x256x16xi32, #tpu.memory_space<vmem_shared>>
        %dma_wait3A_325 = tpu.memref_squeeze %dma_wait3A_324 : memref<1x256x16xi32, #tpu.memory_space<vmem_shared>> -> memref<256x16xi32, #tpu.memory_space<vmem_shared>>
        tpu.wait_dma2 semaphore(%run_scoped3A_293 : memref<!tpu.dma_semaphore, #tpu.memory_space<semaphore_mem>>) src(%dma_wait3A_325 : memref<256x16xi32, #tpu.memory_space<vmem_shared>>) dst(%dma_wait3A_321 : memref<256x16xi32, #tpu.memory_space<vmem>>)
        tpu.yield
      }) : () -> ()
      %scan3A_229 = arith.constant 0 : i32
      %scan3A_230 = arith.constant 0 : i32
      %scan3A_231 = arith.constant 256 : i32
      %scan3A_232 = arith.addi %scan3A_230, %scan3A_231 : i32
      %scan3A_233 = arith.constant 1 : i32
      scf.for %scan3A_293 = %scan3A_230 to %scan3A_232 step %scan3A_233  : i32 {
        %get3A_294 = arith.constant 0 : i32
        %get3A_295 = arith.index_cast %get3A_294 : i32 to index
        %get3A_296 = arith.index_cast %scan3A_293 : i32 to index
        %get3A_297 = arith.constant 0 : index
        %get3A_298 = tpu.vector_load %arg9[%get3A_295, %get3A_296, %get3A_297] {strides = array<i32>} : memref<2x256x16xi32, #tpu.memory_space<vmem>>, vector<16xi32>,
        %get3A_299 = arith.constant 0 : i32
        %get3A_300 = arith.index_cast %get3A_299 : i32 to index
        %get3A_301 = arith.index_cast %scan3A_293 : i32 to index
        %get3A_302 = arith.constant 0 : index
        %get3A_303 = tpu.vector_load %arg10[%get3A_300, %get3A_301, %get3A_302] {strides = array<i32>} : memref<2x256x16xf32, #tpu.memory_space<vmem>>, vector<16xf32>,
        %gather3A = tpu.vector_load_idx %arg8[%get3A_298] : memref<100000xf32, #tpu.memory_space<vmem>>[vector<16xi32>], vector<16xf32>,
        %add3A_304 = arith.addf %get3A_303, %gather3A : vector<16xf32>
        %swap3A = arith.constant 0 : i32
        %swap3A_305 = arith.index_cast %swap3A : i32 to index
        %swap3A_306 = arith.index_cast %scan3A_293 : i32 to index
        %swap3A_307 = arith.constant 0 : index
        %swap3A_308 = tpu.vector_load %arg10[%swap3A_305, %swap3A_306, %swap3A_307] {strides = array<i32>} : memref<2x256x16xf32, #tpu.memory_space<vmem>>, vector<16xf32>,
        tpu.vector_store %arg10[%swap3A_305, %swap3A_306, %swap3A_307], %add3A_304 {strides = array<i32>} : memref<2x256x16xf32, #tpu.memory_space<vmem>>, vector<16xf32>,
      }
      %scan3A_234 = arith.constant 256 : i32
      %run_scoped3A_235 = arith.constant 19 : i32
      %run_scoped3A_236 = arith.constant 0 : i32
      "tpu.region"() ({
        %run_scoped3A_293 = tpu.sem_alloc : memref<!tpu.dma_semaphore, #tpu.memory_space<semaphore_mem>>
        %dma_start3A_294 = arith.constant 0 : i32
        %dma_start3A_295 = arith.constant 0 : i32
        %dma_start3A_296 = tpu.memref_slice %arg9[%run_scoped3A_236, %dma_start3A_294, %dma_start3A_295] : memref<2x256x16xi32, #tpu.memory_space<vmem>> -> memref<1x256x16xi32, #tpu.memory_space<vmem>>
        %dma_start3A_297 = tpu.memref_squeeze %dma_start3A_296 : memref<1x256x16xi32, #tpu.memory_space<vmem>> -> memref<256x16xi32, #tpu.memory_space<vmem>>
        %dma_start3A_298 = arith.constant 0 : i32
        %dma_start3A_299 = arith.constant 0 : i32
        %dma_start3A_300 = tpu.memref_slice %arg13[%run_scoped3A_235, %dma_start3A_298, %dma_start3A_299] : memref<26x256x16xi32, #tpu.memory_space<vmem_shared>> -> memref<1x256x16xi32, #tpu.memory_space<vmem_shared>>
        %dma_start3A_301 = tpu.memref_squeeze %dma_start3A_300 : memref<1x256x16xi32, #tpu.memory_space<vmem_shared>> -> memref<256x16xi32, #tpu.memory_space<vmem_shared>>
        %dma_start3A_302 = arith.constant 0 : i32
        %dma_start3A_303 = arith.constant 0 : i32
        %dma_start3A_304 = tpu.memref_slice %arg9[%run_scoped3A_236, %dma_start3A_302, %dma_start3A_303] : memref<2x256x16xi32, #tpu.memory_space<vmem>> -> memref<1x256x16xi32, #tpu.memory_space<vmem>>
        %dma_start3A_305 = tpu.memref_squeeze %dma_start3A_304 : memref<1x256x16xi32, #tpu.memory_space<vmem>> -> memref<256x16xi32, #tpu.memory_space<vmem>>
        %dma_start3A_306 = arith.constant 0 : i32
        %dma_start3A_307 = arith.constant 0 : i32
        %dma_start3A_308 = tpu.memref_slice %arg13[%run_scoped3A_235, %dma_start3A_306, %dma_start3A_307] : memref<26x256x16xi32, #tpu.memory_space<vmem_shared>> -> memref<1x256x16xi32, #tpu.memory_space<vmem_shared>>
        %dma_start3A_309 = tpu.memref_squeeze %dma_start3A_308 : memref<1x256x16xi32, #tpu.memory_space<vmem_shared>> -> memref<256x16xi32, #tpu.memory_space<vmem_shared>>
        tpu.enqueue_dma source(%dma_start3A_309 : memref<256x16xi32, #tpu.memory_space<vmem_shared>>) target(%dma_start3A_305 : memref<256x16xi32, #tpu.memory_space<vmem>>) target_semaphore(%run_scoped3A_293 : memref<!tpu.dma_semaphore, #tpu.memory_space<semaphore_mem>>)
        %dma_wait3A_310 = arith.constant 0 : i32
        %dma_wait3A_311 = arith.constant 0 : i32
        %dma_wait3A_312 = tpu.memref_slice %arg9[%run_scoped3A_236, %dma_wait3A_310, %dma_wait3A_311] : memref<2x256x16xi32, #tpu.memory_space<vmem>> -> memref<1x256x16xi32, #tpu.memory_space<vmem>>
        %dma_wait3A_313 = tpu.memref_squeeze %dma_wait3A_312 : memref<1x256x16xi32, #tpu.memory_space<vmem>> -> memref<256x16xi32, #tpu.memory_space<vmem>>
        %dma_wait3A_314 = arith.constant 0 : i32
        %dma_wait3A_315 = arith.constant 0 : i32
        %dma_wait3A_316 = tpu.memref_slice %arg13[%run_scoped3A_235, %dma_wait3A_314, %dma_wait3A_315] : memref<26x256x16xi32, #tpu.memory_space<vmem_shared>> -> memref<1x256x16xi32, #tpu.memory_space<vmem_shared>>
        %dma_wait3A_317 = tpu.memref_squeeze %dma_wait3A_316 : memref<1x256x16xi32, #tpu.memory_space<vmem_shared>> -> memref<256x16xi32, #tpu.memory_space<vmem_shared>>
        %dma_wait3A_318 = arith.constant 0 : i32
        %dma_wait3A_319 = arith.constant 0 : i32
        %dma_wait3A_320 = tpu.memref_slice %arg9[%run_scoped3A_236, %dma_wait3A_318, %dma_wait3A_319] : memref<2x256x16xi32, #tpu.memory_space<vmem>> -> memref<1x256x16xi32, #tpu.memory_space<vmem>>
        %dma_wait3A_321 = tpu.memref_squeeze %dma_wait3A_320 : memref<1x256x16xi32, #tpu.memory_space<vmem>> -> memref<256x16xi32, #tpu.memory_space<vmem>>
        %dma_wait3A_322 = arith.constant 0 : i32
        %dma_wait3A_323 = arith.constant 0 : i32
        %dma_wait3A_324 = tpu.memref_slice %arg13[%run_scoped3A_235, %dma_wait3A_322, %dma_wait3A_323] : memref<26x256x16xi32, #tpu.memory_space<vmem_shared>> -> memref<1x256x16xi32, #tpu.memory_space<vmem_shared>>
        %dma_wait3A_325 = tpu.memref_squeeze %dma_wait3A_324 : memref<1x256x16xi32, #tpu.memory_space<vmem_shared>> -> memref<256x16xi32, #tpu.memory_space<vmem_shared>>
        tpu.wait_dma2 semaphore(%run_scoped3A_293 : memref<!tpu.dma_semaphore, #tpu.memory_space<semaphore_mem>>) src(%dma_wait3A_325 : memref<256x16xi32, #tpu.memory_space<vmem_shared>>) dst(%dma_wait3A_321 : memref<256x16xi32, #tpu.memory_space<vmem>>)
        tpu.yield
      }) : () -> ()
      %scan3A_237 = arith.constant 0 : i32
      %scan3A_238 = arith.constant 0 : i32
      %scan3A_239 = arith.constant 256 : i32
      %scan3A_240 = arith.addi %scan3A_238, %scan3A_239 : i32
      %scan3A_241 = arith.constant 1 : i32
      scf.for %scan3A_293 = %scan3A_238 to %scan3A_240 step %scan3A_241  : i32 {
        %get3A_294 = arith.constant 0 : i32
        %get3A_295 = arith.index_cast %get3A_294 : i32 to index
        %get3A_296 = arith.index_cast %scan3A_293 : i32 to index
        %get3A_297 = arith.constant 0 : index
        %get3A_298 = tpu.vector_load %arg9[%get3A_295, %get3A_296, %get3A_297] {strides = array<i32>} : memref<2x256x16xi32, #tpu.memory_space<vmem>>, vector<16xi32>,
        %get3A_299 = arith.constant 0 : i32
        %get3A_300 = arith.index_cast %get3A_299 : i32 to index
        %get3A_301 = arith.index_cast %scan3A_293 : i32 to index
        %get3A_302 = arith.constant 0 : index
        %get3A_303 = tpu.vector_load %arg10[%get3A_300, %get3A_301, %get3A_302] {strides = array<i32>} : memref<2x256x16xf32, #tpu.memory_space<vmem>>, vector<16xf32>,
        %gather3A = tpu.vector_load_idx %arg8[%get3A_298] : memref<100000xf32, #tpu.memory_space<vmem>>[vector<16xi32>], vector<16xf32>,
        %add3A_304 = arith.addf %get3A_303, %gather3A : vector<16xf32>
        %swap3A = arith.constant 0 : i32
        %swap3A_305 = arith.index_cast %swap3A : i32 to index
        %swap3A_306 = arith.index_cast %scan3A_293 : i32 to index
        %swap3A_307 = arith.constant 0 : index
        %swap3A_308 = tpu.vector_load %arg10[%swap3A_305, %swap3A_306, %swap3A_307] {strides = array<i32>} : memref<2x256x16xf32, #tpu.memory_space<vmem>>, vector<16xf32>,
        tpu.vector_store %arg10[%swap3A_305, %swap3A_306, %swap3A_307], %add3A_304 {strides = array<i32>} : memref<2x256x16xf32, #tpu.memory_space<vmem>>, vector<16xf32>,
      }
      %scan3A_242 = arith.constant 256 : i32
      %run_scoped3A_243 = arith.constant 20 : i32
      %run_scoped3A_244 = arith.constant 0 : i32
      "tpu.region"() ({
        %run_scoped3A_293 = tpu.sem_alloc : memref<!tpu.dma_semaphore, #tpu.memory_space<semaphore_mem>>
        %dma_start3A_294 = arith.constant 0 : i32
        %dma_start3A_295 = arith.constant 0 : i32
        %dma_start3A_296 = tpu.memref_slice %arg9[%run_scoped3A_244, %dma_start3A_294, %dma_start3A_295] : memref<2x256x16xi32, #tpu.memory_space<vmem>> -> memref<1x256x16xi32, #tpu.memory_space<vmem>>
        %dma_start3A_297 = tpu.memref_squeeze %dma_start3A_296 : memref<1x256x16xi32, #tpu.memory_space<vmem>> -> memref<256x16xi32, #tpu.memory_space<vmem>>
        %dma_start3A_298 = arith.constant 0 : i32
        %dma_start3A_299 = arith.constant 0 : i32
        %dma_start3A_300 = tpu.memref_slice %arg13[%run_scoped3A_243, %dma_start3A_298, %dma_start3A_299] : memref<26x256x16xi32, #tpu.memory_space<vmem_shared>> -> memref<1x256x16xi32, #tpu.memory_space<vmem_shared>>
        %dma_start3A_301 = tpu.memref_squeeze %dma_start3A_300 : memref<1x256x16xi32, #tpu.memory_space<vmem_shared>> -> memref<256x16xi32, #tpu.memory_space<vmem_shared>>
        %dma_start3A_302 = arith.constant 0 : i32
        %dma_start3A_303 = arith.constant 0 : i32
        %dma_start3A_304 = tpu.memref_slice %arg9[%run_scoped3A_244, %dma_start3A_302, %dma_start3A_303] : memref<2x256x16xi32, #tpu.memory_space<vmem>> -> memref<1x256x16xi32, #tpu.memory_space<vmem>>
        %dma_start3A_305 = tpu.memref_squeeze %dma_start3A_304 : memref<1x256x16xi32, #tpu.memory_space<vmem>> -> memref<256x16xi32, #tpu.memory_space<vmem>>
        %dma_start3A_306 = arith.constant 0 : i32
        %dma_start3A_307 = arith.constant 0 : i32
        %dma_start3A_308 = tpu.memref_slice %arg13[%run_scoped3A_243, %dma_start3A_306, %dma_start3A_307] : memref<26x256x16xi32, #tpu.memory_space<vmem_shared>> -> memref<1x256x16xi32, #tpu.memory_space<vmem_shared>>
        %dma_start3A_309 = tpu.memref_squeeze %dma_start3A_308 : memref<1x256x16xi32, #tpu.memory_space<vmem_shared>> -> memref<256x16xi32, #tpu.memory_space<vmem_shared>>
        tpu.enqueue_dma source(%dma_start3A_309 : memref<256x16xi32, #tpu.memory_space<vmem_shared>>) target(%dma_start3A_305 : memref<256x16xi32, #tpu.memory_space<vmem>>) target_semaphore(%run_scoped3A_293 : memref<!tpu.dma_semaphore, #tpu.memory_space<semaphore_mem>>)
        %dma_wait3A_310 = arith.constant 0 : i32
        %dma_wait3A_311 = arith.constant 0 : i32
        %dma_wait3A_312 = tpu.memref_slice %arg9[%run_scoped3A_244, %dma_wait3A_310, %dma_wait3A_311] : memref<2x256x16xi32, #tpu.memory_space<vmem>> -> memref<1x256x16xi32, #tpu.memory_space<vmem>>
        %dma_wait3A_313 = tpu.memref_squeeze %dma_wait3A_312 : memref<1x256x16xi32, #tpu.memory_space<vmem>> -> memref<256x16xi32, #tpu.memory_space<vmem>>
        %dma_wait3A_314 = arith.constant 0 : i32
        %dma_wait3A_315 = arith.constant 0 : i32
        %dma_wait3A_316 = tpu.memref_slice %arg13[%run_scoped3A_243, %dma_wait3A_314, %dma_wait3A_315] : memref<26x256x16xi32, #tpu.memory_space<vmem_shared>> -> memref<1x256x16xi32, #tpu.memory_space<vmem_shared>>
        %dma_wait3A_317 = tpu.memref_squeeze %dma_wait3A_316 : memref<1x256x16xi32, #tpu.memory_space<vmem_shared>> -> memref<256x16xi32, #tpu.memory_space<vmem_shared>>
        %dma_wait3A_318 = arith.constant 0 : i32
        %dma_wait3A_319 = arith.constant 0 : i32
        %dma_wait3A_320 = tpu.memref_slice %arg9[%run_scoped3A_244, %dma_wait3A_318, %dma_wait3A_319] : memref<2x256x16xi32, #tpu.memory_space<vmem>> -> memref<1x256x16xi32, #tpu.memory_space<vmem>>
        %dma_wait3A_321 = tpu.memref_squeeze %dma_wait3A_320 : memref<1x256x16xi32, #tpu.memory_space<vmem>> -> memref<256x16xi32, #tpu.memory_space<vmem>>
        %dma_wait3A_322 = arith.constant 0 : i32
        %dma_wait3A_323 = arith.constant 0 : i32
        %dma_wait3A_324 = tpu.memref_slice %arg13[%run_scoped3A_243, %dma_wait3A_322, %dma_wait3A_323] : memref<26x256x16xi32, #tpu.memory_space<vmem_shared>> -> memref<1x256x16xi32, #tpu.memory_space<vmem_shared>>
        %dma_wait3A_325 = tpu.memref_squeeze %dma_wait3A_324 : memref<1x256x16xi32, #tpu.memory_space<vmem_shared>> -> memref<256x16xi32, #tpu.memory_space<vmem_shared>>
        tpu.wait_dma2 semaphore(%run_scoped3A_293 : memref<!tpu.dma_semaphore, #tpu.memory_space<semaphore_mem>>) src(%dma_wait3A_325 : memref<256x16xi32, #tpu.memory_space<vmem_shared>>) dst(%dma_wait3A_321 : memref<256x16xi32, #tpu.memory_space<vmem>>)
        tpu.yield
      }) : () -> ()
      %scan3A_245 = arith.constant 0 : i32
      %scan3A_246 = arith.constant 0 : i32
      %scan3A_247 = arith.constant 256 : i32
      %scan3A_248 = arith.addi %scan3A_246, %scan3A_247 : i32
      %scan3A_249 = arith.constant 1 : i32
      scf.for %scan3A_293 = %scan3A_246 to %scan3A_248 step %scan3A_249  : i32 {
        %get3A_294 = arith.constant 0 : i32
        %get3A_295 = arith.index_cast %get3A_294 : i32 to index
        %get3A_296 = arith.index_cast %scan3A_293 : i32 to index
        %get3A_297 = arith.constant 0 : index
        %get3A_298 = tpu.vector_load %arg9[%get3A_295, %get3A_296, %get3A_297] {strides = array<i32>} : memref<2x256x16xi32, #tpu.memory_space<vmem>>, vector<16xi32>,
        %get3A_299 = arith.constant 0 : i32
        %get3A_300 = arith.index_cast %get3A_299 : i32 to index
        %get3A_301 = arith.index_cast %scan3A_293 : i32 to index
        %get3A_302 = arith.constant 0 : index
        %get3A_303 = tpu.vector_load %arg10[%get3A_300, %get3A_301, %get3A_302] {strides = array<i32>} : memref<2x256x16xf32, #tpu.memory_space<vmem>>, vector<16xf32>,
        %gather3A = tpu.vector_load_idx %arg8[%get3A_298] : memref<100000xf32, #tpu.memory_space<vmem>>[vector<16xi32>], vector<16xf32>,
        %add3A_304 = arith.addf %get3A_303, %gather3A : vector<16xf32>
        %swap3A = arith.constant 0 : i32
        %swap3A_305 = arith.index_cast %swap3A : i32 to index
        %swap3A_306 = arith.index_cast %scan3A_293 : i32 to index
        %swap3A_307 = arith.constant 0 : index
        %swap3A_308 = tpu.vector_load %arg10[%swap3A_305, %swap3A_306, %swap3A_307] {strides = array<i32>} : memref<2x256x16xf32, #tpu.memory_space<vmem>>, vector<16xf32>,
        tpu.vector_store %arg10[%swap3A_305, %swap3A_306, %swap3A_307], %add3A_304 {strides = array<i32>} : memref<2x256x16xf32, #tpu.memory_space<vmem>>, vector<16xf32>,
      }
      %scan3A_250 = arith.constant 256 : i32
      %run_scoped3A_251 = arith.constant 21 : i32
      %run_scoped3A_252 = arith.constant 0 : i32
      "tpu.region"() ({
        %run_scoped3A_293 = tpu.sem_alloc : memref<!tpu.dma_semaphore, #tpu.memory_space<semaphore_mem>>
        %dma_start3A_294 = arith.constant 0 : i32
        %dma_start3A_295 = arith.constant 0 : i32
        %dma_start3A_296 = tpu.memref_slice %arg9[%run_scoped3A_252, %dma_start3A_294, %dma_start3A_295] : memref<2x256x16xi32, #tpu.memory_space<vmem>> -> memref<1x256x16xi32, #tpu.memory_space<vmem>>
        %dma_start3A_297 = tpu.memref_squeeze %dma_start3A_296 : memref<1x256x16xi32, #tpu.memory_space<vmem>> -> memref<256x16xi32, #tpu.memory_space<vmem>>
        %dma_start3A_298 = arith.constant 0 : i32
        %dma_start3A_299 = arith.constant 0 : i32
        %dma_start3A_300 = tpu.memref_slice %arg13[%run_scoped3A_251, %dma_start3A_298, %dma_start3A_299] : memref<26x256x16xi32, #tpu.memory_space<vmem_shared>> -> memref<1x256x16xi32, #tpu.memory_space<vmem_shared>>
        %dma_start3A_301 = tpu.memref_squeeze %dma_start3A_300 : memref<1x256x16xi32, #tpu.memory_space<vmem_shared>> -> memref<256x16xi32, #tpu.memory_space<vmem_shared>>
        %dma_start3A_302 = arith.constant 0 : i32
        %dma_start3A_303 = arith.constant 0 : i32
        %dma_start3A_304 = tpu.memref_slice %arg9[%run_scoped3A_252, %dma_start3A_302, %dma_start3A_303] : memref<2x256x16xi32, #tpu.memory_space<vmem>> -> memref<1x256x16xi32, #tpu.memory_space<vmem>>
        %dma_start3A_305 = tpu.memref_squeeze %dma_start3A_304 : memref<1x256x16xi32, #tpu.memory_space<vmem>> -> memref<256x16xi32, #tpu.memory_space<vmem>>
        %dma_start3A_306 = arith.constant 0 : i32
        %dma_start3A_307 = arith.constant 0 : i32
        %dma_start3A_308 = tpu.memref_slice %arg13[%run_scoped3A_251, %dma_start3A_306, %dma_start3A_307] : memref<26x256x16xi32, #tpu.memory_space<vmem_shared>> -> memref<1x256x16xi32, #tpu.memory_space<vmem_shared>>
        %dma_start3A_309 = tpu.memref_squeeze %dma_start3A_308 : memref<1x256x16xi32, #tpu.memory_space<vmem_shared>> -> memref<256x16xi32, #tpu.memory_space<vmem_shared>>
        tpu.enqueue_dma source(%dma_start3A_309 : memref<256x16xi32, #tpu.memory_space<vmem_shared>>) target(%dma_start3A_305 : memref<256x16xi32, #tpu.memory_space<vmem>>) target_semaphore(%run_scoped3A_293 : memref<!tpu.dma_semaphore, #tpu.memory_space<semaphore_mem>>)
        %dma_wait3A_310 = arith.constant 0 : i32
        %dma_wait3A_311 = arith.constant 0 : i32
        %dma_wait3A_312 = tpu.memref_slice %arg9[%run_scoped3A_252, %dma_wait3A_310, %dma_wait3A_311] : memref<2x256x16xi32, #tpu.memory_space<vmem>> -> memref<1x256x16xi32, #tpu.memory_space<vmem>>
        %dma_wait3A_313 = tpu.memref_squeeze %dma_wait3A_312 : memref<1x256x16xi32, #tpu.memory_space<vmem>> -> memref<256x16xi32, #tpu.memory_space<vmem>>
        %dma_wait3A_314 = arith.constant 0 : i32
        %dma_wait3A_315 = arith.constant 0 : i32
        %dma_wait3A_316 = tpu.memref_slice %arg13[%run_scoped3A_251, %dma_wait3A_314, %dma_wait3A_315] : memref<26x256x16xi32, #tpu.memory_space<vmem_shared>> -> memref<1x256x16xi32, #tpu.memory_space<vmem_shared>>
        %dma_wait3A_317 = tpu.memref_squeeze %dma_wait3A_316 : memref<1x256x16xi32, #tpu.memory_space<vmem_shared>> -> memref<256x16xi32, #tpu.memory_space<vmem_shared>>
        %dma_wait3A_318 = arith.constant 0 : i32
        %dma_wait3A_319 = arith.constant 0 : i32
        %dma_wait3A_320 = tpu.memref_slice %arg9[%run_scoped3A_252, %dma_wait3A_318, %dma_wait3A_319] : memref<2x256x16xi32, #tpu.memory_space<vmem>> -> memref<1x256x16xi32, #tpu.memory_space<vmem>>
        %dma_wait3A_321 = tpu.memref_squeeze %dma_wait3A_320 : memref<1x256x16xi32, #tpu.memory_space<vmem>> -> memref<256x16xi32, #tpu.memory_space<vmem>>
        %dma_wait3A_322 = arith.constant 0 : i32
        %dma_wait3A_323 = arith.constant 0 : i32
        %dma_wait3A_324 = tpu.memref_slice %arg13[%run_scoped3A_251, %dma_wait3A_322, %dma_wait3A_323] : memref<26x256x16xi32, #tpu.memory_space<vmem_shared>> -> memref<1x256x16xi32, #tpu.memory_space<vmem_shared>>
        %dma_wait3A_325 = tpu.memref_squeeze %dma_wait3A_324 : memref<1x256x16xi32, #tpu.memory_space<vmem_shared>> -> memref<256x16xi32, #tpu.memory_space<vmem_shared>>
        tpu.wait_dma2 semaphore(%run_scoped3A_293 : memref<!tpu.dma_semaphore, #tpu.memory_space<semaphore_mem>>) src(%dma_wait3A_325 : memref<256x16xi32, #tpu.memory_space<vmem_shared>>) dst(%dma_wait3A_321 : memref<256x16xi32, #tpu.memory_space<vmem>>)
        tpu.yield
      }) : () -> ()
      %scan3A_253 = arith.constant 0 : i32
      %scan3A_254 = arith.constant 0 : i32
      %scan3A_255 = arith.constant 256 : i32
      %scan3A_256 = arith.addi %scan3A_254, %scan3A_255 : i32
      %scan3A_257 = arith.constant 1 : i32
      scf.for %scan3A_293 = %scan3A_254 to %scan3A_256 step %scan3A_257  : i32 {
        %get3A_294 = arith.constant 0 : i32
        %get3A_295 = arith.index_cast %get3A_294 : i32 to index
        %get3A_296 = arith.index_cast %scan3A_293 : i32 to index
        %get3A_297 = arith.constant 0 : index
        %get3A_298 = tpu.vector_load %arg9[%get3A_295, %get3A_296, %get3A_297] {strides = array<i32>} : memref<2x256x16xi32, #tpu.memory_space<vmem>>, vector<16xi32>,
        %get3A_299 = arith.constant 0 : i32
        %get3A_300 = arith.index_cast %get3A_299 : i32 to index
        %get3A_301 = arith.index_cast %scan3A_293 : i32 to index
        %get3A_302 = arith.constant 0 : index
        %get3A_303 = tpu.vector_load %arg10[%get3A_300, %get3A_301, %get3A_302] {strides = array<i32>} : memref<2x256x16xf32, #tpu.memory_space<vmem>>, vector<16xf32>,
        %gather3A = tpu.vector_load_idx %arg8[%get3A_298] : memref<100000xf32, #tpu.memory_space<vmem>>[vector<16xi32>], vector<16xf32>,
        %add3A_304 = arith.addf %get3A_303, %gather3A : vector<16xf32>
        %swap3A = arith.constant 0 : i32
        %swap3A_305 = arith.index_cast %swap3A : i32 to index
        %swap3A_306 = arith.index_cast %scan3A_293 : i32 to index
        %swap3A_307 = arith.constant 0 : index
        %swap3A_308 = tpu.vector_load %arg10[%swap3A_305, %swap3A_306, %swap3A_307] {strides = array<i32>} : memref<2x256x16xf32, #tpu.memory_space<vmem>>, vector<16xf32>,
        tpu.vector_store %arg10[%swap3A_305, %swap3A_306, %swap3A_307], %add3A_304 {strides = array<i32>} : memref<2x256x16xf32, #tpu.memory_space<vmem>>, vector<16xf32>,
      }
      %scan3A_258 = arith.constant 256 : i32
      %run_scoped3A_259 = arith.constant 22 : i32
      %run_scoped3A_260 = arith.constant 0 : i32
      "tpu.region"() ({
        %run_scoped3A_293 = tpu.sem_alloc : memref<!tpu.dma_semaphore, #tpu.memory_space<semaphore_mem>>
        %dma_start3A_294 = arith.constant 0 : i32
        %dma_start3A_295 = arith.constant 0 : i32
        %dma_start3A_296 = tpu.memref_slice %arg9[%run_scoped3A_260, %dma_start3A_294, %dma_start3A_295] : memref<2x256x16xi32, #tpu.memory_space<vmem>> -> memref<1x256x16xi32, #tpu.memory_space<vmem>>
        %dma_start3A_297 = tpu.memref_squeeze %dma_start3A_296 : memref<1x256x16xi32, #tpu.memory_space<vmem>> -> memref<256x16xi32, #tpu.memory_space<vmem>>
        %dma_start3A_298 = arith.constant 0 : i32
        %dma_start3A_299 = arith.constant 0 : i32
        %dma_start3A_300 = tpu.memref_slice %arg13[%run_scoped3A_259, %dma_start3A_298, %dma_start3A_299] : memref<26x256x16xi32, #tpu.memory_space<vmem_shared>> -> memref<1x256x16xi32, #tpu.memory_space<vmem_shared>>
        %dma_start3A_301 = tpu.memref_squeeze %dma_start3A_300 : memref<1x256x16xi32, #tpu.memory_space<vmem_shared>> -> memref<256x16xi32, #tpu.memory_space<vmem_shared>>
        %dma_start3A_302 = arith.constant 0 : i32
        %dma_start3A_303 = arith.constant 0 : i32
        %dma_start3A_304 = tpu.memref_slice %arg9[%run_scoped3A_260, %dma_start3A_302, %dma_start3A_303] : memref<2x256x16xi32, #tpu.memory_space<vmem>> -> memref<1x256x16xi32, #tpu.memory_space<vmem>>
        %dma_start3A_305 = tpu.memref_squeeze %dma_start3A_304 : memref<1x256x16xi32, #tpu.memory_space<vmem>> -> memref<256x16xi32, #tpu.memory_space<vmem>>
        %dma_start3A_306 = arith.constant 0 : i32
        %dma_start3A_307 = arith.constant 0 : i32
        %dma_start3A_308 = tpu.memref_slice %arg13[%run_scoped3A_259, %dma_start3A_306, %dma_start3A_307] : memref<26x256x16xi32, #tpu.memory_space<vmem_shared>> -> memref<1x256x16xi32, #tpu.memory_space<vmem_shared>>
        %dma_start3A_309 = tpu.memref_squeeze %dma_start3A_308 : memref<1x256x16xi32, #tpu.memory_space<vmem_shared>> -> memref<256x16xi32, #tpu.memory_space<vmem_shared>>
        tpu.enqueue_dma source(%dma_start3A_309 : memref<256x16xi32, #tpu.memory_space<vmem_shared>>) target(%dma_start3A_305 : memref<256x16xi32, #tpu.memory_space<vmem>>) target_semaphore(%run_scoped3A_293 : memref<!tpu.dma_semaphore, #tpu.memory_space<semaphore_mem>>)
        %dma_wait3A_310 = arith.constant 0 : i32
        %dma_wait3A_311 = arith.constant 0 : i32
        %dma_wait3A_312 = tpu.memref_slice %arg9[%run_scoped3A_260, %dma_wait3A_310, %dma_wait3A_311] : memref<2x256x16xi32, #tpu.memory_space<vmem>> -> memref<1x256x16xi32, #tpu.memory_space<vmem>>
        %dma_wait3A_313 = tpu.memref_squeeze %dma_wait3A_312 : memref<1x256x16xi32, #tpu.memory_space<vmem>> -> memref<256x16xi32, #tpu.memory_space<vmem>>
        %dma_wait3A_314 = arith.constant 0 : i32
        %dma_wait3A_315 = arith.constant 0 : i32
        %dma_wait3A_316 = tpu.memref_slice %arg13[%run_scoped3A_259, %dma_wait3A_314, %dma_wait3A_315] : memref<26x256x16xi32, #tpu.memory_space<vmem_shared>> -> memref<1x256x16xi32, #tpu.memory_space<vmem_shared>>
        %dma_wait3A_317 = tpu.memref_squeeze %dma_wait3A_316 : memref<1x256x16xi32, #tpu.memory_space<vmem_shared>> -> memref<256x16xi32, #tpu.memory_space<vmem_shared>>
        %dma_wait3A_318 = arith.constant 0 : i32
        %dma_wait3A_319 = arith.constant 0 : i32
        %dma_wait3A_320 = tpu.memref_slice %arg9[%run_scoped3A_260, %dma_wait3A_318, %dma_wait3A_319] : memref<2x256x16xi32, #tpu.memory_space<vmem>> -> memref<1x256x16xi32, #tpu.memory_space<vmem>>
        %dma_wait3A_321 = tpu.memref_squeeze %dma_wait3A_320 : memref<1x256x16xi32, #tpu.memory_space<vmem>> -> memref<256x16xi32, #tpu.memory_space<vmem>>
        %dma_wait3A_322 = arith.constant 0 : i32
        %dma_wait3A_323 = arith.constant 0 : i32
        %dma_wait3A_324 = tpu.memref_slice %arg13[%run_scoped3A_259, %dma_wait3A_322, %dma_wait3A_323] : memref<26x256x16xi32, #tpu.memory_space<vmem_shared>> -> memref<1x256x16xi32, #tpu.memory_space<vmem_shared>>
        %dma_wait3A_325 = tpu.memref_squeeze %dma_wait3A_324 : memref<1x256x16xi32, #tpu.memory_space<vmem_shared>> -> memref<256x16xi32, #tpu.memory_space<vmem_shared>>
        tpu.wait_dma2 semaphore(%run_scoped3A_293 : memref<!tpu.dma_semaphore, #tpu.memory_space<semaphore_mem>>) src(%dma_wait3A_325 : memref<256x16xi32, #tpu.memory_space<vmem_shared>>) dst(%dma_wait3A_321 : memref<256x16xi32, #tpu.memory_space<vmem>>)
        tpu.yield
      }) : () -> ()
      %scan3A_261 = arith.constant 0 : i32
      %scan3A_262 = arith.constant 0 : i32
      %scan3A_263 = arith.constant 256 : i32
      %scan3A_264 = arith.addi %scan3A_262, %scan3A_263 : i32
      %scan3A_265 = arith.constant 1 : i32
      scf.for %scan3A_293 = %scan3A_262 to %scan3A_264 step %scan3A_265  : i32 {
        %get3A_294 = arith.constant 0 : i32
        %get3A_295 = arith.index_cast %get3A_294 : i32 to index
        %get3A_296 = arith.index_cast %scan3A_293 : i32 to index
        %get3A_297 = arith.constant 0 : index
        %get3A_298 = tpu.vector_load %arg9[%get3A_295, %get3A_296, %get3A_297] {strides = array<i32>} : memref<2x256x16xi32, #tpu.memory_space<vmem>>, vector<16xi32>,
        %get3A_299 = arith.constant 0 : i32
        %get3A_300 = arith.index_cast %get3A_299 : i32 to index
        %get3A_301 = arith.index_cast %scan3A_293 : i32 to index
        %get3A_302 = arith.constant 0 : index
        %get3A_303 = tpu.vector_load %arg10[%get3A_300, %get3A_301, %get3A_302] {strides = array<i32>} : memref<2x256x16xf32, #tpu.memory_space<vmem>>, vector<16xf32>,
        %gather3A = tpu.vector_load_idx %arg8[%get3A_298] : memref<100000xf32, #tpu.memory_space<vmem>>[vector<16xi32>], vector<16xf32>,
        %add3A_304 = arith.addf %get3A_303, %gather3A : vector<16xf32>
        %swap3A = arith.constant 0 : i32
        %swap3A_305 = arith.index_cast %swap3A : i32 to index
        %swap3A_306 = arith.index_cast %scan3A_293 : i32 to index
        %swap3A_307 = arith.constant 0 : index
        %swap3A_308 = tpu.vector_load %arg10[%swap3A_305, %swap3A_306, %swap3A_307] {strides = array<i32>} : memref<2x256x16xf32, #tpu.memory_space<vmem>>, vector<16xf32>,
        tpu.vector_store %arg10[%swap3A_305, %swap3A_306, %swap3A_307], %add3A_304 {strides = array<i32>} : memref<2x256x16xf32, #tpu.memory_space<vmem>>, vector<16xf32>,
      }
      %scan3A_266 = arith.constant 256 : i32
      %run_scoped3A_267 = arith.constant 23 : i32
      %run_scoped3A_268 = arith.constant 0 : i32
      "tpu.region"() ({
        %run_scoped3A_293 = tpu.sem_alloc : memref<!tpu.dma_semaphore, #tpu.memory_space<semaphore_mem>>
        %dma_start3A_294 = arith.constant 0 : i32
        %dma_start3A_295 = arith.constant 0 : i32
        %dma_start3A_296 = tpu.memref_slice %arg9[%run_scoped3A_268, %dma_start3A_294, %dma_start3A_295] : memref<2x256x16xi32, #tpu.memory_space<vmem>> -> memref<1x256x16xi32, #tpu.memory_space<vmem>>
        %dma_start3A_297 = tpu.memref_squeeze %dma_start3A_296 : memref<1x256x16xi32, #tpu.memory_space<vmem>> -> memref<256x16xi32, #tpu.memory_space<vmem>>
        %dma_start3A_298 = arith.constant 0 : i32
        %dma_start3A_299 = arith.constant 0 : i32
        %dma_start3A_300 = tpu.memref_slice %arg13[%run_scoped3A_267, %dma_start3A_298, %dma_start3A_299] : memref<26x256x16xi32, #tpu.memory_space<vmem_shared>> -> memref<1x256x16xi32, #tpu.memory_space<vmem_shared>>
        %dma_start3A_301 = tpu.memref_squeeze %dma_start3A_300 : memref<1x256x16xi32, #tpu.memory_space<vmem_shared>> -> memref<256x16xi32, #tpu.memory_space<vmem_shared>>
        %dma_start3A_302 = arith.constant 0 : i32
        %dma_start3A_303 = arith.constant 0 : i32
        %dma_start3A_304 = tpu.memref_slice %arg9[%run_scoped3A_268, %dma_start3A_302, %dma_start3A_303] : memref<2x256x16xi32, #tpu.memory_space<vmem>> -> memref<1x256x16xi32, #tpu.memory_space<vmem>>
        %dma_start3A_305 = tpu.memref_squeeze %dma_start3A_304 : memref<1x256x16xi32, #tpu.memory_space<vmem>> -> memref<256x16xi32, #tpu.memory_space<vmem>>
        %dma_start3A_306 = arith.constant 0 : i32
        %dma_start3A_307 = arith.constant 0 : i32
        %dma_start3A_308 = tpu.memref_slice %arg13[%run_scoped3A_267, %dma_start3A_306, %dma_start3A_307] : memref<26x256x16xi32, #tpu.memory_space<vmem_shared>> -> memref<1x256x16xi32, #tpu.memory_space<vmem_shared>>
        %dma_start3A_309 = tpu.memref_squeeze %dma_start3A_308 : memref<1x256x16xi32, #tpu.memory_space<vmem_shared>> -> memref<256x16xi32, #tpu.memory_space<vmem_shared>>
        tpu.enqueue_dma source(%dma_start3A_309 : memref<256x16xi32, #tpu.memory_space<vmem_shared>>) target(%dma_start3A_305 : memref<256x16xi32, #tpu.memory_space<vmem>>) target_semaphore(%run_scoped3A_293 : memref<!tpu.dma_semaphore, #tpu.memory_space<semaphore_mem>>)
        %dma_wait3A_310 = arith.constant 0 : i32
        %dma_wait3A_311 = arith.constant 0 : i32
        %dma_wait3A_312 = tpu.memref_slice %arg9[%run_scoped3A_268, %dma_wait3A_310, %dma_wait3A_311] : memref<2x256x16xi32, #tpu.memory_space<vmem>> -> memref<1x256x16xi32, #tpu.memory_space<vmem>>
        %dma_wait3A_313 = tpu.memref_squeeze %dma_wait3A_312 : memref<1x256x16xi32, #tpu.memory_space<vmem>> -> memref<256x16xi32, #tpu.memory_space<vmem>>
        %dma_wait3A_314 = arith.constant 0 : i32
        %dma_wait3A_315 = arith.constant 0 : i32
        %dma_wait3A_316 = tpu.memref_slice %arg13[%run_scoped3A_267, %dma_wait3A_314, %dma_wait3A_315] : memref<26x256x16xi32, #tpu.memory_space<vmem_shared>> -> memref<1x256x16xi32, #tpu.memory_space<vmem_shared>>
        %dma_wait3A_317 = tpu.memref_squeeze %dma_wait3A_316 : memref<1x256x16xi32, #tpu.memory_space<vmem_shared>> -> memref<256x16xi32, #tpu.memory_space<vmem_shared>>
        %dma_wait3A_318 = arith.constant 0 : i32
        %dma_wait3A_319 = arith.constant 0 : i32
        %dma_wait3A_320 = tpu.memref_slice %arg9[%run_scoped3A_268, %dma_wait3A_318, %dma_wait3A_319] : memref<2x256x16xi32, #tpu.memory_space<vmem>> -> memref<1x256x16xi32, #tpu.memory_space<vmem>>
        %dma_wait3A_321 = tpu.memref_squeeze %dma_wait3A_320 : memref<1x256x16xi32, #tpu.memory_space<vmem>> -> memref<256x16xi32, #tpu.memory_space<vmem>>
        %dma_wait3A_322 = arith.constant 0 : i32
        %dma_wait3A_323 = arith.constant 0 : i32
        %dma_wait3A_324 = tpu.memref_slice %arg13[%run_scoped3A_267, %dma_wait3A_322, %dma_wait3A_323] : memref<26x256x16xi32, #tpu.memory_space<vmem_shared>> -> memref<1x256x16xi32, #tpu.memory_space<vmem_shared>>
        %dma_wait3A_325 = tpu.memref_squeeze %dma_wait3A_324 : memref<1x256x16xi32, #tpu.memory_space<vmem_shared>> -> memref<256x16xi32, #tpu.memory_space<vmem_shared>>
        tpu.wait_dma2 semaphore(%run_scoped3A_293 : memref<!tpu.dma_semaphore, #tpu.memory_space<semaphore_mem>>) src(%dma_wait3A_325 : memref<256x16xi32, #tpu.memory_space<vmem_shared>>) dst(%dma_wait3A_321 : memref<256x16xi32, #tpu.memory_space<vmem>>)
        tpu.yield
      }) : () -> ()
      %scan3A_269 = arith.constant 0 : i32
      %scan3A_270 = arith.constant 0 : i32
      %scan3A_271 = arith.constant 256 : i32
      %scan3A_272 = arith.addi %scan3A_270, %scan3A_271 : i32
      %scan3A_273 = arith.constant 1 : i32
      scf.for %scan3A_293 = %scan3A_270 to %scan3A_272 step %scan3A_273  : i32 {
        %get3A_294 = arith.constant 0 : i32
        %get3A_295 = arith.index_cast %get3A_294 : i32 to index
        %get3A_296 = arith.index_cast %scan3A_293 : i32 to index
        %get3A_297 = arith.constant 0 : index
        %get3A_298 = tpu.vector_load %arg9[%get3A_295, %get3A_296, %get3A_297] {strides = array<i32>} : memref<2x256x16xi32, #tpu.memory_space<vmem>>, vector<16xi32>,
        %get3A_299 = arith.constant 0 : i32
        %get3A_300 = arith.index_cast %get3A_299 : i32 to index
        %get3A_301 = arith.index_cast %scan3A_293 : i32 to index
        %get3A_302 = arith.constant 0 : index
        %get3A_303 = tpu.vector_load %arg10[%get3A_300, %get3A_301, %get3A_302] {strides = array<i32>} : memref<2x256x16xf32, #tpu.memory_space<vmem>>, vector<16xf32>,
        %gather3A = tpu.vector_load_idx %arg8[%get3A_298] : memref<100000xf32, #tpu.memory_space<vmem>>[vector<16xi32>], vector<16xf32>,
        %add3A_304 = arith.addf %get3A_303, %gather3A : vector<16xf32>
        %swap3A = arith.constant 0 : i32
        %swap3A_305 = arith.index_cast %swap3A : i32 to index
        %swap3A_306 = arith.index_cast %scan3A_293 : i32 to index
        %swap3A_307 = arith.constant 0 : index
        %swap3A_308 = tpu.vector_load %arg10[%swap3A_305, %swap3A_306, %swap3A_307] {strides = array<i32>} : memref<2x256x16xf32, #tpu.memory_space<vmem>>, vector<16xf32>,
        tpu.vector_store %arg10[%swap3A_305, %swap3A_306, %swap3A_307], %add3A_304 {strides = array<i32>} : memref<2x256x16xf32, #tpu.memory_space<vmem>>, vector<16xf32>,
      }
      %scan3A_274 = arith.constant 256 : i32
      %run_scoped3A_275 = arith.constant 24 : i32
      %run_scoped3A_276 = arith.constant 0 : i32
      "tpu.region"() ({
        %run_scoped3A_293 = tpu.sem_alloc : memref<!tpu.dma_semaphore, #tpu.memory_space<semaphore_mem>>
        %dma_start3A_294 = arith.constant 0 : i32
        %dma_start3A_295 = arith.constant 0 : i32
        %dma_start3A_296 = tpu.memref_slice %arg9[%run_scoped3A_276, %dma_start3A_294, %dma_start3A_295] : memref<2x256x16xi32, #tpu.memory_space<vmem>> -> memref<1x256x16xi32, #tpu.memory_space<vmem>>
        %dma_start3A_297 = tpu.memref_squeeze %dma_start3A_296 : memref<1x256x16xi32, #tpu.memory_space<vmem>> -> memref<256x16xi32, #tpu.memory_space<vmem>>
        %dma_start3A_298 = arith.constant 0 : i32
        %dma_start3A_299 = arith.constant 0 : i32
        %dma_start3A_300 = tpu.memref_slice %arg13[%run_scoped3A_275, %dma_start3A_298, %dma_start3A_299] : memref<26x256x16xi32, #tpu.memory_space<vmem_shared>> -> memref<1x256x16xi32, #tpu.memory_space<vmem_shared>>
        %dma_start3A_301 = tpu.memref_squeeze %dma_start3A_300 : memref<1x256x16xi32, #tpu.memory_space<vmem_shared>> -> memref<256x16xi32, #tpu.memory_space<vmem_shared>>
        %dma_start3A_302 = arith.constant 0 : i32
        %dma_start3A_303 = arith.constant 0 : i32
        %dma_start3A_304 = tpu.memref_slice %arg9[%run_scoped3A_276, %dma_start3A_302, %dma_start3A_303] : memref<2x256x16xi32, #tpu.memory_space<vmem>> -> memref<1x256x16xi32, #tpu.memory_space<vmem>>
        %dma_start3A_305 = tpu.memref_squeeze %dma_start3A_304 : memref<1x256x16xi32, #tpu.memory_space<vmem>> -> memref<256x16xi32, #tpu.memory_space<vmem>>
        %dma_start3A_306 = arith.constant 0 : i32
        %dma_start3A_307 = arith.constant 0 : i32
        %dma_start3A_308 = tpu.memref_slice %arg13[%run_scoped3A_275, %dma_start3A_306, %dma_start3A_307] : memref<26x256x16xi32, #tpu.memory_space<vmem_shared>> -> memref<1x256x16xi32, #tpu.memory_space<vmem_shared>>
        %dma_start3A_309 = tpu.memref_squeeze %dma_start3A_308 : memref<1x256x16xi32, #tpu.memory_space<vmem_shared>> -> memref<256x16xi32, #tpu.memory_space<vmem_shared>>
        tpu.enqueue_dma source(%dma_start3A_309 : memref<256x16xi32, #tpu.memory_space<vmem_shared>>) target(%dma_start3A_305 : memref<256x16xi32, #tpu.memory_space<vmem>>) target_semaphore(%run_scoped3A_293 : memref<!tpu.dma_semaphore, #tpu.memory_space<semaphore_mem>>)
        %dma_wait3A_310 = arith.constant 0 : i32
        %dma_wait3A_311 = arith.constant 0 : i32
        %dma_wait3A_312 = tpu.memref_slice %arg9[%run_scoped3A_276, %dma_wait3A_310, %dma_wait3A_311] : memref<2x256x16xi32, #tpu.memory_space<vmem>> -> memref<1x256x16xi32, #tpu.memory_space<vmem>>
        %dma_wait3A_313 = tpu.memref_squeeze %dma_wait3A_312 : memref<1x256x16xi32, #tpu.memory_space<vmem>> -> memref<256x16xi32, #tpu.memory_space<vmem>>
        %dma_wait3A_314 = arith.constant 0 : i32
        %dma_wait3A_315 = arith.constant 0 : i32
        %dma_wait3A_316 = tpu.memref_slice %arg13[%run_scoped3A_275, %dma_wait3A_314, %dma_wait3A_315] : memref<26x256x16xi32, #tpu.memory_space<vmem_shared>> -> memref<1x256x16xi32, #tpu.memory_space<vmem_shared>>
        %dma_wait3A_317 = tpu.memref_squeeze %dma_wait3A_316 : memref<1x256x16xi32, #tpu.memory_space<vmem_shared>> -> memref<256x16xi32, #tpu.memory_space<vmem_shared>>
        %dma_wait3A_318 = arith.constant 0 : i32
        %dma_wait3A_319 = arith.constant 0 : i32
        %dma_wait3A_320 = tpu.memref_slice %arg9[%run_scoped3A_276, %dma_wait3A_318, %dma_wait3A_319] : memref<2x256x16xi32, #tpu.memory_space<vmem>> -> memref<1x256x16xi32, #tpu.memory_space<vmem>>
        %dma_wait3A_321 = tpu.memref_squeeze %dma_wait3A_320 : memref<1x256x16xi32, #tpu.memory_space<vmem>> -> memref<256x16xi32, #tpu.memory_space<vmem>>
        %dma_wait3A_322 = arith.constant 0 : i32
        %dma_wait3A_323 = arith.constant 0 : i32
        %dma_wait3A_324 = tpu.memref_slice %arg13[%run_scoped3A_275, %dma_wait3A_322, %dma_wait3A_323] : memref<26x256x16xi32, #tpu.memory_space<vmem_shared>> -> memref<1x256x16xi32, #tpu.memory_space<vmem_shared>>
        %dma_wait3A_325 = tpu.memref_squeeze %dma_wait3A_324 : memref<1x256x16xi32, #tpu.memory_space<vmem_shared>> -> memref<256x16xi32, #tpu.memory_space<vmem_shared>>
        tpu.wait_dma2 semaphore(%run_scoped3A_293 : memref<!tpu.dma_semaphore, #tpu.memory_space<semaphore_mem>>) src(%dma_wait3A_325 : memref<256x16xi32, #tpu.memory_space<vmem_shared>>) dst(%dma_wait3A_321 : memref<256x16xi32, #tpu.memory_space<vmem>>)
        tpu.yield
      }) : () -> ()
      %scan3A_277 = arith.constant 0 : i32
      %scan3A_278 = arith.constant 0 : i32
      %scan3A_279 = arith.constant 256 : i32
      %scan3A_280 = arith.addi %scan3A_278, %scan3A_279 : i32
      %scan3A_281 = arith.constant 1 : i32
      scf.for %scan3A_293 = %scan3A_278 to %scan3A_280 step %scan3A_281  : i32 {
        %get3A_294 = arith.constant 0 : i32
        %get3A_295 = arith.index_cast %get3A_294 : i32 to index
        %get3A_296 = arith.index_cast %scan3A_293 : i32 to index
        %get3A_297 = arith.constant 0 : index
        %get3A_298 = tpu.vector_load %arg9[%get3A_295, %get3A_296, %get3A_297] {strides = array<i32>} : memref<2x256x16xi32, #tpu.memory_space<vmem>>, vector<16xi32>,
        %get3A_299 = arith.constant 0 : i32
        %get3A_300 = arith.index_cast %get3A_299 : i32 to index
        %get3A_301 = arith.index_cast %scan3A_293 : i32 to index
        %get3A_302 = arith.constant 0 : index
        %get3A_303 = tpu.vector_load %arg10[%get3A_300, %get3A_301, %get3A_302] {strides = array<i32>} : memref<2x256x16xf32, #tpu.memory_space<vmem>>, vector<16xf32>,
        %gather3A = tpu.vector_load_idx %arg8[%get3A_298] : memref<100000xf32, #tpu.memory_space<vmem>>[vector<16xi32>], vector<16xf32>,
        %add3A_304 = arith.addf %get3A_303, %gather3A : vector<16xf32>
        %swap3A = arith.constant 0 : i32
        %swap3A_305 = arith.index_cast %swap3A : i32 to index
        %swap3A_306 = arith.index_cast %scan3A_293 : i32 to index
        %swap3A_307 = arith.constant 0 : index
        %swap3A_308 = tpu.vector_load %arg10[%swap3A_305, %swap3A_306, %swap3A_307] {strides = array<i32>} : memref<2x256x16xf32, #tpu.memory_space<vmem>>, vector<16xf32>,
        tpu.vector_store %arg10[%swap3A_305, %swap3A_306, %swap3A_307], %add3A_304 {strides = array<i32>} : memref<2x256x16xf32, #tpu.memory_space<vmem>>, vector<16xf32>,
      }
      %scan3A_282 = arith.constant 256 : i32
      %run_scoped3A_283 = arith.constant 25 : i32
      %run_scoped3A_284 = arith.constant 0 : i32
      "tpu.region"() ({
        %run_scoped3A_293 = tpu.sem_alloc : memref<!tpu.dma_semaphore, #tpu.memory_space<semaphore_mem>>
        %dma_start3A_294 = arith.constant 0 : i32
        %dma_start3A_295 = arith.constant 0 : i32
        %dma_start3A_296 = tpu.memref_slice %arg9[%run_scoped3A_284, %dma_start3A_294, %dma_start3A_295] : memref<2x256x16xi32, #tpu.memory_space<vmem>> -> memref<1x256x16xi32, #tpu.memory_space<vmem>>
        %dma_start3A_297 = tpu.memref_squeeze %dma_start3A_296 : memref<1x256x16xi32, #tpu.memory_space<vmem>> -> memref<256x16xi32, #tpu.memory_space<vmem>>
        %dma_start3A_298 = arith.constant 0 : i32
        %dma_start3A_299 = arith.constant 0 : i32
        %dma_start3A_300 = tpu.memref_slice %arg13[%run_scoped3A_283, %dma_start3A_298, %dma_start3A_299] : memref<26x256x16xi32, #tpu.memory_space<vmem_shared>> -> memref<1x256x16xi32, #tpu.memory_space<vmem_shared>>
        %dma_start3A_301 = tpu.memref_squeeze %dma_start3A_300 : memref<1x256x16xi32, #tpu.memory_space<vmem_shared>> -> memref<256x16xi32, #tpu.memory_space<vmem_shared>>
        %dma_start3A_302 = arith.constant 0 : i32
        %dma_start3A_303 = arith.constant 0 : i32
        %dma_start3A_304 = tpu.memref_slice %arg9[%run_scoped3A_284, %dma_start3A_302, %dma_start3A_303] : memref<2x256x16xi32, #tpu.memory_space<vmem>> -> memref<1x256x16xi32, #tpu.memory_space<vmem>>
        %dma_start3A_305 = tpu.memref_squeeze %dma_start3A_304 : memref<1x256x16xi32, #tpu.memory_space<vmem>> -> memref<256x16xi32, #tpu.memory_space<vmem>>
        %dma_start3A_306 = arith.constant 0 : i32
        %dma_start3A_307 = arith.constant 0 : i32
        %dma_start3A_308 = tpu.memref_slice %arg13[%run_scoped3A_283, %dma_start3A_306, %dma_start3A_307] : memref<26x256x16xi32, #tpu.memory_space<vmem_shared>> -> memref<1x256x16xi32, #tpu.memory_space<vmem_shared>>
        %dma_start3A_309 = tpu.memref_squeeze %dma_start3A_308 : memref<1x256x16xi32, #tpu.memory_space<vmem_shared>> -> memref<256x16xi32, #tpu.memory_space<vmem_shared>>
        tpu.enqueue_dma source(%dma_start3A_309 : memref<256x16xi32, #tpu.memory_space<vmem_shared>>) target(%dma_start3A_305 : memref<256x16xi32, #tpu.memory_space<vmem>>) target_semaphore(%run_scoped3A_293 : memref<!tpu.dma_semaphore, #tpu.memory_space<semaphore_mem>>)
        %dma_wait3A_310 = arith.constant 0 : i32
        %dma_wait3A_311 = arith.constant 0 : i32
        %dma_wait3A_312 = tpu.memref_slice %arg9[%run_scoped3A_284, %dma_wait3A_310, %dma_wait3A_311] : memref<2x256x16xi32, #tpu.memory_space<vmem>> -> memref<1x256x16xi32, #tpu.memory_space<vmem>>
        %dma_wait3A_313 = tpu.memref_squeeze %dma_wait3A_312 : memref<1x256x16xi32, #tpu.memory_space<vmem>> -> memref<256x16xi32, #tpu.memory_space<vmem>>
        %dma_wait3A_314 = arith.constant 0 : i32
        %dma_wait3A_315 = arith.constant 0 : i32
        %dma_wait3A_316 = tpu.memref_slice %arg13[%run_scoped3A_283, %dma_wait3A_314, %dma_wait3A_315] : memref<26x256x16xi32, #tpu.memory_space<vmem_shared>> -> memref<1x256x16xi32, #tpu.memory_space<vmem_shared>>
        %dma_wait3A_317 = tpu.memref_squeeze %dma_wait3A_316 : memref<1x256x16xi32, #tpu.memory_space<vmem_shared>> -> memref<256x16xi32, #tpu.memory_space<vmem_shared>>
        %dma_wait3A_318 = arith.constant 0 : i32
        %dma_wait3A_319 = arith.constant 0 : i32
        %dma_wait3A_320 = tpu.memref_slice %arg9[%run_scoped3A_284, %dma_wait3A_318, %dma_wait3A_319] : memref<2x256x16xi32, #tpu.memory_space<vmem>> -> memref<1x256x16xi32, #tpu.memory_space<vmem>>
        %dma_wait3A_321 = tpu.memref_squeeze %dma_wait3A_320 : memref<1x256x16xi32, #tpu.memory_space<vmem>> -> memref<256x16xi32, #tpu.memory_space<vmem>>
        %dma_wait3A_322 = arith.constant 0 : i32
        %dma_wait3A_323 = arith.constant 0 : i32
        %dma_wait3A_324 = tpu.memref_slice %arg13[%run_scoped3A_283, %dma_wait3A_322, %dma_wait3A_323] : memref<26x256x16xi32, #tpu.memory_space<vmem_shared>> -> memref<1x256x16xi32, #tpu.memory_space<vmem_shared>>
        %dma_wait3A_325 = tpu.memref_squeeze %dma_wait3A_324 : memref<1x256x16xi32, #tpu.memory_space<vmem_shared>> -> memref<256x16xi32, #tpu.memory_space<vmem_shared>>
        tpu.wait_dma2 semaphore(%run_scoped3A_293 : memref<!tpu.dma_semaphore, #tpu.memory_space<semaphore_mem>>) src(%dma_wait3A_325 : memref<256x16xi32, #tpu.memory_space<vmem_shared>>) dst(%dma_wait3A_321 : memref<256x16xi32, #tpu.memory_space<vmem>>)
        tpu.yield
      }) : () -> ()
      %scan3A_285 = arith.constant 0 : i32
      %scan3A_286 = arith.constant 0 : i32
      %scan3A_287 = arith.constant 256 : i32
      %scan3A_288 = arith.addi %scan3A_286, %scan3A_287 : i32
      %scan3A_289 = arith.constant 1 : i32
      scf.for %scan3A_293 = %scan3A_286 to %scan3A_288 step %scan3A_289  : i32 {
        %get3A_294 = arith.constant 0 : i32
        %get3A_295 = arith.index_cast %get3A_294 : i32 to index
        %get3A_296 = arith.index_cast %scan3A_293 : i32 to index
        %get3A_297 = arith.constant 0 : index
        %get3A_298 = tpu.vector_load %arg9[%get3A_295, %get3A_296, %get3A_297] {strides = array<i32>} : memref<2x256x16xi32, #tpu.memory_space<vmem>>, vector<16xi32>,
        %get3A_299 = arith.constant 0 : i32
        %get3A_300 = arith.index_cast %get3A_299 : i32 to index
        %get3A_301 = arith.index_cast %scan3A_293 : i32 to index
        %get3A_302 = arith.constant 0 : index
        %get3A_303 = tpu.vector_load %arg10[%get3A_300, %get3A_301, %get3A_302] {strides = array<i32>} : memref<2x256x16xf32, #tpu.memory_space<vmem>>, vector<16xf32>,
        %gather3A = tpu.vector_load_idx %arg8[%get3A_298] : memref<100000xf32, #tpu.memory_space<vmem>>[vector<16xi32>], vector<16xf32>,
        %add3A_304 = arith.addf %get3A_303, %gather3A : vector<16xf32>
        %swap3A = arith.constant 0 : i32
        %swap3A_305 = arith.index_cast %swap3A : i32 to index
        %swap3A_306 = arith.index_cast %scan3A_293 : i32 to index
        %swap3A_307 = arith.constant 0 : index
        %swap3A_308 = tpu.vector_load %arg10[%swap3A_305, %swap3A_306, %swap3A_307] {strides = array<i32>} : memref<2x256x16xf32, #tpu.memory_space<vmem>>, vector<16xf32>,
        tpu.vector_store %arg10[%swap3A_305, %swap3A_306, %swap3A_307], %add3A_304 {strides = array<i32>} : memref<2x256x16xf32, #tpu.memory_space<vmem>>, vector<16xf32>,
      }
      %scan3A_290 = arith.constant 256 : i32
      %run_scoped3A_291 = arith.constant 0 : i32
      %run_scoped3A_292 = arith.constant 10401 : i32
      "tpu.region"() ({
        %run_scoped3A_293 = tpu.sem_alloc : memref<!tpu.dma_semaphore, #tpu.memory_space<semaphore_mem>>
        %dma_start3A_294 = arith.constant 0 : i32
        %dma_start3A_295 = arith.constant 0 : i32
        %dma_start3A_296 = tpu.memref_slice %arg10[%run_scoped3A_291, %dma_start3A_294, %dma_start3A_295] : memref<2x256x16xf32, #tpu.memory_space<vmem>> -> memref<1x256x16xf32, #tpu.memory_space<vmem>>
        %dma_start3A_297 = tpu.memref_squeeze %dma_start3A_296 : memref<1x256x16xf32, #tpu.memory_space<vmem>> -> memref<256x16xf32, #tpu.memory_space<vmem>>
        %dma_start3A_298 = arith.constant 0 : i32
        %dma_start3A_299 = arith.constant 0 : i32
        %dma_start3A_300 = tpu.memref_slice %arg7[%run_scoped3A_292, %dma_start3A_298, %dma_start3A_299] : memref<10402x256x16xf32, #tpu.memory_space<hbm>> -> memref<1x256x16xf32, #tpu.memory_space<hbm>>
        %dma_start3A_301 = tpu.memref_squeeze %dma_start3A_300 : memref<1x256x16xf32, #tpu.memory_space<hbm>> -> memref<256x16xf32, #tpu.memory_space<hbm>>
        %dma_start3A_302 = arith.constant 0 : i32
        %dma_start3A_303 = arith.constant 0 : i32
        %dma_start3A_304 = tpu.memref_slice %arg7[%run_scoped3A_292, %dma_start3A_302, %dma_start3A_303] : memref<10402x256x16xf32, #tpu.memory_space<hbm>> -> memref<1x256x16xf32, #tpu.memory_space<hbm>>
        %dma_start3A_305 = tpu.memref_squeeze %dma_start3A_304 : memref<1x256x16xf32, #tpu.memory_space<hbm>> -> memref<256x16xf32, #tpu.memory_space<hbm>>
        %dma_start3A_306 = arith.constant 0 : i32
        %dma_start3A_307 = arith.constant 0 : i32
        %dma_start3A_308 = tpu.memref_slice %arg10[%run_scoped3A_291, %dma_start3A_306, %dma_start3A_307] : memref<2x256x16xf32, #tpu.memory_space<vmem>> -> memref<1x256x16xf32, #tpu.memory_space<vmem>>
        %dma_start3A_309 = tpu.memref_squeeze %dma_start3A_308 : memref<1x256x16xf32, #tpu.memory_space<vmem>> -> memref<256x16xf32, #tpu.memory_space<vmem>>
        tpu.enqueue_dma source(%dma_start3A_309 : memref<256x16xf32, #tpu.memory_space<vmem>>) target(%dma_start3A_305 : memref<256x16xf32, #tpu.memory_space<hbm>>) target_semaphore(%run_scoped3A_293 : memref<!tpu.dma_semaphore, #tpu.memory_space<semaphore_mem>>)
        %dma_wait3A_310 = arith.constant 0 : i32
        %dma_wait3A_311 = arith.constant 0 : i32
        %dma_wait3A_312 = tpu.memref_slice %arg10[%run_scoped3A_291, %dma_wait3A_310, %dma_wait3A_311] : memref<2x256x16xf32, #tpu.memory_space<vmem>> -> memref<1x256x16xf32, #tpu.memory_space<vmem>>
        %dma_wait3A_313 = tpu.memref_squeeze %dma_wait3A_312 : memref<1x256x16xf32, #tpu.memory_space<vmem>> -> memref<256x16xf32, #tpu.memory_space<vmem>>
        %dma_wait3A_314 = arith.constant 0 : i32
        %dma_wait3A_315 = arith.constant 0 : i32
        %dma_wait3A_316 = tpu.memref_slice %arg7[%run_scoped3A_292, %dma_wait3A_314, %dma_wait3A_315] : memref<10402x256x16xf32, #tpu.memory_space<hbm>> -> memref<1x256x16xf32, #tpu.memory_space<hbm>>
        %dma_wait3A_317 = tpu.memref_squeeze %dma_wait3A_316 : memref<1x256x16xf32, #tpu.memory_space<hbm>> -> memref<256x16xf32, #tpu.memory_space<hbm>>
        %dma_wait3A_318 = arith.constant 0 : i32
        %dma_wait3A_319 = arith.constant 0 : i32
        %dma_wait3A_320 = tpu.memref_slice %arg7[%run_scoped3A_292, %dma_wait3A_318, %dma_wait3A_319] : memref<10402x256x16xf32, #tpu.memory_space<hbm>> -> memref<1x256x16xf32, #tpu.memory_space<hbm>>
        %dma_wait3A_321 = tpu.memref_squeeze %dma_wait3A_320 : memref<1x256x16xf32, #tpu.memory_space<hbm>> -> memref<256x16xf32, #tpu.memory_space<hbm>>
        %dma_wait3A_322 = arith.constant 0 : i32
        %dma_wait3A_323 = arith.constant 0 : i32
        %dma_wait3A_324 = tpu.memref_slice %arg10[%run_scoped3A_291, %dma_wait3A_322, %dma_wait3A_323] : memref<2x256x16xf32, #tpu.memory_space<vmem>> -> memref<1x256x16xf32, #tpu.memory_space<vmem>>
        %dma_wait3A_325 = tpu.memref_squeeze %dma_wait3A_324 : memref<1x256x16xf32, #tpu.memory_space<vmem>> -> memref<256x16xf32, #tpu.memory_space<vmem>>
        tpu.wait_dma2 semaphore(%run_scoped3A_293 : memref<!tpu.dma_semaphore, #tpu.memory_space<semaphore_mem>>) src(%dma_wait3A_325 : memref<256x16xf32, #tpu.memory_space<vmem>>) dst(%dma_wait3A_321 : memref<256x16xf32, #tpu.memory_space<hbm>>)
        tpu.yield
      }) : () -> ()
    } else {
    }
    return
  }
}

#map = affine_map<(d0, d1) -> (0, 0)>
#map1 = affine_map<(d0, d1) -> (0)>
module attributes {stable_mosaic.version = 14 : i64} {
  func.func @body(%arg0: i32, %arg1: i32, %arg2: memref<332864x128xf32, #tpu.memory_space<hbm>>, %arg3: memref<4096xf32, #tpu.memory_space<hbm>>, %arg4: memref<2x208xi32, #tpu.memory_space<vmem>>, %arg5: memref<2x208x128xf32, #tpu.memory_space<vmem>>, %arg6: memref<128xf32, #tpu.memory_space<vmem>>, %arg7: memref<!tpu.dma_semaphore, #tpu.memory_space<semaphore_mem>>) attributes {dimension_semantics = [#tpu.dimension_semantics<core_parallel>, #tpu.dimension_semantics<subcore_parallel>], iteration_bounds = array<i64: 2, 16>, scalar_prefetch = 0 : i64, scratch_operands = 4 : i64, tpu.core_type = #tpu.core_type<sc_vector_subcore>, window_params = [{transform_indices = #map}, {transform_indices = #map1}]} {
    %mul3A = arith.constant 2 : i32
    %mul3A_0 = arith.muli %arg1, %mul3A : i32
    %add3A = arith.addi %mul3A_0, %arg0 : i32
    %iota3A = tpu.iota {dimensions = array<i32: 0>} : vector<16xi32>
    %add3A_1 = arith.constant 0 : i32
    %add3A_2 = vector.broadcast %add3A_1 : i32 to vector<16xi32>
    %add3A_3 = arith.addi %add3A_2, %iota3A : vector<16xi32>
    %mul3A_4 = arith.constant 32 : i32
    %mul3A_5 = vector.broadcast %mul3A_4 : i32 to vector<16xi32>
    %mul3A_6 = arith.muli %add3A_3, %mul3A_5 : vector<16xi32>
    %add3A_7 = vector.broadcast %add3A : i32 to vector<16xi32>
    %add3A_8 = arith.addi %mul3A_6, %add3A_7 : vector<16xi32>
    %swap3A = arith.constant 0 : i32
    %swap3A_9 = arith.index_cast %swap3A : i32 to index
    %swap3A_10 = arith.constant 0 : index
    %swap3A_11 = tpu.vector_load %arg4[%swap3A_9, %swap3A_10] {strides = array<i32>} : memref<2x208xi32, #tpu.memory_space<vmem>>, vector<16xi32>,
    tpu.vector_store %arg4[%swap3A_9, %swap3A_10], %add3A_8 {strides = array<i32>} : memref<2x208xi32, #tpu.memory_space<vmem>>, vector<16xi32>,
    %add3A_12 = arith.constant 16 : i32
    %add3A_13 = vector.broadcast %add3A_12 : i32 to vector<16xi32>
    %add3A_14 = arith.addi %add3A_13, %iota3A : vector<16xi32>
    %mul3A_15 = arith.constant 32 : i32
    %mul3A_16 = vector.broadcast %mul3A_15 : i32 to vector<16xi32>
    %mul3A_17 = arith.muli %add3A_14, %mul3A_16 : vector<16xi32>
    %add3A_18 = vector.broadcast %add3A : i32 to vector<16xi32>
    %add3A_19 = arith.addi %mul3A_17, %add3A_18 : vector<16xi32>
    %swap3A_20 = arith.constant 0 : i32
    %swap3A_21 = arith.index_cast %swap3A_20 : i32 to index
    %swap3A_22 = arith.constant 16 : index
    %swap3A_23 = tpu.vector_load %arg4[%swap3A_21, %swap3A_22] {strides = array<i32>} : memref<2x208xi32, #tpu.memory_space<vmem>>, vector<16xi32>,
    tpu.vector_store %arg4[%swap3A_21, %swap3A_22], %add3A_19 {strides = array<i32>} : memref<2x208xi32, #tpu.memory_space<vmem>>, vector<16xi32>,
    %add3A_24 = arith.constant 32 : i32
    %add3A_25 = vector.broadcast %add3A_24 : i32 to vector<16xi32>
    %add3A_26 = arith.addi %add3A_25, %iota3A : vector<16xi32>
    %mul3A_27 = arith.constant 32 : i32
    %mul3A_28 = vector.broadcast %mul3A_27 : i32 to vector<16xi32>
    %mul3A_29 = arith.muli %add3A_26, %mul3A_28 : vector<16xi32>
    %add3A_30 = vector.broadcast %add3A : i32 to vector<16xi32>
    %add3A_31 = arith.addi %mul3A_29, %add3A_30 : vector<16xi32>
    %swap3A_32 = arith.constant 0 : i32
    %swap3A_33 = arith.index_cast %swap3A_32 : i32 to index
    %swap3A_34 = arith.constant 32 : index
    %swap3A_35 = tpu.vector_load %arg4[%swap3A_33, %swap3A_34] {strides = array<i32>} : memref<2x208xi32, #tpu.memory_space<vmem>>, vector<16xi32>,
    tpu.vector_store %arg4[%swap3A_33, %swap3A_34], %add3A_31 {strides = array<i32>} : memref<2x208xi32, #tpu.memory_space<vmem>>, vector<16xi32>,
    %add3A_36 = arith.constant 48 : i32
    %add3A_37 = vector.broadcast %add3A_36 : i32 to vector<16xi32>
    %add3A_38 = arith.addi %add3A_37, %iota3A : vector<16xi32>
    %mul3A_39 = arith.constant 32 : i32
    %mul3A_40 = vector.broadcast %mul3A_39 : i32 to vector<16xi32>
    %mul3A_41 = arith.muli %add3A_38, %mul3A_40 : vector<16xi32>
    %add3A_42 = vector.broadcast %add3A : i32 to vector<16xi32>
    %add3A_43 = arith.addi %mul3A_41, %add3A_42 : vector<16xi32>
    %swap3A_44 = arith.constant 0 : i32
    %swap3A_45 = arith.index_cast %swap3A_44 : i32 to index
    %swap3A_46 = arith.constant 48 : index
    %swap3A_47 = tpu.vector_load %arg4[%swap3A_45, %swap3A_46] {strides = array<i32>} : memref<2x208xi32, #tpu.memory_space<vmem>>, vector<16xi32>,
    tpu.vector_store %arg4[%swap3A_45, %swap3A_46], %add3A_43 {strides = array<i32>} : memref<2x208xi32, #tpu.memory_space<vmem>>, vector<16xi32>,
    %add3A_48 = arith.constant 64 : i32
    %add3A_49 = vector.broadcast %add3A_48 : i32 to vector<16xi32>
    %add3A_50 = arith.addi %add3A_49, %iota3A : vector<16xi32>
    %mul3A_51 = arith.constant 32 : i32
    %mul3A_52 = vector.broadcast %mul3A_51 : i32 to vector<16xi32>
    %mul3A_53 = arith.muli %add3A_50, %mul3A_52 : vector<16xi32>
    %add3A_54 = vector.broadcast %add3A : i32 to vector<16xi32>
    %add3A_55 = arith.addi %mul3A_53, %add3A_54 : vector<16xi32>
    %swap3A_56 = arith.constant 0 : i32
    %swap3A_57 = arith.index_cast %swap3A_56 : i32 to index
    %swap3A_58 = arith.constant 64 : index
    %swap3A_59 = tpu.vector_load %arg4[%swap3A_57, %swap3A_58] {strides = array<i32>} : memref<2x208xi32, #tpu.memory_space<vmem>>, vector<16xi32>,
    tpu.vector_store %arg4[%swap3A_57, %swap3A_58], %add3A_55 {strides = array<i32>} : memref<2x208xi32, #tpu.memory_space<vmem>>, vector<16xi32>,
    %add3A_60 = arith.constant 80 : i32
    %add3A_61 = vector.broadcast %add3A_60 : i32 to vector<16xi32>
    %add3A_62 = arith.addi %add3A_61, %iota3A : vector<16xi32>
    %mul3A_63 = arith.constant 32 : i32
    %mul3A_64 = vector.broadcast %mul3A_63 : i32 to vector<16xi32>
    %mul3A_65 = arith.muli %add3A_62, %mul3A_64 : vector<16xi32>
    %add3A_66 = vector.broadcast %add3A : i32 to vector<16xi32>
    %add3A_67 = arith.addi %mul3A_65, %add3A_66 : vector<16xi32>
    %swap3A_68 = arith.constant 0 : i32
    %swap3A_69 = arith.index_cast %swap3A_68 : i32 to index
    %swap3A_70 = arith.constant 80 : index
    %swap3A_71 = tpu.vector_load %arg4[%swap3A_69, %swap3A_70] {strides = array<i32>} : memref<2x208xi32, #tpu.memory_space<vmem>>, vector<16xi32>,
    tpu.vector_store %arg4[%swap3A_69, %swap3A_70], %add3A_67 {strides = array<i32>} : memref<2x208xi32, #tpu.memory_space<vmem>>, vector<16xi32>,
    %add3A_72 = arith.constant 96 : i32
    %add3A_73 = vector.broadcast %add3A_72 : i32 to vector<16xi32>
    %add3A_74 = arith.addi %add3A_73, %iota3A : vector<16xi32>
    %mul3A_75 = arith.constant 32 : i32
    %mul3A_76 = vector.broadcast %mul3A_75 : i32 to vector<16xi32>
    %mul3A_77 = arith.muli %add3A_74, %mul3A_76 : vector<16xi32>
    %add3A_78 = vector.broadcast %add3A : i32 to vector<16xi32>
    %add3A_79 = arith.addi %mul3A_77, %add3A_78 : vector<16xi32>
    %swap3A_80 = arith.constant 0 : i32
    %swap3A_81 = arith.index_cast %swap3A_80 : i32 to index
    %swap3A_82 = arith.constant 96 : index
    %swap3A_83 = tpu.vector_load %arg4[%swap3A_81, %swap3A_82] {strides = array<i32>} : memref<2x208xi32, #tpu.memory_space<vmem>>, vector<16xi32>,
    tpu.vector_store %arg4[%swap3A_81, %swap3A_82], %add3A_79 {strides = array<i32>} : memref<2x208xi32, #tpu.memory_space<vmem>>, vector<16xi32>,
    %add3A_84 = arith.constant 112 : i32
    %add3A_85 = vector.broadcast %add3A_84 : i32 to vector<16xi32>
    %add3A_86 = arith.addi %add3A_85, %iota3A : vector<16xi32>
    %mul3A_87 = arith.constant 32 : i32
    %mul3A_88 = vector.broadcast %mul3A_87 : i32 to vector<16xi32>
    %mul3A_89 = arith.muli %add3A_86, %mul3A_88 : vector<16xi32>
    %add3A_90 = vector.broadcast %add3A : i32 to vector<16xi32>
    %add3A_91 = arith.addi %mul3A_89, %add3A_90 : vector<16xi32>
    %swap3A_92 = arith.constant 0 : i32
    %swap3A_93 = arith.index_cast %swap3A_92 : i32 to index
    %swap3A_94 = arith.constant 112 : index
    %swap3A_95 = tpu.vector_load %arg4[%swap3A_93, %swap3A_94] {strides = array<i32>} : memref<2x208xi32, #tpu.memory_space<vmem>>, vector<16xi32>,
    tpu.vector_store %arg4[%swap3A_93, %swap3A_94], %add3A_91 {strides = array<i32>} : memref<2x208xi32, #tpu.memory_space<vmem>>, vector<16xi32>,
    %add3A_96 = arith.constant 128 : i32
    %add3A_97 = vector.broadcast %add3A_96 : i32 to vector<16xi32>
    %add3A_98 = arith.addi %add3A_97, %iota3A : vector<16xi32>
    %mul3A_99 = arith.constant 32 : i32
    %mul3A_100 = vector.broadcast %mul3A_99 : i32 to vector<16xi32>
    %mul3A_101 = arith.muli %add3A_98, %mul3A_100 : vector<16xi32>
    %add3A_102 = vector.broadcast %add3A : i32 to vector<16xi32>
    %add3A_103 = arith.addi %mul3A_101, %add3A_102 : vector<16xi32>
    %swap3A_104 = arith.constant 0 : i32
    %swap3A_105 = arith.index_cast %swap3A_104 : i32 to index
    %swap3A_106 = arith.constant 128 : index
    %swap3A_107 = tpu.vector_load %arg4[%swap3A_105, %swap3A_106] {strides = array<i32>} : memref<2x208xi32, #tpu.memory_space<vmem>>, vector<16xi32>,
    tpu.vector_store %arg4[%swap3A_105, %swap3A_106], %add3A_103 {strides = array<i32>} : memref<2x208xi32, #tpu.memory_space<vmem>>, vector<16xi32>,
    %add3A_108 = arith.constant 144 : i32
    %add3A_109 = vector.broadcast %add3A_108 : i32 to vector<16xi32>
    %add3A_110 = arith.addi %add3A_109, %iota3A : vector<16xi32>
    %mul3A_111 = arith.constant 32 : i32
    %mul3A_112 = vector.broadcast %mul3A_111 : i32 to vector<16xi32>
    %mul3A_113 = arith.muli %add3A_110, %mul3A_112 : vector<16xi32>
    %add3A_114 = vector.broadcast %add3A : i32 to vector<16xi32>
    %add3A_115 = arith.addi %mul3A_113, %add3A_114 : vector<16xi32>
    %swap3A_116 = arith.constant 0 : i32
    %swap3A_117 = arith.index_cast %swap3A_116 : i32 to index
    %swap3A_118 = arith.constant 144 : index
    %swap3A_119 = tpu.vector_load %arg4[%swap3A_117, %swap3A_118] {strides = array<i32>} : memref<2x208xi32, #tpu.memory_space<vmem>>, vector<16xi32>,
    tpu.vector_store %arg4[%swap3A_117, %swap3A_118], %add3A_115 {strides = array<i32>} : memref<2x208xi32, #tpu.memory_space<vmem>>, vector<16xi32>,
    %add3A_120 = arith.constant 160 : i32
    %add3A_121 = vector.broadcast %add3A_120 : i32 to vector<16xi32>
    %add3A_122 = arith.addi %add3A_121, %iota3A : vector<16xi32>
    %mul3A_123 = arith.constant 32 : i32
    %mul3A_124 = vector.broadcast %mul3A_123 : i32 to vector<16xi32>
    %mul3A_125 = arith.muli %add3A_122, %mul3A_124 : vector<16xi32>
    %add3A_126 = vector.broadcast %add3A : i32 to vector<16xi32>
    %add3A_127 = arith.addi %mul3A_125, %add3A_126 : vector<16xi32>
    %swap3A_128 = arith.constant 0 : i32
    %swap3A_129 = arith.index_cast %swap3A_128 : i32 to index
    %swap3A_130 = arith.constant 160 : index
    %swap3A_131 = tpu.vector_load %arg4[%swap3A_129, %swap3A_130] {strides = array<i32>} : memref<2x208xi32, #tpu.memory_space<vmem>>, vector<16xi32>,
    tpu.vector_store %arg4[%swap3A_129, %swap3A_130], %add3A_127 {strides = array<i32>} : memref<2x208xi32, #tpu.memory_space<vmem>>, vector<16xi32>,
    %add3A_132 = arith.constant 176 : i32
    %add3A_133 = vector.broadcast %add3A_132 : i32 to vector<16xi32>
    %add3A_134 = arith.addi %add3A_133, %iota3A : vector<16xi32>
    %mul3A_135 = arith.constant 32 : i32
    %mul3A_136 = vector.broadcast %mul3A_135 : i32 to vector<16xi32>
    %mul3A_137 = arith.muli %add3A_134, %mul3A_136 : vector<16xi32>
    %add3A_138 = vector.broadcast %add3A : i32 to vector<16xi32>
    %add3A_139 = arith.addi %mul3A_137, %add3A_138 : vector<16xi32>
    %swap3A_140 = arith.constant 0 : i32
    %swap3A_141 = arith.index_cast %swap3A_140 : i32 to index
    %swap3A_142 = arith.constant 176 : index
    %swap3A_143 = tpu.vector_load %arg4[%swap3A_141, %swap3A_142] {strides = array<i32>} : memref<2x208xi32, #tpu.memory_space<vmem>>, vector<16xi32>,
    tpu.vector_store %arg4[%swap3A_141, %swap3A_142], %add3A_139 {strides = array<i32>} : memref<2x208xi32, #tpu.memory_space<vmem>>, vector<16xi32>,
    %add3A_144 = arith.constant 192 : i32
    %add3A_145 = vector.broadcast %add3A_144 : i32 to vector<16xi32>
    %add3A_146 = arith.addi %add3A_145, %iota3A : vector<16xi32>
    %mul3A_147 = arith.constant 32 : i32
    %mul3A_148 = vector.broadcast %mul3A_147 : i32 to vector<16xi32>
    %mul3A_149 = arith.muli %add3A_146, %mul3A_148 : vector<16xi32>
    %add3A_150 = vector.broadcast %add3A : i32 to vector<16xi32>
    %add3A_151 = arith.addi %mul3A_149, %add3A_150 : vector<16xi32>
    %swap3A_152 = arith.constant 0 : i32
    %swap3A_153 = arith.index_cast %swap3A_152 : i32 to index
    %swap3A_154 = arith.constant 192 : index
    %swap3A_155 = tpu.vector_load %arg4[%swap3A_153, %swap3A_154] {strides = array<i32>} : memref<2x208xi32, #tpu.memory_space<vmem>>, vector<16xi32>,
    tpu.vector_store %arg4[%swap3A_153, %swap3A_154], %add3A_151 {strides = array<i32>} : memref<2x208xi32, #tpu.memory_space<vmem>>, vector<16xi32>,
    %dma_start3A = arith.constant 0 : i32
    %dma_start3A_156 = arith.constant 0 : i32
    %dma_start3A_157 = arith.constant 0 : i32
    %dma_start3A_158 = arith.constant 0 : i32
    %dma_start3A_159 = tpu.memref_slice %arg5[%dma_start3A_156, %dma_start3A_157, %dma_start3A_158] : memref<2x208x128xf32, #tpu.memory_space<vmem>> -> memref<1x208x128xf32, #tpu.memory_space<vmem>>
    %dma_start3A_160 = tpu.memref_squeeze %dma_start3A_159 : memref<1x208x128xf32, #tpu.memory_space<vmem>> -> memref<208x128xf32, #tpu.memory_space<vmem>>
    %dma_start3A_161 = arith.constant 0 : i32
    %dma_start3A_162 = tpu.memref_slice %arg4[%dma_start3A, %dma_start3A_161] : memref<2x208xi32, #tpu.memory_space<vmem>> -> memref<1x208xi32, #tpu.memory_space<vmem>>
    %dma_start3A_163 = tpu.memref_squeeze %dma_start3A_162 : memref<1x208xi32, #tpu.memory_space<vmem>> -> memref<208xi32, #tpu.memory_space<vmem>>
    %dma_start3A_164 = arith.constant 0 : i32
    %dma_start3A_165 = arith.constant 0 : i32
    %dma_start3A_166 = tpu.memref_slice %arg2[%dma_start3A_164, %dma_start3A_165] : memref<332864x128xf32, #tpu.memory_space<hbm>> -> memref<332864x128xf32, #tpu.memory_space<hbm>>
    tpu.enqueue_indirect_dma source(%dma_start3A_166 : memref<332864x128xf32, #tpu.memory_space<hbm>>) target(%dma_start3A_160 : memref<208x128xf32, #tpu.memory_space<vmem>>) offsets(%dma_start3A_163 : memref<208xi32, #tpu.memory_space<vmem>>) semaphore(%arg7 : memref<!tpu.dma_semaphore, #tpu.memory_space<semaphore_mem>>)
    %broadcast_in_dim3A = arith.constant 0.000000e+00 : f32
    %broadcast_in_dim3A_167 = vector.broadcast %broadcast_in_dim3A : f32 to vector<16xf32>
    %broadcast_in_dim3A_168 = arith.constant 0.000000e+00 : f32
    %broadcast_in_dim3A_169 = vector.broadcast %broadcast_in_dim3A_168 : f32 to vector<16xf32>
    %broadcast_in_dim3A_170 = arith.constant 0.000000e+00 : f32
    %broadcast_in_dim3A_171 = vector.broadcast %broadcast_in_dim3A_170 : f32 to vector<16xf32>
    %broadcast_in_dim3A_172 = arith.constant 0.000000e+00 : f32
    %broadcast_in_dim3A_173 = vector.broadcast %broadcast_in_dim3A_172 : f32 to vector<16xf32>
    %broadcast_in_dim3A_174 = arith.constant 0.000000e+00 : f32
    %broadcast_in_dim3A_175 = vector.broadcast %broadcast_in_dim3A_174 : f32 to vector<16xf32>
    %broadcast_in_dim3A_176 = arith.constant 0.000000e+00 : f32
    %broadcast_in_dim3A_177 = vector.broadcast %broadcast_in_dim3A_176 : f32 to vector<16xf32>
    %broadcast_in_dim3A_178 = arith.constant 0.000000e+00 : f32
    %broadcast_in_dim3A_179 = vector.broadcast %broadcast_in_dim3A_178 : f32 to vector<16xf32>
    %broadcast_in_dim3A_180 = arith.constant 0.000000e+00 : f32
    %broadcast_in_dim3A_181 = vector.broadcast %broadcast_in_dim3A_180 : f32 to vector<16xf32>
    %scan3A = arith.constant 0 : i32
    %scan3A_182 = arith.constant 50 : i32
    %scan3A_183 = arith.addi %scan3A, %scan3A_182 : i32
    %scan3A_184 = arith.constant 1 : i32
    %scan3A_185:8 = scf.for %scan3A_230 = %scan3A to %scan3A_183 step %scan3A_184 iter_args(%scan3A_231 = %broadcast_in_dim3A_167, %scan3A_232 = %broadcast_in_dim3A_169, %scan3A_233 = %broadcast_in_dim3A_171, %scan3A_234 = %broadcast_in_dim3A_173, %scan3A_235 = %broadcast_in_dim3A_175, %scan3A_236 = %broadcast_in_dim3A_177, %scan3A_237 = %broadcast_in_dim3A_179, %scan3A_238 = %broadcast_in_dim3A_181) -> (vector<16xf32>, vector<16xf32>, vector<16xf32>, vector<16xf32>, vector<16xf32>, vector<16xf32>, vector<16xf32>, vector<16xf32>)  : i32 {
      %jit3A = arith.constant 2 : i32
      %eq3A = arith.constant 0 : i32
      %eq3A_239 = arith.cmpi eq, %jit3A, %eq3A : i32
      %jit3A_240 = arith.constant 1 : i32
      %select_n3A = arith.select %eq3A_239, %jit3A_240, %jit3A : i32
      %rem3A = arith.remsi %scan3A_230, %select_n3A : i32
      %ne3A = arith.constant 0 : i32
      %ne3A_241 = arith.cmpi ne, %rem3A, %ne3A : i32
      %lt3A = arith.constant 0 : i32
      %lt3A_242 = arith.cmpi slt, %rem3A, %lt3A : i32
      %lt3A_243 = arith.constant 0 : i32
      %lt3A_244 = arith.cmpi slt, %select_n3A, %lt3A_243 : i32
      %ne3A_245 = arith.xori %lt3A_242, %lt3A_244 : i1
      %and3A = arith.andi %ne3A_245, %ne3A_241 : i1
      %add3A_246 = arith.addi %rem3A, %select_n3A : i32
      %select_n3A_247 = arith.select %and3A, %add3A_246, %rem3A : i32
      %add3A_248 = arith.constant 1 : i32
      %add3A_249 = arith.addi %scan3A_230, %add3A_248 : i32
      %lt3A_250 = arith.constant 50 : i32
      %lt3A_251 = arith.cmpi slt, %add3A_249, %lt3A_250 : i32
      %convert_element_type3A = arith.extui %lt3A_251 : i1 to i32
      %cond3A = arith.constant 0 : i32
      %cond3A_252 = arith.cmpi ne, %convert_element_type3A, %cond3A : i32
      scf.if %cond3A_252 {
        %add3A_275 = arith.constant 1 : i32
        %add3A_276 = arith.addi %scan3A_230, %add3A_275 : i32
        %add3A_277 = arith.constant 1 : i32
        %add3A_278 = arith.addi %scan3A_230, %add3A_277 : i32
        %jit3A_279 = arith.constant 2 : i32
        %eq3A_280 = arith.constant 0 : i32
        %eq3A_281 = arith.cmpi eq, %jit3A_279, %eq3A_280 : i32
        %jit3A_282 = arith.constant 1 : i32
        %select_n3A_283 = arith.select %eq3A_281, %jit3A_282, %jit3A_279 : i32
        %rem3A_284 = arith.remsi %add3A_278, %select_n3A_283 : i32
        %ne3A_285 = arith.constant 0 : i32
        %ne3A_286 = arith.cmpi ne, %rem3A_284, %ne3A_285 : i32
        %lt3A_287 = arith.constant 0 : i32
        %lt3A_288 = arith.cmpi slt, %rem3A_284, %lt3A_287 : i32
        %lt3A_289 = arith.constant 0 : i32
        %lt3A_290 = arith.cmpi slt, %select_n3A_283, %lt3A_289 : i32
        %ne3A_291 = arith.xori %lt3A_288, %lt3A_290 : i1
        %and3A_292 = arith.andi %ne3A_291, %ne3A_286 : i1
        %add3A_293 = arith.addi %rem3A_284, %select_n3A_283 : i32
        %select_n3A_294 = arith.select %and3A_292, %add3A_293, %rem3A_284 : i32
        %mul3A_295 = arith.constant 208 : i32
        %mul3A_296 = arith.muli %add3A_276, %mul3A_295 : i32
        %add3A_297 = arith.constant 0 : i32
        %add3A_298 = arith.addi %mul3A_296, %add3A_297 : i32
        %add3A_299 = vector.broadcast %add3A_298 : i32 to vector<16xi32>
        %add3A_300 = arith.addi %add3A_299, %iota3A : vector<16xi32>
        %mul3A_301 = arith.constant 32 : i32
        %mul3A_302 = vector.broadcast %mul3A_301 : i32 to vector<16xi32>
        %mul3A_303 = arith.muli %add3A_300, %mul3A_302 : vector<16xi32>
        %add3A_304 = vector.broadcast %add3A : i32 to vector<16xi32>
        %add3A_305 = arith.addi %mul3A_303, %add3A_304 : vector<16xi32>
        %swap3A_306 = arith.index_cast %select_n3A_294 : i32 to index
        %swap3A_307 = arith.constant 0 : index
        %swap3A_308 = tpu.vector_load %arg4[%swap3A_306, %swap3A_307] {strides = array<i32>} : memref<2x208xi32, #tpu.memory_space<vmem>>, vector<16xi32>,
        tpu.vector_store %arg4[%swap3A_306, %swap3A_307], %add3A_305 {strides = array<i32>} : memref<2x208xi32, #tpu.memory_space<vmem>>, vector<16xi32>,
        %add3A_309 = arith.constant 16 : i32
        %add3A_310 = arith.addi %mul3A_296, %add3A_309 : i32
        %add3A_311 = vector.broadcast %add3A_310 : i32 to vector<16xi32>
        %add3A_312 = arith.addi %add3A_311, %iota3A : vector<16xi32>
        %mul3A_313 = arith.constant 32 : i32
        %mul3A_314 = vector.broadcast %mul3A_313 : i32 to vector<16xi32>
        %mul3A_315 = arith.muli %add3A_312, %mul3A_314 : vector<16xi32>
        %add3A_316 = vector.broadcast %add3A : i32 to vector<16xi32>
        %add3A_317 = arith.addi %mul3A_315, %add3A_316 : vector<16xi32>
        %swap3A_318 = arith.index_cast %select_n3A_294 : i32 to index
        %swap3A_319 = arith.constant 16 : index
        %swap3A_320 = tpu.vector_load %arg4[%swap3A_318, %swap3A_319] {strides = array<i32>} : memref<2x208xi32, #tpu.memory_space<vmem>>, vector<16xi32>,
        tpu.vector_store %arg4[%swap3A_318, %swap3A_319], %add3A_317 {strides = array<i32>} : memref<2x208xi32, #tpu.memory_space<vmem>>, vector<16xi32>,
        %add3A_321 = arith.constant 32 : i32
        %add3A_322 = arith.addi %mul3A_296, %add3A_321 : i32
        %add3A_323 = vector.broadcast %add3A_322 : i32 to vector<16xi32>
        %add3A_324 = arith.addi %add3A_323, %iota3A : vector<16xi32>
        %mul3A_325 = arith.constant 32 : i32
        %mul3A_326 = vector.broadcast %mul3A_325 : i32 to vector<16xi32>
        %mul3A_327 = arith.muli %add3A_324, %mul3A_326 : vector<16xi32>
        %add3A_328 = vector.broadcast %add3A : i32 to vector<16xi32>
        %add3A_329 = arith.addi %mul3A_327, %add3A_328 : vector<16xi32>
        %swap3A_330 = arith.index_cast %select_n3A_294 : i32 to index
        %swap3A_331 = arith.constant 32 : index
        %swap3A_332 = tpu.vector_load %arg4[%swap3A_330, %swap3A_331] {strides = array<i32>} : memref<2x208xi32, #tpu.memory_space<vmem>>, vector<16xi32>,
        tpu.vector_store %arg4[%swap3A_330, %swap3A_331], %add3A_329 {strides = array<i32>} : memref<2x208xi32, #tpu.memory_space<vmem>>, vector<16xi32>,
        %add3A_333 = arith.constant 48 : i32
        %add3A_334 = arith.addi %mul3A_296, %add3A_333 : i32
        %add3A_335 = vector.broadcast %add3A_334 : i32 to vector<16xi32>
        %add3A_336 = arith.addi %add3A_335, %iota3A : vector<16xi32>
        %mul3A_337 = arith.constant 32 : i32
        %mul3A_338 = vector.broadcast %mul3A_337 : i32 to vector<16xi32>
        %mul3A_339 = arith.muli %add3A_336, %mul3A_338 : vector<16xi32>
        %add3A_340 = vector.broadcast %add3A : i32 to vector<16xi32>
        %add3A_341 = arith.addi %mul3A_339, %add3A_340 : vector<16xi32>
        %swap3A_342 = arith.index_cast %select_n3A_294 : i32 to index
        %swap3A_343 = arith.constant 48 : index
        %swap3A_344 = tpu.vector_load %arg4[%swap3A_342, %swap3A_343] {strides = array<i32>} : memref<2x208xi32, #tpu.memory_space<vmem>>, vector<16xi32>,
        tpu.vector_store %arg4[%swap3A_342, %swap3A_343], %add3A_341 {strides = array<i32>} : memref<2x208xi32, #tpu.memory_space<vmem>>, vector<16xi32>,
        %add3A_345 = arith.constant 64 : i32
        %add3A_346 = arith.addi %mul3A_296, %add3A_345 : i32
        %add3A_347 = vector.broadcast %add3A_346 : i32 to vector<16xi32>
        %add3A_348 = arith.addi %add3A_347, %iota3A : vector<16xi32>
        %mul3A_349 = arith.constant 32 : i32
        %mul3A_350 = vector.broadcast %mul3A_349 : i32 to vector<16xi32>
        %mul3A_351 = arith.muli %add3A_348, %mul3A_350 : vector<16xi32>
        %add3A_352 = vector.broadcast %add3A : i32 to vector<16xi32>
        %add3A_353 = arith.addi %mul3A_351, %add3A_352 : vector<16xi32>
        %swap3A_354 = arith.index_cast %select_n3A_294 : i32 to index
        %swap3A_355 = arith.constant 64 : index
        %swap3A_356 = tpu.vector_load %arg4[%swap3A_354, %swap3A_355] {strides = array<i32>} : memref<2x208xi32, #tpu.memory_space<vmem>>, vector<16xi32>,
        tpu.vector_store %arg4[%swap3A_354, %swap3A_355], %add3A_353 {strides = array<i32>} : memref<2x208xi32, #tpu.memory_space<vmem>>, vector<16xi32>,
        %add3A_357 = arith.constant 80 : i32
        %add3A_358 = arith.addi %mul3A_296, %add3A_357 : i32
        %add3A_359 = vector.broadcast %add3A_358 : i32 to vector<16xi32>
        %add3A_360 = arith.addi %add3A_359, %iota3A : vector<16xi32>
        %mul3A_361 = arith.constant 32 : i32
        %mul3A_362 = vector.broadcast %mul3A_361 : i32 to vector<16xi32>
        %mul3A_363 = arith.muli %add3A_360, %mul3A_362 : vector<16xi32>
        %add3A_364 = vector.broadcast %add3A : i32 to vector<16xi32>
        %add3A_365 = arith.addi %mul3A_363, %add3A_364 : vector<16xi32>
        %swap3A_366 = arith.index_cast %select_n3A_294 : i32 to index
        %swap3A_367 = arith.constant 80 : index
        %swap3A_368 = tpu.vector_load %arg4[%swap3A_366, %swap3A_367] {strides = array<i32>} : memref<2x208xi32, #tpu.memory_space<vmem>>, vector<16xi32>,
        tpu.vector_store %arg4[%swap3A_366, %swap3A_367], %add3A_365 {strides = array<i32>} : memref<2x208xi32, #tpu.memory_space<vmem>>, vector<16xi32>,
        %add3A_369 = arith.constant 96 : i32
        %add3A_370 = arith.addi %mul3A_296, %add3A_369 : i32
        %add3A_371 = vector.broadcast %add3A_370 : i32 to vector<16xi32>
        %add3A_372 = arith.addi %add3A_371, %iota3A : vector<16xi32>
        %mul3A_373 = arith.constant 32 : i32
        %mul3A_374 = vector.broadcast %mul3A_373 : i32 to vector<16xi32>
        %mul3A_375 = arith.muli %add3A_372, %mul3A_374 : vector<16xi32>
        %add3A_376 = vector.broadcast %add3A : i32 to vector<16xi32>
        %add3A_377 = arith.addi %mul3A_375, %add3A_376 : vector<16xi32>
        %swap3A_378 = arith.index_cast %select_n3A_294 : i32 to index
        %swap3A_379 = arith.constant 96 : index
        %swap3A_380 = tpu.vector_load %arg4[%swap3A_378, %swap3A_379] {strides = array<i32>} : memref<2x208xi32, #tpu.memory_space<vmem>>, vector<16xi32>,
        tpu.vector_store %arg4[%swap3A_378, %swap3A_379], %add3A_377 {strides = array<i32>} : memref<2x208xi32, #tpu.memory_space<vmem>>, vector<16xi32>,
        %add3A_381 = arith.constant 112 : i32
        %add3A_382 = arith.addi %mul3A_296, %add3A_381 : i32
        %add3A_383 = vector.broadcast %add3A_382 : i32 to vector<16xi32>
        %add3A_384 = arith.addi %add3A_383, %iota3A : vector<16xi32>
        %mul3A_385 = arith.constant 32 : i32
        %mul3A_386 = vector.broadcast %mul3A_385 : i32 to vector<16xi32>
        %mul3A_387 = arith.muli %add3A_384, %mul3A_386 : vector<16xi32>
        %add3A_388 = vector.broadcast %add3A : i32 to vector<16xi32>
        %add3A_389 = arith.addi %mul3A_387, %add3A_388 : vector<16xi32>
        %swap3A_390 = arith.index_cast %select_n3A_294 : i32 to index
        %swap3A_391 = arith.constant 112 : index
        %swap3A_392 = tpu.vector_load %arg4[%swap3A_390, %swap3A_391] {strides = array<i32>} : memref<2x208xi32, #tpu.memory_space<vmem>>, vector<16xi32>,
        tpu.vector_store %arg4[%swap3A_390, %swap3A_391], %add3A_389 {strides = array<i32>} : memref<2x208xi32, #tpu.memory_space<vmem>>, vector<16xi32>,
        %add3A_393 = arith.constant 128 : i32
        %add3A_394 = arith.addi %mul3A_296, %add3A_393 : i32
        %add3A_395 = vector.broadcast %add3A_394 : i32 to vector<16xi32>
        %add3A_396 = arith.addi %add3A_395, %iota3A : vector<16xi32>
        %mul3A_397 = arith.constant 32 : i32
        %mul3A_398 = vector.broadcast %mul3A_397 : i32 to vector<16xi32>
        %mul3A_399 = arith.muli %add3A_396, %mul3A_398 : vector<16xi32>
        %add3A_400 = vector.broadcast %add3A : i32 to vector<16xi32>
        %add3A_401 = arith.addi %mul3A_399, %add3A_400 : vector<16xi32>
        %swap3A_402 = arith.index_cast %select_n3A_294 : i32 to index
        %swap3A_403 = arith.constant 128 : index
        %swap3A_404 = tpu.vector_load %arg4[%swap3A_402, %swap3A_403] {strides = array<i32>} : memref<2x208xi32, #tpu.memory_space<vmem>>, vector<16xi32>,
        tpu.vector_store %arg4[%swap3A_402, %swap3A_403], %add3A_401 {strides = array<i32>} : memref<2x208xi32, #tpu.memory_space<vmem>>, vector<16xi32>,
        %add3A_405 = arith.constant 144 : i32
        %add3A_406 = arith.addi %mul3A_296, %add3A_405 : i32
        %add3A_407 = vector.broadcast %add3A_406 : i32 to vector<16xi32>
        %add3A_408 = arith.addi %add3A_407, %iota3A : vector<16xi32>
        %mul3A_409 = arith.constant 32 : i32
        %mul3A_410 = vector.broadcast %mul3A_409 : i32 to vector<16xi32>
        %mul3A_411 = arith.muli %add3A_408, %mul3A_410 : vector<16xi32>
        %add3A_412 = vector.broadcast %add3A : i32 to vector<16xi32>
        %add3A_413 = arith.addi %mul3A_411, %add3A_412 : vector<16xi32>
        %swap3A_414 = arith.index_cast %select_n3A_294 : i32 to index
        %swap3A_415 = arith.constant 144 : index
        %swap3A_416 = tpu.vector_load %arg4[%swap3A_414, %swap3A_415] {strides = array<i32>} : memref<2x208xi32, #tpu.memory_space<vmem>>, vector<16xi32>,
        tpu.vector_store %arg4[%swap3A_414, %swap3A_415], %add3A_413 {strides = array<i32>} : memref<2x208xi32, #tpu.memory_space<vmem>>, vector<16xi32>,
        %add3A_417 = arith.constant 160 : i32
        %add3A_418 = arith.addi %mul3A_296, %add3A_417 : i32
        %add3A_419 = vector.broadcast %add3A_418 : i32 to vector<16xi32>
        %add3A_420 = arith.addi %add3A_419, %iota3A : vector<16xi32>
        %mul3A_421 = arith.constant 32 : i32
        %mul3A_422 = vector.broadcast %mul3A_421 : i32 to vector<16xi32>
        %mul3A_423 = arith.muli %add3A_420, %mul3A_422 : vector<16xi32>
        %add3A_424 = vector.broadcast %add3A : i32 to vector<16xi32>
        %add3A_425 = arith.addi %mul3A_423, %add3A_424 : vector<16xi32>
        %swap3A_426 = arith.index_cast %select_n3A_294 : i32 to index
        %swap3A_427 = arith.constant 160 : index
        %swap3A_428 = tpu.vector_load %arg4[%swap3A_426, %swap3A_427] {strides = array<i32>} : memref<2x208xi32, #tpu.memory_space<vmem>>, vector<16xi32>,
        tpu.vector_store %arg4[%swap3A_426, %swap3A_427], %add3A_425 {strides = array<i32>} : memref<2x208xi32, #tpu.memory_space<vmem>>, vector<16xi32>,
        %add3A_429 = arith.constant 176 : i32
        %add3A_430 = arith.addi %mul3A_296, %add3A_429 : i32
        %add3A_431 = vector.broadcast %add3A_430 : i32 to vector<16xi32>
        %add3A_432 = arith.addi %add3A_431, %iota3A : vector<16xi32>
        %mul3A_433 = arith.constant 32 : i32
        %mul3A_434 = vector.broadcast %mul3A_433 : i32 to vector<16xi32>
        %mul3A_435 = arith.muli %add3A_432, %mul3A_434 : vector<16xi32>
        %add3A_436 = vector.broadcast %add3A : i32 to vector<16xi32>
        %add3A_437 = arith.addi %mul3A_435, %add3A_436 : vector<16xi32>
        %swap3A_438 = arith.index_cast %select_n3A_294 : i32 to index
        %swap3A_439 = arith.constant 176 : index
        %swap3A_440 = tpu.vector_load %arg4[%swap3A_438, %swap3A_439] {strides = array<i32>} : memref<2x208xi32, #tpu.memory_space<vmem>>, vector<16xi32>,
        tpu.vector_store %arg4[%swap3A_438, %swap3A_439], %add3A_437 {strides = array<i32>} : memref<2x208xi32, #tpu.memory_space<vmem>>, vector<16xi32>,
        %add3A_441 = arith.constant 192 : i32
        %add3A_442 = arith.addi %mul3A_296, %add3A_441 : i32
        %add3A_443 = vector.broadcast %add3A_442 : i32 to vector<16xi32>
        %add3A_444 = arith.addi %add3A_443, %iota3A : vector<16xi32>
        %mul3A_445 = arith.constant 32 : i32
        %mul3A_446 = vector.broadcast %mul3A_445 : i32 to vector<16xi32>
        %mul3A_447 = arith.muli %add3A_444, %mul3A_446 : vector<16xi32>
        %add3A_448 = vector.broadcast %add3A : i32 to vector<16xi32>
        %add3A_449 = arith.addi %mul3A_447, %add3A_448 : vector<16xi32>
        %swap3A_450 = arith.index_cast %select_n3A_294 : i32 to index
        %swap3A_451 = arith.constant 192 : index
        %swap3A_452 = tpu.vector_load %arg4[%swap3A_450, %swap3A_451] {strides = array<i32>} : memref<2x208xi32, #tpu.memory_space<vmem>>, vector<16xi32>,
        tpu.vector_store %arg4[%swap3A_450, %swap3A_451], %add3A_449 {strides = array<i32>} : memref<2x208xi32, #tpu.memory_space<vmem>>, vector<16xi32>,
      } else {
      }
      %dma_wait3A = arith.constant 0 : i32
      %dma_wait3A_253 = arith.constant 0 : i32
      %dma_wait3A_254 = tpu.memref_slice %arg5[%select_n3A_247, %dma_wait3A, %dma_wait3A_253] : memref<2x208x128xf32, #tpu.memory_space<vmem>> -> memref<1x208x128xf32, #tpu.memory_space<vmem>>
      %dma_wait3A_255 = tpu.memref_squeeze %dma_wait3A_254 : memref<1x208x128xf32, #tpu.memory_space<vmem>> -> memref<208x128xf32, #tpu.memory_space<vmem>>
      %dma_wait3A_256 = arith.constant 0 : i32
      %dma_wait3A_257 = tpu.memref_slice %arg4[%select_n3A_247, %dma_wait3A_256] : memref<2x208xi32, #tpu.memory_space<vmem>> -> memref<1x208xi32, #tpu.memory_space<vmem>>
      %dma_wait3A_258 = tpu.memref_squeeze %dma_wait3A_257 : memref<1x208xi32, #tpu.memory_space<vmem>> -> memref<208xi32, #tpu.memory_space<vmem>>
      %dma_wait3A_259 = arith.constant 0 : i32
      %dma_wait3A_260 = arith.constant 0 : i32
      %dma_wait3A_261 = tpu.memref_slice %arg2[%dma_wait3A_259, %dma_wait3A_260] : memref<332864x128xf32, #tpu.memory_space<hbm>> -> memref<332864x128xf32, #tpu.memory_space<hbm>>
      tpu.wait_indirect_dma semaphore(%arg7 : memref<!tpu.dma_semaphore, #tpu.memory_space<semaphore_mem>>) src(%dma_wait3A_261 : memref<332864x128xf32, #tpu.memory_space<hbm>>) dst(%dma_wait3A_255 : memref<208x128xf32, #tpu.memory_space<vmem>>)
      %add3A_262 = arith.constant 1 : i32
      %add3A_263 = arith.addi %scan3A_230, %add3A_262 : i32
      %lt3A_264 = arith.constant 50 : i32
      %lt3A_265 = arith.cmpi slt, %add3A_263, %lt3A_264 : i32
      %convert_element_type3A_266 = arith.extui %lt3A_265 : i1 to i32
      %cond3A_267 = arith.constant 0 : i32
      %cond3A_268 = arith.cmpi ne, %convert_element_type3A_266, %cond3A_267 : i32
      scf.if %cond3A_268 {
        %add3A_275 = arith.constant 1 : i32
        %add3A_276 = arith.addi %scan3A_230, %add3A_275 : i32
        %jit3A_277 = arith.constant 2 : i32
        %eq3A_278 = arith.constant 0 : i32
        %eq3A_279 = arith.cmpi eq, %jit3A_277, %eq3A_278 : i32
        %jit3A_280 = arith.constant 1 : i32
        %select_n3A_281 = arith.select %eq3A_279, %jit3A_280, %jit3A_277 : i32
        %rem3A_282 = arith.remsi %add3A_276, %select_n3A_281 : i32
        %ne3A_283 = arith.constant 0 : i32
        %ne3A_284 = arith.cmpi ne, %rem3A_282, %ne3A_283 : i32
        %lt3A_285 = arith.constant 0 : i32
        %lt3A_286 = arith.cmpi slt, %rem3A_282, %lt3A_285 : i32
        %lt3A_287 = arith.constant 0 : i32
        %lt3A_288 = arith.cmpi slt, %select_n3A_281, %lt3A_287 : i32
        %ne3A_289 = arith.xori %lt3A_286, %lt3A_288 : i1
        %and3A_290 = arith.andi %ne3A_289, %ne3A_284 : i1
        %add3A_291 = arith.addi %rem3A_282, %select_n3A_281 : i32
        %select_n3A_292 = arith.select %and3A_290, %add3A_291, %rem3A_282 : i32
        %dma_start3A_293 = arith.constant 0 : i32
        %dma_start3A_294 = arith.constant 0 : i32
        %dma_start3A_295 = tpu.memref_slice %arg5[%select_n3A_292, %dma_start3A_293, %dma_start3A_294] : memref<2x208x128xf32, #tpu.memory_space<vmem>> -> memref<1x208x128xf32, #tpu.memory_space<vmem>>
        %dma_start3A_296 = tpu.memref_squeeze %dma_start3A_295 : memref<1x208x128xf32, #tpu.memory_space<vmem>> -> memref<208x128xf32, #tpu.memory_space<vmem>>
        %dma_start3A_297 = arith.constant 0 : i32
        %dma_start3A_298 = tpu.memref_slice %arg4[%select_n3A_292, %dma_start3A_297] : memref<2x208xi32, #tpu.memory_space<vmem>> -> memref<1x208xi32, #tpu.memory_space<vmem>>
        %dma_start3A_299 = tpu.memref_squeeze %dma_start3A_298 : memref<1x208xi32, #tpu.memory_space<vmem>> -> memref<208xi32, #tpu.memory_space<vmem>>
        %dma_start3A_300 = arith.constant 0 : i32
        %dma_start3A_301 = arith.constant 0 : i32
        %dma_start3A_302 = tpu.memref_slice %arg2[%dma_start3A_300, %dma_start3A_301] : memref<332864x128xf32, #tpu.memory_space<hbm>> -> memref<332864x128xf32, #tpu.memory_space<hbm>>
        tpu.enqueue_indirect_dma source(%dma_start3A_302 : memref<332864x128xf32, #tpu.memory_space<hbm>>) target(%dma_start3A_296 : memref<208x128xf32, #tpu.memory_space<vmem>>) offsets(%dma_start3A_299 : memref<208xi32, #tpu.memory_space<vmem>>) semaphore(%arg7 : memref<!tpu.dma_semaphore, #tpu.memory_space<semaphore_mem>>)
      } else {
      }
      %scan3A_269 = arith.constant 0 : i32
      %scan3A_270 = arith.constant 104 : i32
      %scan3A_271 = arith.addi %scan3A_269, %scan3A_270 : i32
      %scan3A_272 = arith.constant 1 : i32
      %scan3A_273:8 = scf.for %scan3A_275 = %scan3A_269 to %scan3A_271 step %scan3A_272 iter_args(%scan3A_276 = %scan3A_231, %scan3A_277 = %scan3A_232, %scan3A_278 = %scan3A_233, %scan3A_279 = %scan3A_234, %scan3A_280 = %scan3A_235, %scan3A_281 = %scan3A_236, %scan3A_282 = %scan3A_237, %scan3A_283 = %scan3A_238) -> (vector<16xf32>, vector<16xf32>, vector<16xf32>, vector<16xf32>, vector<16xf32>, vector<16xf32>, vector<16xf32>, vector<16xf32>)  : i32 {
        %mul3A_284 = arith.constant 2 : i32
        %mul3A_285 = arith.muli %mul3A_284, %scan3A_275 : i32
        %get3A_286 = arith.index_cast %select_n3A_247 : i32 to index
        %get3A_287 = arith.index_cast %mul3A_285 : i32 to index
        %get3A_288 = arith.constant 0 : index
        %get3A_289 = tpu.vector_load %arg5[%get3A_286, %get3A_287, %get3A_288] {strides = array<i32>} : memref<2x208x128xf32, #tpu.memory_space<vmem>>, vector<16xf32>,
        %mul3A_290 = arith.constant 2 : i32
        %mul3A_291 = arith.muli %mul3A_290, %scan3A_275 : i32
        %add3A_292 = arith.constant 1 : i32
        %add3A_293 = arith.addi %mul3A_291, %add3A_292 : i32
        %get3A_294 = arith.index_cast %select_n3A_247 : i32 to index
        %get3A_295 = arith.index_cast %add3A_293 : i32 to index
        %get3A_296 = arith.constant 0 : index
        %get3A_297 = tpu.vector_load %arg5[%get3A_294, %get3A_295, %get3A_296] {strides = array<i32>} : memref<2x208x128xf32, #tpu.memory_space<vmem>>, vector<16xf32>,
        %mul3A_298 = arith.mulf %get3A_289, %get3A_297 : vector<16xf32>
        %add3A_299 = arith.addf %scan3A_276, %mul3A_298 : vector<16xf32>
        %mul3A_300 = arith.constant 2 : i32
        %mul3A_301 = arith.muli %mul3A_300, %scan3A_275 : i32
        %get3A_302 = arith.index_cast %select_n3A_247 : i32 to index
        %get3A_303 = arith.index_cast %mul3A_301 : i32 to index
        %get3A_304 = arith.constant 16 : index
        %get3A_305 = tpu.vector_load %arg5[%get3A_302, %get3A_303, %get3A_304] {strides = array<i32>} : memref<2x208x128xf32, #tpu.memory_space<vmem>>, vector<16xf32>,
        %mul3A_306 = arith.constant 2 : i32
        %mul3A_307 = arith.muli %mul3A_306, %scan3A_275 : i32
        %add3A_308 = arith.constant 1 : i32
        %add3A_309 = arith.addi %mul3A_307, %add3A_308 : i32
        %get3A_310 = arith.index_cast %select_n3A_247 : i32 to index
        %get3A_311 = arith.index_cast %add3A_309 : i32 to index
        %get3A_312 = arith.constant 16 : index
        %get3A_313 = tpu.vector_load %arg5[%get3A_310, %get3A_311, %get3A_312] {strides = array<i32>} : memref<2x208x128xf32, #tpu.memory_space<vmem>>, vector<16xf32>,
        %mul3A_314 = arith.mulf %get3A_305, %get3A_313 : vector<16xf32>
        %add3A_315 = arith.addf %scan3A_277, %mul3A_314 : vector<16xf32>
        %mul3A_316 = arith.constant 2 : i32
        %mul3A_317 = arith.muli %mul3A_316, %scan3A_275 : i32
        %get3A_318 = arith.index_cast %select_n3A_247 : i32 to index
        %get3A_319 = arith.index_cast %mul3A_317 : i32 to index
        %get3A_320 = arith.constant 32 : index
        %get3A_321 = tpu.vector_load %arg5[%get3A_318, %get3A_319, %get3A_320] {strides = array<i32>} : memref<2x208x128xf32, #tpu.memory_space<vmem>>, vector<16xf32>,
        %mul3A_322 = arith.constant 2 : i32
        %mul3A_323 = arith.muli %mul3A_322, %scan3A_275 : i32
        %add3A_324 = arith.constant 1 : i32
        %add3A_325 = arith.addi %mul3A_323, %add3A_324 : i32
        %get3A_326 = arith.index_cast %select_n3A_247 : i32 to index
        %get3A_327 = arith.index_cast %add3A_325 : i32 to index
        %get3A_328 = arith.constant 32 : index
        %get3A_329 = tpu.vector_load %arg5[%get3A_326, %get3A_327, %get3A_328] {strides = array<i32>} : memref<2x208x128xf32, #tpu.memory_space<vmem>>, vector<16xf32>,
        %mul3A_330 = arith.mulf %get3A_321, %get3A_329 : vector<16xf32>
        %add3A_331 = arith.addf %scan3A_278, %mul3A_330 : vector<16xf32>
        %mul3A_332 = arith.constant 2 : i32
        %mul3A_333 = arith.muli %mul3A_332, %scan3A_275 : i32
        %get3A_334 = arith.index_cast %select_n3A_247 : i32 to index
        %get3A_335 = arith.index_cast %mul3A_333 : i32 to index
        %get3A_336 = arith.constant 48 : index
        %get3A_337 = tpu.vector_load %arg5[%get3A_334, %get3A_335, %get3A_336] {strides = array<i32>} : memref<2x208x128xf32, #tpu.memory_space<vmem>>, vector<16xf32>,
        %mul3A_338 = arith.constant 2 : i32
        %mul3A_339 = arith.muli %mul3A_338, %scan3A_275 : i32
        %add3A_340 = arith.constant 1 : i32
        %add3A_341 = arith.addi %mul3A_339, %add3A_340 : i32
        %get3A_342 = arith.index_cast %select_n3A_247 : i32 to index
        %get3A_343 = arith.index_cast %add3A_341 : i32 to index
        %get3A_344 = arith.constant 48 : index
        %get3A_345 = tpu.vector_load %arg5[%get3A_342, %get3A_343, %get3A_344] {strides = array<i32>} : memref<2x208x128xf32, #tpu.memory_space<vmem>>, vector<16xf32>,
        %mul3A_346 = arith.mulf %get3A_337, %get3A_345 : vector<16xf32>
        %add3A_347 = arith.addf %scan3A_279, %mul3A_346 : vector<16xf32>
        %mul3A_348 = arith.constant 2 : i32
        %mul3A_349 = arith.muli %mul3A_348, %scan3A_275 : i32
        %get3A_350 = arith.index_cast %select_n3A_247 : i32 to index
        %get3A_351 = arith.index_cast %mul3A_349 : i32 to index
        %get3A_352 = arith.constant 64 : index
        %get3A_353 = tpu.vector_load %arg5[%get3A_350, %get3A_351, %get3A_352] {strides = array<i32>} : memref<2x208x128xf32, #tpu.memory_space<vmem>>, vector<16xf32>,
        %mul3A_354 = arith.constant 2 : i32
        %mul3A_355 = arith.muli %mul3A_354, %scan3A_275 : i32
        %add3A_356 = arith.constant 1 : i32
        %add3A_357 = arith.addi %mul3A_355, %add3A_356 : i32
        %get3A_358 = arith.index_cast %select_n3A_247 : i32 to index
        %get3A_359 = arith.index_cast %add3A_357 : i32 to index
        %get3A_360 = arith.constant 64 : index
        %get3A_361 = tpu.vector_load %arg5[%get3A_358, %get3A_359, %get3A_360] {strides = array<i32>} : memref<2x208x128xf32, #tpu.memory_space<vmem>>, vector<16xf32>,
        %mul3A_362 = arith.mulf %get3A_353, %get3A_361 : vector<16xf32>
        %add3A_363 = arith.addf %scan3A_280, %mul3A_362 : vector<16xf32>
        %mul3A_364 = arith.constant 2 : i32
        %mul3A_365 = arith.muli %mul3A_364, %scan3A_275 : i32
        %get3A_366 = arith.index_cast %select_n3A_247 : i32 to index
        %get3A_367 = arith.index_cast %mul3A_365 : i32 to index
        %get3A_368 = arith.constant 80 : index
        %get3A_369 = tpu.vector_load %arg5[%get3A_366, %get3A_367, %get3A_368] {strides = array<i32>} : memref<2x208x128xf32, #tpu.memory_space<vmem>>, vector<16xf32>,
        %mul3A_370 = arith.constant 2 : i32
        %mul3A_371 = arith.muli %mul3A_370, %scan3A_275 : i32
        %add3A_372 = arith.constant 1 : i32
        %add3A_373 = arith.addi %mul3A_371, %add3A_372 : i32
        %get3A_374 = arith.index_cast %select_n3A_247 : i32 to index
        %get3A_375 = arith.index_cast %add3A_373 : i32 to index
        %get3A_376 = arith.constant 80 : index
        %get3A_377 = tpu.vector_load %arg5[%get3A_374, %get3A_375, %get3A_376] {strides = array<i32>} : memref<2x208x128xf32, #tpu.memory_space<vmem>>, vector<16xf32>,
        %mul3A_378 = arith.mulf %get3A_369, %get3A_377 : vector<16xf32>
        %add3A_379 = arith.addf %scan3A_281, %mul3A_378 : vector<16xf32>
        %mul3A_380 = arith.constant 2 : i32
        %mul3A_381 = arith.muli %mul3A_380, %scan3A_275 : i32
        %get3A_382 = arith.index_cast %select_n3A_247 : i32 to index
        %get3A_383 = arith.index_cast %mul3A_381 : i32 to index
        %get3A_384 = arith.constant 96 : index
        %get3A_385 = tpu.vector_load %arg5[%get3A_382, %get3A_383, %get3A_384] {strides = array<i32>} : memref<2x208x128xf32, #tpu.memory_space<vmem>>, vector<16xf32>,
        %mul3A_386 = arith.constant 2 : i32
        %mul3A_387 = arith.muli %mul3A_386, %scan3A_275 : i32
        %add3A_388 = arith.constant 1 : i32
        %add3A_389 = arith.addi %mul3A_387, %add3A_388 : i32
        %get3A_390 = arith.index_cast %select_n3A_247 : i32 to index
        %get3A_391 = arith.index_cast %add3A_389 : i32 to index
        %get3A_392 = arith.constant 96 : index
        %get3A_393 = tpu.vector_load %arg5[%get3A_390, %get3A_391, %get3A_392] {strides = array<i32>} : memref<2x208x128xf32, #tpu.memory_space<vmem>>, vector<16xf32>,
        %mul3A_394 = arith.mulf %get3A_385, %get3A_393 : vector<16xf32>
        %add3A_395 = arith.addf %scan3A_282, %mul3A_394 : vector<16xf32>
        %mul3A_396 = arith.constant 2 : i32
        %mul3A_397 = arith.muli %mul3A_396, %scan3A_275 : i32
        %get3A_398 = arith.index_cast %select_n3A_247 : i32 to index
        %get3A_399 = arith.index_cast %mul3A_397 : i32 to index
        %get3A_400 = arith.constant 112 : index
        %get3A_401 = tpu.vector_load %arg5[%get3A_398, %get3A_399, %get3A_400] {strides = array<i32>} : memref<2x208x128xf32, #tpu.memory_space<vmem>>, vector<16xf32>,
        %mul3A_402 = arith.constant 2 : i32
        %mul3A_403 = arith.muli %mul3A_402, %scan3A_275 : i32
        %add3A_404 = arith.constant 1 : i32
        %add3A_405 = arith.addi %mul3A_403, %add3A_404 : i32
        %get3A_406 = arith.index_cast %select_n3A_247 : i32 to index
        %get3A_407 = arith.index_cast %add3A_405 : i32 to index
        %get3A_408 = arith.constant 112 : index
        %get3A_409 = tpu.vector_load %arg5[%get3A_406, %get3A_407, %get3A_408] {strides = array<i32>} : memref<2x208x128xf32, #tpu.memory_space<vmem>>, vector<16xf32>,
        %mul3A_410 = arith.mulf %get3A_401, %get3A_409 : vector<16xf32>
        %add3A_411 = arith.addf %scan3A_283, %mul3A_410 : vector<16xf32>
        scf.yield %add3A_299, %add3A_315, %add3A_331, %add3A_347, %add3A_363, %add3A_379, %add3A_395, %add3A_411 : vector<16xf32>, vector<16xf32>, vector<16xf32>, vector<16xf32>, vector<16xf32>, vector<16xf32>, vector<16xf32>, vector<16xf32>
      }
      %scan3A_274 = arith.constant 104 : i32
      scf.yield %scan3A_273#0, %scan3A_273#1, %scan3A_273#2, %scan3A_273#3, %scan3A_273#4, %scan3A_273#5, %scan3A_273#6, %scan3A_273#7 : vector<16xf32>, vector<16xf32>, vector<16xf32>, vector<16xf32>, vector<16xf32>, vector<16xf32>, vector<16xf32>, vector<16xf32>
    }
    %scan3A_186 = arith.constant 50 : i32
    %add3A_187 = arith.constant 332832 : i32
    %add3A_188 = arith.addi %add3A_187, %add3A : i32
    "tpu.region"() ({
      %run_scoped3A = tpu.sem_alloc : memref<!tpu.dma_semaphore, #tpu.memory_space<semaphore_mem>>
      %dma_start3A_230 = arith.constant 0 : i32
      %dma_start3A_231 = tpu.memref_slice %arg2[%add3A_188, %dma_start3A_230] : memref<332864x128xf32, #tpu.memory_space<hbm>> -> memref<1x128xf32, #tpu.memory_space<hbm>>
      %dma_start3A_232 = tpu.memref_squeeze %dma_start3A_231 : memref<1x128xf32, #tpu.memory_space<hbm>> -> memref<128xf32, #tpu.memory_space<hbm>>
      %dma_start3A_233 = arith.constant 0 : i32
      %dma_start3A_234 = tpu.memref_slice %arg2[%add3A_188, %dma_start3A_233] : memref<332864x128xf32, #tpu.memory_space<hbm>> -> memref<1x128xf32, #tpu.memory_space<hbm>>
      %dma_start3A_235 = tpu.memref_squeeze %dma_start3A_234 : memref<1x128xf32, #tpu.memory_space<hbm>> -> memref<128xf32, #tpu.memory_space<hbm>>
      tpu.enqueue_dma source(%dma_start3A_235 : memref<128xf32, #tpu.memory_space<hbm>>) target(%arg6 : memref<128xf32, #tpu.memory_space<vmem>>) target_semaphore(%run_scoped3A : memref<!tpu.dma_semaphore, #tpu.memory_space<semaphore_mem>>)
      %dma_wait3A = arith.constant 0 : i32
      %dma_wait3A_236 = tpu.memref_slice %arg2[%add3A_188, %dma_wait3A] : memref<332864x128xf32, #tpu.memory_space<hbm>> -> memref<1x128xf32, #tpu.memory_space<hbm>>
      %dma_wait3A_237 = tpu.memref_squeeze %dma_wait3A_236 : memref<1x128xf32, #tpu.memory_space<hbm>> -> memref<128xf32, #tpu.memory_space<hbm>>
      %dma_wait3A_238 = arith.constant 0 : i32
      %dma_wait3A_239 = tpu.memref_slice %arg2[%add3A_188, %dma_wait3A_238] : memref<332864x128xf32, #tpu.memory_space<hbm>> -> memref<1x128xf32, #tpu.memory_space<hbm>>
      %dma_wait3A_240 = tpu.memref_squeeze %dma_wait3A_239 : memref<1x128xf32, #tpu.memory_space<hbm>> -> memref<128xf32, #tpu.memory_space<hbm>>
      tpu.wait_dma2 semaphore(%run_scoped3A : memref<!tpu.dma_semaphore, #tpu.memory_space<semaphore_mem>>) src(%dma_wait3A_240 : memref<128xf32, #tpu.memory_space<hbm>>) dst(%arg6 : memref<128xf32, #tpu.memory_space<vmem>>)
      tpu.yield
    }) : () -> ()
    %get3A = arith.constant 0 : index
    %get3A_189 = tpu.vector_load %arg6[%get3A] {strides = array<i32>} : memref<128xf32, #tpu.memory_space<vmem>>, vector<16xf32>,
    %add3A_190 = arith.addf %scan3A_185#0, %get3A_189 : vector<16xf32>
    %swap3A_191 = arith.constant 0 : index
    %swap3A_192 = tpu.vector_load %arg6[%swap3A_191] {strides = array<i32>} : memref<128xf32, #tpu.memory_space<vmem>>, vector<16xf32>,
    tpu.vector_store %arg6[%swap3A_191], %add3A_190 {strides = array<i32>} : memref<128xf32, #tpu.memory_space<vmem>>, vector<16xf32>,
    %get3A_193 = arith.constant 16 : index
    %get3A_194 = tpu.vector_load %arg6[%get3A_193] {strides = array<i32>} : memref<128xf32, #tpu.memory_space<vmem>>, vector<16xf32>,
    %add3A_195 = arith.addf %scan3A_185#1, %get3A_194 : vector<16xf32>
    %swap3A_196 = arith.constant 16 : index
    %swap3A_197 = tpu.vector_load %arg6[%swap3A_196] {strides = array<i32>} : memref<128xf32, #tpu.memory_space<vmem>>, vector<16xf32>,
    tpu.vector_store %arg6[%swap3A_196], %add3A_195 {strides = array<i32>} : memref<128xf32, #tpu.memory_space<vmem>>, vector<16xf32>,
    %get3A_198 = arith.constant 32 : index
    %get3A_199 = tpu.vector_load %arg6[%get3A_198] {strides = array<i32>} : memref<128xf32, #tpu.memory_space<vmem>>, vector<16xf32>,
    %add3A_200 = arith.addf %scan3A_185#2, %get3A_199 : vector<16xf32>
    %swap3A_201 = arith.constant 32 : index
    %swap3A_202 = tpu.vector_load %arg6[%swap3A_201] {strides = array<i32>} : memref<128xf32, #tpu.memory_space<vmem>>, vector<16xf32>,
    tpu.vector_store %arg6[%swap3A_201], %add3A_200 {strides = array<i32>} : memref<128xf32, #tpu.memory_space<vmem>>, vector<16xf32>,
    %get3A_203 = arith.constant 48 : index
    %get3A_204 = tpu.vector_load %arg6[%get3A_203] {strides = array<i32>} : memref<128xf32, #tpu.memory_space<vmem>>, vector<16xf32>,
    %add3A_205 = arith.addf %scan3A_185#3, %get3A_204 : vector<16xf32>
    %swap3A_206 = arith.constant 48 : index
    %swap3A_207 = tpu.vector_load %arg6[%swap3A_206] {strides = array<i32>} : memref<128xf32, #tpu.memory_space<vmem>>, vector<16xf32>,
    tpu.vector_store %arg6[%swap3A_206], %add3A_205 {strides = array<i32>} : memref<128xf32, #tpu.memory_space<vmem>>, vector<16xf32>,
    %get3A_208 = arith.constant 64 : index
    %get3A_209 = tpu.vector_load %arg6[%get3A_208] {strides = array<i32>} : memref<128xf32, #tpu.memory_space<vmem>>, vector<16xf32>,
    %add3A_210 = arith.addf %scan3A_185#4, %get3A_209 : vector<16xf32>
    %swap3A_211 = arith.constant 64 : index
    %swap3A_212 = tpu.vector_load %arg6[%swap3A_211] {strides = array<i32>} : memref<128xf32, #tpu.memory_space<vmem>>, vector<16xf32>,
    tpu.vector_store %arg6[%swap3A_211], %add3A_210 {strides = array<i32>} : memref<128xf32, #tpu.memory_space<vmem>>, vector<16xf32>,
    %get3A_213 = arith.constant 80 : index
    %get3A_214 = tpu.vector_load %arg6[%get3A_213] {strides = array<i32>} : memref<128xf32, #tpu.memory_space<vmem>>, vector<16xf32>,
    %add3A_215 = arith.addf %scan3A_185#5, %get3A_214 : vector<16xf32>
    %swap3A_216 = arith.constant 80 : index
    %swap3A_217 = tpu.vector_load %arg6[%swap3A_216] {strides = array<i32>} : memref<128xf32, #tpu.memory_space<vmem>>, vector<16xf32>,
    tpu.vector_store %arg6[%swap3A_216], %add3A_215 {strides = array<i32>} : memref<128xf32, #tpu.memory_space<vmem>>, vector<16xf32>,
    %get3A_218 = arith.constant 96 : index
    %get3A_219 = tpu.vector_load %arg6[%get3A_218] {strides = array<i32>} : memref<128xf32, #tpu.memory_space<vmem>>, vector<16xf32>,
    %add3A_220 = arith.addf %scan3A_185#6, %get3A_219 : vector<16xf32>
    %swap3A_221 = arith.constant 96 : index
    %swap3A_222 = tpu.vector_load %arg6[%swap3A_221] {strides = array<i32>} : memref<128xf32, #tpu.memory_space<vmem>>, vector<16xf32>,
    tpu.vector_store %arg6[%swap3A_221], %add3A_220 {strides = array<i32>} : memref<128xf32, #tpu.memory_space<vmem>>, vector<16xf32>,
    %get3A_223 = arith.constant 112 : index
    %get3A_224 = tpu.vector_load %arg6[%get3A_223] {strides = array<i32>} : memref<128xf32, #tpu.memory_space<vmem>>, vector<16xf32>,
    %add3A_225 = arith.addf %scan3A_185#7, %get3A_224 : vector<16xf32>
    %swap3A_226 = arith.constant 112 : index
    %swap3A_227 = tpu.vector_load %arg6[%swap3A_226] {strides = array<i32>} : memref<128xf32, #tpu.memory_space<vmem>>, vector<16xf32>,
    tpu.vector_store %arg6[%swap3A_226], %add3A_225 {strides = array<i32>} : memref<128xf32, #tpu.memory_space<vmem>>, vector<16xf32>,
    %mul3A_228 = arith.constant 128 : i32
    %mul3A_229 = arith.muli %add3A, %mul3A_228 : i32
    "tpu.region"() ({
      %run_scoped3A = tpu.sem_alloc : memref<!tpu.dma_semaphore, #tpu.memory_space<semaphore_mem>>
      %dma_start3A_230 = tpu.memref_slice %arg3[%mul3A_229] : memref<4096xf32, #tpu.memory_space<hbm>> -> memref<128xf32, #tpu.memory_space<hbm>>
      %dma_start3A_231 = tpu.memref_slice %arg3[%mul3A_229] : memref<4096xf32, #tpu.memory_space<hbm>> -> memref<128xf32, #tpu.memory_space<hbm>>
      tpu.enqueue_dma source(%arg6 : memref<128xf32, #tpu.memory_space<vmem>>) target(%dma_start3A_231 : memref<128xf32, #tpu.memory_space<hbm>>) target_semaphore(%run_scoped3A : memref<!tpu.dma_semaphore, #tpu.memory_space<semaphore_mem>>)
      %dma_wait3A = tpu.memref_slice %arg3[%mul3A_229] : memref<4096xf32, #tpu.memory_space<hbm>> -> memref<128xf32, #tpu.memory_space<hbm>>
      %dma_wait3A_232 = tpu.memref_slice %arg3[%mul3A_229] : memref<4096xf32, #tpu.memory_space<hbm>> -> memref<128xf32, #tpu.memory_space<hbm>>
      tpu.wait_dma2 semaphore(%run_scoped3A : memref<!tpu.dma_semaphore, #tpu.memory_space<semaphore_mem>>) src(%arg6 : memref<128xf32, #tpu.memory_space<vmem>>) dst(%dma_wait3A_232 : memref<128xf32, #tpu.memory_space<hbm>>)
      tpu.yield
    }) : () -> ()
    return
  }
}

</mosaic_0001>

<sc_bundles>
// kernel: kernel.4.cloned.1.call-start
scs
__scs_entry_jumppad:
0x0: {  	(pc) =	sbr.rel $0x88, $3  }
0x1: {  	(tag) =	ssettag $0x0;
	lr =	simm.s32 $0x1  }
0x2: {  	[smem:$0x3F9D] =	sst lr;
	_ =	strace $0xD0000000  }
0x3: {  	_ = 	snop  }
0x4: {  	_ = 	snop  }
0x5: {  	_ = 	snop  }
0x6: {  	_ = 	snop  }
0x7: {  	_ = 	snop  }
__scs_overlays_trampoline_lowered:
0x8: {  	[smem:$0x3FAC] =	sst s0  }
0x9: {  	[smem:$0x3FAD] =	sst s1  }
0xa: {  	[smem:$0x3FAE] =	sst s2  }
0xb: {  	[smem:$0x3FAF] =	sst s3  }
0xc: {  	[smem:$0x3FB0] =	sst s4  }
0xd: {  	[smem:$0x3FB1] =	sst s5  }
0xe: {  	[smem:$0x3FB2] =	sst s6  }
0xf: {  	[smem:$0x3FB3] =	sst s7  }
0x10: {  	[smem:$0x3FB4] =	sst s8  }
0x11: {  	[smem:$0x3FB5] =	sst s9;
	s0 =	simm.s32 @!p0 $0x0  }
0x12: {  	s1 =	sld [smem:$0x3F9B];
	s0 =	simm.s32 @p0 $0x1  }
0x13: {  	[smem:$0x3FB6] =	sst s0;
	s0 =	simm.s32 @!p1 $0x0  }
0x14: {  	s2 =	sld [smem:$0x3F9A];
	s0 =	simm.s32 @p1 $0x1  }
0x15: {  	[smem:$0x3FB7] =	sst s0;
	s0 =	simm.s32 @!p2 $0x0  }
0x16: {  	s3 =	sld [smem:$0x3FDB];
	s0 =	simm.s32 @p2 $0x1  }
0x17: {  	s4 =	simm.s32 $0x1BF5;
	[smem:$0x3FB9] =	sst s0  }
0x18: {  	s0 =	sld [smem:$0x3F9C];
	_ =	swait.ge [sflag:s4], $0x0  }
0x19: {  	s7 =	sld [smem:$0x3F9D]  }
0x1a: {  	s8 =	sadd.s32 $0xFFFFE003, lr  }
0x1b: {  	s9 =	sadd.s32 $0xFFFFFEF7, lr;
	s5 =	simm.s32 $0xFFFFFFFF;
	p2 =	slt.u32 s8, $0xFFFFF086  }
0x1c: {  	p1 =	slt.u32 s9, $0xF7A;
	s5 =	simm.s32 @!p2 $0x0  }
0x1d: {  	s5 =	simm.s32 @p1 $0x1;
	p0 =	seq.s32 s7, s2  }
0x1e: {  	s7 =	smul.u32 @!p0 $0xF7A, s2;
	p2 =	seq.s32 @!p0 s5, $0x0  }
0x1f: {  	s9 =	smul.u32 $0xF7A, s1;
	s8 =	simm.s32 @!p0 $0x1BF5;
	p2 =	por !p2, p0  }
0x20: {  	[sflag:s8] =	ssyncset.s32 @!p0 $0xFFFFF086;
	s6 =	sadd.s32 @!p0 s3, s7;
	s7 =	simm.s32 @!p0 $0x108  }
0x21: {  	s3 =	sadd.s32 s3, s9;
	s6 =	sadd.s32 @!p0 $0x88, s6;
	s7 =	simm.s32 @p2 $0x1082  }
0x22: {  	[simem:s7], [sflag:s8] =	dma.local @!p0 [hbm:s6], $0xF7A  }
0x23: {  	s9 =	sor.u32 $0xD0000000, s2;
	s6 =	simm.s32 $0x108;
	_ =	swait.ge @!p0 [sflag:s8], $0x0  }
0x24: {  	s3 =	sadd.s32 $0x88, s3;
	s6 =	simm.s32 @!p1 $0x1082;
	[sflag:s4] =	ssyncset.s32 $0xFFFFF086  }
0x25: {  	[simem:s6], [sflag:s4] =	dma.local [hbm:s3], $0xF7A  }
0x26: {  	[smem:$0x3F9D] =	sst s1;
	(tag) =	ssettag s2;
	_ =	strace s9  }
0x27: {  	s1 =	sld [smem:$0x3FAD]  }
0x28: {  	s2 =	sld [smem:$0x3FAE]  }
0x29: {  	s4 =	sld [smem:$0x3FB0]  }
0x2a: {  	p0 =	seq.s32 s5, $0x0;
	s5 =	sld [smem:$0x3FB1]  }
0x2b: {  	s6 =	sld [smem:$0x3FB2]  }
0x2c: {  	s7 =	sld [smem:$0x3FB3]  }
0x2d: {  	s3 =	simm.s32 $0x108;
	s8 =	sld [smem:$0x3FB4]  }
0x2e: {  	s3 =	simm.s32 @!p0 $0x1082;
	s9 =	sld [smem:$0x3FB5]  }
0x2f: {  	lr =	sadd.s32 s0, s3;
	s0 =	sld [smem:$0x3FAC]  }
0x30: {  	s3 =	sld [smem:$0x3FAF]  }
0x31: {  	[smem:$0x3FB8] =	sst s10  }
0x32: {  	s10 =	sld [smem:$0x3FB6];
	_ =	sdelay $0x3  }
0x33: {  	p0 =	seq.s32 s10, $0x1;
	s10 =	sld [smem:$0x3FB8];
	_ =	sdelay $0x3  }
0x34: {  	[smem:$0x3FB8] =	sst s10  }
0x35: {  	s10 =	sld [smem:$0x3FB7];
	_ =	sdelay $0x3  }
0x36: {  	p1 =	seq.s32 s10, $0x1;
	s10 =	sld [smem:$0x3FB8];
	_ =	sdelay $0x3  }
0x37: {  	[smem:$0x3FB8] =	sst s10  }
0x38: {  	s10 =	sld [smem:$0x3FB9]  }
0x39: {  	_ = 	snop;
	(pc) =	sbr.ind lr, $3  }
0x3a: {  	_ = 	snop  }
0x3b: {  	_ = 	snop  }
0x3c: {  	p2 =	seq.s32 s10, $0x1;
	s10 =	sld [smem:$0x3FB8]  }
0x3d: {  	_ =	shalt  }
0x3e: {  	_ =	shalt  }
0x3f: {  	_ =	shalt  }
0x40: {  	_ =	shalt  }
0x41: {  	_ =	shalt  }
0x42: {  	_ =	shalt  }
0x43: {  	_ =	shalt  }
0x44: {  	_ =	shalt  }
0x45: {  	_ =	shalt  }
0x46: {  	_ =	shalt  }
0x47: {  	_ =	shalt  }
0x48: {  	_ =	shalt  }
0x49: {  	_ =	shalt  }
0x4a: {  	_ =	shalt  }
0x4b: {  	_ =	shalt  }
0x4c: {  	_ =	shalt  }
0x4d: {  	_ =	shalt  }
0x4e: {  	_ =	shalt  }
0x4f: {  	_ =	shalt  }
0x50: {  	_ =	shalt  }
0x51: {  	_ =	shalt  }
0x52: {  	_ =	shalt  }
0x53: {  	_ =	shalt  }
0x54: {  	_ =	shalt  }
0x55: {  	_ =	shalt  }
0x56: {  	_ =	shalt  }
0x57: {  	_ =	shalt  }
0x58: {  	_ =	shalt  }
0x59: {  	_ =	shalt  }
0x5a: {  	_ =	shalt  }
0x5b: {  	_ =	shalt  }
0x5c: {  	_ =	shalt  }
0x5d: {  	_ =	shalt  }
0x5e: {  	_ =	shalt  }
0x5f: {  	_ =	shalt  }
0x60: {  	_ =	shalt  }
0x61: {  	_ =	shalt  }
0x62: {  	_ =	shalt  }
0x63: {  	_ =	shalt  }
0x64: {  	_ =	shalt  }
0x65: {  	_ =	shalt  }
0x66: {  	_ =	shalt  }
0x67: {  	_ =	shalt  }
0x68: {  	_ =	shalt  }
0x69: {  	_ =	shalt  }
0x6a: {  	_ =	shalt  }
0x6b: {  	_ =	shalt  }
0x6c: {  	_ =	shalt  }
0x6d: {  	_ =	shalt  }
0x6e: {  	_ =	shalt  }
0x6f: {  	_ =	shalt  }
0x70: {  	_ =	shalt  }
0x71: {  	_ =	shalt  }
0x72: {  	_ =	shalt  }
0x73: {  	_ =	shalt  }
0x74: {  	_ =	shalt  }
0x75: {  	_ =	shalt  }
0x76: {  	_ =	shalt  }
0x77: {  	_ =	shalt  }
0x78: {  	_ =	shalt  }
0x79: {  	_ =	shalt  }
0x7a: {  	_ =	shalt  }
0x7b: {  	_ =	shalt  }
0x7c: {  	_ =	shalt  }
0x7d: {  	_ =	shalt  }
0x7e: {  	_ =	shalt  }
0x7f: {  	_ =	shalt  }
0x80: {  	_ =	shalt  }
0x81: {  	_ =	shalt  }
0x82: {  	_ =	shalt  }
0x83: {  	_ =	shalt  }
0x84: {  	_ =	shalt  }
0x85: {  	_ =	shalt  }
0x86: {  	_ =	shalt  }
0x87: {  	_ =	shalt  }
.Lfunc_end0:
.L_simem_size_0:
called_computation_lowered:
.L_overlay_start_0:
0x88: {  	s2 =	sld [smem:$0x3FD9]  }
0x89: {  	s3 =	sld [smem:$0x3FFE];
	_ =	sdelay $0x1  }
0x8a: {  	s1 =	srdreg.scid  }
0x8b: {  	s0 =	sand.u32 $0x1, s1  }
0x8c: {  	s17 =	sshll.u32 s0, $0xA;
	s2 =	sadd.s32 s3, s2  }
0x8d: {  	s2 =	sadd.s32 s2, s17  }
0x8e: {  	[smem:$0x3FC4] =	sst s2  }
0x8f: {  	_ = 	snop  }
0x90: {  	s2 =	sld [smem:$0x3FC6];
	(tm) =	ssettm $0x1  }
0x91: {  	s18 =	sld [smem:$0x3FFB];
	_ =	sdelay $0x3  }
0x92: {  	_ =	strace s18  }
0x93: {  	s3 =	sld [smem:$0x3FFC];
	_ =	sdelay $0x3  }
0x94: {  	_ =	strace s3  }
0x95: {  	s3 =	sld [smem:$0x3FFD];
	_ =	sdelay $0x3  }
0x96: {  	_ =	strace s3  }
0x97: {  	_ =	strace $0x8FFFFFFF  }
0x98: {  	s19 =	sld [smem:$0x3FDB];
	_ =	sdelay $0x1  }
0x99: {  	s4 =	simm.s32 $_scs_section_size  }
0x9a: {  	s5 =	simm.s32 $_size__tile_overlayer_lowered;
	s6 =	simm.s32 $_tile_overlayer_lowered  }
0x9b: {  	s22 =	simm.s32 $0x1BFF;
	s21 =	sshll.u32 s6, $0x1;
	s3 =	sadd.s32 s4, s19  }
0x9c: {  	s7 =	simm.s32 $0x0;
	s20 =	sshll.u32 s5, $0x1;
	s5 =	sadd.s32 s21, s3  }
0x9d: {  	[timem:s7], [sflag:s22] =	dma.local [hbm:s5], s20  }
0x9e: {  	_ =	swait.ge [sflag:s22], s20  }
0x9f: {  	s4 =	ssub.s32 $0x0, s20;
	[sflag:s22] =	ssyncset.done $0x0  }
0xa0: {  	[sflag:s22] =	ssyncadd.s32 s4;
	_ =	sdelay $0x1  }
0xa1: {  	s23 =	simm.s32 $0x1B8B  }
0xa2: {  	_ =	swait.ge [sflag:s23], $0x1  }
0xa3: {  	[sflag:s23] =	ssyncset.done $0x0  }
0xa4: {  	s25 =	simm.s32 $0x1B8E;
	s24 =	sld [smem:$0x3FFE];
	[sflag:s23] =	ssyncadd.s32 $0xFFFFFFFF  }
0xa5: {  	s26 =	simm.s32 $execute0_lowered;
	[smem:$0x3FD2] =	sst s25  }
0xa6: {  	s5 =	sshll.u32 s26, $0x1;
	_ =	strace $0x80000046;
	[dreg:$0x1] =	wrdreg $0xFFFFFFFF  }
0xa7: {  	s28 =	simm.s32 $_size_execute0_lowered;
	s3 =	sadd.s32 s3, s5;
	[dreg:$0x0] =	wrdreg $0x0  }
0xa8: {  	s5 =	sshll.u32 s28, $0x1;
	[dreg:$0x2] =	wrdreg s3  }
0xa9: {  	[dreg:$0x3] =	wrdreg s5  }
0xaa: {  	[dreg:$0x4] =	wrdreg $0xC0  }
0xab: {  	_ =	task [dreg:s7], $0x5FFFF  }
0xac: {  	[dreg:$0x1] =	wrdreg $0xFFFFFFFF  }
0xad: {  	[dreg:$0x0] =	wrdreg $0x60  }
0xae: {  	[dreg:$0x2] =	wrdreg s24  }
0xaf: {  	[dreg:$0x3] =	wrdreg s2  }
0xb0: {  	[dreg:$0x4] =	wrdreg $0x1DBD00  }
0xb1: {  	[dreg:$0x5] =	wrdreg $0x9  }
0xb2: {  	_ =	task.clear_ibuf [dreg:s7], $0x6FFFF;
	_ =	strace $0x90000046  }
0xb3: {  	s29 =	simm.s32 $0x9;
	_ =	strace $0x80000048  }
0xb4: {  	_ =	swait.ge [sflag:s29], $0x1  }
0xb5: {  	[sflag:s29] =	ssyncadd.s32 $0xFFFFFFFF  }
0xb6: {  	_ =	strace $0x90000048  }
0xb7: {  	_ =	sfence  }
0xb8: {  	s30 =	sld [smem:$0x0];
	_ =	sdelay $0x2  }
0xb9: {  	s31 =	sshll.u32 s1, $0xD;
	s1 =	sshrl.u32 s1, $0x2  }
0xba: {  	s3 =	sand.u32 $0x4000, s31;
	s1 =	sadd.s32 s1, s30  }
0xbb: {  	s0 =	sor.u32 s3, s0;
	s1 =	sshll.u32 s1, $0x11  }
0xbc: {  	s0 =	sor.u32 s1, s0  }
0xbd: {  	s0 =	sadd.s32 $0x8F2B, s0  }
0xbe: {  	[sflag:s0] =	ssyncadd.remote.s32 $0x1  }
0xbf: {  	_ =	sfence.sel $0xFFFF  }
0xc0: {  	[dreg:$0x0] =	wrdreg $0xFFFFFFFF;
	(pc) =	sbr.abs _section_cstart, $3  }
0xc1: {  	[dreg:$0x1] =	wrdreg $0xFFFFFFFF  }
0xc2: {  	_ =	task.clear_ibuf [dreg:s7], $0x2FFFF;
	_ =	strace $0x9FFFFFFF  }
0xc3: {  	(tm) =	ssettm $0x7FFFFFFF  }
tec
execute0_lowered:
.L_overlay_start_1:
0x0: {  	(tag) =	ssettag $0x1  }
0x1: {  	s0 =	rddreg [dreg:$0x0]  }
0x2: {  	s2 =	rddreg [dreg:$0x2];
	s3 =	simm.s32 $0x0;
	s1 =	srdreg.scid  }
0x3: {  	s6 =	stileid.u32;
	[smem:$0x7FF] =	sst s3;
	s8 =	sadd.s32 $0x4FEA00, s0  }
0x4: {  	s11 =	sadd.s32 $0x1000, s2;
	_ =	strace $0x80000047;
	[dreg:$0x4] =	wrdreg s8  }
0x5: {  	s13 =	simm.s32 $0x3;
	s15 =	sadd.s32 $0x2000, s2;
	[dreg:$0x5] =	wrdreg s11  }
0x6: {  	s1 =	sand.u32 $0x1, s1;
	s16 =	sadd.s32 $0x3000, s2;
	[dreg:$0x6] =	wrdreg s15  }
0x7: {  	s4 =	sshll.u32 s6, $0x1;
	s17 =	sadd.s32 $0x4000, s2;
	[dreg:$0x7] =	wrdreg s16  }
0x8: {  	s5 =	sadd.s32 $0x9000, s0;
	s18 =	sadd.s32 $0x5000, s2;
	[dreg:$0x8] =	wrdreg s17  }
0x9: {  	s19 =	sadd.s32 $0x6000, s2;
	s20 =	sadd.s32 $0x7000, s2;
	[dreg:$0x9] =	wrdreg s18  }
0xa: {  	s21 =	sadd.s32 $0x8000, s2;
	s22 =	sadd.s32 $0x9000, s2;
	[dreg:$0xa] =	wrdreg s19  }
0xb: {  	s23 =	sadd.s32 $0xA000, s2;
	s24 =	sadd.s32 $0xB000, s2;
	[dreg:$0xb] =	wrdreg s20  }
0xc: {  	s25 =	sadd.s32 $0xC000, s2;
	p0 =	sne.s32 s6, $0x0;
	[dreg:$0xc] =	wrdreg s21  }
0xd: {  	s26 =	sadd.s32 $0xD000, s2;
	s28 =	sadd.s32 $0x10000, s2;
	[dreg:$0xd] =	wrdreg s22  }
0xe: {  	s29 =	sadd.s32 $0x11000, s2;
	s30 =	sadd.s32 $0x12000, s2;
	[dreg:$0xe] =	wrdreg s23  }
0xf: {  	s31 =	sadd.s32 $0x13000, s2;
	s6 =	sadd.s32 $0x16000, s2;
	[dreg:$0xf] =	wrdreg s24  }
0x10: {  	s12 =	sadd.s32 $0x19000, s2;
	s10 =	sor.u32 s1, s4;
	[dreg:$0x10] =	wrdreg s25  }
0x11: {  	s4 =	sadd.s32 $0x600, s0;
	s1 =	ssub.s32 $0x2, s1;
	[dreg:$0x11] =	wrdreg s26  }
0x12: {  	s23 =	sadd.s32 $0xE000, s2;
	s24 =	sadd.s32 $0xA15E00, s0;
	s26 =	sadd.s32 $0xF000, s2  }
0x13: {  	s11 =	sadd.s32 $0x18000, s2;
	s15 =	simm.s32 $0x1;
	s7 =	smul.u32 $0x2A4, s10  }
.Ltmp0:
0x14: {  	s16 =	simm.s32 $0x2;
	s14 =	sshrl.u32 s1, $0x1;
	(pc) =	sbr.rel .LBB2_1-.Ltmp0, $4  }
0x15: {  	s17 =	simm.s32 $0x0;
	p1 =	sne.s32 s10, $0x1F;
	s1 =	ssub.s32 s1, s14  }
0x16: {  	s14 =	simm.s32 $0x186A0;
	s9 =	sadd.s32 s7, s0;
	s7 =	sadd.s32 $0x501C00, s0  }
0x17: {  	s25 =	smax.u32 s1, $0x1;
	s0 =	sadd.s32 $0x14000, s2;
	s1 =	sadd.s32 $0x15000, s2  }
0x18: {  	s8 =	sadd.s32 $0x3A00, s9;
	s9 =	smul.u32 $0xD, s10;
	s10 =	sadd.s32 $0x17000, s2  }
.LBB2_61:
0x19: {  	s17 =	sadd.s32 $0x1, s17  }
0x1a: {  	p2 =	sne.s32 s17, s25  }
.Ltmp1:
0x1b: {  	_ = 	snop;
	(pc) =	sbr.rel @!p2 .LBB2_62-.Ltmp1, $1  }
0x1c: {  	_ =	sdelay $0x3  }
.LBB2_1:
0x1d: {  	s18 =	sshrl.u32 @!p0 s2, $0x3;
	s19 =	simm.s32 @!p0 $0x1C03  }
0x1e: {  	[spmem:s18], [sflag:s19] =	dma.local @!p0 [hbm:s4], $0x3400  }
0x1f: {  	s18 =	simm.s32 @!p0 $0x3  }
0x20: {  	_ =	swait.ge @!p0 [sflag:s18], $0x3400  }
0x21: {  	[sflag:s18] =	ssyncset.done @!p0 $0x0  }
0x22: {  	[sflag:s18] =	ssyncadd.s32 @!p0 $0xFFFFCC00  }
0x23: {  	s20 =	simm.s32 $0x1C6A0;
	[bflag:$0x0] =	sbarrier.arrive $0xFFFF  }
0x24: {  	[tilespmem:s20], [sflag:$0x3] =	stream.linear.gather [hbm4b:s8+s3], $0x1520, $0x38;
	[tilespmem:$0x1F5D0] =	vst v63  }
0x25: {  	_ =	swait.ge [sflag:s13], $0x1520  }
0x26: {  	[sflag:s13] =	ssyncset.done $0x0  }
0x27: {  	[sflag:s13] =	ssyncadd.s32 $0xFFFFEAE0  }
0x28: {  	s22 =	simm.s32 $0x1DBC0;
	s21 =	rddreg [dreg:$0x1]  }
0x29: {  	[tilespmem:s22], [sflag:$0x3] =	stream.linear.gather [hbm4b:s21+s3], $0x1, $0x38;
	[tilespmem:$0x1F5D0] =	vst v63  }
0x2a: {  	_ =	swait.ge [sflag:s13], $0x1  }
0x2b: {  	[sflag:s13] =	ssyncset.done $0x0  }
0x2c: {  	p2 =	por $0x0, $0x0;
	s18 =	simm.s32 $0x0;
	[sflag:s13] =	ssyncadd.s32 $0xFFFFFFFF  }
0x2d: {  	[tilespmem:s14], [sflag:$0x1] =	stream.linear.gather [spmem:s2], $0x1000, $0x38;
	[tilespmem:$0x1F5D0] =	vst v63  }
.LBB2_2:
0x2e: {  	s19 =	smul.u32 $0x4EC5, s18;
	_ =	sdelay $0x1  }
0x2f: {  	s20 =	sand.u32 $0xFFFE, s19  }
0x30: {  	s19 =	sshll.u32 s19, $0xF;
	s20 =	sshrl.u32 s20, $0x1  }
0x31: {  	s19 =	sor.u32 s19, s20  }
0x32: {  	s19 =	sand.u32 $0xFFFF, s19  }
0x33: {  	p4 =	sgt.u32 s19, $0x9D8  }
0x34: {  	s19 =	smul.u32 @!p4 $0x4EC5, s18;
	_ =	sdelay $0x1  }
0x35: {  	s19 =	sshrl.u32 @!p4 s19, $0x13  }
0x36: {  	s19 =	sadd.s32 @!p4 s19, s9  }
0x37: {  	s19 =	smul.u32 @!p4 $0x30D4, s19;
	_ =	sdelay $0x1  }
0x38: {  	s20 =	simm.s32 @!p4 $0x0;
	s19 =	sadd.s32 @!p4 s5, s19  }
0x39: {  	[tilespmem:s20], [sflag:$0x3] =	stream.linear.gather @!p4 [hbm4b:s19+s20], $0x186A0, $0x38;
	[tilespmem:$0x1F5D0] =	vst v63  }
0x3a: {  	p3 =	seq.s32 s18, $0x151;
	s20 =	simm.s32 @!p4 $0x3;
	s19 =	sadd.s32 $0x1, s18  }
0x3b: {  	_ =	swait.ge @!p4 [sflag:s20], $0x186A0;
	s21 =	smul.u32 @!p3 $0x4EC5, s19  }
0x3c: {  	p5 =	slt.u32 s18, $0x2;
	[sflag:s20] =	ssyncset.done @!p4 $0x0  }
0x3d: {  	[sflag:s20] =	ssyncadd.s32 @!p4 $0xFFFE7960;
	s20 =	simm.s32 @!p5 $0x2;
	s21 =	sshrl.u32 @!p3 s21, $0x13  }
0x3e: {  	s22 =	simm.s32 $0x1;
	_ =	swait.ge @!p5 [sflag:s20], $0x1000;
	s21 =	smul.u32 @!p3 $0x1A, s21  }
0x3f: {  	s22 =	simm.s32 @!p2 $0x0;
	[sflag:s20] =	ssyncset.done @!p5 $0x0  }
0x40: {  	[sflag:s20] =	ssyncadd.s32 @!p5 $0xFFFFF000;
	s20 =	sshll.u32 s22, $0xC;
	s21 =	ssub.s32 @!p3 s19, s21  }
0x41: {  	s22 =	sshll.u32 @!p3 s19, $0xC;
	_ =	swait.ge [sflag:s15], $0x1000;
	s21 =	sand.u32 @!p3 $0xFFFF, s21  }
0x42: {  	s22 =	sand.u32 @!p3 $0x1000, s22;
	[sflag:s15] =	ssyncset.done $0x0;
	s21 =	sshll.u32 @!p3 s21, $0xC  }
0x43: {  	s22 =	sor.u32 @!p3 $0x186A0, s22;
	[sflag:s15] =	ssyncadd.s32 $0xFFFFF000;
	s21 =	sadd.s32 @!p3 s21, s2  }
0x44: {  	[tilespmem:s22], [sflag:$0x1] =	stream.linear.gather @!p3 [spmem:s21], $0x1000, $0x38;
	[tilespmem:$0x1F5D0] =	vst v63  }
0x45: {  	s22 =	sor.u32 $0x186A0, s20  }
0x46: {  	v1 =	vmov s22;
	_ =	sdelay $0x2  }
0x47: {  	s21 =	sor.u32 $0x1A6A0, s20  }
0x48: {  	s20 =	sand.u32 $0x1, s18;
	v0 =	vmov s21;
	s21 =	simm.s32 $0x0;
	s22 =	simm.s32 $0x40  }
.LBB2_3:
0x49: {  	p3 =	sne.s32 s22, $0x3FC0;
	v2 =	vld.idx.msk [tilespmem:v1+s21+$0x0 ss:$0x1], $0xffff;
	_ =	sdelay $0x7  }
0x4a: {  	v2 =	vld.idx.msk [tilespmem:v2+s3+$0x0], $0xffff;
	_ =	sdelay $0x1  }
.Ltmp2:
0x4b: {  	(pc) =	sbr.rel @p3 .LBB2_3-.Ltmp2, $2  }
0x4c: {  	_ =	sdelay $0x2  }
0x4d: {  	[tilespmem:v0+s21+$0x0 ss:$0x1] =	vst.idx.msk $0xffff, v2;
	s21 =	sshra.s32 s22, $0x2;
	s22 =	sadd.s32 $0x40, s22  }
0x4e: {  	_ =	sdelay $0x3  }
0x4f: {  	v1 =	vld.idx.msk [tilespmem:v1+s21+$0x0 ss:$0x1], $0xffff;
	_ =	sdelay $0x7  }
0x50: {  	v1 =	vld.idx.msk [tilespmem:v1+s3+$0x0], $0xffff;
	_ =	sdelay $0x3  }
0x51: {  	s18 =	sshll.u32 s18, $0x4  }
0x52: {  	s18 =	sand.u32 $0x3FFFFFF0, s18;
	[tilespmem:v0+s21+$0x0 ss:$0x1] =	vst.idx.msk $0xffff, v1  }
0x53: {  	v0 =	vld [tilespmem:s18+$0x1C6A0];
	_ =	sdelay $0x4  }
0x54: {  	(v2sf) =	vpush v0, $0x0;
	_ =	sdelay $0xe  }
0x55: {  	p3 =	sne.s32 s19, $0x152;
	s22 =	spop (v2sf)  }
.Ltmp3:
0x56: {  	s18 =	sshll.u32 s22, $0x9;
	(pc) =	sbr.rel @p3 .LBB2_2-.Ltmp3, $4  }
0x57: {  	s20 =	sshll.u32 s20, $0xC;
	s18 =	sand.u32 $0x1FFFFE00, s18  }
0x58: {  	s20 =	sor.u32 $0x1A6A0, s20;
	s18 =	sadd.s32 s7, s18  }
0x59: {  	[hbm4b:s18+s3] =	stream.linear.scatter [tilespmem:s20], [sflag:$0x2], $0x1000, $0x38;
	[tilespmem:$0x1F5D0] =	vst v63  }
0x5a: {  	p2 =	por !p2, !p2;
	s18 =	smov.u32 s19  }
0x5b: {  	_ =	swait.ge [sflag:s16], $0x1000  }
.Ltmp4:
0x5c: {  	[sflag:s16] =	ssyncset.done $0x0;
	(pc) =	sbr.rel @p1 .LBB2_61-.Ltmp4, $4  }
0x5d: {  	[sflag:s16] =	ssyncadd.s32 $0xFFFFF000  }
0x5e: {  	_ =	swait.ge [sflag:s16], $0x1000  }
0x5f: {  	[sflag:s16] =	ssyncset.done $0x0  }
0x60: {  	[sflag:s16] =	ssyncadd.s32 $0xFFFFF000  }
0x61: {  	s18 =	simm.s32 $0x0;
	s19 =	rddreg [dreg:$0x4]  }
0x62: {  	[tilespmem:s18], [sflag:$0x3] =	stream.linear.gather [hbm4b:s19+s18], $0x186A0, $0x38;
	[tilespmem:$0x1F5D0] =	vst v63  }
0x63: {  	_ =	swait.ge [sflag:s13], $0x186A0  }
0x64: {  	[sflag:s13] =	ssyncset.done $0x0  }
0x65: {  	[sflag:s13] =	ssyncadd.s32 $0xFFFE7960  }
0x66: {  	v0 =	vld.msk [tilespmem:$0x1DBC0 ss:$0x0], $0xffff;
	_ =	sdelay $0x3  }
0x67: {  	s18 =	simm.s32 $0x40;
	s19 =	simm.s32 $0x0  }
.LBB2_7:
0x68: {  	p2 =	sne.s32 s18, $0x3FC0;
	[tilespmem:s19+$0x1A6A0] =	vst v0;
	s19 =	smov.u32 s18;
	s18 =	sadd.s32 $0x40, s18  }
.Ltmp5:
0x69: {  	(pc) =	sbr.rel @p2 .LBB2_7-.Ltmp5, $2  }
0x6a: {  	_ =	sdelay $0x2  }
0x6b: {  	s19 =	sshra.s32 s19, $0x2  }
0x6c: {  	[tilespmem:s19+$0x1A6A0] =	vst v0  }
0x6d: {  	[tilespmem:s14], [sflag:$0x3] =	stream.linear.gather [spmem:s2], $0x1000, $0x38;
	[tilespmem:$0x1F5D0] =	vst v63  }
0x6e: {  	_ =	swait.ge [sflag:s13], $0x1000  }
0x6f: {  	[sflag:s13] =	ssyncset.done $0x0  }
0x70: {  	s19 =	simm.s32 $0x0;
	[sflag:s13] =	ssyncadd.s32 $0xFFFFF000  }
0x71: {  	v1 =	vld [tilespmem:s19+$0x186A0];
	_ =	sdelay $0x5  }
0x72: {  	s18 =	simm.s32 $0x10  }
0x73: {  	v0 =	vld [tilespmem:s18+$0x186A0]  }
0x74: {  	s20 =	simm.s32 $0x80;
	v1 =	vld.idx.msk [tilespmem:v1+s3+$0x0], $0xffff  }
.LBB2_9:
0x75: {  	p2 =	sne.s32 s20, $0x3FC0;
	v2 =	vld [tilespmem:s19+$0x1A6A0];
	_ =	sdelay $0x2  }
0x76: {  	v3 =	vmov v0  }
.Ltmp6:
0x77: {  	(pc) =	sbr.rel @p2 .LBB2_9-.Ltmp6, $4  }
0x78: {  	v1 =	vadd.f32 v1, v2  }
0x79: {  	s21 =	sshra.s32 s20, $0x2  }
0x7a: {  	v0 =	vld [tilespmem:s21+$0x186A0];
	[tilespmem:s19+$0x1A6A0] =	vst v1;
	s19 =	smov.u32 s18;
	s18 =	smov.u32 s21  }
0x7b: {  	s20 =	sadd.s32 $0x40, s20;
	v1 =	vld.idx.msk [tilespmem:v3+s3+$0x0], $0xffff  }
0x7c: {  	v2 =	vld [tilespmem:s19+$0x1A6A0];
	_ =	sdelay $0x4  }
0x7d: {  	v1 =	vadd.f32 v1, v2;
	_ =	sdelay $0x1  }
0x7e: {  	[tilespmem:s19+$0x1A6A0] =	vst v1  }
0x7f: {  	v0 =	vld.idx.msk [tilespmem:v0+s3+$0x0], $0xffff  }
0x80: {  	v1 =	vld [tilespmem:s18+$0x1A6A0];
	_ =	sdelay $0x4  }
0x81: {  	v0 =	vadd.f32 v0, v1;
	_ =	sdelay $0x1  }
0x82: {  	s22 =	rddreg [dreg:$0x5];
	[tilespmem:s18+$0x1A6A0] =	vst v0  }
0x83: {  	[tilespmem:s14], [sflag:$0x3] =	stream.linear.gather [spmem:s22], $0x1000, $0x38;
	[tilespmem:$0x1F5D0] =	vst v63  }
0x84: {  	_ =	swait.ge [sflag:s13], $0x1000  }
0x85: {  	[sflag:s13] =	ssyncset.done $0x0  }
0x86: {  	s19 =	simm.s32 $0x0;
	[sflag:s13] =	ssyncadd.s32 $0xFFFFF000  }
0x87: {  	v1 =	vld [tilespmem:s19+$0x186A0];
	_ =	sdelay $0x5  }
0x88: {  	s18 =	simm.s32 $0x10  }
0x89: {  	v0 =	vld [tilespmem:s18+$0x186A0]  }
0x8a: {  	s20 =	simm.s32 $0x80;
	v1 =	vld.idx.msk [tilespmem:v1+s3+$0x0], $0xffff  }
.LBB2_11:
0x8b: {  	p2 =	sne.s32 s20, $0x3FC0;
	v2 =	vld [tilespmem:s19+$0x1A6A0];
	_ =	sdelay $0x2  }
0x8c: {  	v3 =	vmov v0  }
.Ltmp7:
0x8d: {  	(pc) =	sbr.rel @p2 .LBB2_11-.Ltmp7, $4  }
0x8e: {  	v1 =	vadd.f32 v1, v2  }
0x8f: {  	s21 =	sshra.s32 s20, $0x2  }
0x90: {  	v0 =	vld [tilespmem:s21+$0x186A0];
	[tilespmem:s19+$0x1A6A0] =	vst v1;
	s19 =	smov.u32 s18;
	s18 =	smov.u32 s21  }
0x91: {  	s20 =	sadd.s32 $0x40, s20;
	v1 =	vld.idx.msk [tilespmem:v3+s3+$0x0], $0xffff  }
0x92: {  	v2 =	vld [tilespmem:s19+$0x1A6A0];
	_ =	sdelay $0x4  }
0x93: {  	v1 =	vadd.f32 v1, v2;
	_ =	sdelay $0x1  }
0x94: {  	[tilespmem:s19+$0x1A6A0] =	vst v1  }
0x95: {  	v0 =	vld.idx.msk [tilespmem:v0+s3+$0x0], $0xffff  }
0x96: {  	v1 =	vld [tilespmem:s18+$0x1A6A0];
	_ =	sdelay $0x4  }
0x97: {  	v0 =	vadd.f32 v0, v1;
	_ =	sdelay $0x1  }
0x98: {  	s22 =	rddreg [dreg:$0x6];
	[tilespmem:s18+$0x1A6A0] =	vst v0  }
0x99: {  	[tilespmem:s14], [sflag:$0x3] =	stream.linear.gather [spmem:s22], $0x1000, $0x38;
	[tilespmem:$0x1F5D0] =	vst v63  }
0x9a: {  	_ =	swait.ge [sflag:s13], $0x1000  }
0x9b: {  	[sflag:s13] =	ssyncset.done $0x0  }
0x9c: {  	s19 =	simm.s32 $0x0;
	[sflag:s13] =	ssyncadd.s32 $0xFFFFF000  }
0x9d: {  	v1 =	vld [tilespmem:s19+$0x186A0];
	_ =	sdelay $0x5  }
0x9e: {  	s18 =	simm.s32 $0x10  }
0x9f: {  	v0 =	vld [tilespmem:s18+$0x186A0]  }
0xa0: {  	s20 =	simm.s32 $0x80;
	v1 =	vld.idx.msk [tilespmem:v1+s3+$0x0], $0xffff  }
.LBB2_13:
0xa1: {  	p2 =	sne.s32 s20, $0x3FC0;
	v2 =	vld [tilespmem:s19+$0x1A6A0];
	_ =	sdelay $0x2  }
0xa2: {  	v3 =	vmov v0  }
.Ltmp8:
0xa3: {  	(pc) =	sbr.rel @p2 .LBB2_13-.Ltmp8, $4  }
0xa4: {  	v1 =	vadd.f32 v1, v2  }
0xa5: {  	s21 =	sshra.s32 s20, $0x2  }
0xa6: {  	v0 =	vld [tilespmem:s21+$0x186A0];
	[tilespmem:s19+$0x1A6A0] =	vst v1;
	s19 =	smov.u32 s18;
	s18 =	smov.u32 s21  }
0xa7: {  	s20 =	sadd.s32 $0x40, s20;
	v1 =	vld.idx.msk [tilespmem:v3+s3+$0x0], $0xffff  }
0xa8: {  	v2 =	vld [tilespmem:s19+$0x1A6A0];
	_ =	sdelay $0x4  }
0xa9: {  	v1 =	vadd.f32 v1, v2;
	_ =	sdelay $0x1  }
0xaa: {  	[tilespmem:s19+$0x1A6A0] =	vst v1  }
0xab: {  	v0 =	vld.idx.msk [tilespmem:v0+s3+$0x0], $0xffff  }
0xac: {  	v1 =	vld [tilespmem:s18+$0x1A6A0];
	_ =	sdelay $0x4  }
0xad: {  	v0 =	vadd.f32 v0, v1;
	_ =	sdelay $0x1  }
0xae: {  	s22 =	rddreg [dreg:$0x7];
	[tilespmem:s18+$0x1A6A0] =	vst v0  }
0xaf: {  	[tilespmem:s14], [sflag:$0x3] =	stream.linear.gather [spmem:s22], $0x1000, $0x38;
	[tilespmem:$0x1F5D0] =	vst v63  }
0xb0: {  	_ =	swait.ge [sflag:s13], $0x1000  }
0xb1: {  	[sflag:s13] =	ssyncset.done $0x0  }
0xb2: {  	s19 =	simm.s32 $0x0;
	[sflag:s13] =	ssyncadd.s32 $0xFFFFF000  }
0xb3: {  	v1 =	vld [tilespmem:s19+$0x186A0];
	_ =	sdelay $0x5  }
0xb4: {  	s18 =	simm.s32 $0x10  }
0xb5: {  	v0 =	vld [tilespmem:s18+$0x186A0]  }
0xb6: {  	s20 =	simm.s32 $0x80;
	v1 =	vld.idx.msk [tilespmem:v1+s3+$0x0], $0xffff  }
.LBB2_15:
0xb7: {  	p2 =	sne.s32 s20, $0x3FC0;
	v2 =	vld [tilespmem:s19+$0x1A6A0];
	_ =	sdelay $0x2  }
0xb8: {  	v3 =	vmov v0  }
.Ltmp9:
0xb9: {  	(pc) =	sbr.rel @p2 .LBB2_15-.Ltmp9, $4  }
0xba: {  	v1 =	vadd.f32 v1, v2  }
0xbb: {  	s21 =	sshra.s32 s20, $0x2  }
0xbc: {  	v0 =	vld [tilespmem:s21+$0x186A0];
	[tilespmem:s19+$0x1A6A0] =	vst v1;
	s19 =	smov.u32 s18;
	s18 =	smov.u32 s21  }
0xbd: {  	s20 =	sadd.s32 $0x40, s20;
	v1 =	vld.idx.msk [tilespmem:v3+s3+$0x0], $0xffff  }
0xbe: {  	v2 =	vld [tilespmem:s19+$0x1A6A0];
	_ =	sdelay $0x4  }
0xbf: {  	v1 =	vadd.f32 v1, v2;
	_ =	sdelay $0x1  }
0xc0: {  	[tilespmem:s19+$0x1A6A0] =	vst v1  }
0xc1: {  	v0 =	vld.idx.msk [tilespmem:v0+s3+$0x0], $0xffff  }
0xc2: {  	v1 =	vld [tilespmem:s18+$0x1A6A0];
	_ =	sdelay $0x4  }
0xc3: {  	v0 =	vadd.f32 v0, v1;
	_ =	sdelay $0x1  }
0xc4: {  	s22 =	rddreg [dreg:$0x8];
	[tilespmem:s18+$0x1A6A0] =	vst v0  }
0xc5: {  	[tilespmem:s14], [sflag:$0x3] =	stream.linear.gather [spmem:s22], $0x1000, $0x38;
	[tilespmem:$0x1F5D0] =	vst v63  }
0xc6: {  	_ =	swait.ge [sflag:s13], $0x1000  }
0xc7: {  	[sflag:s13] =	ssyncset.done $0x0  }
0xc8: {  	s19 =	simm.s32 $0x0;
	[sflag:s13] =	ssyncadd.s32 $0xFFFFF000  }
0xc9: {  	v1 =	vld [tilespmem:s19+$0x186A0];
	_ =	sdelay $0x5  }
0xca: {  	s18 =	simm.s32 $0x10  }
0xcb: {  	v0 =	vld [tilespmem:s18+$0x186A0]  }
0xcc: {  	s20 =	simm.s32 $0x80;
	v1 =	vld.idx.msk [tilespmem:v1+s3+$0x0], $0xffff  }
.LBB2_17:
0xcd: {  	p2 =	sne.s32 s20, $0x3FC0;
	v2 =	vld [tilespmem:s19+$0x1A6A0];
	_ =	sdelay $0x2  }
0xce: {  	v3 =	vmov v0  }
.Ltmp10:
0xcf: {  	(pc) =	sbr.rel @p2 .LBB2_17-.Ltmp10, $4  }
0xd0: {  	v1 =	vadd.f32 v1, v2  }
0xd1: {  	s21 =	sshra.s32 s20, $0x2  }
0xd2: {  	v0 =	vld [tilespmem:s21+$0x186A0];
	[tilespmem:s19+$0x1A6A0] =	vst v1;
	s19 =	smov.u32 s18;
	s18 =	smov.u32 s21  }
0xd3: {  	s20 =	sadd.s32 $0x40, s20;
	v1 =	vld.idx.msk [tilespmem:v3+s3+$0x0], $0xffff  }
0xd4: {  	v2 =	vld [tilespmem:s19+$0x1A6A0];
	_ =	sdelay $0x4  }
0xd5: {  	v1 =	vadd.f32 v1, v2;
	_ =	sdelay $0x1  }
0xd6: {  	[tilespmem:s19+$0x1A6A0] =	vst v1  }
0xd7: {  	v0 =	vld.idx.msk [tilespmem:v0+s3+$0x0], $0xffff  }
0xd8: {  	v1 =	vld [tilespmem:s18+$0x1A6A0];
	_ =	sdelay $0x4  }
0xd9: {  	v0 =	vadd.f32 v0, v1;
	_ =	sdelay $0x1  }
0xda: {  	s22 =	rddreg [dreg:$0x9];
	[tilespmem:s18+$0x1A6A0] =	vst v0  }
0xdb: {  	[tilespmem:s14], [sflag:$0x3] =	stream.linear.gather [spmem:s22], $0x1000, $0x38;
	[tilespmem:$0x1F5D0] =	vst v63  }
0xdc: {  	_ =	swait.ge [sflag:s13], $0x1000  }
0xdd: {  	[sflag:s13] =	ssyncset.done $0x0  }
0xde: {  	s19 =	simm.s32 $0x0;
	[sflag:s13] =	ssyncadd.s32 $0xFFFFF000  }
0xdf: {  	v1 =	vld [tilespmem:s19+$0x186A0];
	_ =	sdelay $0x5  }
0xe0: {  	s18 =	simm.s32 $0x10  }
0xe1: {  	v0 =	vld [tilespmem:s18+$0x186A0]  }
0xe2: {  	s20 =	simm.s32 $0x80;
	v1 =	vld.idx.msk [tilespmem:v1+s3+$0x0], $0xffff  }
.LBB2_19:
0xe3: {  	p2 =	sne.s32 s20, $0x3FC0;
	v2 =	vld [tilespmem:s19+$0x1A6A0];
	_ =	sdelay $0x2  }
0xe4: {  	v3 =	vmov v0  }
.Ltmp11:
0xe5: {  	(pc) =	sbr.rel @p2 .LBB2_19-.Ltmp11, $4  }
0xe6: {  	v1 =	vadd.f32 v1, v2  }
0xe7: {  	s21 =	sshra.s32 s20, $0x2  }
0xe8: {  	v0 =	vld [tilespmem:s21+$0x186A0];
	[tilespmem:s19+$0x1A6A0] =	vst v1;
	s19 =	smov.u32 s18;
	s18 =	smov.u32 s21  }
0xe9: {  	s20 =	sadd.s32 $0x40, s20;
	v1 =	vld.idx.msk [tilespmem:v3+s3+$0x0], $0xffff  }
0xea: {  	v2 =	vld [tilespmem:s19+$0x1A6A0];
	_ =	sdelay $0x4  }
0xeb: {  	v1 =	vadd.f32 v1, v2;
	_ =	sdelay $0x1  }
0xec: {  	[tilespmem:s19+$0x1A6A0] =	vst v1  }
0xed: {  	v0 =	vld.idx.msk [tilespmem:v0+s3+$0x0], $0xffff  }
0xee: {  	v1 =	vld [tilespmem:s18+$0x1A6A0];
	_ =	sdelay $0x4  }
0xef: {  	v0 =	vadd.f32 v0, v1;
	_ =	sdelay $0x1  }
0xf0: {  	s22 =	rddreg [dreg:$0xa];
	[tilespmem:s18+$0x1A6A0] =	vst v0  }
0xf1: {  	[tilespmem:s14], [sflag:$0x3] =	stream.linear.gather [spmem:s22], $0x1000, $0x38;
	[tilespmem:$0x1F5D0] =	vst v63  }
0xf2: {  	_ =	swait.ge [sflag:s13], $0x1000  }
0xf3: {  	[sflag:s13] =	ssyncset.done $0x0  }
0xf4: {  	s19 =	simm.s32 $0x0;
	[sflag:s13] =	ssyncadd.s32 $0xFFFFF000  }
0xf5: {  	v1 =	vld [tilespmem:s19+$0x186A0];
	_ =	sdelay $0x5  }
0xf6: {  	s18 =	simm.s32 $0x10  }
0xf7: {  	v0 =	vld [tilespmem:s18+$0x186A0]  }
0xf8: {  	s20 =	simm.s32 $0x80;
	v1 =	vld.idx.msk [tilespmem:v1+s3+$0x0], $0xffff  }
.LBB2_21:
0xf9: {  	p2 =	sne.s32 s20, $0x3FC0;
	v2 =	vld [tilespmem:s19+$0x1A6A0];
	_ =	sdelay $0x2  }
0xfa: {  	v3 =	vmov v0  }
.Ltmp12:
0xfb: {  	(pc) =	sbr.rel @p2 .LBB2_21-.Ltmp12, $4  }
0xfc: {  	v1 =	vadd.f32 v1, v2  }
0xfd: {  	s21 =	sshra.s32 s20, $0x2  }
0xfe: {  	v0 =	vld [tilespmem:s21+$0x186A0];
	[tilespmem:s19+$0x1A6A0] =	vst v1;
	s19 =	smov.u32 s18;
	s18 =	smov.u32 s21  }
0xff: {  	s20 =	sadd.s32 $0x40, s20;
	v1 =	vld.idx.msk [tilespmem:v3+s3+$0x0], $0xffff  }
0x100: {  	v2 =	vld [tilespmem:s19+$0x1A6A0];
	_ =	sdelay $0x4  }
0x101: {  	v1 =	vadd.f32 v1, v2;
	_ =	sdelay $0x1  }
0x102: {  	[tilespmem:s19+$0x1A6A0] =	vst v1  }
0x103: {  	v0 =	vld.idx.msk [tilespmem:v0+s3+$0x0], $0xffff  }
0x104: {  	v1 =	vld [tilespmem:s18+$0x1A6A0];
	_ =	sdelay $0x4  }
0x105: {  	v0 =	vadd.f32 v0, v1;
	_ =	sdelay $0x1  }
0x106: {  	s22 =	rddreg [dreg:$0xb];
	[tilespmem:s18+$0x1A6A0] =	vst v0  }
0x107: {  	[tilespmem:s14], [sflag:$0x3] =	stream.linear.gather [spmem:s22], $0x1000, $0x38;
	[tilespmem:$0x1F5D0] =	vst v63  }
0x108: {  	_ =	swait.ge [sflag:s13], $0x1000  }
0x109: {  	[sflag:s13] =	ssyncset.done $0x0  }
0x10a: {  	s19 =	simm.s32 $0x0;
	[sflag:s13] =	ssyncadd.s32 $0xFFFFF000  }
0x10b: {  	v1 =	vld [tilespmem:s19+$0x186A0];
	_ =	sdelay $0x5  }
0x10c: {  	s18 =	simm.s32 $0x10  }
0x10d: {  	v0 =	vld [tilespmem:s18+$0x186A0]  }
0x10e: {  	s20 =	simm.s32 $0x80;
	v1 =	vld.idx.msk [tilespmem:v1+s3+$0x0], $0xffff  }
.LBB2_23:
0x10f: {  	p2 =	sne.s32 s20, $0x3FC0;
	v2 =	vld [tilespmem:s19+$0x1A6A0];
	_ =	sdelay $0x2  }
0x110: {  	v3 =	vmov v0  }
.Ltmp13:
0x111: {  	(pc) =	sbr.rel @p2 .LBB2_23-.Ltmp13, $4  }
0x112: {  	v1 =	vadd.f32 v1, v2  }
0x113: {  	s21 =	sshra.s32 s20, $0x2  }
0x114: {  	v0 =	vld [tilespmem:s21+$0x186A0];
	[tilespmem:s19+$0x1A6A0] =	vst v1;
	s19 =	smov.u32 s18;
	s18 =	smov.u32 s21  }
0x115: {  	s20 =	sadd.s32 $0x40, s20;
	v1 =	vld.idx.msk [tilespmem:v3+s3+$0x0], $0xffff  }
0x116: {  	v2 =	vld [tilespmem:s19+$0x1A6A0];
	_ =	sdelay $0x4  }
0x117: {  	v1 =	vadd.f32 v1, v2;
	_ =	sdelay $0x1  }
0x118: {  	[tilespmem:s19+$0x1A6A0] =	vst v1  }
0x119: {  	v0 =	vld.idx.msk [tilespmem:v0+s3+$0x0], $0xffff  }
0x11a: {  	v1 =	vld [tilespmem:s18+$0x1A6A0];
	_ =	sdelay $0x4  }
0x11b: {  	v0 =	vadd.f32 v0, v1;
	_ =	sdelay $0x1  }
0x11c: {  	s22 =	rddreg [dreg:$0xc];
	[tilespmem:s18+$0x1A6A0] =	vst v0  }
0x11d: {  	[tilespmem:s14], [sflag:$0x3] =	stream.linear.gather [spmem:s22], $0x1000, $0x38;
	[tilespmem:$0x1F5D0] =	vst v63  }
0x11e: {  	_ =	swait.ge [sflag:s13], $0x1000  }
0x11f: {  	[sflag:s13] =	ssyncset.done $0x0  }
0x120: {  	s19 =	simm.s32 $0x0;
	[sflag:s13] =	ssyncadd.s32 $0xFFFFF000  }
0x121: {  	v1 =	vld [tilespmem:s19+$0x186A0];
	_ =	sdelay $0x5  }
0x122: {  	s18 =	simm.s32 $0x10  }
0x123: {  	v0 =	vld [tilespmem:s18+$0x186A0]  }
0x124: {  	s20 =	simm.s32 $0x80;
	v1 =	vld.idx.msk [tilespmem:v1+s3+$0x0], $0xffff  }
.LBB2_25:
0x125: {  	p2 =	sne.s32 s20, $0x3FC0;
	v2 =	vld [tilespmem:s19+$0x1A6A0];
	_ =	sdelay $0x2  }
0x126: {  	v3 =	vmov v0  }
.Ltmp14:
0x127: {  	(pc) =	sbr.rel @p2 .LBB2_25-.Ltmp14, $4  }
0x128: {  	v1 =	vadd.f32 v1, v2  }
0x129: {  	s21 =	sshra.s32 s20, $0x2  }
0x12a: {  	v0 =	vld [tilespmem:s21+$0x186A0];
	[tilespmem:s19+$0x1A6A0] =	vst v1;
	s19 =	smov.u32 s18;
	s18 =	smov.u32 s21  }
0x12b: {  	s20 =	sadd.s32 $0x40, s20;
	v1 =	vld.idx.msk [tilespmem:v3+s3+$0x0], $0xffff  }
0x12c: {  	v2 =	vld [tilespmem:s19+$0x1A6A0];
	_ =	sdelay $0x4  }
0x12d: {  	v1 =	vadd.f32 v1, v2;
	_ =	sdelay $0x1  }
0x12e: {  	[tilespmem:s19+$0x1A6A0] =	vst v1  }
0x12f: {  	v0 =	vld.idx.msk [tilespmem:v0+s3+$0x0], $0xffff  }
0x130: {  	v1 =	vld [tilespmem:s18+$0x1A6A0];
	_ =	sdelay $0x4  }
0x131: {  	v0 =	vadd.f32 v0, v1;
	_ =	sdelay $0x1  }
0x132: {  	s22 =	rddreg [dreg:$0xd];
	[tilespmem:s18+$0x1A6A0] =	vst v0  }
0x133: {  	[tilespmem:s14], [sflag:$0x3] =	stream.linear.gather [spmem:s22], $0x1000, $0x38;
	[tilespmem:$0x1F5D0] =	vst v63  }
0x134: {  	_ =	swait.ge [sflag:s13], $0x1000  }
0x135: {  	[sflag:s13] =	ssyncset.done $0x0  }
0x136: {  	s19 =	simm.s32 $0x0;
	[sflag:s13] =	ssyncadd.s32 $0xFFFFF000  }
0x137: {  	v1 =	vld [tilespmem:s19+$0x186A0];
	_ =	sdelay $0x5  }
0x138: {  	s18 =	simm.s32 $0x10  }
0x139: {  	v0 =	vld [tilespmem:s18+$0x186A0]  }
0x13a: {  	s20 =	simm.s32 $0x80;
	v1 =	vld.idx.msk [tilespmem:v1+s3+$0x0], $0xffff  }
.LBB2_27:
0x13b: {  	p2 =	sne.s32 s20, $0x3FC0;
	v2 =	vld [tilespmem:s19+$0x1A6A0];
	_ =	sdelay $0x2  }
0x13c: {  	v3 =	vmov v0  }
.Ltmp15:
0x13d: {  	(pc) =	sbr.rel @p2 .LBB2_27-.Ltmp15, $4  }
0x13e: {  	v1 =	vadd.f32 v1, v2  }
0x13f: {  	s21 =	sshra.s32 s20, $0x2  }
0x140: {  	v0 =	vld [tilespmem:s21+$0x186A0];
	[tilespmem:s19+$0x1A6A0] =	vst v1;
	s19 =	smov.u32 s18;
	s18 =	smov.u32 s21  }
0x141: {  	s20 =	sadd.s32 $0x40, s20;
	v1 =	vld.idx.msk [tilespmem:v3+s3+$0x0], $0xffff  }
0x142: {  	v2 =	vld [tilespmem:s19+$0x1A6A0];
	_ =	sdelay $0x4  }
0x143: {  	v1 =	vadd.f32 v1, v2;
	_ =	sdelay $0x1  }
0x144: {  	[tilespmem:s19+$0x1A6A0] =	vst v1  }
0x145: {  	v0 =	vld.idx.msk [tilespmem:v0+s3+$0x0], $0xffff  }
0x146: {  	v1 =	vld [tilespmem:s18+$0x1A6A0];
	_ =	sdelay $0x4  }
0x147: {  	v0 =	vadd.f32 v0, v1;
	_ =	sdelay $0x1  }
0x148: {  	s22 =	rddreg [dreg:$0xe];
	[tilespmem:s18+$0x1A6A0] =	vst v0  }
0x149: {  	[tilespmem:s14], [sflag:$0x3] =	stream.linear.gather [spmem:s22], $0x1000, $0x38;
	[tilespmem:$0x1F5D0] =	vst v63  }
0x14a: {  	_ =	swait.ge [sflag:s13], $0x1000  }
0x14b: {  	[sflag:s13] =	ssyncset.done $0x0  }
0x14c: {  	s19 =	simm.s32 $0x0;
	[sflag:s13] =	ssyncadd.s32 $0xFFFFF000  }
0x14d: {  	v1 =	vld [tilespmem:s19+$0x186A0];
	_ =	sdelay $0x5  }
0x14e: {  	s18 =	simm.s32 $0x10  }
0x14f: {  	v0 =	vld [tilespmem:s18+$0x186A0]  }
0x150: {  	s20 =	simm.s32 $0x80;
	v1 =	vld.idx.msk [tilespmem:v1+s3+$0x0], $0xffff  }
.LBB2_29:
0x151: {  	p2 =	sne.s32 s20, $0x3FC0;
	v2 =	vld [tilespmem:s19+$0x1A6A0];
	_ =	sdelay $0x2  }
0x152: {  	v3 =	vmov v0  }
.Ltmp16:
0x153: {  	(pc) =	sbr.rel @p2 .LBB2_29-.Ltmp16, $4  }
0x154: {  	v1 =	vadd.f32 v1, v2  }
0x155: {  	s21 =	sshra.s32 s20, $0x2  }
0x156: {  	v0 =	vld [tilespmem:s21+$0x186A0];
	[tilespmem:s19+$0x1A6A0] =	vst v1;
	s19 =	smov.u32 s18;
	s18 =	smov.u32 s21  }
0x157: {  	s20 =	sadd.s32 $0x40, s20;
	v1 =	vld.idx.msk [tilespmem:v3+s3+$0x0], $0xffff  }
0x158: {  	v2 =	vld [tilespmem:s19+$0x1A6A0];
	_ =	sdelay $0x4  }
0x159: {  	v1 =	vadd.f32 v1, v2;
	_ =	sdelay $0x1  }
0x15a: {  	[tilespmem:s19+$0x1A6A0] =	vst v1  }
0x15b: {  	v0 =	vld.idx.msk [tilespmem:v0+s3+$0x0], $0xffff  }
0x15c: {  	v1 =	vld [tilespmem:s18+$0x1A6A0];
	_ =	sdelay $0x4  }
0x15d: {  	v0 =	vadd.f32 v0, v1;
	_ =	sdelay $0x1  }
0x15e: {  	s22 =	rddreg [dreg:$0xf];
	[tilespmem:s18+$0x1A6A0] =	vst v0  }
0x15f: {  	[tilespmem:s14], [sflag:$0x3] =	stream.linear.gather [spmem:s22], $0x1000, $0x38;
	[tilespmem:$0x1F5D0] =	vst v63  }
0x160: {  	_ =	swait.ge [sflag:s13], $0x1000  }
0x161: {  	[sflag:s13] =	ssyncset.done $0x0  }
0x162: {  	s19 =	simm.s32 $0x0;
	[sflag:s13] =	ssyncadd.s32 $0xFFFFF000  }
0x163: {  	v1 =	vld [tilespmem:s19+$0x186A0];
	_ =	sdelay $0x5  }
0x164: {  	s18 =	simm.s32 $0x10  }
0x165: {  	v0 =	vld [tilespmem:s18+$0x186A0]  }
0x166: {  	s20 =	simm.s32 $0x80;
	v1 =	vld.idx.msk [tilespmem:v1+s3+$0x0], $0xffff  }
.LBB2_31:
0x167: {  	p2 =	sne.s32 s20, $0x3FC0;
	v2 =	vld [tilespmem:s19+$0x1A6A0];
	_ =	sdelay $0x2  }
0x168: {  	v3 =	vmov v0  }
.Ltmp17:
0x169: {  	(pc) =	sbr.rel @p2 .LBB2_31-.Ltmp17, $4  }
0x16a: {  	v1 =	vadd.f32 v1, v2  }
0x16b: {  	s21 =	sshra.s32 s20, $0x2  }
0x16c: {  	v0 =	vld [tilespmem:s21+$0x186A0];
	[tilespmem:s19+$0x1A6A0] =	vst v1;
	s19 =	smov.u32 s18;
	s18 =	smov.u32 s21  }
0x16d: {  	s20 =	sadd.s32 $0x40, s20;
	v1 =	vld.idx.msk [tilespmem:v3+s3+$0x0], $0xffff  }
0x16e: {  	v2 =	vld [tilespmem:s19+$0x1A6A0];
	_ =	sdelay $0x4  }
0x16f: {  	v1 =	vadd.f32 v1, v2;
	_ =	sdelay $0x1  }
0x170: {  	[tilespmem:s19+$0x1A6A0] =	vst v1  }
0x171: {  	v0 =	vld.idx.msk [tilespmem:v0+s3+$0x0], $0xffff  }
0x172: {  	v1 =	vld [tilespmem:s18+$0x1A6A0];
	_ =	sdelay $0x4  }
0x173: {  	v0 =	vadd.f32 v0, v1;
	_ =	sdelay $0x1  }
0x174: {  	s22 =	rddreg [dreg:$0x10];
	[tilespmem:s18+$0x1A6A0] =	vst v0  }
0x175: {  	[tilespmem:s14], [sflag:$0x3] =	stream.linear.gather [spmem:s22], $0x1000, $0x38;
	[tilespmem:$0x1F5D0] =	vst v63  }
0x176: {  	_ =	swait.ge [sflag:s13], $0x1000  }
0x177: {  	[sflag:s13] =	ssyncset.done $0x0  }
0x178: {  	s19 =	simm.s32 $0x0;
	[sflag:s13] =	ssyncadd.s32 $0xFFFFF000  }
0x179: {  	v1 =	vld [tilespmem:s19+$0x186A0];
	_ =	sdelay $0x5  }
0x17a: {  	s18 =	simm.s32 $0x10  }
0x17b: {  	v0 =	vld [tilespmem:s18+$0x186A0]  }
0x17c: {  	s20 =	simm.s32 $0x80;
	v1 =	vld.idx.msk [tilespmem:v1+s3+$0x0], $0xffff  }
.LBB2_33:
0x17d: {  	p2 =	sne.s32 s20, $0x3FC0;
	v2 =	vld [tilespmem:s19+$0x1A6A0];
	_ =	sdelay $0x2  }
0x17e: {  	v3 =	vmov v0  }
.Ltmp18:
0x17f: {  	(pc) =	sbr.rel @p2 .LBB2_33-.Ltmp18, $4  }
0x180: {  	v1 =	vadd.f32 v1, v2  }
0x181: {  	s21 =	sshra.s32 s20, $0x2  }
0x182: {  	v0 =	vld [tilespmem:s21+$0x186A0];
	[tilespmem:s19+$0x1A6A0] =	vst v1;
	s19 =	smov.u32 s18;
	s18 =	smov.u32 s21  }
0x183: {  	s20 =	sadd.s32 $0x40, s20;
	v1 =	vld.idx.msk [tilespmem:v3+s3+$0x0], $0xffff  }
0x184: {  	v2 =	vld [tilespmem:s19+$0x1A6A0];
	_ =	sdelay $0x4  }
0x185: {  	v1 =	vadd.f32 v1, v2;
	_ =	sdelay $0x1  }
0x186: {  	[tilespmem:s19+$0x1A6A0] =	vst v1  }
0x187: {  	v0 =	vld.idx.msk [tilespmem:v0+s3+$0x0], $0xffff  }
0x188: {  	v1 =	vld [tilespmem:s18+$0x1A6A0];
	_ =	sdelay $0x4  }
0x189: {  	v0 =	vadd.f32 v0, v1;
	_ =	sdelay $0x1  }
0x18a: {  	s22 =	rddreg [dreg:$0x11];
	[tilespmem:s18+$0x1A6A0] =	vst v0  }
0x18b: {  	[tilespmem:s14], [sflag:$0x3] =	stream.linear.gather [spmem:s22], $0x1000, $0x38;
	[tilespmem:$0x1F5D0] =	vst v63  }
0x18c: {  	_ =	swait.ge [sflag:s13], $0x1000  }
0x18d: {  	[sflag:s13] =	ssyncset.done $0x0  }
0x18e: {  	s19 =	simm.s32 $0x0;
	[sflag:s13] =	ssyncadd.s32 $0xFFFFF000  }
0x18f: {  	v1 =	vld [tilespmem:s19+$0x186A0];
	_ =	sdelay $0x5  }
0x190: {  	s18 =	simm.s32 $0x10  }
0x191: {  	v0 =	vld [tilespmem:s18+$0x186A0]  }
0x192: {  	s20 =	simm.s32 $0x80;
	v1 =	vld.idx.msk [tilespmem:v1+s3+$0x0], $0xffff  }
.LBB2_35:
0x193: {  	p2 =	sne.s32 s20, $0x3FC0;
	v2 =	vld [tilespmem:s19+$0x1A6A0];
	_ =	sdelay $0x2  }
0x194: {  	v3 =	vmov v0  }
.Ltmp19:
0x195: {  	(pc) =	sbr.rel @p2 .LBB2_35-.Ltmp19, $4  }
0x196: {  	v1 =	vadd.f32 v1, v2  }
0x197: {  	s21 =	sshra.s32 s20, $0x2  }
0x198: {  	v0 =	vld [tilespmem:s21+$0x186A0];
	[tilespmem:s19+$0x1A6A0] =	vst v1;
	s19 =	smov.u32 s18;
	s18 =	smov.u32 s21  }
0x199: {  	s20 =	sadd.s32 $0x40, s20;
	v1 =	vld.idx.msk [tilespmem:v3+s3+$0x0], $0xffff  }
0x19a: {  	v2 =	vld [tilespmem:s19+$0x1A6A0];
	_ =	sdelay $0x4  }
0x19b: {  	v1 =	vadd.f32 v1, v2;
	_ =	sdelay $0x1  }
0x19c: {  	[tilespmem:s19+$0x1A6A0] =	vst v1  }
0x19d: {  	v0 =	vld.idx.msk [tilespmem:v0+s3+$0x0], $0xffff  }
0x19e: {  	v1 =	vld [tilespmem:s18+$0x1A6A0];
	_ =	sdelay $0x4  }
0x19f: {  	v0 =	vadd.f32 v0, v1;
	_ =	sdelay $0x1  }
0x1a0: {  	[tilespmem:s18+$0x1A6A0] =	vst v0  }
0x1a1: {  	[tilespmem:s14], [sflag:$0x3] =	stream.linear.gather [spmem:s23], $0x1000, $0x38;
	[tilespmem:$0x1F5D0] =	vst v63  }
0x1a2: {  	_ =	swait.ge [sflag:s13], $0x1000  }
0x1a3: {  	[sflag:s13] =	ssyncset.done $0x0  }
0x1a4: {  	s19 =	simm.s32 $0x0;
	[sflag:s13] =	ssyncadd.s32 $0xFFFFF000  }
0x1a5: {  	v1 =	vld [tilespmem:s19+$0x186A0];
	_ =	sdelay $0x5  }
0x1a6: {  	s18 =	simm.s32 $0x10  }
0x1a7: {  	v0 =	vld [tilespmem:s18+$0x186A0]  }
0x1a8: {  	s20 =	simm.s32 $0x80;
	v1 =	vld.idx.msk [tilespmem:v1+s3+$0x0], $0xffff  }
.LBB2_37:
0x1a9: {  	p2 =	sne.s32 s20, $0x3FC0;
	v2 =	vld [tilespmem:s19+$0x1A6A0];
	_ =	sdelay $0x2  }
0x1aa: {  	v3 =	vmov v0  }
.Ltmp20:
0x1ab: {  	(pc) =	sbr.rel @p2 .LBB2_37-.Ltmp20, $4  }
0x1ac: {  	v1 =	vadd.f32 v1, v2  }
0x1ad: {  	s21 =	sshra.s32 s20, $0x2  }
0x1ae: {  	v0 =	vld [tilespmem:s21+$0x186A0];
	[tilespmem:s19+$0x1A6A0] =	vst v1;
	s19 =	smov.u32 s18;
	s18 =	smov.u32 s21  }
0x1af: {  	s20 =	sadd.s32 $0x40, s20;
	v1 =	vld.idx.msk [tilespmem:v3+s3+$0x0], $0xffff  }
0x1b0: {  	v2 =	vld [tilespmem:s19+$0x1A6A0];
	_ =	sdelay $0x4  }
0x1b1: {  	v1 =	vadd.f32 v1, v2;
	_ =	sdelay $0x1  }
0x1b2: {  	[tilespmem:s19+$0x1A6A0] =	vst v1  }
0x1b3: {  	v0 =	vld.idx.msk [tilespmem:v0+s3+$0x0], $0xffff  }
0x1b4: {  	v1 =	vld [tilespmem:s18+$0x1A6A0];
	_ =	sdelay $0x4  }
0x1b5: {  	v0 =	vadd.f32 v0, v1;
	_ =	sdelay $0x1  }
0x1b6: {  	[tilespmem:s18+$0x1A6A0] =	vst v0  }
0x1b7: {  	[tilespmem:s14], [sflag:$0x3] =	stream.linear.gather [spmem:s26], $0x1000, $0x38;
	[tilespmem:$0x1F5D0] =	vst v63  }
0x1b8: {  	_ =	swait.ge [sflag:s13], $0x1000  }
0x1b9: {  	[sflag:s13] =	ssyncset.done $0x0  }
0x1ba: {  	s19 =	simm.s32 $0x0;
	[sflag:s13] =	ssyncadd.s32 $0xFFFFF000  }
0x1bb: {  	v1 =	vld [tilespmem:s19+$0x186A0];
	_ =	sdelay $0x5  }
0x1bc: {  	s18 =	simm.s32 $0x10  }
0x1bd: {  	v0 =	vld [tilespmem:s18+$0x186A0]  }
0x1be: {  	s20 =	simm.s32 $0x80;
	v1 =	vld.idx.msk [tilespmem:v1+s3+$0x0], $0xffff  }
.LBB2_39:
0x1bf: {  	p2 =	sne.s32 s20, $0x3FC0;
	v2 =	vld [tilespmem:s19+$0x1A6A0];
	_ =	sdelay $0x2  }
0x1c0: {  	v3 =	vmov v0  }
.Ltmp21:
0x1c1: {  	(pc) =	sbr.rel @p2 .LBB2_39-.Ltmp21, $4  }
0x1c2: {  	v1 =	vadd.f32 v1, v2  }
0x1c3: {  	s21 =	sshra.s32 s20, $0x2  }
0x1c4: {  	v0 =	vld [tilespmem:s21+$0x186A0];
	[tilespmem:s19+$0x1A6A0] =	vst v1;
	s19 =	smov.u32 s18;
	s18 =	smov.u32 s21  }
0x1c5: {  	s20 =	sadd.s32 $0x40, s20;
	v1 =	vld.idx.msk [tilespmem:v3+s3+$0x0], $0xffff  }
0x1c6: {  	v2 =	vld [tilespmem:s19+$0x1A6A0];
	_ =	sdelay $0x4  }
0x1c7: {  	v1 =	vadd.f32 v1, v2;
	_ =	sdelay $0x1  }
0x1c8: {  	[tilespmem:s19+$0x1A6A0] =	vst v1  }
0x1c9: {  	v0 =	vld.idx.msk [tilespmem:v0+s3+$0x0], $0xffff  }
0x1ca: {  	v1 =	vld [tilespmem:s18+$0x1A6A0];
	_ =	sdelay $0x4  }
0x1cb: {  	v0 =	vadd.f32 v0, v1;
	_ =	sdelay $0x1  }
0x1cc: {  	[tilespmem:s18+$0x1A6A0] =	vst v0  }
0x1cd: {  	[tilespmem:s14], [sflag:$0x3] =	stream.linear.gather [spmem:s28], $0x1000, $0x38;
	[tilespmem:$0x1F5D0] =	vst v63  }
0x1ce: {  	_ =	swait.ge [sflag:s13], $0x1000  }
0x1cf: {  	[sflag:s13] =	ssyncset.done $0x0  }
0x1d0: {  	s19 =	simm.s32 $0x0;
	[sflag:s13] =	ssyncadd.s32 $0xFFFFF000  }
0x1d1: {  	v1 =	vld [tilespmem:s19+$0x186A0];
	_ =	sdelay $0x5  }
0x1d2: {  	s18 =	simm.s32 $0x10  }
0x1d3: {  	v0 =	vld [tilespmem:s18+$0x186A0]  }
0x1d4: {  	s20 =	simm.s32 $0x80;
	v1 =	vld.idx.msk [tilespmem:v1+s3+$0x0], $0xffff  }
.LBB2_41:
0x1d5: {  	p2 =	sne.s32 s20, $0x3FC0;
	v2 =	vld [tilespmem:s19+$0x1A6A0];
	_ =	sdelay $0x2  }
0x1d6: {  	v3 =	vmov v0  }
.Ltmp22:
0x1d7: {  	(pc) =	sbr.rel @p2 .LBB2_41-.Ltmp22, $4  }
0x1d8: {  	v1 =	vadd.f32 v1, v2  }
0x1d9: {  	s21 =	sshra.s32 s20, $0x2  }
0x1da: {  	v0 =	vld [tilespmem:s21+$0x186A0];
	[tilespmem:s19+$0x1A6A0] =	vst v1;
	s19 =	smov.u32 s18;
	s18 =	smov.u32 s21  }
0x1db: {  	s20 =	sadd.s32 $0x40, s20;
	v1 =	vld.idx.msk [tilespmem:v3+s3+$0x0], $0xffff  }
0x1dc: {  	v2 =	vld [tilespmem:s19+$0x1A6A0];
	_ =	sdelay $0x4  }
0x1dd: {  	v1 =	vadd.f32 v1, v2;
	_ =	sdelay $0x1  }
0x1de: {  	[tilespmem:s19+$0x1A6A0] =	vst v1  }
0x1df: {  	v0 =	vld.idx.msk [tilespmem:v0+s3+$0x0], $0xffff  }
0x1e0: {  	v1 =	vld [tilespmem:s18+$0x1A6A0];
	_ =	sdelay $0x4  }
0x1e1: {  	v0 =	vadd.f32 v0, v1;
	_ =	sdelay $0x1  }
0x1e2: {  	[tilespmem:s18+$0x1A6A0] =	vst v0  }
0x1e3: {  	[tilespmem:s14], [sflag:$0x3] =	stream.linear.gather [spmem:s29], $0x1000, $0x38;
	[tilespmem:$0x1F5D0] =	vst v63  }
0x1e4: {  	_ =	swait.ge [sflag:s13], $0x1000  }
0x1e5: {  	[sflag:s13] =	ssyncset.done $0x0  }
0x1e6: {  	s19 =	simm.s32 $0x0;
	[sflag:s13] =	ssyncadd.s32 $0xFFFFF000  }
0x1e7: {  	v1 =	vld [tilespmem:s19+$0x186A0];
	_ =	sdelay $0x5  }
0x1e8: {  	s18 =	simm.s32 $0x10  }
0x1e9: {  	v0 =	vld [tilespmem:s18+$0x186A0]  }
0x1ea: {  	s20 =	simm.s32 $0x80;
	v1 =	vld.idx.msk [tilespmem:v1+s3+$0x0], $0xffff  }
.LBB2_43:
0x1eb: {  	p2 =	sne.s32 s20, $0x3FC0;
	v2 =	vld [tilespmem:s19+$0x1A6A0];
	_ =	sdelay $0x2  }
0x1ec: {  	v3 =	vmov v0  }
.Ltmp23:
0x1ed: {  	(pc) =	sbr.rel @p2 .LBB2_43-.Ltmp23, $4  }
0x1ee: {  	v1 =	vadd.f32 v1, v2  }
0x1ef: {  	s21 =	sshra.s32 s20, $0x2  }
0x1f0: {  	v0 =	vld [tilespmem:s21+$0x186A0];
	[tilespmem:s19+$0x1A6A0] =	vst v1;
	s19 =	smov.u32 s18;
	s18 =	smov.u32 s21  }
0x1f1: {  	s20 =	sadd.s32 $0x40, s20;
	v1 =	vld.idx.msk [tilespmem:v3+s3+$0x0], $0xffff  }
0x1f2: {  	v2 =	vld [tilespmem:s19+$0x1A6A0];
	_ =	sdelay $0x4  }
0x1f3: {  	v1 =	vadd.f32 v1, v2;
	_ =	sdelay $0x1  }
0x1f4: {  	[tilespmem:s19+$0x1A6A0] =	vst v1  }
0x1f5: {  	v0 =	vld.idx.msk [tilespmem:v0+s3+$0x0], $0xffff  }
0x1f6: {  	v1 =	vld [tilespmem:s18+$0x1A6A0];
	_ =	sdelay $0x4  }
0x1f7: {  	v0 =	vadd.f32 v0, v1;
	_ =	sdelay $0x1  }
0x1f8: {  	[tilespmem:s18+$0x1A6A0] =	vst v0  }
0x1f9: {  	[tilespmem:s14], [sflag:$0x3] =	stream.linear.gather [spmem:s30], $0x1000, $0x38;
	[tilespmem:$0x1F5D0] =	vst v63  }
0x1fa: {  	_ =	swait.ge [sflag:s13], $0x1000  }
0x1fb: {  	[sflag:s13] =	ssyncset.done $0x0  }
0x1fc: {  	s19 =	simm.s32 $0x0;
	[sflag:s13] =	ssyncadd.s32 $0xFFFFF000  }
0x1fd: {  	v1 =	vld [tilespmem:s19+$0x186A0];
	_ =	sdelay $0x5  }
0x1fe: {  	s18 =	simm.s32 $0x10  }
0x1ff: {  	v0 =	vld [tilespmem:s18+$0x186A0]  }
0x200: {  	s20 =	simm.s32 $0x80;
	v1 =	vld.idx.msk [tilespmem:v1+s3+$0x0], $0xffff  }
.LBB2_45:
0x201: {  	p2 =	sne.s32 s20, $0x3FC0;
	v2 =	vld [tilespmem:s19+$0x1A6A0];
	_ =	sdelay $0x2  }
0x202: {  	v3 =	vmov v0  }
.Ltmp24:
0x203: {  	(pc) =	sbr.rel @p2 .LBB2_45-.Ltmp24, $4  }
0x204: {  	v1 =	vadd.f32 v1, v2  }
0x205: {  	s21 =	sshra.s32 s20, $0x2  }
0x206: {  	v0 =	vld [tilespmem:s21+$0x186A0];
	[tilespmem:s19+$0x1A6A0] =	vst v1;
	s19 =	smov.u32 s18;
	s18 =	smov.u32 s21  }
0x207: {  	s20 =	sadd.s32 $0x40, s20;
	v1 =	vld.idx.msk [tilespmem:v3+s3+$0x0], $0xffff  }
0x208: {  	v2 =	vld [tilespmem:s19+$0x1A6A0];
	_ =	sdelay $0x4  }
0x209: {  	v1 =	vadd.f32 v1, v2;
	_ =	sdelay $0x1  }
0x20a: {  	[tilespmem:s19+$0x1A6A0] =	vst v1  }
0x20b: {  	v0 =	vld.idx.msk [tilespmem:v0+s3+$0x0], $0xffff  }
0x20c: {  	v1 =	vld [tilespmem:s18+$0x1A6A0];
	_ =	sdelay $0x4  }
0x20d: {  	v0 =	vadd.f32 v0, v1;
	_ =	sdelay $0x1  }
0x20e: {  	[tilespmem:s18+$0x1A6A0] =	vst v0  }
0x20f: {  	[tilespmem:s14], [sflag:$0x3] =	stream.linear.gather [spmem:s31], $0x1000, $0x38;
	[tilespmem:$0x1F5D0] =	vst v63  }
0x210: {  	_ =	swait.ge [sflag:s13], $0x1000  }
0x211: {  	[sflag:s13] =	ssyncset.done $0x0  }
0x212: {  	s19 =	simm.s32 $0x0;
	[sflag:s13] =	ssyncadd.s32 $0xFFFFF000  }
0x213: {  	v1 =	vld [tilespmem:s19+$0x186A0];
	_ =	sdelay $0x5  }
0x214: {  	s18 =	simm.s32 $0x10  }
0x215: {  	v0 =	vld [tilespmem:s18+$0x186A0]  }
0x216: {  	s20 =	simm.s32 $0x80;
	v1 =	vld.idx.msk [tilespmem:v1+s3+$0x0], $0xffff  }
.LBB2_47:
0x217: {  	p2 =	sne.s32 s20, $0x3FC0;
	v2 =	vld [tilespmem:s19+$0x1A6A0];
	_ =	sdelay $0x2  }
0x218: {  	v3 =	vmov v0  }
.Ltmp25:
0x219: {  	(pc) =	sbr.rel @p2 .LBB2_47-.Ltmp25, $4  }
0x21a: {  	v1 =	vadd.f32 v1, v2  }
0x21b: {  	s21 =	sshra.s32 s20, $0x2  }
0x21c: {  	v0 =	vld [tilespmem:s21+$0x186A0];
	[tilespmem:s19+$0x1A6A0] =	vst v1;
	s19 =	smov.u32 s18;
	s18 =	smov.u32 s21  }
0x21d: {  	s20 =	sadd.s32 $0x40, s20;
	v1 =	vld.idx.msk [tilespmem:v3+s3+$0x0], $0xffff  }
0x21e: {  	v2 =	vld [tilespmem:s19+$0x1A6A0];
	_ =	sdelay $0x4  }
0x21f: {  	v1 =	vadd.f32 v1, v2;
	_ =	sdelay $0x1  }
0x220: {  	[tilespmem:s19+$0x1A6A0] =	vst v1  }
0x221: {  	v0 =	vld.idx.msk [tilespmem:v0+s3+$0x0], $0xffff  }
0x222: {  	v1 =	vld [tilespmem:s18+$0x1A6A0];
	_ =	sdelay $0x4  }
0x223: {  	v0 =	vadd.f32 v0, v1;
	_ =	sdelay $0x1  }
0x224: {  	[tilespmem:s18+$0x1A6A0] =	vst v0  }
0x225: {  	[tilespmem:s14], [sflag:$0x3] =	stream.linear.gather [spmem:s0], $0x1000, $0x38;
	[tilespmem:$0x1F5D0] =	vst v63  }
0x226: {  	_ =	swait.ge [sflag:s13], $0x1000  }
0x227: {  	[sflag:s13] =	ssyncset.done $0x0  }
0x228: {  	s19 =	simm.s32 $0x0;
	[sflag:s13] =	ssyncadd.s32 $0xFFFFF000  }
0x229: {  	v1 =	vld [tilespmem:s19+$0x186A0];
	_ =	sdelay $0x5  }
0x22a: {  	s18 =	simm.s32 $0x10  }
0x22b: {  	v0 =	vld [tilespmem:s18+$0x186A0]  }
0x22c: {  	s20 =	simm.s32 $0x80;
	v1 =	vld.idx.msk [tilespmem:v1+s3+$0x0], $0xffff  }
.LBB2_49:
0x22d: {  	p2 =	sne.s32 s20, $0x3FC0;
	v2 =	vld [tilespmem:s19+$0x1A6A0];
	_ =	sdelay $0x2  }
0x22e: {  	v3 =	vmov v0  }
.Ltmp26:
0x22f: {  	(pc) =	sbr.rel @p2 .LBB2_49-.Ltmp26, $4  }
0x230: {  	v1 =	vadd.f32 v1, v2  }
0x231: {  	s21 =	sshra.s32 s20, $0x2  }
0x232: {  	v0 =	vld [tilespmem:s21+$0x186A0];
	[tilespmem:s19+$0x1A6A0] =	vst v1;
	s19 =	smov.u32 s18;
	s18 =	smov.u32 s21  }
0x233: {  	s20 =	sadd.s32 $0x40, s20;
	v1 =	vld.idx.msk [tilespmem:v3+s3+$0x0], $0xffff  }
0x234: {  	v2 =	vld [tilespmem:s19+$0x1A6A0];
	_ =	sdelay $0x4  }
0x235: {  	v1 =	vadd.f32 v1, v2;
	_ =	sdelay $0x1  }
0x236: {  	[tilespmem:s19+$0x1A6A0] =	vst v1  }
0x237: {  	v0 =	vld.idx.msk [tilespmem:v0+s3+$0x0], $0xffff  }
0x238: {  	v1 =	vld [tilespmem:s18+$0x1A6A0];
	_ =	sdelay $0x4  }
0x239: {  	v0 =	vadd.f32 v0, v1;
	_ =	sdelay $0x1  }
0x23a: {  	[tilespmem:s18+$0x1A6A0] =	vst v0  }
0x23b: {  	[tilespmem:s14], [sflag:$0x3] =	stream.linear.gather [spmem:s1], $0x1000, $0x38;
	[tilespmem:$0x1F5D0] =	vst v63  }
0x23c: {  	_ =	swait.ge [sflag:s13], $0x1000  }
0x23d: {  	[sflag:s13] =	ssyncset.done $0x0  }
0x23e: {  	s19 =	simm.s32 $0x0;
	[sflag:s13] =	ssyncadd.s32 $0xFFFFF000  }
0x23f: {  	v1 =	vld [tilespmem:s19+$0x186A0];
	_ =	sdelay $0x5  }
0x240: {  	s18 =	simm.s32 $0x10  }
0x241: {  	v0 =	vld [tilespmem:s18+$0x186A0]  }
0x242: {  	s20 =	simm.s32 $0x80;
	v1 =	vld.idx.msk [tilespmem:v1+s3+$0x0], $0xffff  }
.LBB2_51:
0x243: {  	p2 =	sne.s32 s20, $0x3FC0;
	v2 =	vld [tilespmem:s19+$0x1A6A0];
	_ =	sdelay $0x2  }
0x244: {  	v3 =	vmov v0  }
.Ltmp27:
0x245: {  	(pc) =	sbr.rel @p2 .LBB2_51-.Ltmp27, $4  }
0x246: {  	v1 =	vadd.f32 v1, v2  }
0x247: {  	s21 =	sshra.s32 s20, $0x2  }
0x248: {  	v0 =	vld [tilespmem:s21+$0x186A0];
	[tilespmem:s19+$0x1A6A0] =	vst v1;
	s19 =	smov.u32 s18;
	s18 =	smov.u32 s21  }
0x249: {  	s20 =	sadd.s32 $0x40, s20;
	v1 =	vld.idx.msk [tilespmem:v3+s3+$0x0], $0xffff  }
0x24a: {  	v2 =	vld [tilespmem:s19+$0x1A6A0];
	_ =	sdelay $0x4  }
0x24b: {  	v1 =	vadd.f32 v1, v2;
	_ =	sdelay $0x1  }
0x24c: {  	[tilespmem:s19+$0x1A6A0] =	vst v1  }
0x24d: {  	v0 =	vld.idx.msk [tilespmem:v0+s3+$0x0], $0xffff  }
0x24e: {  	v1 =	vld [tilespmem:s18+$0x1A6A0];
	_ =	sdelay $0x4  }
0x24f: {  	v0 =	vadd.f32 v0, v1;
	_ =	sdelay $0x1  }
0x250: {  	[tilespmem:s18+$0x1A6A0] =	vst v0  }
0x251: {  	[tilespmem:s14], [sflag:$0x3] =	stream.linear.gather [spmem:s6], $0x1000, $0x38;
	[tilespmem:$0x1F5D0] =	vst v63  }
0x252: {  	_ =	swait.ge [sflag:s13], $0x1000  }
0x253: {  	[sflag:s13] =	ssyncset.done $0x0  }
0x254: {  	s19 =	simm.s32 $0x0;
	[sflag:s13] =	ssyncadd.s32 $0xFFFFF000  }
0x255: {  	v1 =	vld [tilespmem:s19+$0x186A0];
	_ =	sdelay $0x5  }
0x256: {  	s18 =	simm.s32 $0x10  }
0x257: {  	v0 =	vld [tilespmem:s18+$0x186A0]  }
0x258: {  	s20 =	simm.s32 $0x80;
	v1 =	vld.idx.msk [tilespmem:v1+s3+$0x0], $0xffff  }
.LBB2_53:
0x259: {  	p2 =	sne.s32 s20, $0x3FC0;
	v2 =	vld [tilespmem:s19+$0x1A6A0];
	_ =	sdelay $0x2  }
0x25a: {  	v3 =	vmov v0  }
.Ltmp28:
0x25b: {  	(pc) =	sbr.rel @p2 .LBB2_53-.Ltmp28, $4  }
0x25c: {  	v1 =	vadd.f32 v1, v2  }
0x25d: {  	s21 =	sshra.s32 s20, $0x2  }
0x25e: {  	v0 =	vld [tilespmem:s21+$0x186A0];
	[tilespmem:s19+$0x1A6A0] =	vst v1;
	s19 =	smov.u32 s18;
	s18 =	smov.u32 s21  }
0x25f: {  	s20 =	sadd.s32 $0x40, s20;
	v1 =	vld.idx.msk [tilespmem:v3+s3+$0x0], $0xffff  }
0x260: {  	v2 =	vld [tilespmem:s19+$0x1A6A0];
	_ =	sdelay $0x4  }
0x261: {  	v1 =	vadd.f32 v1, v2;
	_ =	sdelay $0x1  }
0x262: {  	[tilespmem:s19+$0x1A6A0] =	vst v1  }
0x263: {  	v0 =	vld.idx.msk [tilespmem:v0+s3+$0x0], $0xffff  }
0x264: {  	v1 =	vld [tilespmem:s18+$0x1A6A0];
	_ =	sdelay $0x4  }
0x265: {  	v0 =	vadd.f32 v0, v1;
	_ =	sdelay $0x1  }
0x266: {  	[tilespmem:s18+$0x1A6A0] =	vst v0  }
0x267: {  	[tilespmem:s14], [sflag:$0x3] =	stream.linear.gather [spmem:s10], $0x1000, $0x38;
	[tilespmem:$0x1F5D0] =	vst v63  }
0x268: {  	_ =	swait.ge [sflag:s13], $0x1000  }
0x269: {  	[sflag:s13] =	ssyncset.done $0x0  }
0x26a: {  	s19 =	simm.s32 $0x0;
	[sflag:s13] =	ssyncadd.s32 $0xFFFFF000  }
0x26b: {  	v1 =	vld [tilespmem:s19+$0x186A0];
	_ =	sdelay $0x5  }
0x26c: {  	s18 =	simm.s32 $0x10  }
0x26d: {  	v0 =	vld [tilespmem:s18+$0x186A0]  }
0x26e: {  	s20 =	simm.s32 $0x80;
	v1 =	vld.idx.msk [tilespmem:v1+s3+$0x0], $0xffff  }
.LBB2_55:
0x26f: {  	p2 =	sne.s32 s20, $0x3FC0;
	v2 =	vld [tilespmem:s19+$0x1A6A0];
	_ =	sdelay $0x2  }
0x270: {  	v3 =	vmov v0  }
.Ltmp29:
0x271: {  	(pc) =	sbr.rel @p2 .LBB2_55-.Ltmp29, $4  }
0x272: {  	v1 =	vadd.f32 v1, v2  }
0x273: {  	s21 =	sshra.s32 s20, $0x2  }
0x274: {  	v0 =	vld [tilespmem:s21+$0x186A0];
	[tilespmem:s19+$0x1A6A0] =	vst v1;
	s19 =	smov.u32 s18;
	s18 =	smov.u32 s21  }
0x275: {  	s20 =	sadd.s32 $0x40, s20;
	v1 =	vld.idx.msk [tilespmem:v3+s3+$0x0], $0xffff  }
0x276: {  	v2 =	vld [tilespmem:s19+$0x1A6A0];
	_ =	sdelay $0x4  }
0x277: {  	v1 =	vadd.f32 v1, v2;
	_ =	sdelay $0x1  }
0x278: {  	[tilespmem:s19+$0x1A6A0] =	vst v1  }
0x279: {  	v0 =	vld.idx.msk [tilespmem:v0+s3+$0x0], $0xffff  }
0x27a: {  	v1 =	vld [tilespmem:s18+$0x1A6A0];
	_ =	sdelay $0x4  }
0x27b: {  	v0 =	vadd.f32 v0, v1;
	_ =	sdelay $0x1  }
0x27c: {  	[tilespmem:s18+$0x1A6A0] =	vst v0  }
0x27d: {  	[tilespmem:s14], [sflag:$0x3] =	stream.linear.gather [spmem:s11], $0x1000, $0x38;
	[tilespmem:$0x1F5D0] =	vst v63  }
0x27e: {  	_ =	swait.ge [sflag:s13], $0x1000  }
0x27f: {  	[sflag:s13] =	ssyncset.done $0x0  }
0x280: {  	s19 =	simm.s32 $0x0;
	[sflag:s13] =	ssyncadd.s32 $0xFFFFF000  }
0x281: {  	v1 =	vld [tilespmem:s19+$0x186A0];
	_ =	sdelay $0x5  }
0x282: {  	s18 =	simm.s32 $0x10  }
0x283: {  	v0 =	vld [tilespmem:s18+$0x186A0]  }
0x284: {  	s20 =	simm.s32 $0x80;
	v1 =	vld.idx.msk [tilespmem:v1+s3+$0x0], $0xffff  }
.LBB2_57:
0x285: {  	p2 =	sne.s32 s20, $0x3FC0;
	v2 =	vld [tilespmem:s19+$0x1A6A0];
	_ =	sdelay $0x2  }
0x286: {  	v3 =	vmov v0  }
.Ltmp30:
0x287: {  	(pc) =	sbr.rel @p2 .LBB2_57-.Ltmp30, $4  }
0x288: {  	v1 =	vadd.f32 v1, v2  }
0x289: {  	s21 =	sshra.s32 s20, $0x2  }
0x28a: {  	v0 =	vld [tilespmem:s21+$0x186A0];
	[tilespmem:s19+$0x1A6A0] =	vst v1;
	s19 =	smov.u32 s18;
	s18 =	smov.u32 s21  }
0x28b: {  	s20 =	sadd.s32 $0x40, s20;
	v1 =	vld.idx.msk [tilespmem:v3+s3+$0x0], $0xffff  }
0x28c: {  	v2 =	vld [tilespmem:s19+$0x1A6A0];
	_ =	sdelay $0x4  }
0x28d: {  	v1 =	vadd.f32 v1, v2;
	_ =	sdelay $0x1  }
0x28e: {  	[tilespmem:s19+$0x1A6A0] =	vst v1  }
0x28f: {  	v0 =	vld.idx.msk [tilespmem:v0+s3+$0x0], $0xffff  }
0x290: {  	v1 =	vld [tilespmem:s18+$0x1A6A0];
	_ =	sdelay $0x4  }
0x291: {  	v0 =	vadd.f32 v0, v1;
	_ =	sdelay $0x1  }
0x292: {  	[tilespmem:s18+$0x1A6A0] =	vst v0  }
0x293: {  	[tilespmem:s14], [sflag:$0x3] =	stream.linear.gather [spmem:s12], $0x1000, $0x38;
	[tilespmem:$0x1F5D0] =	vst v63  }
0x294: {  	_ =	swait.ge [sflag:s13], $0x1000  }
0x295: {  	[sflag:s13] =	ssyncset.done $0x0  }
0x296: {  	s19 =	simm.s32 $0x0;
	[sflag:s13] =	ssyncadd.s32 $0xFFFFF000  }
0x297: {  	v1 =	vld [tilespmem:s19+$0x186A0];
	_ =	sdelay $0x5  }
0x298: {  	s18 =	simm.s32 $0x10  }
0x299: {  	v0 =	vld [tilespmem:s18+$0x186A0]  }
0x29a: {  	s20 =	simm.s32 $0x80;
	v1 =	vld.idx.msk [tilespmem:v1+s3+$0x0], $0xffff  }
.LBB2_59:
0x29b: {  	p2 =	sne.s32 s20, $0x3FC0;
	v2 =	vld [tilespmem:s19+$0x1A6A0];
	_ =	sdelay $0x2  }
0x29c: {  	v3 =	vmov v0  }
.Ltmp31:
0x29d: {  	(pc) =	sbr.rel @p2 .LBB2_59-.Ltmp31, $4  }
0x29e: {  	v1 =	vadd.f32 v1, v2  }
0x29f: {  	s21 =	sshra.s32 s20, $0x2  }
0x2a0: {  	v0 =	vld [tilespmem:s21+$0x186A0];
	[tilespmem:s19+$0x1A6A0] =	vst v1;
	s19 =	smov.u32 s18;
	s18 =	smov.u32 s21  }
0x2a1: {  	s20 =	sadd.s32 $0x40, s20;
	v1 =	vld.idx.msk [tilespmem:v3+s3+$0x0], $0xffff  }
0x2a2: {  	v2 =	vld [tilespmem:s19+$0x1A6A0];
	_ =	sdelay $0x4  }
0x2a3: {  	v1 =	vadd.f32 v1, v2;
	_ =	sdelay $0x1  }
0x2a4: {  	[tilespmem:s19+$0x1A6A0] =	vst v1  }
0x2a5: {  	v0 =	vld.idx.msk [tilespmem:v0+s3+$0x0], $0xffff  }
0x2a6: {  	v1 =	vld [tilespmem:s18+$0x1A6A0];
	_ =	sdelay $0x4  }
0x2a7: {  	v0 =	vadd.f32 v0, v1;
	_ =	sdelay $0x1  }
.Ltmp32:
0x2a8: {  	s22 =	simm.s32 $0x1A6A0;
	[tilespmem:s18+$0x1A6A0] =	vst v0;
	(pc) =	sbr.rel .LBB2_61-.Ltmp32, $4  }
0x2a9: {  	[hbm4b:s24+s3] =	stream.linear.scatter [tilespmem:s22], [sflag:$0x3], $0x1000, $0x38;
	[tilespmem:$0x1F5D0] =	vst v63  }
0x2aa: {  	_ =	swait.ge [sflag:s13], $0x1000  }
0x2ab: {  	[sflag:s13] =	ssyncset.done $0x0  }
0x2ac: {  	[sflag:s13] =	ssyncadd.s32 $0xFFFFF000  }
.LBB2_62:
0x2ad: {  	_ =	sfence.sel $0x180000  }
0x2ae: {  	[bflag:$0x0] =	sbarrier.arrive $0xFFFF  }
0x2af: {  	_ =	strace $0x90000047  }
0x2b0: {  	[bflag:$0x2] =	sbarrier.arrive $0xFFFF  }
0x2b1: {  	s0 =	rddreg [dreg:$0x3]  }
0x2b2: {  	s0 =	sadd.s32 @!p0 $0x100000, s0  }
0x2b3: {  	[sflag:s0] =	ssyncadd.tile.s32 @!p0 $0x1;
	_ =	shalt  }
.Lfunc_end2:
_tile_overlayer_lowered:
.L_overlay_start_2:
0x2b4: {  	(tag) =	ssettag $0x2  }
0x2b5: {  	s0 =	rddreg [dreg:$0x0];
	s2 =	stileid.u32  }
0x2b6: {  	s1 =	rddreg [dreg:$0x1];
	p0 =	sne.s32 s2, $0x0  }
0x2b7: {  	s3 =	rddreg [dreg:$0x2];
	[bflag:$0x3] =	sbarrier.arrive $0xFFFF;
	s2 =	simm.s32 @!p0 $0x1C03  }
0x2b8: {  	[timem:s3], [sflag:s2] =	dma.local @!p0 [hbm:s0], s1  }
0x2b9: {  	s0 =	simm.s32 @!p0 $0x3  }
0x2ba: {  	_ =	swait.ge @!p0 [sflag:s0], s1  }
0x2bb: {  	s1 =	ssub.s32 @!p0 $0x0, s1;
	[sflag:s0] =	ssyncset.done @!p0 $0x0  }
0x2bc: {  	[sflag:s0] =	ssyncadd.s32 @!p0 s1  }
0x2bd: {  	[bflag:$0x3] =	sbarrier.arrive $0xFFFF  }
0x2be: {  	_ =	shalt  }

// kernel: kernel.7.cloned.1.call-start
scs
__scs_entry_jumppad:
0x0: {  	(pc) =	sbr.rel $0x88, $3  }
0x1: {  	(tag) =	ssettag $0x0;
	lr =	simm.s32 $0x1  }
0x2: {  	[smem:$0x3F9D] =	sst lr;
	_ =	strace $0xD0000000  }
0x3: {  	_ = 	snop  }
0x4: {  	_ = 	snop  }
0x5: {  	_ = 	snop  }
0x6: {  	_ = 	snop  }
0x7: {  	_ = 	snop  }
__scs_overlays_trampoline_lowered:
0x8: {  	[smem:$0x3FAC] =	sst s0  }
0x9: {  	[smem:$0x3FAD] =	sst s1  }
0xa: {  	[smem:$0x3FAE] =	sst s2  }
0xb: {  	[smem:$0x3FAF] =	sst s3  }
0xc: {  	[smem:$0x3FB0] =	sst s4  }
0xd: {  	[smem:$0x3FB1] =	sst s5  }
0xe: {  	[smem:$0x3FB2] =	sst s6  }
0xf: {  	[smem:$0x3FB3] =	sst s7  }
0x10: {  	[smem:$0x3FB4] =	sst s8  }
0x11: {  	[smem:$0x3FB5] =	sst s9;
	s0 =	simm.s32 @!p0 $0x0  }
0x12: {  	s1 =	sld [smem:$0x3F9B];
	s0 =	simm.s32 @p0 $0x1  }
0x13: {  	[smem:$0x3FB6] =	sst s0;
	s0 =	simm.s32 @!p1 $0x0  }
0x14: {  	s2 =	sld [smem:$0x3F9A];
	s0 =	simm.s32 @p1 $0x1  }
0x15: {  	[smem:$0x3FB7] =	sst s0;
	s0 =	simm.s32 @!p2 $0x0  }
0x16: {  	s3 =	sld [smem:$0x3FDB];
	s0 =	simm.s32 @p2 $0x1  }
0x17: {  	s4 =	simm.s32 $0x1BF5;
	[smem:$0x3FB9] =	sst s0  }
0x18: {  	s0 =	sld [smem:$0x3F9C];
	_ =	swait.ge [sflag:s4], $0x0  }
0x19: {  	s7 =	sld [smem:$0x3F9D]  }
0x1a: {  	s8 =	sadd.s32 $0xFFFFE003, lr  }
0x1b: {  	s9 =	sadd.s32 $0xFFFFFEF7, lr;
	s5 =	simm.s32 $0xFFFFFFFF;
	p2 =	slt.u32 s8, $0xFFFFF086  }
0x1c: {  	p1 =	slt.u32 s9, $0xF7A;
	s5 =	simm.s32 @!p2 $0x0  }
0x1d: {  	s5 =	simm.s32 @p1 $0x1;
	p0 =	seq.s32 s7, s2  }
0x1e: {  	s7 =	smul.u32 @!p0 $0xF7A, s2;
	p2 =	seq.s32 @!p0 s5, $0x0  }
0x1f: {  	s9 =	smul.u32 $0xF7A, s1;
	s8 =	simm.s32 @!p0 $0x1BF5;
	p2 =	por !p2, p0  }
0x20: {  	[sflag:s8] =	ssyncset.s32 @!p0 $0xFFFFF086;
	s6 =	sadd.s32 @!p0 s3, s7;
	s7 =	simm.s32 @!p0 $0x108  }
0x21: {  	s3 =	sadd.s32 s3, s9;
	s6 =	sadd.s32 @!p0 $0x88, s6;
	s7 =	simm.s32 @p2 $0x1082  }
0x22: {  	[simem:s7], [sflag:s8] =	dma.local @!p0 [hbm:s6], $0xF7A  }
0x23: {  	s9 =	sor.u32 $0xD0000000, s2;
	s6 =	simm.s32 $0x108;
	_ =	swait.ge @!p0 [sflag:s8], $0x0  }
0x24: {  	s3 =	sadd.s32 $0x88, s3;
	s6 =	simm.s32 @!p1 $0x1082;
	[sflag:s4] =	ssyncset.s32 $0xFFFFF086  }
0x25: {  	[simem:s6], [sflag:s4] =	dma.local [hbm:s3], $0xF7A  }
0x26: {  	[smem:$0x3F9D] =	sst s1;
	(tag) =	ssettag s2;
	_ =	strace s9  }
0x27: {  	s1 =	sld [smem:$0x3FAD]  }
0x28: {  	s2 =	sld [smem:$0x3FAE]  }
0x29: {  	s4 =	sld [smem:$0x3FB0]  }
0x2a: {  	p0 =	seq.s32 s5, $0x0;
	s5 =	sld [smem:$0x3FB1]  }
0x2b: {  	s6 =	sld [smem:$0x3FB2]  }
0x2c: {  	s7 =	sld [smem:$0x3FB3]  }
0x2d: {  	s3 =	simm.s32 $0x108;
	s8 =	sld [smem:$0x3FB4]  }
0x2e: {  	s3 =	simm.s32 @!p0 $0x1082;
	s9 =	sld [smem:$0x3FB5]  }
0x2f: {  	lr =	sadd.s32 s0, s3;
	s0 =	sld [smem:$0x3FAC]  }
0x30: {  	s3 =	sld [smem:$0x3FAF]  }
0x31: {  	[smem:$0x3FB8] =	sst s10  }
0x32: {  	s10 =	sld [smem:$0x3FB6];
	_ =	sdelay $0x3  }
0x33: {  	p0 =	seq.s32 s10, $0x1;
	s10 =	sld [smem:$0x3FB8];
	_ =	sdelay $0x3  }
0x34: {  	[smem:$0x3FB8] =	sst s10  }
0x35: {  	s10 =	sld [smem:$0x3FB7];
	_ =	sdelay $0x3  }
0x36: {  	p1 =	seq.s32 s10, $0x1;
	s10 =	sld [smem:$0x3FB8];
	_ =	sdelay $0x3  }
0x37: {  	[smem:$0x3FB8] =	sst s10  }
0x38: {  	s10 =	sld [smem:$0x3FB9]  }
0x39: {  	_ = 	snop;
	(pc) =	sbr.ind lr, $3  }
0x3a: {  	_ = 	snop  }
0x3b: {  	_ = 	snop  }
0x3c: {  	p2 =	seq.s32 s10, $0x1;
	s10 =	sld [smem:$0x3FB8]  }
0x3d: {  	_ =	shalt  }
0x3e: {  	_ =	shalt  }
0x3f: {  	_ =	shalt  }
0x40: {  	_ =	shalt  }
0x41: {  	_ =	shalt  }
0x42: {  	_ =	shalt  }
0x43: {  	_ =	shalt  }
0x44: {  	_ =	shalt  }
0x45: {  	_ =	shalt  }
0x46: {  	_ =	shalt  }
0x47: {  	_ =	shalt  }
0x48: {  	_ =	shalt  }
0x49: {  	_ =	shalt  }
0x4a: {  	_ =	shalt  }
0x4b: {  	_ =	shalt  }
0x4c: {  	_ =	shalt  }
0x4d: {  	_ =	shalt  }
0x4e: {  	_ =	shalt  }
0x4f: {  	_ =	shalt  }
0x50: {  	_ =	shalt  }
0x51: {  	_ =	shalt  }
0x52: {  	_ =	shalt  }
0x53: {  	_ =	shalt  }
0x54: {  	_ =	shalt  }
0x55: {  	_ =	shalt  }
0x56: {  	_ =	shalt  }
0x57: {  	_ =	shalt  }
0x58: {  	_ =	shalt  }
0x59: {  	_ =	shalt  }
0x5a: {  	_ =	shalt  }
0x5b: {  	_ =	shalt  }
0x5c: {  	_ =	shalt  }
0x5d: {  	_ =	shalt  }
0x5e: {  	_ =	shalt  }
0x5f: {  	_ =	shalt  }
0x60: {  	_ =	shalt  }
0x61: {  	_ =	shalt  }
0x62: {  	_ =	shalt  }
0x63: {  	_ =	shalt  }
0x64: {  	_ =	shalt  }
0x65: {  	_ =	shalt  }
0x66: {  	_ =	shalt  }
0x67: {  	_ =	shalt  }
0x68: {  	_ =	shalt  }
0x69: {  	_ =	shalt  }
0x6a: {  	_ =	shalt  }
0x6b: {  	_ =	shalt  }
0x6c: {  	_ =	shalt  }
0x6d: {  	_ =	shalt  }
0x6e: {  	_ =	shalt  }
0x6f: {  	_ =	shalt  }
0x70: {  	_ =	shalt  }
0x71: {  	_ =	shalt  }
0x72: {  	_ =	shalt  }
0x73: {  	_ =	shalt  }
0x74: {  	_ =	shalt  }
0x75: {  	_ =	shalt  }
0x76: {  	_ =	shalt  }
0x77: {  	_ =	shalt  }
0x78: {  	_ =	shalt  }
0x79: {  	_ =	shalt  }
0x7a: {  	_ =	shalt  }
0x7b: {  	_ =	shalt  }
0x7c: {  	_ =	shalt  }
0x7d: {  	_ =	shalt  }
0x7e: {  	_ =	shalt  }
0x7f: {  	_ =	shalt  }
0x80: {  	_ =	shalt  }
0x81: {  	_ =	shalt  }
0x82: {  	_ =	shalt  }
0x83: {  	_ =	shalt  }
0x84: {  	_ =	shalt  }
0x85: {  	_ =	shalt  }
0x86: {  	_ =	shalt  }
0x87: {  	_ =	shalt  }
.Lfunc_end0:
.L_simem_size_0:
called_computation.1_lowered:
.L_overlay_start_0:
0x88: {  	s2 =	sld [smem:$0x3FD9]  }
0x89: {  	s3 =	sld [smem:$0x3FFE];
	_ =	sdelay $0x1  }
0x8a: {  	s1 =	srdreg.scid  }
0x8b: {  	s0 =	sand.u32 $0x1, s1  }
0x8c: {  	s17 =	sshll.u32 s0, $0xA;
	s2 =	sadd.s32 s3, s2  }
0x8d: {  	s2 =	sadd.s32 s2, s17  }
0x8e: {  	[smem:$0x3FC4] =	sst s2  }
0x8f: {  	_ = 	snop  }
0x90: {  	s2 =	sld [smem:$0x3FD0];
	(tm) =	ssettm $0x1  }
0x91: {  	s18 =	sld [smem:$0x3FFB];
	_ =	sdelay $0x3  }
0x92: {  	_ =	strace s18  }
0x93: {  	s3 =	sld [smem:$0x3FFC];
	_ =	sdelay $0x3  }
0x94: {  	_ =	strace s3  }
0x95: {  	s3 =	sld [smem:$0x3FFD];
	_ =	sdelay $0x3  }
0x96: {  	_ =	strace s3  }
0x97: {  	_ =	strace $0x8FFFFFFF  }
0x98: {  	s19 =	sld [smem:$0x3FDB];
	_ =	sdelay $0x1  }
0x99: {  	s4 =	simm.s32 $_scs_section_size  }
0x9a: {  	s5 =	simm.s32 $_size__tile_overlayer_lowered;
	s6 =	simm.s32 $_tile_overlayer_lowered  }
0x9b: {  	s22 =	simm.s32 $0x1BFF;
	s21 =	sshll.u32 s6, $0x1;
	s3 =	sadd.s32 s4, s19  }
0x9c: {  	s7 =	simm.s32 $0x0;
	s20 =	sshll.u32 s5, $0x1;
	s5 =	sadd.s32 s21, s3  }
0x9d: {  	[timem:s7], [sflag:s22] =	dma.local [hbm:s5], s20  }
0x9e: {  	_ =	swait.ge [sflag:s22], s20  }
0x9f: {  	s4 =	ssub.s32 $0x0, s20;
	[sflag:s22] =	ssyncset.done $0x0  }
0xa0: {  	[sflag:s22] =	ssyncadd.s32 s4;
	_ =	sdelay $0x1  }
0xa1: {  	s23 =	simm.s32 $0x1B8B  }
0xa2: {  	_ =	swait.ge [sflag:s23], $0x1  }
0xa3: {  	[sflag:s23] =	ssyncset.done $0x0  }
0xa4: {  	s25 =	simm.s32 $0x1B8E;
	s24 =	sld [smem:$0x3FFE];
	[sflag:s23] =	ssyncadd.s32 $0xFFFFFFFF  }
0xa5: {  	s26 =	simm.s32 $execute0_lowered;
	[smem:$0x3FD2] =	sst s25  }
0xa6: {  	s5 =	sshll.u32 s26, $0x1;
	_ =	strace $0x80000049;
	[dreg:$0x1] =	wrdreg $0xFFFFFFFF  }
0xa7: {  	s28 =	simm.s32 $_size_execute0_lowered;
	s3 =	sadd.s32 s3, s5;
	[dreg:$0x0] =	wrdreg $0x0  }
0xa8: {  	s5 =	sshll.u32 s28, $0x1;
	[dreg:$0x2] =	wrdreg s3  }
0xa9: {  	[dreg:$0x3] =	wrdreg s5  }
0xaa: {  	[dreg:$0x4] =	wrdreg $0xC0  }
0xab: {  	_ =	task [dreg:s7], $0x5FFFF  }
0xac: {  	[dreg:$0x1] =	wrdreg $0xFFFFFFFF  }
0xad: {  	[dreg:$0x0] =	wrdreg $0x60  }
0xae: {  	[dreg:$0x2] =	wrdreg s24  }
0xaf: {  	[dreg:$0x3] =	wrdreg s2  }
0xb0: {  	[dreg:$0x4] =	wrdreg $0x9  }
0xb1: {  	_ =	task.clear_ibuf [dreg:s7], $0x5FFFF;
	_ =	strace $0x90000049  }
0xb2: {  	s29 =	simm.s32 $0x9;
	_ =	strace $0x8000004B  }
0xb3: {  	_ =	swait.ge [sflag:s29], $0x1  }
0xb4: {  	[sflag:s29] =	ssyncadd.s32 $0xFFFFFFFF  }
0xb5: {  	_ =	strace $0x9000004B  }
0xb6: {  	_ =	sfence  }
0xb7: {  	s30 =	sld [smem:$0x0];
	_ =	sdelay $0x2  }
0xb8: {  	s31 =	sshll.u32 s1, $0xD;
	s1 =	sshrl.u32 s1, $0x2  }
0xb9: {  	s3 =	sand.u32 $0x4000, s31;
	s1 =	sadd.s32 s1, s30  }
0xba: {  	s0 =	sor.u32 s3, s0;
	s1 =	sshll.u32 s1, $0x11  }
0xbb: {  	s0 =	sor.u32 s1, s0  }
0xbc: {  	s0 =	sadd.s32 $0x8F2B, s0  }
0xbd: {  	[sflag:s0] =	ssyncadd.remote.s32 $0x1  }
0xbe: {  	_ =	sfence.sel $0xFFFF  }
0xbf: {  	[dreg:$0x0] =	wrdreg $0xFFFFFFFF;
	(pc) =	sbr.abs _section_cstart, $3  }
0xc0: {  	[dreg:$0x1] =	wrdreg $0xFFFFFFFF  }
0xc1: {  	_ =	task.clear_ibuf [dreg:s7], $0x2FFFF;
	_ =	strace $0x9FFFFFFF  }
0xc2: {  	(tm) =	ssettm $0x7FFFFFFF  }
0xc3: {  	_ =	shalt  }
tec
execute0_lowered:
.L_overlay_start_1:
0x0: {  	(tag) =	ssettag $0x1  }
0x1: {  	s1 =	srdreg.scid;
	s0 =	stileid.u32;
	v0 =	vlaneseq.u32  }
0x2: {  	s3 =	sand.u32 $0x1, s1;
	s29 =	sshll.u32 s0, $0x1;
	v0 =	vmul.u32 $0x20, v0  }
0x3: {  	s10 =	sor.u32 s3, s29  }
0x4: {  	v1 =	vmov s10;
	v2 =	vor.u32 s10, v0  }
0x5: {  	s4 =	rddreg [dreg:$0x0];
	v3 =	vor.u32 $0x200, v0;
	v4 =	vor.u32 $0x400, v0;
	v5 =	vor.u32 $0x600, v0  }
0x6: {  	s5 =	rddreg [dreg:$0x1];
	s2 =	simm.s32 $0x0;
	v6 =	vor.u32 $0x800, v0;
	v7 =	vor.u32 $0xA00, v0;
	v8 =	vor.u32 $0xC00, v0  }
0x7: {  	s8 =	simm.s32 $0x1A0;
	s9 =	simm.s32 $0x1;
	s11 =	simm.s32 $0x2;
	v9 =	vor.u32 $0xE00, v0;
	v10 =	vor.u32 $0x1000, v0;
	v11 =	vor.u32 $0x1200, v0  }
0x8: {  	s12 =	simm.s32 $0x0;
	s1 =	rddreg [dreg:$0x2];
	s6 =	ssub.s32 $0x2, s3;
	v12 =	vor.u32 $0x1400, v0;
	v13 =	vor.u32 $0x1600, v0;
	v14 =	vor.u32 $0x1800, v0  }
0x9: {  	[smem:$0x7FF] =	sst s2;
	s3 =	sadd.s32 $0x501C00, s4;
	s30 =	sshrl.u32 s6, $0x1;
	v3 =	vor.u32 s10, v3;
	v4 =	vor.u32 s10, v4;
	v5 =	vor.u32 s10, v5  }
0xa: {  	_ =	strace $0x8000004A;
	s7 =	sshll.u32 s10, $0x4;
	v6 =	vor.u32 s10, v6;
	v7 =	vor.u32 s10, v7;
	v8 =	vor.u32 s10, v8;
	s6 =	ssub.s32 s6, s30  }
0xb: {  	s31 =	sadd.s32 s7, s3;
	v9 =	vor.u32 s10, v9;
	v10 =	vor.u32 s10, v10;
	v11 =	vor.u32 s10, v11;
	s5 =	sadd.s32 s5, s7;
	s7 =	simm.s32 $0xD0  }
0xc: {  	v12 =	vor.u32 s10, v12;
	v13 =	vor.u32 s10, v13;
	v14 =	vor.u32 s10, v14;
	s10 =	simm.s32 $0xD1A0;
	s4 =	sadd.s32 $0x514200, s31;
	s6 =	smax.u32 s6, $0x1  }
.LBB2_1:
0xd: {  	[tilespmem:$0x0] =	vst v2  }
0xe: {  	[tilespmem:$0x10] =	vst v3  }
0xf: {  	[tilespmem:$0x20] =	vst v4  }
0x10: {  	[tilespmem:$0x30] =	vst v5  }
0x11: {  	[tilespmem:$0x40] =	vst v6  }
0x12: {  	[tilespmem:$0x50] =	vst v7  }
0x13: {  	[tilespmem:$0x60] =	vst v8  }
0x14: {  	[tilespmem:$0x70] =	vst v9  }
0x15: {  	[tilespmem:$0x80] =	vst v10  }
0x16: {  	[tilespmem:$0x90] =	vst v11  }
0x17: {  	[tilespmem:$0xA0] =	vst v12  }
0x18: {  	[tilespmem:$0xB0] =	vst v13;
	v19 =	vimm.f32 $0.0e+00;
	v15 =	vimm.f32 $0.0e+00  }
0x19: {  	[tilespmem:$0xC0] =	vst v14;
	v16 =	vimm.f32 $0.0e+00;
	v17 =	vimm.f32 $0.0e+00;
	v18 =	vimm.f32 $0.0e+00;
	s14 =	simm.s32 $0x0  }
0x1a: {  	v20 =	vimm.f32 $0.0e+00;
	v21 =	vimm.f32 $0.0e+00;
	v22 =	vimm.f32 $0.0e+00;
	[tilespmem:s8], [sflag:$0x1] =	stream.indirect.gather [hbm4b:s3+s7], $0x80, s2, s7, $0xb8;
	[tilespmem:$0xD220] =	vst v63  }
.LBB2_3:
0x1b: {  	p0 =	seq.s32 s14, $0x31  }
.Ltmp0:
0x1c: {  	_ = 	snop;
	(pc) =	sbr.rel @!p0 .LBB2_4-.Ltmp0, $2  }
0x1d: {  	_ =	sdelay $0x2  }
0x1e: {  	s13 =	sadd.s32 $0x1, s14  }
.Ltmp1:
0x1f: {  	(pc) =	sbr.rel .LBB2_6-.Ltmp1, $4  }
0x20: {  	_ = 	snop  }
0x21: {  	_ =	swait.ge [sflag:s9], $0x6800  }
0x22: {  	[sflag:s9] =	ssyncset.done $0x0  }
0x23: {  	[sflag:s9] =	ssyncadd.s32 $0xFFFF9800  }
.LBB2_4:
0x24: {  	s16 =	smul.u32 $0xD0, s13;
	_ =	sdelay $0x1  }
0x25: {  	s22 =	sand.u32 $0x1, s13;
	v23 =	vmov s16;
	s15 =	sadd.s32 $0x10, s16;
	s21 =	sadd.s32 $0x20, s16  }
0x26: {  	s17 =	sadd.s32 $0x30, s16;
	s18 =	sadd.s32 $0x40, s16;
	s24 =	sadd.s32 $0x50, s16;
	v23 =	vshll.u32 v23, $0x5;
	v24 =	vmov s15;
	v25 =	vmov s21  }
0x27: {  	s25 =	sadd.s32 $0x60, s16;
	s26 =	sadd.s32 $0x70, s16;
	s28 =	sadd.s32 $0x80, s16;
	v26 =	vmov s17;
	v27 =	vmov s18;
	v28 =	vmov s24  }
0x28: {  	s29 =	sadd.s32 $0x90, s16;
	s30 =	sadd.s32 $0xA0, s16;
	s31 =	sadd.s32 $0xB0, s16;
	v43 =	vmov s25;
	v47 =	vmov s26;
	v49 =	vmov s28  }
0x29: {  	s23 =	smul.u32 $0x340, s22;
	s16 =	sadd.s32 $0xC0, s16;
	v51 =	vmov s29;
	v55 =	vmov s30;
	v57 =	vmov s31  }
0x2a: {  	v60 =	vmov s16;
	v23 =	vor.u32 v0, v23;
	v24 =	vshll.u32 v24, $0x5  }
0x2b: {  	s17 =	sshrl.u32 s23, $0x2;
	v25 =	vshll.u32 v25, $0x5;
	v23 =	vor.u32 v1, v23;
	v24 =	vor.u32 v0, v24  }
0x2c: {  	v26 =	vshll.u32 v26, $0x5;
	v25 =	vor.u32 v0, v25;
	v24 =	vor.u32 v1, v24;
	[tilespmem:s17+$0x0] =	vst v23  }
0x2d: {  	v27 =	vshll.u32 v27, $0x5;
	v26 =	vor.u32 v0, v26;
	v25 =	vor.u32 v1, v25;
	[tilespmem:s17+$0x10] =	vst v24  }
0x2e: {  	v42 =	vshll.u32 v28, $0x5;
	v26 =	vor.u32 v1, v26;
	v23 =	vor.u32 v0, v27;
	[tilespmem:s17+$0x20] =	vst v25  }
0x2f: {  	v45 =	vshll.u32 v43, $0x5;
	v44 =	vor.u32 v0, v42;
	v23 =	vor.u32 v1, v23;
	[tilespmem:s17+$0x30] =	vst v26  }
0x30: {  	v50 =	vshll.u32 v49, $0x5;
	v46 =	vor.u32 v0, v45;
	v24 =	vor.u32 v1, v44;
	[tilespmem:s17+$0x40] =	vst v23  }
0x31: {  	v48 =	vshll.u32 v47, $0x5;
	v52 =	vor.u32 v0, v50;
	v25 =	vor.u32 v1, v46;
	[tilespmem:s17+$0x50] =	vst v24  }
0x32: {  	v53 =	vshll.u32 v51, $0x5;
	v23 =	vor.u32 v0, v48;
	[tilespmem:s17+$0x60] =	vst v25;
	v24 =	vor.u32 v1, v52  }
0x33: {  	v56 =	vshll.u32 v55, $0x5;
	v54 =	vor.u32 v0, v53;
	v23 =	vor.u32 v1, v23;
	[tilespmem:s17+$0x80] =	vst v24  }
0x34: {  	v59 =	vshll.u32 v57, $0x5;
	v58 =	vor.u32 v0, v56;
	[tilespmem:s17+$0x70] =	vst v23;
	v23 =	vor.u32 v1, v54  }
0x35: {  	v62 =	vshll.u32 v60, $0x5;
	v61 =	vor.u32 v0, v59;
	[tilespmem:s17+$0x90] =	vst v23;
	v23 =	vor.u32 v1, v58  }
0x36: {  	v63 =	vor.u32 v0, v62;
	[tilespmem:s17+$0xA0] =	vst v23;
	v23 =	vor.u32 v1, v61  }
0x37: {  	[tilespmem:s17+$0xB0] =	vst v23;
	v23 =	vor.u32 v1, v63  }
0x38: {  	s15 =	smul.u32 $0x1A000, s22;
	[tilespmem:s17+$0xC0] =	vst v23  }
0x39: {  	_ =	swait.ge [sflag:s9], $0x6800  }
0x3a: {  	s15 =	sshrl.u32 s15, $0x2;
	[sflag:s9] =	ssyncset.done $0x0  }
0x3b: {  	s15 =	sor.u32 $0x1A0, s15;
	[sflag:s9] =	ssyncadd.s32 $0xFFFF9800  }
0x3c: {  	[tilespmem:s15], [sflag:$0x1] =	stream.indirect.gather [hbm4b:s3+s7], $0x80, s17, s7, $0xb8;
	[tilespmem:$0xD220] =	vst v63  }
.LBB2_6:
0x3d: {  	s14 =	sand.u32 $0x1, s14  }
0x3e: {  	p0 =	seq.s32 s14, $0x1;
	s14 =	simm.s32 $0x69A0  }
0x3f: {  	s14 =	simm.s32 @!p0 $0x1A0  }
0x40: {  	v23 =	vmov s14;
	_ =	sdelay $0x3  }
0x41: {  	s15 =	simm.s32 $0x0  }
0x42: {  	v26 =	vld.idx.msk [tilespmem:v23+s15+$0x70 ss:$0x1], $0xffff  }
0x43: {  	v28 =	vld.idx.msk [tilespmem:v23+s15+$0xF0 ss:$0x1], $0xffff  }
0x44: {  	v29 =	vld.idx.msk [tilespmem:v23+s15+$0x0 ss:$0x1], $0xffff  }
0x45: {  	v30 =	vld.idx.msk [tilespmem:v23+s15+$0x80 ss:$0x1], $0xffff  }
0x46: {  	v31 =	vld.idx.msk [tilespmem:v23+s15+$0x10 ss:$0x1], $0xffff  }
0x47: {  	v32 =	vld.idx.msk [tilespmem:v23+s15+$0x90 ss:$0x1], $0xffff  }
0x48: {  	v33 =	vld.idx.msk [tilespmem:v23+s15+$0x20 ss:$0x1], $0xffff  }
0x49: {  	v34 =	vld.idx.msk [tilespmem:v23+s15+$0xA0 ss:$0x1], $0xffff  }
0x4a: {  	v35 =	vld.idx.msk [tilespmem:v23+s15+$0x30 ss:$0x1], $0xffff  }
0x4b: {  	v36 =	vld.idx.msk [tilespmem:v23+s15+$0xB0 ss:$0x1], $0xffff  }
0x4c: {  	v25 =	vld.idx.msk [tilespmem:v23+s15+$0x40 ss:$0x1], $0xffff  }
0x4d: {  	v27 =	vld.idx.msk [tilespmem:v23+s15+$0xC0 ss:$0x1], $0xffff  }
0x4e: {  	v24 =	vld.idx.msk [tilespmem:v23+s15+$0x50 ss:$0x1], $0xffff  }
0x4f: {  	v37 =	vmul.f32 v28, v26;
	v28 =	vld.idx.msk [tilespmem:v23+s15+$0xD0 ss:$0x1], $0xffff;
	v31 =	vmul.f32 v32, v31  }
0x50: {  	v29 =	vmul.f32 v30, v29;
	v63 =	vmul.f32 v34, v33;
	v26 =	vld.idx.msk [tilespmem:v23+s15+$0x60 ss:$0x1], $0xffff  }
0x51: {  	s14 =	simm.s32 $0x100;
	v30 =	vld.idx.msk [tilespmem:v23+s15+$0xE0 ss:$0x1], $0xffff;
	v19 =	vadd.f32 v37, v19;
	v21 =	vadd.f32 v31, v21;
	v31 =	vmul.f32 v36, v35  }
0x52: {  	s15 =	simm.s32 $0x800;
	v22 =	vadd.f32 v29, v22;
	v20 =	vadd.f32 v63, v20;
	v29 =	vld.idx.msk [tilespmem:v23+s14+$0x70 ss:$0x1], $0xffff  }
.LBB2_7:
0x53: {  	p0 =	seq.s32 s15, $0x19C00;
	v32 =	vld.idx.msk [tilespmem:v23+s14+$0xF0 ss:$0x1], $0xffff;
	v18 =	vadd.f32 v31, v18;
	v25 =	vmul.f32 v27, v25  }
0x54: {  	v27 =	vld.idx.msk [tilespmem:v23+s14+$0x0 ss:$0x1], $0xffff  }
0x55: {  	v24 =	vmul.f32 v28, v24;
	v31 =	vld.idx.msk [tilespmem:v23+s14+$0x80 ss:$0x1], $0xffff;
	v17 =	vadd.f32 v25, v17  }
0x56: {  	v28 =	vld.idx.msk [tilespmem:v23+s14+$0x10 ss:$0x1], $0xffff  }
0x57: {  	v16 =	vadd.f32 v24, v16;
	v24 =	vmul.f32 v30, v26;
	v33 =	vld.idx.msk [tilespmem:v23+s14+$0x90 ss:$0x1], $0xffff  }
0x58: {  	v26 =	vld.idx.msk [tilespmem:v23+s14+$0x20 ss:$0x1], $0xffff  }
0x59: {  	v25 =	vmul.f32 v32, v29;
	v15 =	vadd.f32 v24, v15;
	v30 =	vld.idx.msk [tilespmem:v23+s14+$0xA0 ss:$0x1], $0xffff  }
0x5a: {  	v29 =	vld.idx.msk [tilespmem:v23+s14+$0x30 ss:$0x1], $0xffff  }
0x5b: {  	v24 =	vmul.f32 v31, v27;
	v19 =	vadd.f32 v25, v19;
	v31 =	vld.idx.msk [tilespmem:v23+s14+$0xB0 ss:$0x1], $0xffff  }
0x5c: {  	v25 =	vld.idx.msk [tilespmem:v23+s14+$0x40 ss:$0x1], $0xffff  }
0x5d: {  	v22 =	vadd.f32 v24, v22;
	v28 =	vmul.f32 v33, v28;
	v27 =	vld.idx.msk [tilespmem:v23+s14+$0xC0 ss:$0x1], $0xffff  }
.Ltmp2:
0x5e: {  	v24 =	vld.idx.msk [tilespmem:v23+s14+$0x50 ss:$0x1], $0xffff;
	(pc) =	sbr.rel @!p0 .LBB2_7-.Ltmp2, $4  }
0x5f: {  	v21 =	vadd.f32 v28, v21;
	v30 =	vmul.f32 v30, v26;
	v28 =	vld.idx.msk [tilespmem:v23+s14+$0xD0 ss:$0x1], $0xffff  }
0x60: {  	v26 =	vld.idx.msk [tilespmem:v23+s14+$0x60 ss:$0x1], $0xffff  }
0x61: {  	v20 =	vadd.f32 v30, v20;
	v31 =	vmul.f32 v31, v29;
	v30 =	vld.idx.msk [tilespmem:v23+s14+$0xE0 ss:$0x1], $0xffff;
	s14 =	sshra.s32 s15, $0x2  }
0x62: {  	s15 =	sadd.s32 $0x400, s15;
	v29 =	vld.idx.msk [tilespmem:v23+s14+$0x70 ss:$0x1], $0xffff  }
0x63: {  	_ =	sdelay $0x3  }
0x64: {  	v32 =	vld.idx.msk [tilespmem:v23+s14+$0xF0 ss:$0x1], $0xffff  }
0x65: {  	v33 =	vld.idx.msk [tilespmem:v23+s14+$0x0 ss:$0x1], $0xffff  }
0x66: {  	v34 =	vld.idx.msk [tilespmem:v23+s14+$0x80 ss:$0x1], $0xffff  }
0x67: {  	v35 =	vld.idx.msk [tilespmem:v23+s14+$0x10 ss:$0x1], $0xffff  }
0x68: {  	v36 =	vld.idx.msk [tilespmem:v23+s14+$0x90 ss:$0x1], $0xffff  }
0x69: {  	v37 =	vld.idx.msk [tilespmem:v23+s14+$0x20 ss:$0x1], $0xffff  }
0x6a: {  	v38 =	vld.idx.msk [tilespmem:v23+s14+$0xA0 ss:$0x1], $0xffff  }
0x6b: {  	v39 =	vld.idx.msk [tilespmem:v23+s14+$0x30 ss:$0x1], $0xffff  }
0x6c: {  	v40 =	vld.idx.msk [tilespmem:v23+s14+$0xB0 ss:$0x1], $0xffff  }
0x6d: {  	v41 =	vld.idx.msk [tilespmem:v23+s14+$0x40 ss:$0x1], $0xffff  }
0x6e: {  	v42 =	vld.idx.msk [tilespmem:v23+s14+$0xC0 ss:$0x1], $0xffff  }
0x6f: {  	v43 =	vld.idx.msk [tilespmem:v23+s14+$0x50 ss:$0x1], $0xffff  }
0x70: {  	v44 =	vld.idx.msk [tilespmem:v23+s14+$0xD0 ss:$0x1], $0xffff  }
0x71: {  	v25 =	vmul.f32 v27, v25;
	v56 =	vld.idx.msk [tilespmem:v23+s14+$0x60 ss:$0x1], $0xffff  }
0x72: {  	v18 =	vadd.f32 v31, v18;
	v23 =	vld.idx.msk [tilespmem:v23+s14+$0xE0 ss:$0x1], $0xffff;
	v24 =	vmul.f32 v28, v24;
	v26 =	vmul.f32 v30, v26  }
0x73: {  	v17 =	vadd.f32 v25, v17;
	v57 =	vmul.f32 v32, v29;
	v58 =	vmul.f32 v34, v33  }
0x74: {  	v16 =	vadd.f32 v24, v16;
	v59 =	vmul.f32 v36, v35;
	v60 =	vmul.f32 v38, v37  }
0x75: {  	v15 =	vadd.f32 v26, v15;
	v61 =	vmul.f32 v40, v39;
	v62 =	vmul.f32 v42, v41  }
0x76: {  	v63 =	vmul.f32 v44, v43;
	v19 =	vadd.f32 v57, v19;
	v22 =	vadd.f32 v58, v22  }
0x77: {  	v23 =	vmul.f32 v23, v56;
	v21 =	vadd.f32 v59, v21;
	v20 =	vadd.f32 v60, v20  }
0x78: {  	v18 =	vadd.f32 v61, v18;
	v17 =	vadd.f32 v62, v17  }
0x79: {  	v16 =	vadd.f32 v63, v16;
	v15 =	vadd.f32 v23, v15  }
0x7a: {  	p0 =	seq.s32 s13, $0x32  }
.Ltmp3:
0x7b: {  	_ = 	snop;
	(pc) =	sbr.rel @!p0 .LBB2_3-.Ltmp3, $2  }
0x7c: {  	_ =	sdelay $0x2  }
0x7d: {  	s14 =	smov.u32 s13  }
0x7e: {  	[tilespmem:s10], [sflag:$0x2] =	stream.linear.gather [hbm4b:s4+s2], $0x80, $0x38;
	[tilespmem:$0xD220] =	vst v63  }
0x7f: {  	_ =	swait.ge [sflag:s11], $0x80  }
0x80: {  	[sflag:s11] =	ssyncset.done $0x0  }
0x81: {  	[sflag:s11] =	ssyncadd.s32 $0xFFFFFF80  }
0x82: {  	v23 =	vld [tilespmem:$0xD1A0]  }
0x83: {  	v24 =	vld [tilespmem:$0xD1B0]  }
0x84: {  	v25 =	vld [tilespmem:$0xD1C0]  }
0x85: {  	v26 =	vld [tilespmem:$0xD1D0]  }
0x86: {  	v27 =	vld [tilespmem:$0xD1E0]  }
0x87: {  	v60 =	vld [tilespmem:$0xD1F0];
	v22 =	vadd.f32 v23, v22  }
0x88: {  	v61 =	vld [tilespmem:$0xD200];
	v21 =	vadd.f32 v24, v21  }
0x89: {  	v62 =	vld [tilespmem:$0xD210];
	v20 =	vadd.f32 v25, v20;
	[tilespmem:$0xD1A0] =	vst v22  }
0x8a: {  	v18 =	vadd.f32 v26, v18;
	[tilespmem:$0xD1B0] =	vst v21  }
0x8b: {  	v17 =	vadd.f32 v27, v17;
	[tilespmem:$0xD1C0] =	vst v20  }
0x8c: {  	v16 =	vadd.f32 v60, v16;
	[tilespmem:$0xD1D0] =	vst v18  }
0x8d: {  	v15 =	vadd.f32 v61, v15;
	[tilespmem:$0xD1E0] =	vst v17  }
0x8e: {  	s12 =	sadd.s32 $0x1, s12;
	v63 =	vadd.f32 v62, v19;
	[tilespmem:$0xD1F0] =	vst v16  }
0x8f: {  	p0 =	sne.s32 s12, s6;
	[tilespmem:$0xD200] =	vst v15  }
.Ltmp4:
0x90: {  	[tilespmem:$0xD210] =	vst v63;
	(pc) =	sbr.rel @p0 .LBB2_1-.Ltmp4, $4  }
0x91: {  	[hbm4b:s5+s2] =	stream.linear.scatter [tilespmem:s10], [sflag:$0x2], $0x80, $0x38;
	[tilespmem:$0xD220] =	vst v63  }
0x92: {  	_ =	swait.ge [sflag:s11], $0x80  }
0x93: {  	[sflag:s11] =	ssyncset.done $0x0  }
0x94: {  	[sflag:s11] =	ssyncadd.s32 $0xFFFFFF80  }
0x95: {  	_ =	sfence.sel $0x180000  }
0x96: {  	[bflag:$0x0] =	sbarrier.arrive $0xFFFF  }
0x97: {  	p0 =	sne.s32 s0, $0x0;
	_ =	strace $0x9000004A  }
0x98: {  	s0 =	sadd.s32 @!p0 $0x100000, s1;
	[bflag:$0x2] =	sbarrier.arrive $0xFFFF  }
0x99: {  	[sflag:s0] =	ssyncadd.tile.s32 @!p0 $0x1;
	_ =	shalt  }
.Lfunc_end2:
_tile_overlayer_lowered:
.L_overlay_start_2:
0x9a: {  	(tag) =	ssettag $0x2  }
0x9b: {  	s0 =	rddreg [dreg:$0x0];
	s2 =	stileid.u32  }
0x9c: {  	s1 =	rddreg [dreg:$0x1];
	p0 =	sne.s32 s2, $0x0  }
0x9d: {  	s3 =	rddreg [dreg:$0x2];
	[bflag:$0x3] =	sbarrier.arrive $0xFFFF;
	s2 =	simm.s32 @!p0 $0x1C02  }
0x9e: {  	[timem:s3], [sflag:s2] =	dma.local @!p0 [hbm:s0], s1  }
0x9f: {  	s0 =	simm.s32 @!p0 $0x2  }
0xa0: {  	_ =	swait.ge @!p0 [sflag:s0], s1  }
0xa1: {  	s1 =	ssub.s32 @!p0 $0x0, s1;
	[sflag:s0] =	ssyncset.done @!p0 $0x0  }
0xa2: {  	[sflag:s0] =	ssyncadd.s32 @!p0 s1  }
0xa3: {  	[bflag:$0x3] =	sbarrier.arrive $0xFFFF  }
0xa4: {  	_ =	shalt  }

</sc_bundles>
